<compile_context>
chip_gen: v7x
topology: tpu7x:2x2x1
jax: 0.10.2.dev20260603
libtpu: 0.0.44.dev20260713+nightly
codegen_flags: <defaults>
</compile_context>

<pallas_src>
import functools

import jax
import jax.numpy as jnp
from jax import lax
from jax.experimental import pallas as pl
from jax.experimental.pallas import tpu as pltpu
from jax.experimental.pallas import tpu_sc as plsc

B, C, N, K = 1, 128, 10000, 32
C_OUT = 128

NW = 32
BPW = 320
NPAD = NW * BPW
CH = 64
CPW = BPW // CH
NB = 2048


def _sc_body(xT_hbm, idx_hbm, out_hbm, idx_v, spx, acc0, acc1,
             semg0, semg1, semw0, semw1):
    sid = lax.axis_index("s")
    wid = sid * 2 + lax.axis_index("c")
    base = wid * BPW
    pltpu.sync_copy(idx_hbm.at[wid], idx_v)
    rps = NPAD // 16
    pltpu.sync_copy(xT_hbm.at[pl.ds(sid * rps, rps)],
                    spx.at[pl.ds(sid * rps, rps)])
    plsc.subcore_barrier()

    accs = (acc0, acc1)
    semg = (semg0, semg1)
    semw = (semw0, semw1)
    gh = [None, None]
    wbh = [None, None]
    for c in range(CPW):
        sl = c % 2
        if wbh[sl] is not None:
            wbh[sl].wait()
        base_c = base + c * CH
        pltpu.sync_copy(spx.at[pl.ds(base_c, CH)], accs[sl])
        gh[sl] = [
            pltpu.async_copy(spx.at[idx_v.at[k, c]], accs[sl], semg[sl],
                             add=True)
            for k in range(K)
        ]
        ot = 1 - sl
        if c >= 1:
            for h in gh[ot]:
                h.wait()
            wbh[ot] = pltpu.async_copy(
                accs[ot], out_hbm.at[pl.ds(base + (c - 1) * CH, CH)], semw[ot])
    last = (CPW - 1) % 2
    for h in gh[last]:
        h.wait()
    pltpu.sync_copy(accs[last], out_hbm.at[pl.ds(base + (CPW - 1) * CH, CH)])
    if wbh[1 - last] is not None:
        wbh[1 - last].wait()


@functools.partial(
    pl.kernel,
    mesh=plsc.VectorSubcoreMesh(core_axis_name="c", subcore_axis_name="s"),
    out_type=jax.ShapeDtypeStruct((NPAD, C), jnp.float32),
    scratch_types=[
        pltpu.VMEM((K, CPW, CH), jnp.int32),
        pltpu.VMEM_SHARED((NPAD, C), jnp.float32),
        pltpu.VMEM((CH, C), jnp.float32),
        pltpu.VMEM((CH, C), jnp.float32),
        pltpu.SemaphoreType.DMA,
        pltpu.SemaphoreType.DMA,
        pltpu.SemaphoreType.DMA,
        pltpu.SemaphoreType.DMA,
    ],
)
def _sc_gather_sum(xT_hbm, idx_hbm, out_hbm, idx_v, spx, acc0, acc1,
                   semg0, semg1, semw0, semw1):
    _sc_body(xT_hbm, idx_hbm, out_hbm, idx_v, spx, acc0, acc1,
             semg0, semg1, semw0, semw1)


def _tc_body(eps_ref, w_ref, x_ref, s_ref, b_ref, o_ref):
    h = s_ref[...] + eps_ref[0, 0] * x_ref[...]
    wh = lax.dot_general(w_ref[...], h, (((1,), (1,)), ((), ())),
                         preferred_element_type=jnp.float32)
    o_ref[...] = jnp.maximum(wh + b_ref[...], 0.0)


_tc_mm = pl.pallas_call(
    _tc_body,
    grid=(NPAD // NB,),
    in_specs=[
        pl.BlockSpec((1, 1), lambda i: (0, 0)),
        pl.BlockSpec((C_OUT, C), lambda i: (0, 0)),
        pl.BlockSpec((NB, C), lambda i: (i, 0)),
        pl.BlockSpec((NB, C), lambda i: (i, 0)),
        pl.BlockSpec((C_OUT, 1), lambda i: (0, 0)),
    ],
    out_specs=pl.BlockSpec((C_OUT, NB), lambda i: (0, i)),
    out_shape=jax.ShapeDtypeStruct((C_OUT, N), jnp.float32),
)


def kernel(x, edge_index, W, b, eps):
    xm = x.reshape(C, N)
    xT = jnp.pad(xm.T, ((0, NPAD - N), (0, 0)))
    idx = edge_index[0, 0]
    idxp = jnp.pad(idx, ((0, NPAD - N), (0, 0)))
    idx4 = jnp.transpose(idxp.T.reshape(K, NW, CPW, CH), (1, 0, 2, 3))
    s = _sc_gather_sum(xT, idx4)
    out = _tc_mm(eps.reshape(1, 1), W, xT, s, b.reshape(C_OUT, 1))
    return out.reshape(1, C_OUT, N, 1)

# --- scband reference (transcript-rebuilt; emitter-appended) ---
"""Pipeline reference for scband-ginconv2d-7138235646509 (READ-ONLY COPY).

The authoritative reference and input builder live on the scoring server;
editing this copy changes nothing except your own understanding.
"""

import jax, jax.numpy as jnp
import numpy as np

B, C, N, K = 1, 128, 10000, 32
C_OUT = 128

def setup_inputs(seed: int = 0) -> dict:
    key = jax.random.key(seed)
    k1, k2, k3, k4 = jax.random.split(key, 4)
    x = jax.random.normal(k1, (B, C, N, 1), dtype=jnp.float32)
    edge_index = jax.random.randint(k2, (2, B, N, K), 0, N, dtype=jnp.int32)
    W = jax.random.normal(k3, (C_OUT, C), dtype=jnp.float32) * 0.05
    b = jax.random.normal(k4, (C_OUT,), dtype=jnp.float32) * 0.05
    eps = jnp.zeros((1,), dtype=jnp.float32)
    return {"x": x, "edge_index": edge_index, "W": W, "b": b, "eps": eps}

def batched_index_select(x, idx):
    # x: [B, C, N, 1], idx: [B, N, K] -> [B, C, N, K]
    x_nodes = jnp.transpose(jnp.squeeze(x, -1), (0, 2, 1))  # [B, N, C]
    feat = jax.vmap(lambda xn, i: jnp.take(xn, i, axis=0))(x_nodes, idx)  # [B, N, K, C]
    return jnp.transpose(feat, (0, 3, 1, 2))  # [B, C, N, K]

def reference(x, edge_index, W, b, eps):
    idx = edge_index[0]  # [B, N, K]
    x_j = batched_index_select(x, idx)  # [B, C, N, K]
    x_j = jnp.sum(x_j, axis=-1, keepdims=True)  # [B, C, N, 1]
    h = (1.0 + eps[0]) * x + x_j
    out = jnp.einsum('oc,bcnk->bonk', W, h) + b[None, :, None, None]
    return jax.nn.relu(out)

if __name__ == "__main__":
    import jax
    _d = setup_inputs()
    print(jax.jit(kernel)(*tuple(_d.values())))

</pallas_src>

<mosaic_0001>
#map = affine_map<(d0, d1) -> (0, 0)>
#map1 = affine_map<(d0, d1) -> (0, 0, 0, 0)>
module attributes {stable_mosaic.version = 14 : i64} {
  func.func @_sc_gather_sum(%arg0: i32, %arg1: i32, %arg2: memref<10240x128xf32, #tpu.memory_space<hbm>>, %arg3: memref<32x32x5x64xi32, #tpu.memory_space<hbm>>, %arg4: memref<10240x128xf32, #tpu.memory_space<hbm>>, %arg5: memref<32x5x64xi32, #tpu.memory_space<vmem>>, %arg6: memref<10240x128xf32, #tpu.memory_space<vmem_shared>>, %arg7: memref<64x128xf32, #tpu.memory_space<vmem>>, %arg8: memref<64x128xf32, #tpu.memory_space<vmem>>, %arg9: memref<!tpu.dma_semaphore, #tpu.memory_space<semaphore_mem>>, %arg10: memref<!tpu.dma_semaphore, #tpu.memory_space<semaphore_mem>>, %arg11: memref<!tpu.dma_semaphore, #tpu.memory_space<semaphore_mem>>, %arg12: memref<!tpu.dma_semaphore, #tpu.memory_space<semaphore_mem>>) attributes {dimension_semantics = [#tpu.dimension_semantics<core_parallel>, #tpu.dimension_semantics<subcore_parallel>], iteration_bounds = array<i64: 2, 16>, scalar_prefetch = 0 : i64, scratch_operands = 8 : i64, tpu.core_type = #tpu.core_type<sc_vector_subcore>, window_params = [{transform_indices = #map}, {transform_indices = #map1}, {transform_indices = #map}]} {
    %mul3A = arith.constant 2 : i32
    %mul3A_0 = arith.muli %arg1, %mul3A : i32
    %add3A = arith.addi %mul3A_0, %arg0 : i32
    %mul3A_1 = arith.constant 320 : i32
    %mul3A_2 = arith.muli %add3A, %mul3A_1 : i32
    "tpu.region"() ({
      %run_scoped3A = tpu.sem_alloc : memref<!tpu.dma_semaphore, #tpu.memory_space<semaphore_mem>>
      %dma_start3A_2617 = arith.constant 0 : i32
      %dma_start3A_2618 = arith.constant 0 : i32
      %dma_start3A_2619 = arith.constant 0 : i32
      %dma_start3A_2620 = tpu.memref_slice %arg3[%add3A, %dma_start3A_2617, %dma_start3A_2618, %dma_start3A_2619] : memref<32x32x5x64xi32, #tpu.memory_space<hbm>> -> memref<1x32x5x64xi32, #tpu.memory_space<hbm>>
      %dma_start3A_2621 = tpu.memref_squeeze %dma_start3A_2620 : memref<1x32x5x64xi32, #tpu.memory_space<hbm>> -> memref<32x5x64xi32, #tpu.memory_space<hbm>>
      %dma_start3A_2622 = arith.constant 0 : i32
      %dma_start3A_2623 = arith.constant 0 : i32
      %dma_start3A_2624 = arith.constant 0 : i32
      %dma_start3A_2625 = tpu.memref_slice %arg3[%add3A, %dma_start3A_2622, %dma_start3A_2623, %dma_start3A_2624] : memref<32x32x5x64xi32, #tpu.memory_space<hbm>> -> memref<1x32x5x64xi32, #tpu.memory_space<hbm>>
      %dma_start3A_2626 = tpu.memref_squeeze %dma_start3A_2625 : memref<1x32x5x64xi32, #tpu.memory_space<hbm>> -> memref<32x5x64xi32, #tpu.memory_space<hbm>>
      tpu.enqueue_dma source(%dma_start3A_2626 : memref<32x5x64xi32, #tpu.memory_space<hbm>>) target(%arg5 : memref<32x5x64xi32, #tpu.memory_space<vmem>>) target_semaphore(%run_scoped3A : memref<!tpu.dma_semaphore, #tpu.memory_space<semaphore_mem>>)
      %dma_wait3A_2627 = arith.constant 0 : i32
      %dma_wait3A_2628 = arith.constant 0 : i32
      %dma_wait3A_2629 = arith.constant 0 : i32
      %dma_wait3A_2630 = tpu.memref_slice %arg3[%add3A, %dma_wait3A_2627, %dma_wait3A_2628, %dma_wait3A_2629] : memref<32x32x5x64xi32, #tpu.memory_space<hbm>> -> memref<1x32x5x64xi32, #tpu.memory_space<hbm>>
      %dma_wait3A_2631 = tpu.memref_squeeze %dma_wait3A_2630 : memref<1x32x5x64xi32, #tpu.memory_space<hbm>> -> memref<32x5x64xi32, #tpu.memory_space<hbm>>
      %dma_wait3A_2632 = arith.constant 0 : i32
      %dma_wait3A_2633 = arith.constant 0 : i32
      %dma_wait3A_2634 = arith.constant 0 : i32
      %dma_wait3A_2635 = tpu.memref_slice %arg3[%add3A, %dma_wait3A_2632, %dma_wait3A_2633, %dma_wait3A_2634] : memref<32x32x5x64xi32, #tpu.memory_space<hbm>> -> memref<1x32x5x64xi32, #tpu.memory_space<hbm>>
      %dma_wait3A_2636 = tpu.memref_squeeze %dma_wait3A_2635 : memref<1x32x5x64xi32, #tpu.memory_space<hbm>> -> memref<32x5x64xi32, #tpu.memory_space<hbm>>
      tpu.wait_dma2 semaphore(%run_scoped3A : memref<!tpu.dma_semaphore, #tpu.memory_space<semaphore_mem>>) src(%dma_wait3A_2636 : memref<32x5x64xi32, #tpu.memory_space<hbm>>) dst(%arg5 : memref<32x5x64xi32, #tpu.memory_space<vmem>>)
      tpu.yield
    }) : () -> ()
    %mul3A_3 = arith.constant 640 : i32
    %mul3A_4 = arith.muli %arg1, %mul3A_3 : i32
    %mul3A_5 = arith.constant 640 : i32
    %mul3A_6 = arith.muli %arg1, %mul3A_5 : i32
    "tpu.region"() ({
      %run_scoped3A = tpu.sem_alloc : memref<!tpu.dma_semaphore, #tpu.memory_space<semaphore_mem>>
      %dma_start3A_2617 = arith.constant 0 : i32
      %dma_start3A_2618 = tpu.memref_slice %arg6[%mul3A_6, %dma_start3A_2617] : memref<10240x128xf32, #tpu.memory_space<vmem_shared>> -> memref<640x128xf32, #tpu.memory_space<vmem_shared>>
      %dma_start3A_2619 = arith.constant 0 : i32
      %dma_start3A_2620 = tpu.memref_slice %arg2[%mul3A_4, %dma_start3A_2619] : memref<10240x128xf32, #tpu.memory_space<hbm>> -> memref<640x128xf32, #tpu.memory_space<hbm>>
      tpu.enqueue_dma source(%dma_start3A_2620 : memref<640x128xf32, #tpu.memory_space<hbm>>) target(%dma_start3A_2618 : memref<640x128xf32, #tpu.memory_space<vmem_shared>>) target_semaphore(%run_scoped3A : memref<!tpu.dma_semaphore, #tpu.memory_space<semaphore_mem>>)
      %dma_wait3A_2621 = arith.constant 0 : i32
      %dma_wait3A_2622 = tpu.memref_slice %arg6[%mul3A_6, %dma_wait3A_2621] : memref<10240x128xf32, #tpu.memory_space<vmem_shared>> -> memref<640x128xf32, #tpu.memory_space<vmem_shared>>
      %dma_wait3A_2623 = arith.constant 0 : i32
      %dma_wait3A_2624 = tpu.memref_slice %arg2[%mul3A_4, %dma_wait3A_2623] : memref<10240x128xf32, #tpu.memory_space<hbm>> -> memref<640x128xf32, #tpu.memory_space<hbm>>
      tpu.wait_dma2 semaphore(%run_scoped3A : memref<!tpu.dma_semaphore, #tpu.memory_space<semaphore_mem>>) src(%dma_wait3A_2624 : memref<640x128xf32, #tpu.memory_space<hbm>>) dst(%dma_wait3A_2622 : memref<640x128xf32, #tpu.memory_space<vmem_shared>>)
      tpu.yield
    }) : () -> ()
    %barrier3A = arith.constant 0 : index
    tpu.barrier barrier_id(%barrier3A)
    %add3A_7 = arith.constant 0 : i32
    %add3A_8 = arith.addi %mul3A_2, %add3A_7 : i32
    "tpu.region"() ({
      %run_scoped3A = tpu.sem_alloc : memref<!tpu.dma_semaphore, #tpu.memory_space<semaphore_mem>>
      %dma_start3A_2617 = arith.constant 0 : i32
      %dma_start3A_2618 = tpu.memref_slice %arg6[%add3A_8, %dma_start3A_2617] : memref<10240x128xf32, #tpu.memory_space<vmem_shared>> -> memref<64x128xf32, #tpu.memory_space<vmem_shared>>
      %dma_start3A_2619 = arith.constant 0 : i32
      %dma_start3A_2620 = tpu.memref_slice %arg6[%add3A_8, %dma_start3A_2619] : memref<10240x128xf32, #tpu.memory_space<vmem_shared>> -> memref<64x128xf32, #tpu.memory_space<vmem_shared>>
      tpu.enqueue_dma source(%dma_start3A_2620 : memref<64x128xf32, #tpu.memory_space<vmem_shared>>) target(%arg7 : memref<64x128xf32, #tpu.memory_space<vmem>>) target_semaphore(%run_scoped3A : memref<!tpu.dma_semaphore, #tpu.memory_space<semaphore_mem>>)
      %dma_wait3A_2621 = arith.constant 0 : i32
      %dma_wait3A_2622 = tpu.memref_slice %arg6[%add3A_8, %dma_wait3A_2621] : memref<10240x128xf32, #tpu.memory_space<vmem_shared>> -> memref<64x128xf32, #tpu.memory_space<vmem_shared>>
      %dma_wait3A_2623 = arith.constant 0 : i32
      %dma_wait3A_2624 = tpu.memref_slice %arg6[%add3A_8, %dma_wait3A_2623] : memref<10240x128xf32, #tpu.memory_space<vmem_shared>> -> memref<64x128xf32, #tpu.memory_space<vmem_shared>>
      tpu.wait_dma2 semaphore(%run_scoped3A : memref<!tpu.dma_semaphore, #tpu.memory_space<semaphore_mem>>) src(%dma_wait3A_2624 : memref<64x128xf32, #tpu.memory_space<vmem_shared>>) dst(%arg7 : memref<64x128xf32, #tpu.memory_space<vmem>>)
      tpu.yield
    }) : () -> ()
    %dma_start3A = arith.constant 0 : i32
    %dma_start3A_9 = arith.constant 0 : i32
    %dma_start3A_10 = arith.constant 0 : i32
    %dma_start3A_11 = tpu.memref_slice %arg5[%dma_start3A, %dma_start3A_9, %dma_start3A_10] : memref<32x5x64xi32, #tpu.memory_space<vmem>> -> memref<1x1x64xi32, #tpu.memory_space<vmem>>
    %dma_start3A_12 = tpu.memref_squeeze %dma_start3A_11 : memref<1x1x64xi32, #tpu.memory_space<vmem>> -> memref<64xi32, #tpu.memory_space<vmem>>
    %dma_start3A_13 = arith.constant 0 : i32
    %dma_start3A_14 = arith.constant 0 : i32
    %dma_start3A_15 = tpu.memref_slice %arg6[%dma_start3A_13, %dma_start3A_14] : memref<10240x128xf32, #tpu.memory_space<vmem_shared>> -> memref<10240x128xf32, #tpu.memory_space<vmem_shared>>
    tpu.enqueue_indirect_dma source(%dma_start3A_15 : memref<10240x128xf32, #tpu.memory_space<vmem_shared>>) target(%arg7 : memref<64x128xf32, #tpu.memory_space<vmem>>) offsets(%dma_start3A_12 : memref<64xi32, #tpu.memory_space<vmem>>) semaphore(%arg9 : memref<!tpu.dma_semaphore, #tpu.memory_space<semaphore_mem>>) {add = true}
    %dma_start3A_16 = arith.constant 1 : i32
    %dma_start3A_17 = arith.constant 0 : i32
    %dma_start3A_18 = arith.constant 0 : i32
    %dma_start3A_19 = tpu.memref_slice %arg5[%dma_start3A_16, %dma_start3A_17, %dma_start3A_18] : memref<32x5x64xi32, #tpu.memory_space<vmem>> -> memref<1x1x64xi32, #tpu.memory_space<vmem>>
    %dma_start3A_20 = tpu.memref_squeeze %dma_start3A_19 : memref<1x1x64xi32, #tpu.memory_space<vmem>> -> memref<64xi32, #tpu.memory_space<vmem>>
    %dma_start3A_21 = arith.constant 0 : i32
    %dma_start3A_22 = arith.constant 0 : i32
    %dma_start3A_23 = tpu.memref_slice %arg6[%dma_start3A_21, %dma_start3A_22] : memref<10240x128xf32, #tpu.memory_space<vmem_shared>> -> memref<10240x128xf32, #tpu.memory_space<vmem_shared>>
    tpu.enqueue_indirect_dma source(%dma_start3A_23 : memref<10240x128xf32, #tpu.memory_space<vmem_shared>>) target(%arg7 : memref<64x128xf32, #tpu.memory_space<vmem>>) offsets(%dma_start3A_20 : memref<64xi32, #tpu.memory_space<vmem>>) semaphore(%arg9 : memref<!tpu.dma_semaphore, #tpu.memory_space<semaphore_mem>>) {add = true}
    %dma_start3A_24 = arith.constant 2 : i32
    %dma_start3A_25 = arith.constant 0 : i32
    %dma_start3A_26 = arith.constant 0 : i32
    %dma_start3A_27 = tpu.memref_slice %arg5[%dma_start3A_24, %dma_start3A_25, %dma_start3A_26] : memref<32x5x64xi32, #tpu.memory_space<vmem>> -> memref<1x1x64xi32, #tpu.memory_space<vmem>>
    %dma_start3A_28 = tpu.memref_squeeze %dma_start3A_27 : memref<1x1x64xi32, #tpu.memory_space<vmem>> -> memref<64xi32, #tpu.memory_space<vmem>>
    %dma_start3A_29 = arith.constant 0 : i32
    %dma_start3A_30 = arith.constant 0 : i32
    %dma_start3A_31 = tpu.memref_slice %arg6[%dma_start3A_29, %dma_start3A_30] : memref<10240x128xf32, #tpu.memory_space<vmem_shared>> -> memref<10240x128xf32, #tpu.memory_space<vmem_shared>>
    tpu.enqueue_indirect_dma source(%dma_start3A_31 : memref<10240x128xf32, #tpu.memory_space<vmem_shared>>) target(%arg7 : memref<64x128xf32, #tpu.memory_space<vmem>>) offsets(%dma_start3A_28 : memref<64xi32, #tpu.memory_space<vmem>>) semaphore(%arg9 : memref<!tpu.dma_semaphore, #tpu.memory_space<semaphore_mem>>) {add = true}
    %dma_start3A_32 = arith.constant 3 : i32
    %dma_start3A_33 = arith.constant 0 : i32
    %dma_start3A_34 = arith.constant 0 : i32
    %dma_start3A_35 = tpu.memref_slice %arg5[%dma_start3A_32, %dma_start3A_33, %dma_start3A_34] : memref<32x5x64xi32, #tpu.memory_space<vmem>> -> memref<1x1x64xi32, #tpu.memory_space<vmem>>
    %dma_start3A_36 = tpu.memref_squeeze %dma_start3A_35 : memref<1x1x64xi32, #tpu.memory_space<vmem>> -> memref<64xi32, #tpu.memory_space<vmem>>
    %dma_start3A_37 = arith.constant 0 : i32
    %dma_start3A_38 = arith.constant 0 : i32
    %dma_start3A_39 = tpu.memref_slice %arg6[%dma_start3A_37, %dma_start3A_38] : memref<10240x128xf32, #tpu.memory_space<vmem_shared>> -> memref<10240x128xf32, #tpu.memory_space<vmem_shared>>
    tpu.enqueue_indirect_dma source(%dma_start3A_39 : memref<10240x128xf32, #tpu.memory_space<vmem_shared>>) target(%arg7 : memref<64x128xf32, #tpu.memory_space<vmem>>) offsets(%dma_start3A_36 : memref<64xi32, #tpu.memory_space<vmem>>) semaphore(%arg9 : memref<!tpu.dma_semaphore, #tpu.memory_space<semaphore_mem>>) {add = true}
    %dma_start3A_40 = arith.constant 4 : i32
    %dma_start3A_41 = arith.constant 0 : i32
    %dma_start3A_42 = arith.constant 0 : i32
    %dma_start3A_43 = tpu.memref_slice %arg5[%dma_start3A_40, %dma_start3A_41, %dma_start3A_42] : memref<32x5x64xi32, #tpu.memory_space<vmem>> -> memref<1x1x64xi32, #tpu.memory_space<vmem>>
    %dma_start3A_44 = tpu.memref_squeeze %dma_start3A_43 : memref<1x1x64xi32, #tpu.memory_space<vmem>> -> memref<64xi32, #tpu.memory_space<vmem>>
    %dma_start3A_45 = arith.constant 0 : i32
    %dma_start3A_46 = arith.constant 0 : i32
    %dma_start3A_47 = tpu.memref_slice %arg6[%dma_start3A_45, %dma_start3A_46] : memref<10240x128xf32, #tpu.memory_space<vmem_shared>> -> memref<10240x128xf32, #tpu.memory_space<vmem_shared>>
    tpu.enqueue_indirect_dma source(%dma_start3A_47 : memref<10240x128xf32, #tpu.memory_space<vmem_shared>>) target(%arg7 : memref<64x128xf32, #tpu.memory_space<vmem>>) offsets(%dma_start3A_44 : memref<64xi32, #tpu.memory_space<vmem>>) semaphore(%arg9 : memref<!tpu.dma_semaphore, #tpu.memory_space<semaphore_mem>>) {add = true}
    %dma_start3A_48 = arith.constant 5 : i32
    %dma_start3A_49 = arith.constant 0 : i32
    %dma_start3A_50 = arith.constant 0 : i32
    %dma_start3A_51 = tpu.memref_slice %arg5[%dma_start3A_48, %dma_start3A_49, %dma_start3A_50] : memref<32x5x64xi32, #tpu.memory_space<vmem>> -> memref<1x1x64xi32, #tpu.memory_space<vmem>>
    %dma_start3A_52 = tpu.memref_squeeze %dma_start3A_51 : memref<1x1x64xi32, #tpu.memory_space<vmem>> -> memref<64xi32, #tpu.memory_space<vmem>>
    %dma_start3A_53 = arith.constant 0 : i32
    %dma_start3A_54 = arith.constant 0 : i32
    %dma_start3A_55 = tpu.memref_slice %arg6[%dma_start3A_53, %dma_start3A_54] : memref<10240x128xf32, #tpu.memory_space<vmem_shared>> -> memref<10240x128xf32, #tpu.memory_space<vmem_shared>>
    tpu.enqueue_indirect_dma source(%dma_start3A_55 : memref<10240x128xf32, #tpu.memory_space<vmem_shared>>) target(%arg7 : memref<64x128xf32, #tpu.memory_space<vmem>>) offsets(%dma_start3A_52 : memref<64xi32, #tpu.memory_space<vmem>>) semaphore(%arg9 : memref<!tpu.dma_semaphore, #tpu.memory_space<semaphore_mem>>) {add = true}
    %dma_start3A_56 = arith.constant 6 : i32
    %dma_start3A_57 = arith.constant 0 : i32
    %dma_start3A_58 = arith.constant 0 : i32
    %dma_start3A_59 = tpu.memref_slice %arg5[%dma_start3A_56, %dma_start3A_57, %dma_start3A_58] : memref<32x5x64xi32, #tpu.memory_space<vmem>> -> memref<1x1x64xi32, #tpu.memory_space<vmem>>
    %dma_start3A_60 = tpu.memref_squeeze %dma_start3A_59 : memref<1x1x64xi32, #tpu.memory_space<vmem>> -> memref<64xi32, #tpu.memory_space<vmem>>
    %dma_start3A_61 = arith.constant 0 : i32
    %dma_start3A_62 = arith.constant 0 : i32
    %dma_start3A_63 = tpu.memref_slice %arg6[%dma_start3A_61, %dma_start3A_62] : memref<10240x128xf32, #tpu.memory_space<vmem_shared>> -> memref<10240x128xf32, #tpu.memory_space<vmem_shared>>
    tpu.enqueue_indirect_dma source(%dma_start3A_63 : memref<10240x128xf32, #tpu.memory_space<vmem_shared>>) target(%arg7 : memref<64x128xf32, #tpu.memory_space<vmem>>) offsets(%dma_start3A_60 : memref<64xi32, #tpu.memory_space<vmem>>) semaphore(%arg9 : memref<!tpu.dma_semaphore, #tpu.memory_space<semaphore_mem>>) {add = true}
    %dma_start3A_64 = arith.constant 7 : i32
    %dma_start3A_65 = arith.constant 0 : i32
    %dma_start3A_66 = arith.constant 0 : i32
    %dma_start3A_67 = tpu.memref_slice %arg5[%dma_start3A_64, %dma_start3A_65, %dma_start3A_66] : memref<32x5x64xi32, #tpu.memory_space<vmem>> -> memref<1x1x64xi32, #tpu.memory_space<vmem>>
    %dma_start3A_68 = tpu.memref_squeeze %dma_start3A_67 : memref<1x1x64xi32, #tpu.memory_space<vmem>> -> memref<64xi32, #tpu.memory_space<vmem>>
    %dma_start3A_69 = arith.constant 0 : i32
    %dma_start3A_70 = arith.constant 0 : i32
    %dma_start3A_71 = tpu.memref_slice %arg6[%dma_start3A_69, %dma_start3A_70] : memref<10240x128xf32, #tpu.memory_space<vmem_shared>> -> memref<10240x128xf32, #tpu.memory_space<vmem_shared>>
    tpu.enqueue_indirect_dma source(%dma_start3A_71 : memref<10240x128xf32, #tpu.memory_space<vmem_shared>>) target(%arg7 : memref<64x128xf32, #tpu.memory_space<vmem>>) offsets(%dma_start3A_68 : memref<64xi32, #tpu.memory_space<vmem>>) semaphore(%arg9 : memref<!tpu.dma_semaphore, #tpu.memory_space<semaphore_mem>>) {add = true}
    %dma_start3A_72 = arith.constant 8 : i32
    %dma_start3A_73 = arith.constant 0 : i32
    %dma_start3A_74 = arith.constant 0 : i32
    %dma_start3A_75 = tpu.memref_slice %arg5[%dma_start3A_72, %dma_start3A_73, %dma_start3A_74] : memref<32x5x64xi32, #tpu.memory_space<vmem>> -> memref<1x1x64xi32, #tpu.memory_space<vmem>>
    %dma_start3A_76 = tpu.memref_squeeze %dma_start3A_75 : memref<1x1x64xi32, #tpu.memory_space<vmem>> -> memref<64xi32, #tpu.memory_space<vmem>>
    %dma_start3A_77 = arith.constant 0 : i32
    %dma_start3A_78 = arith.constant 0 : i32
    %dma_start3A_79 = tpu.memref_slice %arg6[%dma_start3A_77, %dma_start3A_78] : memref<10240x128xf32, #tpu.memory_space<vmem_shared>> -> memref<10240x128xf32, #tpu.memory_space<vmem_shared>>
    tpu.enqueue_indirect_dma source(%dma_start3A_79 : memref<10240x128xf32, #tpu.memory_space<vmem_shared>>) target(%arg7 : memref<64x128xf32, #tpu.memory_space<vmem>>) offsets(%dma_start3A_76 : memref<64xi32, #tpu.memory_space<vmem>>) semaphore(%arg9 : memref<!tpu.dma_semaphore, #tpu.memory_space<semaphore_mem>>) {add = true}
    %dma_start3A_80 = arith.constant 9 : i32
    %dma_start3A_81 = arith.constant 0 : i32
    %dma_start3A_82 = arith.constant 0 : i32
    %dma_start3A_83 = tpu.memref_slice %arg5[%dma_start3A_80, %dma_start3A_81, %dma_start3A_82] : memref<32x5x64xi32, #tpu.memory_space<vmem>> -> memref<1x1x64xi32, #tpu.memory_space<vmem>>
    %dma_start3A_84 = tpu.memref_squeeze %dma_start3A_83 : memref<1x1x64xi32, #tpu.memory_space<vmem>> -> memref<64xi32, #tpu.memory_space<vmem>>
    %dma_start3A_85 = arith.constant 0 : i32
    %dma_start3A_86 = arith.constant 0 : i32
    %dma_start3A_87 = tpu.memref_slice %arg6[%dma_start3A_85, %dma_start3A_86] : memref<10240x128xf32, #tpu.memory_space<vmem_shared>> -> memref<10240x128xf32, #tpu.memory_space<vmem_shared>>
    tpu.enqueue_indirect_dma source(%dma_start3A_87 : memref<10240x128xf32, #tpu.memory_space<vmem_shared>>) target(%arg7 : memref<64x128xf32, #tpu.memory_space<vmem>>) offsets(%dma_start3A_84 : memref<64xi32, #tpu.memory_space<vmem>>) semaphore(%arg9 : memref<!tpu.dma_semaphore, #tpu.memory_space<semaphore_mem>>) {add = true}
    %dma_start3A_88 = arith.constant 10 : i32
    %dma_start3A_89 = arith.constant 0 : i32
    %dma_start3A_90 = arith.constant 0 : i32
    %dma_start3A_91 = tpu.memref_slice %arg5[%dma_start3A_88, %dma_start3A_89, %dma_start3A_90] : memref<32x5x64xi32, #tpu.memory_space<vmem>> -> memref<1x1x64xi32, #tpu.memory_space<vmem>>
    %dma_start3A_92 = tpu.memref_squeeze %dma_start3A_91 : memref<1x1x64xi32, #tpu.memory_space<vmem>> -> memref<64xi32, #tpu.memory_space<vmem>>
    %dma_start3A_93 = arith.constant 0 : i32
    %dma_start3A_94 = arith.constant 0 : i32
    %dma_start3A_95 = tpu.memref_slice %arg6[%dma_start3A_93, %dma_start3A_94] : memref<10240x128xf32, #tpu.memory_space<vmem_shared>> -> memref<10240x128xf32, #tpu.memory_space<vmem_shared>>
    tpu.enqueue_indirect_dma source(%dma_start3A_95 : memref<10240x128xf32, #tpu.memory_space<vmem_shared>>) target(%arg7 : memref<64x128xf32, #tpu.memory_space<vmem>>) offsets(%dma_start3A_92 : memref<64xi32, #tpu.memory_space<vmem>>) semaphore(%arg9 : memref<!tpu.dma_semaphore, #tpu.memory_space<semaphore_mem>>) {add = true}
    %dma_start3A_96 = arith.constant 11 : i32
    %dma_start3A_97 = arith.constant 0 : i32
    %dma_start3A_98 = arith.constant 0 : i32
    %dma_start3A_99 = tpu.memref_slice %arg5[%dma_start3A_96, %dma_start3A_97, %dma_start3A_98] : memref<32x5x64xi32, #tpu.memory_space<vmem>> -> memref<1x1x64xi32, #tpu.memory_space<vmem>>
    %dma_start3A_100 = tpu.memref_squeeze %dma_start3A_99 : memref<1x1x64xi32, #tpu.memory_space<vmem>> -> memref<64xi32, #tpu.memory_space<vmem>>
    %dma_start3A_101 = arith.constant 0 : i32
    %dma_start3A_102 = arith.constant 0 : i32
    %dma_start3A_103 = tpu.memref_slice %arg6[%dma_start3A_101, %dma_start3A_102] : memref<10240x128xf32, #tpu.memory_space<vmem_shared>> -> memref<10240x128xf32, #tpu.memory_space<vmem_shared>>
    tpu.enqueue_indirect_dma source(%dma_start3A_103 : memref<10240x128xf32, #tpu.memory_space<vmem_shared>>) target(%arg7 : memref<64x128xf32, #tpu.memory_space<vmem>>) offsets(%dma_start3A_100 : memref<64xi32, #tpu.memory_space<vmem>>) semaphore(%arg9 : memref<!tpu.dma_semaphore, #tpu.memory_space<semaphore_mem>>) {add = true}
    %dma_start3A_104 = arith.constant 12 : i32
    %dma_start3A_105 = arith.constant 0 : i32
    %dma_start3A_106 = arith.constant 0 : i32
    %dma_start3A_107 = tpu.memref_slice %arg5[%dma_start3A_104, %dma_start3A_105, %dma_start3A_106] : memref<32x5x64xi32, #tpu.memory_space<vmem>> -> memref<1x1x64xi32, #tpu.memory_space<vmem>>
    %dma_start3A_108 = tpu.memref_squeeze %dma_start3A_107 : memref<1x1x64xi32, #tpu.memory_space<vmem>> -> memref<64xi32, #tpu.memory_space<vmem>>
    %dma_start3A_109 = arith.constant 0 : i32
    %dma_start3A_110 = arith.constant 0 : i32
    %dma_start3A_111 = tpu.memref_slice %arg6[%dma_start3A_109, %dma_start3A_110] : memref<10240x128xf32, #tpu.memory_space<vmem_shared>> -> memref<10240x128xf32, #tpu.memory_space<vmem_shared>>
    tpu.enqueue_indirect_dma source(%dma_start3A_111 : memref<10240x128xf32, #tpu.memory_space<vmem_shared>>) target(%arg7 : memref<64x128xf32, #tpu.memory_space<vmem>>) offsets(%dma_start3A_108 : memref<64xi32, #tpu.memory_space<vmem>>) semaphore(%arg9 : memref<!tpu.dma_semaphore, #tpu.memory_space<semaphore_mem>>) {add = true}
    %dma_start3A_112 = arith.constant 13 : i32
    %dma_start3A_113 = arith.constant 0 : i32
    %dma_start3A_114 = arith.constant 0 : i32
    %dma_start3A_115 = tpu.memref_slice %arg5[%dma_start3A_112, %dma_start3A_113, %dma_start3A_114] : memref<32x5x64xi32, #tpu.memory_space<vmem>> -> memref<1x1x64xi32, #tpu.memory_space<vmem>>
    %dma_start3A_116 = tpu.memref_squeeze %dma_start3A_115 : memref<1x1x64xi32, #tpu.memory_space<vmem>> -> memref<64xi32, #tpu.memory_space<vmem>>
    %dma_start3A_117 = arith.constant 0 : i32
    %dma_start3A_118 = arith.constant 0 : i32
    %dma_start3A_119 = tpu.memref_slice %arg6[%dma_start3A_117, %dma_start3A_118] : memref<10240x128xf32, #tpu.memory_space<vmem_shared>> -> memref<10240x128xf32, #tpu.memory_space<vmem_shared>>
    tpu.enqueue_indirect_dma source(%dma_start3A_119 : memref<10240x128xf32, #tpu.memory_space<vmem_shared>>) target(%arg7 : memref<64x128xf32, #tpu.memory_space<vmem>>) offsets(%dma_start3A_116 : memref<64xi32, #tpu.memory_space<vmem>>) semaphore(%arg9 : memref<!tpu.dma_semaphore, #tpu.memory_space<semaphore_mem>>) {add = true}
    %dma_start3A_120 = arith.constant 14 : i32
    %dma_start3A_121 = arith.constant 0 : i32
    %dma_start3A_122 = arith.constant 0 : i32
    %dma_start3A_123 = tpu.memref_slice %arg5[%dma_start3A_120, %dma_start3A_121, %dma_start3A_122] : memref<32x5x64xi32, #tpu.memory_space<vmem>> -> memref<1x1x64xi32, #tpu.memory_space<vmem>>
    %dma_start3A_124 = tpu.memref_squeeze %dma_start3A_123 : memref<1x1x64xi32, #tpu.memory_space<vmem>> -> memref<64xi32, #tpu.memory_space<vmem>>
    %dma_start3A_125 = arith.constant 0 : i32
    %dma_start3A_126 = arith.constant 0 : i32
    %dma_start3A_127 = tpu.memref_slice %arg6[%dma_start3A_125, %dma_start3A_126] : memref<10240x128xf32, #tpu.memory_space<vmem_shared>> -> memref<10240x128xf32, #tpu.memory_space<vmem_shared>>
    tpu.enqueue_indirect_dma source(%dma_start3A_127 : memref<10240x128xf32, #tpu.memory_space<vmem_shared>>) target(%arg7 : memref<64x128xf32, #tpu.memory_space<vmem>>) offsets(%dma_start3A_124 : memref<64xi32, #tpu.memory_space<vmem>>) semaphore(%arg9 : memref<!tpu.dma_semaphore, #tpu.memory_space<semaphore_mem>>) {add = true}
    %dma_start3A_128 = arith.constant 15 : i32
    %dma_start3A_129 = arith.constant 0 : i32
    %dma_start3A_130 = arith.constant 0 : i32
    %dma_start3A_131 = tpu.memref_slice %arg5[%dma_start3A_128, %dma_start3A_129, %dma_start3A_130] : memref<32x5x64xi32, #tpu.memory_space<vmem>> -> memref<1x1x64xi32, #tpu.memory_space<vmem>>
    %dma_start3A_132 = tpu.memref_squeeze %dma_start3A_131 : memref<1x1x64xi32, #tpu.memory_space<vmem>> -> memref<64xi32, #tpu.memory_space<vmem>>
    %dma_start3A_133 = arith.constant 0 : i32
    %dma_start3A_134 = arith.constant 0 : i32
    %dma_start3A_135 = tpu.memref_slice %arg6[%dma_start3A_133, %dma_start3A_134] : memref<10240x128xf32, #tpu.memory_space<vmem_shared>> -> memref<10240x128xf32, #tpu.memory_space<vmem_shared>>
    tpu.enqueue_indirect_dma source(%dma_start3A_135 : memref<10240x128xf32, #tpu.memory_space<vmem_shared>>) target(%arg7 : memref<64x128xf32, #tpu.memory_space<vmem>>) offsets(%dma_start3A_132 : memref<64xi32, #tpu.memory_space<vmem>>) semaphore(%arg9 : memref<!tpu.dma_semaphore, #tpu.memory_space<semaphore_mem>>) {add = true}
    %dma_start3A_136 = arith.constant 16 : i32
    %dma_start3A_137 = arith.constant 0 : i32
    %dma_start3A_138 = arith.constant 0 : i32
    %dma_start3A_139 = tpu.memref_slice %arg5[%dma_start3A_136, %dma_start3A_137, %dma_start3A_138] : memref<32x5x64xi32, #tpu.memory_space<vmem>> -> memref<1x1x64xi32, #tpu.memory_space<vmem>>
    %dma_start3A_140 = tpu.memref_squeeze %dma_start3A_139 : memref<1x1x64xi32, #tpu.memory_space<vmem>> -> memref<64xi32, #tpu.memory_space<vmem>>
    %dma_start3A_141 = arith.constant 0 : i32
    %dma_start3A_142 = arith.constant 0 : i32
    %dma_start3A_143 = tpu.memref_slice %arg6[%dma_start3A_141, %dma_start3A_142] : memref<10240x128xf32, #tpu.memory_space<vmem_shared>> -> memref<10240x128xf32, #tpu.memory_space<vmem_shared>>
    tpu.enqueue_indirect_dma source(%dma_start3A_143 : memref<10240x128xf32, #tpu.memory_space<vmem_shared>>) target(%arg7 : memref<64x128xf32, #tpu.memory_space<vmem>>) offsets(%dma_start3A_140 : memref<64xi32, #tpu.memory_space<vmem>>) semaphore(%arg9 : memref<!tpu.dma_semaphore, #tpu.memory_space<semaphore_mem>>) {add = true}
    %dma_start3A_144 = arith.constant 17 : i32
    %dma_start3A_145 = arith.constant 0 : i32
    %dma_start3A_146 = arith.constant 0 : i32
    %dma_start3A_147 = tpu.memref_slice %arg5[%dma_start3A_144, %dma_start3A_145, %dma_start3A_146] : memref<32x5x64xi32, #tpu.memory_space<vmem>> -> memref<1x1x64xi32, #tpu.memory_space<vmem>>
    %dma_start3A_148 = tpu.memref_squeeze %dma_start3A_147 : memref<1x1x64xi32, #tpu.memory_space<vmem>> -> memref<64xi32, #tpu.memory_space<vmem>>
    %dma_start3A_149 = arith.constant 0 : i32
    %dma_start3A_150 = arith.constant 0 : i32
    %dma_start3A_151 = tpu.memref_slice %arg6[%dma_start3A_149, %dma_start3A_150] : memref<10240x128xf32, #tpu.memory_space<vmem_shared>> -> memref<10240x128xf32, #tpu.memory_space<vmem_shared>>
    tpu.enqueue_indirect_dma source(%dma_start3A_151 : memref<10240x128xf32, #tpu.memory_space<vmem_shared>>) target(%arg7 : memref<64x128xf32, #tpu.memory_space<vmem>>) offsets(%dma_start3A_148 : memref<64xi32, #tpu.memory_space<vmem>>) semaphore(%arg9 : memref<!tpu.dma_semaphore, #tpu.memory_space<semaphore_mem>>) {add = true}
    %dma_start3A_152 = arith.constant 18 : i32
    %dma_start3A_153 = arith.constant 0 : i32
    %dma_start3A_154 = arith.constant 0 : i32
    %dma_start3A_155 = tpu.memref_slice %arg5[%dma_start3A_152, %dma_start3A_153, %dma_start3A_154] : memref<32x5x64xi32, #tpu.memory_space<vmem>> -> memref<1x1x64xi32, #tpu.memory_space<vmem>>
    %dma_start3A_156 = tpu.memref_squeeze %dma_start3A_155 : memref<1x1x64xi32, #tpu.memory_space<vmem>> -> memref<64xi32, #tpu.memory_space<vmem>>
    %dma_start3A_157 = arith.constant 0 : i32
    %dma_start3A_158 = arith.constant 0 : i32
    %dma_start3A_159 = tpu.memref_slice %arg6[%dma_start3A_157, %dma_start3A_158] : memref<10240x128xf32, #tpu.memory_space<vmem_shared>> -> memref<10240x128xf32, #tpu.memory_space<vmem_shared>>
    tpu.enqueue_indirect_dma source(%dma_start3A_159 : memref<10240x128xf32, #tpu.memory_space<vmem_shared>>) target(%arg7 : memref<64x128xf32, #tpu.memory_space<vmem>>) offsets(%dma_start3A_156 : memref<64xi32, #tpu.memory_space<vmem>>) semaphore(%arg9 : memref<!tpu.dma_semaphore, #tpu.memory_space<semaphore_mem>>) {add = true}
    %dma_start3A_160 = arith.constant 19 : i32
    %dma_start3A_161 = arith.constant 0 : i32
    %dma_start3A_162 = arith.constant 0 : i32
    %dma_start3A_163 = tpu.memref_slice %arg5[%dma_start3A_160, %dma_start3A_161, %dma_start3A_162] : memref<32x5x64xi32, #tpu.memory_space<vmem>> -> memref<1x1x64xi32, #tpu.memory_space<vmem>>
    %dma_start3A_164 = tpu.memref_squeeze %dma_start3A_163 : memref<1x1x64xi32, #tpu.memory_space<vmem>> -> memref<64xi32, #tpu.memory_space<vmem>>
    %dma_start3A_165 = arith.constant 0 : i32
    %dma_start3A_166 = arith.constant 0 : i32
    %dma_start3A_167 = tpu.memref_slice %arg6[%dma_start3A_165, %dma_start3A_166] : memref<10240x128xf32, #tpu.memory_space<vmem_shared>> -> memref<10240x128xf32, #tpu.memory_space<vmem_shared>>
    tpu.enqueue_indirect_dma source(%dma_start3A_167 : memref<10240x128xf32, #tpu.memory_space<vmem_shared>>) target(%arg7 : memref<64x128xf32, #tpu.memory_space<vmem>>) offsets(%dma_start3A_164 : memref<64xi32, #tpu.memory_space<vmem>>) semaphore(%arg9 : memref<!tpu.dma_semaphore, #tpu.memory_space<semaphore_mem>>) {add = true}
    %dma_start3A_168 = arith.constant 20 : i32
    %dma_start3A_169 = arith.constant 0 : i32
    %dma_start3A_170 = arith.constant 0 : i32
    %dma_start3A_171 = tpu.memref_slice %arg5[%dma_start3A_168, %dma_start3A_169, %dma_start3A_170] : memref<32x5x64xi32, #tpu.memory_space<vmem>> -> memref<1x1x64xi32, #tpu.memory_space<vmem>>
    %dma_start3A_172 = tpu.memref_squeeze %dma_start3A_171 : memref<1x1x64xi32, #tpu.memory_space<vmem>> -> memref<64xi32, #tpu.memory_space<vmem>>
    %dma_start3A_173 = arith.constant 0 : i32
    %dma_start3A_174 = arith.constant 0 : i32
    %dma_start3A_175 = tpu.memref_slice %arg6[%dma_start3A_173, %dma_start3A_174] : memref<10240x128xf32, #tpu.memory_space<vmem_shared>> -> memref<10240x128xf32, #tpu.memory_space<vmem_shared>>
    tpu.enqueue_indirect_dma source(%dma_start3A_175 : memref<10240x128xf32, #tpu.memory_space<vmem_shared>>) target(%arg7 : memref<64x128xf32, #tpu.memory_space<vmem>>) offsets(%dma_start3A_172 : memref<64xi32, #tpu.memory_space<vmem>>) semaphore(%arg9 : memref<!tpu.dma_semaphore, #tpu.memory_space<semaphore_mem>>) {add = true}
    %dma_start3A_176 = arith.constant 21 : i32
    %dma_start3A_177 = arith.constant 0 : i32
    %dma_start3A_178 = arith.constant 0 : i32
    %dma_start3A_179 = tpu.memref_slice %arg5[%dma_start3A_176, %dma_start3A_177, %dma_start3A_178] : memref<32x5x64xi32, #tpu.memory_space<vmem>> -> memref<1x1x64xi32, #tpu.memory_space<vmem>>
    %dma_start3A_180 = tpu.memref_squeeze %dma_start3A_179 : memref<1x1x64xi32, #tpu.memory_space<vmem>> -> memref<64xi32, #tpu.memory_space<vmem>>
    %dma_start3A_181 = arith.constant 0 : i32
    %dma_start3A_182 = arith.constant 0 : i32
    %dma_start3A_183 = tpu.memref_slice %arg6[%dma_start3A_181, %dma_start3A_182] : memref<10240x128xf32, #tpu.memory_space<vmem_shared>> -> memref<10240x128xf32, #tpu.memory_space<vmem_shared>>
    tpu.enqueue_indirect_dma source(%dma_start3A_183 : memref<10240x128xf32, #tpu.memory_space<vmem_shared>>) target(%arg7 : memref<64x128xf32, #tpu.memory_space<vmem>>) offsets(%dma_start3A_180 : memref<64xi32, #tpu.memory_space<vmem>>) semaphore(%arg9 : memref<!tpu.dma_semaphore, #tpu.memory_space<semaphore_mem>>) {add = true}
    %dma_start3A_184 = arith.constant 22 : i32
    %dma_start3A_185 = arith.constant 0 : i32
    %dma_start3A_186 = arith.constant 0 : i32
    %dma_start3A_187 = tpu.memref_slice %arg5[%dma_start3A_184, %dma_start3A_185, %dma_start3A_186] : memref<32x5x64xi32, #tpu.memory_space<vmem>> -> memref<1x1x64xi32, #tpu.memory_space<vmem>>
    %dma_start3A_188 = tpu.memref_squeeze %dma_start3A_187 : memref<1x1x64xi32, #tpu.memory_space<vmem>> -> memref<64xi32, #tpu.memory_space<vmem>>
    %dma_start3A_189 = arith.constant 0 : i32
    %dma_start3A_190 = arith.constant 0 : i32
    %dma_start3A_191 = tpu.memref_slice %arg6[%dma_start3A_189, %dma_start3A_190] : memref<10240x128xf32, #tpu.memory_space<vmem_shared>> -> memref<10240x128xf32, #tpu.memory_space<vmem_shared>>
    tpu.enqueue_indirect_dma source(%dma_start3A_191 : memref<10240x128xf32, #tpu.memory_space<vmem_shared>>) target(%arg7 : memref<64x128xf32, #tpu.memory_space<vmem>>) offsets(%dma_start3A_188 : memref<64xi32, #tpu.memory_space<vmem>>) semaphore(%arg9 : memref<!tpu.dma_semaphore, #tpu.memory_space<semaphore_mem>>) {add = true}
    %dma_start3A_192 = arith.constant 23 : i32
    %dma_start3A_193 = arith.constant 0 : i32
    %dma_start3A_194 = arith.constant 0 : i32
    %dma_start3A_195 = tpu.memref_slice %arg5[%dma_start3A_192, %dma_start3A_193, %dma_start3A_194] : memref<32x5x64xi32, #tpu.memory_space<vmem>> -> memref<1x1x64xi32, #tpu.memory_space<vmem>>
    %dma_start3A_196 = tpu.memref_squeeze %dma_start3A_195 : memref<1x1x64xi32, #tpu.memory_space<vmem>> -> memref<64xi32, #tpu.memory_space<vmem>>
    %dma_start3A_197 = arith.constant 0 : i32
    %dma_start3A_198 = arith.constant 0 : i32
    %dma_start3A_199 = tpu.memref_slice %arg6[%dma_start3A_197, %dma_start3A_198] : memref<10240x128xf32, #tpu.memory_space<vmem_shared>> -> memref<10240x128xf32, #tpu.memory_space<vmem_shared>>
    tpu.enqueue_indirect_dma source(%dma_start3A_199 : memref<10240x128xf32, #tpu.memory_space<vmem_shared>>) target(%arg7 : memref<64x128xf32, #tpu.memory_space<vmem>>) offsets(%dma_start3A_196 : memref<64xi32, #tpu.memory_space<vmem>>) semaphore(%arg9 : memref<!tpu.dma_semaphore, #tpu.memory_space<semaphore_mem>>) {add = true}
    %dma_start3A_200 = arith.constant 24 : i32
    %dma_start3A_201 = arith.constant 0 : i32
    %dma_start3A_202 = arith.constant 0 : i32
    %dma_start3A_203 = tpu.memref_slice %arg5[%dma_start3A_200, %dma_start3A_201, %dma_start3A_202] : memref<32x5x64xi32, #tpu.memory_space<vmem>> -> memref<1x1x64xi32, #tpu.memory_space<vmem>>
    %dma_start3A_204 = tpu.memref_squeeze %dma_start3A_203 : memref<1x1x64xi32, #tpu.memory_space<vmem>> -> memref<64xi32, #tpu.memory_space<vmem>>
    %dma_start3A_205 = arith.constant 0 : i32
    %dma_start3A_206 = arith.constant 0 : i32
    %dma_start3A_207 = tpu.memref_slice %arg6[%dma_start3A_205, %dma_start3A_206] : memref<10240x128xf32, #tpu.memory_space<vmem_shared>> -> memref<10240x128xf32, #tpu.memory_space<vmem_shared>>
    tpu.enqueue_indirect_dma source(%dma_start3A_207 : memref<10240x128xf32, #tpu.memory_space<vmem_shared>>) target(%arg7 : memref<64x128xf32, #tpu.memory_space<vmem>>) offsets(%dma_start3A_204 : memref<64xi32, #tpu.memory_space<vmem>>) semaphore(%arg9 : memref<!tpu.dma_semaphore, #tpu.memory_space<semaphore_mem>>) {add = true}
    %dma_start3A_208 = arith.constant 25 : i32
    %dma_start3A_209 = arith.constant 0 : i32
    %dma_start3A_210 = arith.constant 0 : i32
    %dma_start3A_211 = tpu.memref_slice %arg5[%dma_start3A_208, %dma_start3A_209, %dma_start3A_210] : memref<32x5x64xi32, #tpu.memory_space<vmem>> -> memref<1x1x64xi32, #tpu.memory_space<vmem>>
    %dma_start3A_212 = tpu.memref_squeeze %dma_start3A_211 : memref<1x1x64xi32, #tpu.memory_space<vmem>> -> memref<64xi32, #tpu.memory_space<vmem>>
    %dma_start3A_213 = arith.constant 0 : i32
    %dma_start3A_214 = arith.constant 0 : i32
    %dma_start3A_215 = tpu.memref_slice %arg6[%dma_start3A_213, %dma_start3A_214] : memref<10240x128xf32, #tpu.memory_space<vmem_shared>> -> memref<10240x128xf32, #tpu.memory_space<vmem_shared>>
    tpu.enqueue_indirect_dma source(%dma_start3A_215 : memref<10240x128xf32, #tpu.memory_space<vmem_shared>>) target(%arg7 : memref<64x128xf32, #tpu.memory_space<vmem>>) offsets(%dma_start3A_212 : memref<64xi32, #tpu.memory_space<vmem>>) semaphore(%arg9 : memref<!tpu.dma_semaphore, #tpu.memory_space<semaphore_mem>>) {add = true}
    %dma_start3A_216 = arith.constant 26 : i32
    %dma_start3A_217 = arith.constant 0 : i32
    %dma_start3A_218 = arith.constant 0 : i32
    %dma_start3A_219 = tpu.memref_slice %arg5[%dma_start3A_216, %dma_start3A_217, %dma_start3A_218] : memref<32x5x64xi32, #tpu.memory_space<vmem>> -> memref<1x1x64xi32, #tpu.memory_space<vmem>>
    %dma_start3A_220 = tpu.memref_squeeze %dma_start3A_219 : memref<1x1x64xi32, #tpu.memory_space<vmem>> -> memref<64xi32, #tpu.memory_space<vmem>>
    %dma_start3A_221 = arith.constant 0 : i32
    %dma_start3A_222 = arith.constant 0 : i32
    %dma_start3A_223 = tpu.memref_slice %arg6[%dma_start3A_221, %dma_start3A_222] : memref<10240x128xf32, #tpu.memory_space<vmem_shared>> -> memref<10240x128xf32, #tpu.memory_space<vmem_shared>>
    tpu.enqueue_indirect_dma source(%dma_start3A_223 : memref<10240x128xf32, #tpu.memory_space<vmem_shared>>) target(%arg7 : memref<64x128xf32, #tpu.memory_space<vmem>>) offsets(%dma_start3A_220 : memref<64xi32, #tpu.memory_space<vmem>>) semaphore(%arg9 : memref<!tpu.dma_semaphore, #tpu.memory_space<semaphore_mem>>) {add = true}
    %dma_start3A_224 = arith.constant 27 : i32
    %dma_start3A_225 = arith.constant 0 : i32
    %dma_start3A_226 = arith.constant 0 : i32
    %dma_start3A_227 = tpu.memref_slice %arg5[%dma_start3A_224, %dma_start3A_225, %dma_start3A_226] : memref<32x5x64xi32, #tpu.memory_space<vmem>> -> memref<1x1x64xi32, #tpu.memory_space<vmem>>
    %dma_start3A_228 = tpu.memref_squeeze %dma_start3A_227 : memref<1x1x64xi32, #tpu.memory_space<vmem>> -> memref<64xi32, #tpu.memory_space<vmem>>
    %dma_start3A_229 = arith.constant 0 : i32
    %dma_start3A_230 = arith.constant 0 : i32
    %dma_start3A_231 = tpu.memref_slice %arg6[%dma_start3A_229, %dma_start3A_230] : memref<10240x128xf32, #tpu.memory_space<vmem_shared>> -> memref<10240x128xf32, #tpu.memory_space<vmem_shared>>
    tpu.enqueue_indirect_dma source(%dma_start3A_231 : memref<10240x128xf32, #tpu.memory_space<vmem_shared>>) target(%arg7 : memref<64x128xf32, #tpu.memory_space<vmem>>) offsets(%dma_start3A_228 : memref<64xi32, #tpu.memory_space<vmem>>) semaphore(%arg9 : memref<!tpu.dma_semaphore, #tpu.memory_space<semaphore_mem>>) {add = true}
    %dma_start3A_232 = arith.constant 28 : i32
    %dma_start3A_233 = arith.constant 0 : i32
    %dma_start3A_234 = arith.constant 0 : i32
    %dma_start3A_235 = tpu.memref_slice %arg5[%dma_start3A_232, %dma_start3A_233, %dma_start3A_234] : memref<32x5x64xi32, #tpu.memory_space<vmem>> -> memref<1x1x64xi32, #tpu.memory_space<vmem>>
    %dma_start3A_236 = tpu.memref_squeeze %dma_start3A_235 : memref<1x1x64xi32, #tpu.memory_space<vmem>> -> memref<64xi32, #tpu.memory_space<vmem>>
    %dma_start3A_237 = arith.constant 0 : i32
    %dma_start3A_238 = arith.constant 0 : i32
    %dma_start3A_239 = tpu.memref_slice %arg6[%dma_start3A_237, %dma_start3A_238] : memref<10240x128xf32, #tpu.memory_space<vmem_shared>> -> memref<10240x128xf32, #tpu.memory_space<vmem_shared>>
    tpu.enqueue_indirect_dma source(%dma_start3A_239 : memref<10240x128xf32, #tpu.memory_space<vmem_shared>>) target(%arg7 : memref<64x128xf32, #tpu.memory_space<vmem>>) offsets(%dma_start3A_236 : memref<64xi32, #tpu.memory_space<vmem>>) semaphore(%arg9 : memref<!tpu.dma_semaphore, #tpu.memory_space<semaphore_mem>>) {add = true}
    %dma_start3A_240 = arith.constant 29 : i32
    %dma_start3A_241 = arith.constant 0 : i32
    %dma_start3A_242 = arith.constant 0 : i32
    %dma_start3A_243 = tpu.memref_slice %arg5[%dma_start3A_240, %dma_start3A_241, %dma_start3A_242] : memref<32x5x64xi32, #tpu.memory_space<vmem>> -> memref<1x1x64xi32, #tpu.memory_space<vmem>>
    %dma_start3A_244 = tpu.memref_squeeze %dma_start3A_243 : memref<1x1x64xi32, #tpu.memory_space<vmem>> -> memref<64xi32, #tpu.memory_space<vmem>>
    %dma_start3A_245 = arith.constant 0 : i32
    %dma_start3A_246 = arith.constant 0 : i32
    %dma_start3A_247 = tpu.memref_slice %arg6[%dma_start3A_245, %dma_start3A_246] : memref<10240x128xf32, #tpu.memory_space<vmem_shared>> -> memref<10240x128xf32, #tpu.memory_space<vmem_shared>>
    tpu.enqueue_indirect_dma source(%dma_start3A_247 : memref<10240x128xf32, #tpu.memory_space<vmem_shared>>) target(%arg7 : memref<64x128xf32, #tpu.memory_space<vmem>>) offsets(%dma_start3A_244 : memref<64xi32, #tpu.memory_space<vmem>>) semaphore(%arg9 : memref<!tpu.dma_semaphore, #tpu.memory_space<semaphore_mem>>) {add = true}
    %dma_start3A_248 = arith.constant 30 : i32
    %dma_start3A_249 = arith.constant 0 : i32
    %dma_start3A_250 = arith.constant 0 : i32
    %dma_start3A_251 = tpu.memref_slice %arg5[%dma_start3A_248, %dma_start3A_249, %dma_start3A_250] : memref<32x5x64xi32, #tpu.memory_space<vmem>> -> memref<1x1x64xi32, #tpu.memory_space<vmem>>
    %dma_start3A_252 = tpu.memref_squeeze %dma_start3A_251 : memref<1x1x64xi32, #tpu.memory_space<vmem>> -> memref<64xi32, #tpu.memory_space<vmem>>
    %dma_start3A_253 = arith.constant 0 : i32
    %dma_start3A_254 = arith.constant 0 : i32
    %dma_start3A_255 = tpu.memref_slice %arg6[%dma_start3A_253, %dma_start3A_254] : memref<10240x128xf32, #tpu.memory_space<vmem_shared>> -> memref<10240x128xf32, #tpu.memory_space<vmem_shared>>
    tpu.enqueue_indirect_dma source(%dma_start3A_255 : memref<10240x128xf32, #tpu.memory_space<vmem_shared>>) target(%arg7 : memref<64x128xf32, #tpu.memory_space<vmem>>) offsets(%dma_start3A_252 : memref<64xi32, #tpu.memory_space<vmem>>) semaphore(%arg9 : memref<!tpu.dma_semaphore, #tpu.memory_space<semaphore_mem>>) {add = true}
    %dma_start3A_256 = arith.constant 31 : i32
    %dma_start3A_257 = arith.constant 0 : i32
    %dma_start3A_258 = arith.constant 0 : i32
    %dma_start3A_259 = tpu.memref_slice %arg5[%dma_start3A_256, %dma_start3A_257, %dma_start3A_258] : memref<32x5x64xi32, #tpu.memory_space<vmem>> -> memref<1x1x64xi32, #tpu.memory_space<vmem>>
    %dma_start3A_260 = tpu.memref_squeeze %dma_start3A_259 : memref<1x1x64xi32, #tpu.memory_space<vmem>> -> memref<64xi32, #tpu.memory_space<vmem>>
    %dma_start3A_261 = arith.constant 0 : i32
    %dma_start3A_262 = arith.constant 0 : i32
    %dma_start3A_263 = tpu.memref_slice %arg6[%dma_start3A_261, %dma_start3A_262] : memref<10240x128xf32, #tpu.memory_space<vmem_shared>> -> memref<10240x128xf32, #tpu.memory_space<vmem_shared>>
    tpu.enqueue_indirect_dma source(%dma_start3A_263 : memref<10240x128xf32, #tpu.memory_space<vmem_shared>>) target(%arg7 : memref<64x128xf32, #tpu.memory_space<vmem>>) offsets(%dma_start3A_260 : memref<64xi32, #tpu.memory_space<vmem>>) semaphore(%arg9 : memref<!tpu.dma_semaphore, #tpu.memory_space<semaphore_mem>>) {add = true}
    %add3A_264 = arith.constant 64 : i32
    %add3A_265 = arith.addi %mul3A_2, %add3A_264 : i32
    "tpu.region"() ({
      %run_scoped3A = tpu.sem_alloc : memref<!tpu.dma_semaphore, #tpu.memory_space<semaphore_mem>>
      %dma_start3A_2617 = arith.constant 0 : i32
      %dma_start3A_2618 = tpu.memref_slice %arg6[%add3A_265, %dma_start3A_2617] : memref<10240x128xf32, #tpu.memory_space<vmem_shared>> -> memref<64x128xf32, #tpu.memory_space<vmem_shared>>
      %dma_start3A_2619 = arith.constant 0 : i32
      %dma_start3A_2620 = tpu.memref_slice %arg6[%add3A_265, %dma_start3A_2619] : memref<10240x128xf32, #tpu.memory_space<vmem_shared>> -> memref<64x128xf32, #tpu.memory_space<vmem_shared>>
      tpu.enqueue_dma source(%dma_start3A_2620 : memref<64x128xf32, #tpu.memory_space<vmem_shared>>) target(%arg8 : memref<64x128xf32, #tpu.memory_space<vmem>>) target_semaphore(%run_scoped3A : memref<!tpu.dma_semaphore, #tpu.memory_space<semaphore_mem>>)
      %dma_wait3A_2621 = arith.constant 0 : i32
      %dma_wait3A_2622 = tpu.memref_slice %arg6[%add3A_265, %dma_wait3A_2621] : memref<10240x128xf32, #tpu.memory_space<vmem_shared>> -> memref<64x128xf32, #tpu.memory_space<vmem_shared>>
      %dma_wait3A_2623 = arith.constant 0 : i32
      %dma_wait3A_2624 = tpu.memref_slice %arg6[%add3A_265, %dma_wait3A_2623] : memref<10240x128xf32, #tpu.memory_space<vmem_shared>> -> memref<64x128xf32, #tpu.memory_space<vmem_shared>>
      tpu.wait_dma2 semaphore(%run_scoped3A : memref<!tpu.dma_semaphore, #tpu.memory_space<semaphore_mem>>) src(%dma_wait3A_2624 : memref<64x128xf32, #tpu.memory_space<vmem_shared>>) dst(%arg8 : memref<64x128xf32, #tpu.memory_space<vmem>>)
      tpu.yield
    }) : () -> ()
    %dma_start3A_266 = arith.constant 0 : i32
    %dma_start3A_267 = arith.constant 1 : i32
    %dma_start3A_268 = arith.constant 0 : i32
    %dma_start3A_269 = tpu.memref_slice %arg5[%dma_start3A_266, %dma_start3A_267, %dma_start3A_268] : memref<32x5x64xi32, #tpu.memory_space<vmem>> -> memref<1x1x64xi32, #tpu.memory_space<vmem>>
    %dma_start3A_270 = tpu.memref_squeeze %dma_start3A_269 : memref<1x1x64xi32, #tpu.memory_space<vmem>> -> memref<64xi32, #tpu.memory_space<vmem>>
    %dma_start3A_271 = arith.constant 0 : i32
    %dma_start3A_272 = arith.constant 0 : i32
    %dma_start3A_273 = tpu.memref_slice %arg6[%dma_start3A_271, %dma_start3A_272] : memref<10240x128xf32, #tpu.memory_space<vmem_shared>> -> memref<10240x128xf32, #tpu.memory_space<vmem_shared>>
    tpu.enqueue_indirect_dma source(%dma_start3A_273 : memref<10240x128xf32, #tpu.memory_space<vmem_shared>>) target(%arg8 : memref<64x128xf32, #tpu.memory_space<vmem>>) offsets(%dma_start3A_270 : memref<64xi32, #tpu.memory_space<vmem>>) semaphore(%arg10 : memref<!tpu.dma_semaphore, #tpu.memory_space<semaphore_mem>>) {add = true}
    %dma_start3A_274 = arith.constant 1 : i32
    %dma_start3A_275 = arith.constant 1 : i32
    %dma_start3A_276 = arith.constant 0 : i32
    %dma_start3A_277 = tpu.memref_slice %arg5[%dma_start3A_274, %dma_start3A_275, %dma_start3A_276] : memref<32x5x64xi32, #tpu.memory_space<vmem>> -> memref<1x1x64xi32, #tpu.memory_space<vmem>>
    %dma_start3A_278 = tpu.memref_squeeze %dma_start3A_277 : memref<1x1x64xi32, #tpu.memory_space<vmem>> -> memref<64xi32, #tpu.memory_space<vmem>>
    %dma_start3A_279 = arith.constant 0 : i32
    %dma_start3A_280 = arith.constant 0 : i32
    %dma_start3A_281 = tpu.memref_slice %arg6[%dma_start3A_279, %dma_start3A_280] : memref<10240x128xf32, #tpu.memory_space<vmem_shared>> -> memref<10240x128xf32, #tpu.memory_space<vmem_shared>>
    tpu.enqueue_indirect_dma source(%dma_start3A_281 : memref<10240x128xf32, #tpu.memory_space<vmem_shared>>) target(%arg8 : memref<64x128xf32, #tpu.memory_space<vmem>>) offsets(%dma_start3A_278 : memref<64xi32, #tpu.memory_space<vmem>>) semaphore(%arg10 : memref<!tpu.dma_semaphore, #tpu.memory_space<semaphore_mem>>) {add = true}
    %dma_start3A_282 = arith.constant 2 : i32
    %dma_start3A_283 = arith.constant 1 : i32
    %dma_start3A_284 = arith.constant 0 : i32
    %dma_start3A_285 = tpu.memref_slice %arg5[%dma_start3A_282, %dma_start3A_283, %dma_start3A_284] : memref<32x5x64xi32, #tpu.memory_space<vmem>> -> memref<1x1x64xi32, #tpu.memory_space<vmem>>
    %dma_start3A_286 = tpu.memref_squeeze %dma_start3A_285 : memref<1x1x64xi32, #tpu.memory_space<vmem>> -> memref<64xi32, #tpu.memory_space<vmem>>
    %dma_start3A_287 = arith.constant 0 : i32
    %dma_start3A_288 = arith.constant 0 : i32
    %dma_start3A_289 = tpu.memref_slice %arg6[%dma_start3A_287, %dma_start3A_288] : memref<10240x128xf32, #tpu.memory_space<vmem_shared>> -> memref<10240x128xf32, #tpu.memory_space<vmem_shared>>
    tpu.enqueue_indirect_dma source(%dma_start3A_289 : memref<10240x128xf32, #tpu.memory_space<vmem_shared>>) target(%arg8 : memref<64x128xf32, #tpu.memory_space<vmem>>) offsets(%dma_start3A_286 : memref<64xi32, #tpu.memory_space<vmem>>) semaphore(%arg10 : memref<!tpu.dma_semaphore, #tpu.memory_space<semaphore_mem>>) {add = true}
    %dma_start3A_290 = arith.constant 3 : i32
    %dma_start3A_291 = arith.constant 1 : i32
    %dma_start3A_292 = arith.constant 0 : i32
    %dma_start3A_293 = tpu.memref_slice %arg5[%dma_start3A_290, %dma_start3A_291, %dma_start3A_292] : memref<32x5x64xi32, #tpu.memory_space<vmem>> -> memref<1x1x64xi32, #tpu.memory_space<vmem>>
    %dma_start3A_294 = tpu.memref_squeeze %dma_start3A_293 : memref<1x1x64xi32, #tpu.memory_space<vmem>> -> memref<64xi32, #tpu.memory_space<vmem>>
    %dma_start3A_295 = arith.constant 0 : i32
    %dma_start3A_296 = arith.constant 0 : i32
    %dma_start3A_297 = tpu.memref_slice %arg6[%dma_start3A_295, %dma_start3A_296] : memref<10240x128xf32, #tpu.memory_space<vmem_shared>> -> memref<10240x128xf32, #tpu.memory_space<vmem_shared>>
    tpu.enqueue_indirect_dma source(%dma_start3A_297 : memref<10240x128xf32, #tpu.memory_space<vmem_shared>>) target(%arg8 : memref<64x128xf32, #tpu.memory_space<vmem>>) offsets(%dma_start3A_294 : memref<64xi32, #tpu.memory_space<vmem>>) semaphore(%arg10 : memref<!tpu.dma_semaphore, #tpu.memory_space<semaphore_mem>>) {add = true}
    %dma_start3A_298 = arith.constant 4 : i32
    %dma_start3A_299 = arith.constant 1 : i32
    %dma_start3A_300 = arith.constant 0 : i32
    %dma_start3A_301 = tpu.memref_slice %arg5[%dma_start3A_298, %dma_start3A_299, %dma_start3A_300] : memref<32x5x64xi32, #tpu.memory_space<vmem>> -> memref<1x1x64xi32, #tpu.memory_space<vmem>>
    %dma_start3A_302 = tpu.memref_squeeze %dma_start3A_301 : memref<1x1x64xi32, #tpu.memory_space<vmem>> -> memref<64xi32, #tpu.memory_space<vmem>>
    %dma_start3A_303 = arith.constant 0 : i32
    %dma_start3A_304 = arith.constant 0 : i32
    %dma_start3A_305 = tpu.memref_slice %arg6[%dma_start3A_303, %dma_start3A_304] : memref<10240x128xf32, #tpu.memory_space<vmem_shared>> -> memref<10240x128xf32, #tpu.memory_space<vmem_shared>>
    tpu.enqueue_indirect_dma source(%dma_start3A_305 : memref<10240x128xf32, #tpu.memory_space<vmem_shared>>) target(%arg8 : memref<64x128xf32, #tpu.memory_space<vmem>>) offsets(%dma_start3A_302 : memref<64xi32, #tpu.memory_space<vmem>>) semaphore(%arg10 : memref<!tpu.dma_semaphore, #tpu.memory_space<semaphore_mem>>) {add = true}
    %dma_start3A_306 = arith.constant 5 : i32
    %dma_start3A_307 = arith.constant 1 : i32
    %dma_start3A_308 = arith.constant 0 : i32
    %dma_start3A_309 = tpu.memref_slice %arg5[%dma_start3A_306, %dma_start3A_307, %dma_start3A_308] : memref<32x5x64xi32, #tpu.memory_space<vmem>> -> memref<1x1x64xi32, #tpu.memory_space<vmem>>
    %dma_start3A_310 = tpu.memref_squeeze %dma_start3A_309 : memref<1x1x64xi32, #tpu.memory_space<vmem>> -> memref<64xi32, #tpu.memory_space<vmem>>
    %dma_start3A_311 = arith.constant 0 : i32
    %dma_start3A_312 = arith.constant 0 : i32
    %dma_start3A_313 = tpu.memref_slice %arg6[%dma_start3A_311, %dma_start3A_312] : memref<10240x128xf32, #tpu.memory_space<vmem_shared>> -> memref<10240x128xf32, #tpu.memory_space<vmem_shared>>
    tpu.enqueue_indirect_dma source(%dma_start3A_313 : memref<10240x128xf32, #tpu.memory_space<vmem_shared>>) target(%arg8 : memref<64x128xf32, #tpu.memory_space<vmem>>) offsets(%dma_start3A_310 : memref<64xi32, #tpu.memory_space<vmem>>) semaphore(%arg10 : memref<!tpu.dma_semaphore, #tpu.memory_space<semaphore_mem>>) {add = true}
    %dma_start3A_314 = arith.constant 6 : i32
    %dma_start3A_315 = arith.constant 1 : i32
    %dma_start3A_316 = arith.constant 0 : i32
    %dma_start3A_317 = tpu.memref_slice %arg5[%dma_start3A_314, %dma_start3A_315, %dma_start3A_316] : memref<32x5x64xi32, #tpu.memory_space<vmem>> -> memref<1x1x64xi32, #tpu.memory_space<vmem>>
    %dma_start3A_318 = tpu.memref_squeeze %dma_start3A_317 : memref<1x1x64xi32, #tpu.memory_space<vmem>> -> memref<64xi32, #tpu.memory_space<vmem>>
    %dma_start3A_319 = arith.constant 0 : i32
    %dma_start3A_320 = arith.constant 0 : i32
    %dma_start3A_321 = tpu.memref_slice %arg6[%dma_start3A_319, %dma_start3A_320] : memref<10240x128xf32, #tpu.memory_space<vmem_shared>> -> memref<10240x128xf32, #tpu.memory_space<vmem_shared>>
    tpu.enqueue_indirect_dma source(%dma_start3A_321 : memref<10240x128xf32, #tpu.memory_space<vmem_shared>>) target(%arg8 : memref<64x128xf32, #tpu.memory_space<vmem>>) offsets(%dma_start3A_318 : memref<64xi32, #tpu.memory_space<vmem>>) semaphore(%arg10 : memref<!tpu.dma_semaphore, #tpu.memory_space<semaphore_mem>>) {add = true}
    %dma_start3A_322 = arith.constant 7 : i32
    %dma_start3A_323 = arith.constant 1 : i32
    %dma_start3A_324 = arith.constant 0 : i32
    %dma_start3A_325 = tpu.memref_slice %arg5[%dma_start3A_322, %dma_start3A_323, %dma_start3A_324] : memref<32x5x64xi32, #tpu.memory_space<vmem>> -> memref<1x1x64xi32, #tpu.memory_space<vmem>>
    %dma_start3A_326 = tpu.memref_squeeze %dma_start3A_325 : memref<1x1x64xi32, #tpu.memory_space<vmem>> -> memref<64xi32, #tpu.memory_space<vmem>>
    %dma_start3A_327 = arith.constant 0 : i32
    %dma_start3A_328 = arith.constant 0 : i32
    %dma_start3A_329 = tpu.memref_slice %arg6[%dma_start3A_327, %dma_start3A_328] : memref<10240x128xf32, #tpu.memory_space<vmem_shared>> -> memref<10240x128xf32, #tpu.memory_space<vmem_shared>>
    tpu.enqueue_indirect_dma source(%dma_start3A_329 : memref<10240x128xf32, #tpu.memory_space<vmem_shared>>) target(%arg8 : memref<64x128xf32, #tpu.memory_space<vmem>>) offsets(%dma_start3A_326 : memref<64xi32, #tpu.memory_space<vmem>>) semaphore(%arg10 : memref<!tpu.dma_semaphore, #tpu.memory_space<semaphore_mem>>) {add = true}
    %dma_start3A_330 = arith.constant 8 : i32
    %dma_start3A_331 = arith.constant 1 : i32
    %dma_start3A_332 = arith.constant 0 : i32
    %dma_start3A_333 = tpu.memref_slice %arg5[%dma_start3A_330, %dma_start3A_331, %dma_start3A_332] : memref<32x5x64xi32, #tpu.memory_space<vmem>> -> memref<1x1x64xi32, #tpu.memory_space<vmem>>
    %dma_start3A_334 = tpu.memref_squeeze %dma_start3A_333 : memref<1x1x64xi32, #tpu.memory_space<vmem>> -> memref<64xi32, #tpu.memory_space<vmem>>
    %dma_start3A_335 = arith.constant 0 : i32
    %dma_start3A_336 = arith.constant 0 : i32
    %dma_start3A_337 = tpu.memref_slice %arg6[%dma_start3A_335, %dma_start3A_336] : memref<10240x128xf32, #tpu.memory_space<vmem_shared>> -> memref<10240x128xf32, #tpu.memory_space<vmem_shared>>
    tpu.enqueue_indirect_dma source(%dma_start3A_337 : memref<10240x128xf32, #tpu.memory_space<vmem_shared>>) target(%arg8 : memref<64x128xf32, #tpu.memory_space<vmem>>) offsets(%dma_start3A_334 : memref<64xi32, #tpu.memory_space<vmem>>) semaphore(%arg10 : memref<!tpu.dma_semaphore, #tpu.memory_space<semaphore_mem>>) {add = true}
    %dma_start3A_338 = arith.constant 9 : i32
    %dma_start3A_339 = arith.constant 1 : i32
    %dma_start3A_340 = arith.constant 0 : i32
    %dma_start3A_341 = tpu.memref_slice %arg5[%dma_start3A_338, %dma_start3A_339, %dma_start3A_340] : memref<32x5x64xi32, #tpu.memory_space<vmem>> -> memref<1x1x64xi32, #tpu.memory_space<vmem>>
    %dma_start3A_342 = tpu.memref_squeeze %dma_start3A_341 : memref<1x1x64xi32, #tpu.memory_space<vmem>> -> memref<64xi32, #tpu.memory_space<vmem>>
    %dma_start3A_343 = arith.constant 0 : i32
    %dma_start3A_344 = arith.constant 0 : i32
    %dma_start3A_345 = tpu.memref_slice %arg6[%dma_start3A_343, %dma_start3A_344] : memref<10240x128xf32, #tpu.memory_space<vmem_shared>> -> memref<10240x128xf32, #tpu.memory_space<vmem_shared>>
    tpu.enqueue_indirect_dma source(%dma_start3A_345 : memref<10240x128xf32, #tpu.memory_space<vmem_shared>>) target(%arg8 : memref<64x128xf32, #tpu.memory_space<vmem>>) offsets(%dma_start3A_342 : memref<64xi32, #tpu.memory_space<vmem>>) semaphore(%arg10 : memref<!tpu.dma_semaphore, #tpu.memory_space<semaphore_mem>>) {add = true}
    %dma_start3A_346 = arith.constant 10 : i32
    %dma_start3A_347 = arith.constant 1 : i32
    %dma_start3A_348 = arith.constant 0 : i32
    %dma_start3A_349 = tpu.memref_slice %arg5[%dma_start3A_346, %dma_start3A_347, %dma_start3A_348] : memref<32x5x64xi32, #tpu.memory_space<vmem>> -> memref<1x1x64xi32, #tpu.memory_space<vmem>>
    %dma_start3A_350 = tpu.memref_squeeze %dma_start3A_349 : memref<1x1x64xi32, #tpu.memory_space<vmem>> -> memref<64xi32, #tpu.memory_space<vmem>>
    %dma_start3A_351 = arith.constant 0 : i32
    %dma_start3A_352 = arith.constant 0 : i32
    %dma_start3A_353 = tpu.memref_slice %arg6[%dma_start3A_351, %dma_start3A_352] : memref<10240x128xf32, #tpu.memory_space<vmem_shared>> -> memref<10240x128xf32, #tpu.memory_space<vmem_shared>>
    tpu.enqueue_indirect_dma source(%dma_start3A_353 : memref<10240x128xf32, #tpu.memory_space<vmem_shared>>) target(%arg8 : memref<64x128xf32, #tpu.memory_space<vmem>>) offsets(%dma_start3A_350 : memref<64xi32, #tpu.memory_space<vmem>>) semaphore(%arg10 : memref<!tpu.dma_semaphore, #tpu.memory_space<semaphore_mem>>) {add = true}
    %dma_start3A_354 = arith.constant 11 : i32
    %dma_start3A_355 = arith.constant 1 : i32
    %dma_start3A_356 = arith.constant 0 : i32
    %dma_start3A_357 = tpu.memref_slice %arg5[%dma_start3A_354, %dma_start3A_355, %dma_start3A_356] : memref<32x5x64xi32, #tpu.memory_space<vmem>> -> memref<1x1x64xi32, #tpu.memory_space<vmem>>
    %dma_start3A_358 = tpu.memref_squeeze %dma_start3A_357 : memref<1x1x64xi32, #tpu.memory_space<vmem>> -> memref<64xi32, #tpu.memory_space<vmem>>
    %dma_start3A_359 = arith.constant 0 : i32
    %dma_start3A_360 = arith.constant 0 : i32
    %dma_start3A_361 = tpu.memref_slice %arg6[%dma_start3A_359, %dma_start3A_360] : memref<10240x128xf32, #tpu.memory_space<vmem_shared>> -> memref<10240x128xf32, #tpu.memory_space<vmem_shared>>
    tpu.enqueue_indirect_dma source(%dma_start3A_361 : memref<10240x128xf32, #tpu.memory_space<vmem_shared>>) target(%arg8 : memref<64x128xf32, #tpu.memory_space<vmem>>) offsets(%dma_start3A_358 : memref<64xi32, #tpu.memory_space<vmem>>) semaphore(%arg10 : memref<!tpu.dma_semaphore, #tpu.memory_space<semaphore_mem>>) {add = true}
    %dma_start3A_362 = arith.constant 12 : i32
    %dma_start3A_363 = arith.constant 1 : i32
    %dma_start3A_364 = arith.constant 0 : i32
    %dma_start3A_365 = tpu.memref_slice %arg5[%dma_start3A_362, %dma_start3A_363, %dma_start3A_364] : memref<32x5x64xi32, #tpu.memory_space<vmem>> -> memref<1x1x64xi32, #tpu.memory_space<vmem>>
    %dma_start3A_366 = tpu.memref_squeeze %dma_start3A_365 : memref<1x1x64xi32, #tpu.memory_space<vmem>> -> memref<64xi32, #tpu.memory_space<vmem>>
    %dma_start3A_367 = arith.constant 0 : i32
    %dma_start3A_368 = arith.constant 0 : i32
    %dma_start3A_369 = tpu.memref_slice %arg6[%dma_start3A_367, %dma_start3A_368] : memref<10240x128xf32, #tpu.memory_space<vmem_shared>> -> memref<10240x128xf32, #tpu.memory_space<vmem_shared>>
    tpu.enqueue_indirect_dma source(%dma_start3A_369 : memref<10240x128xf32, #tpu.memory_space<vmem_shared>>) target(%arg8 : memref<64x128xf32, #tpu.memory_space<vmem>>) offsets(%dma_start3A_366 : memref<64xi32, #tpu.memory_space<vmem>>) semaphore(%arg10 : memref<!tpu.dma_semaphore, #tpu.memory_space<semaphore_mem>>) {add = true}
    %dma_start3A_370 = arith.constant 13 : i32
    %dma_start3A_371 = arith.constant 1 : i32
    %dma_start3A_372 = arith.constant 0 : i32
    %dma_start3A_373 = tpu.memref_slice %arg5[%dma_start3A_370, %dma_start3A_371, %dma_start3A_372] : memref<32x5x64xi32, #tpu.memory_space<vmem>> -> memref<1x1x64xi32, #tpu.memory_space<vmem>>
    %dma_start3A_374 = tpu.memref_squeeze %dma_start3A_373 : memref<1x1x64xi32, #tpu.memory_space<vmem>> -> memref<64xi32, #tpu.memory_space<vmem>>
    %dma_start3A_375 = arith.constant 0 : i32
    %dma_start3A_376 = arith.constant 0 : i32
    %dma_start3A_377 = tpu.memref_slice %arg6[%dma_start3A_375, %dma_start3A_376] : memref<10240x128xf32, #tpu.memory_space<vmem_shared>> -> memref<10240x128xf32, #tpu.memory_space<vmem_shared>>
    tpu.enqueue_indirect_dma source(%dma_start3A_377 : memref<10240x128xf32, #tpu.memory_space<vmem_shared>>) target(%arg8 : memref<64x128xf32, #tpu.memory_space<vmem>>) offsets(%dma_start3A_374 : memref<64xi32, #tpu.memory_space<vmem>>) semaphore(%arg10 : memref<!tpu.dma_semaphore, #tpu.memory_space<semaphore_mem>>) {add = true}
    %dma_start3A_378 = arith.constant 14 : i32
    %dma_start3A_379 = arith.constant 1 : i32
    %dma_start3A_380 = arith.constant 0 : i32
    %dma_start3A_381 = tpu.memref_slice %arg5[%dma_start3A_378, %dma_start3A_379, %dma_start3A_380] : memref<32x5x64xi32, #tpu.memory_space<vmem>> -> memref<1x1x64xi32, #tpu.memory_space<vmem>>
    %dma_start3A_382 = tpu.memref_squeeze %dma_start3A_381 : memref<1x1x64xi32, #tpu.memory_space<vmem>> -> memref<64xi32, #tpu.memory_space<vmem>>
    %dma_start3A_383 = arith.constant 0 : i32
    %dma_start3A_384 = arith.constant 0 : i32
    %dma_start3A_385 = tpu.memref_slice %arg6[%dma_start3A_383, %dma_start3A_384] : memref<10240x128xf32, #tpu.memory_space<vmem_shared>> -> memref<10240x128xf32, #tpu.memory_space<vmem_shared>>
    tpu.enqueue_indirect_dma source(%dma_start3A_385 : memref<10240x128xf32, #tpu.memory_space<vmem_shared>>) target(%arg8 : memref<64x128xf32, #tpu.memory_space<vmem>>) offsets(%dma_start3A_382 : memref<64xi32, #tpu.memory_space<vmem>>) semaphore(%arg10 : memref<!tpu.dma_semaphore, #tpu.memory_space<semaphore_mem>>) {add = true}
    %dma_start3A_386 = arith.constant 15 : i32
    %dma_start3A_387 = arith.constant 1 : i32
    %dma_start3A_388 = arith.constant 0 : i32
    %dma_start3A_389 = tpu.memref_slice %arg5[%dma_start3A_386, %dma_start3A_387, %dma_start3A_388] : memref<32x5x64xi32, #tpu.memory_space<vmem>> -> memref<1x1x64xi32, #tpu.memory_space<vmem>>
    %dma_start3A_390 = tpu.memref_squeeze %dma_start3A_389 : memref<1x1x64xi32, #tpu.memory_space<vmem>> -> memref<64xi32, #tpu.memory_space<vmem>>
    %dma_start3A_391 = arith.constant 0 : i32
    %dma_start3A_392 = arith.constant 0 : i32
    %dma_start3A_393 = tpu.memref_slice %arg6[%dma_start3A_391, %dma_start3A_392] : memref<10240x128xf32, #tpu.memory_space<vmem_shared>> -> memref<10240x128xf32, #tpu.memory_space<vmem_shared>>
    tpu.enqueue_indirect_dma source(%dma_start3A_393 : memref<10240x128xf32, #tpu.memory_space<vmem_shared>>) target(%arg8 : memref<64x128xf32, #tpu.memory_space<vmem>>) offsets(%dma_start3A_390 : memref<64xi32, #tpu.memory_space<vmem>>) semaphore(%arg10 : memref<!tpu.dma_semaphore, #tpu.memory_space<semaphore_mem>>) {add = true}
    %dma_start3A_394 = arith.constant 16 : i32
    %dma_start3A_395 = arith.constant 1 : i32
    %dma_start3A_396 = arith.constant 0 : i32
    %dma_start3A_397 = tpu.memref_slice %arg5[%dma_start3A_394, %dma_start3A_395, %dma_start3A_396] : memref<32x5x64xi32, #tpu.memory_space<vmem>> -> memref<1x1x64xi32, #tpu.memory_space<vmem>>
    %dma_start3A_398 = tpu.memref_squeeze %dma_start3A_397 : memref<1x1x64xi32, #tpu.memory_space<vmem>> -> memref<64xi32, #tpu.memory_space<vmem>>
    %dma_start3A_399 = arith.constant 0 : i32
    %dma_start3A_400 = arith.constant 0 : i32
    %dma_start3A_401 = tpu.memref_slice %arg6[%dma_start3A_399, %dma_start3A_400] : memref<10240x128xf32, #tpu.memory_space<vmem_shared>> -> memref<10240x128xf32, #tpu.memory_space<vmem_shared>>
    tpu.enqueue_indirect_dma source(%dma_start3A_401 : memref<10240x128xf32, #tpu.memory_space<vmem_shared>>) target(%arg8 : memref<64x128xf32, #tpu.memory_space<vmem>>) offsets(%dma_start3A_398 : memref<64xi32, #tpu.memory_space<vmem>>) semaphore(%arg10 : memref<!tpu.dma_semaphore, #tpu.memory_space<semaphore_mem>>) {add = true}
    %dma_start3A_402 = arith.constant 17 : i32
    %dma_start3A_403 = arith.constant 1 : i32
    %dma_start3A_404 = arith.constant 0 : i32
    %dma_start3A_405 = tpu.memref_slice %arg5[%dma_start3A_402, %dma_start3A_403, %dma_start3A_404] : memref<32x5x64xi32, #tpu.memory_space<vmem>> -> memref<1x1x64xi32, #tpu.memory_space<vmem>>
    %dma_start3A_406 = tpu.memref_squeeze %dma_start3A_405 : memref<1x1x64xi32, #tpu.memory_space<vmem>> -> memref<64xi32, #tpu.memory_space<vmem>>
    %dma_start3A_407 = arith.constant 0 : i32
    %dma_start3A_408 = arith.constant 0 : i32
    %dma_start3A_409 = tpu.memref_slice %arg6[%dma_start3A_407, %dma_start3A_408] : memref<10240x128xf32, #tpu.memory_space<vmem_shared>> -> memref<10240x128xf32, #tpu.memory_space<vmem_shared>>
    tpu.enqueue_indirect_dma source(%dma_start3A_409 : memref<10240x128xf32, #tpu.memory_space<vmem_shared>>) target(%arg8 : memref<64x128xf32, #tpu.memory_space<vmem>>) offsets(%dma_start3A_406 : memref<64xi32, #tpu.memory_space<vmem>>) semaphore(%arg10 : memref<!tpu.dma_semaphore, #tpu.memory_space<semaphore_mem>>) {add = true}
    %dma_start3A_410 = arith.constant 18 : i32
    %dma_start3A_411 = arith.constant 1 : i32
    %dma_start3A_412 = arith.constant 0 : i32
    %dma_start3A_413 = tpu.memref_slice %arg5[%dma_start3A_410, %dma_start3A_411, %dma_start3A_412] : memref<32x5x64xi32, #tpu.memory_space<vmem>> -> memref<1x1x64xi32, #tpu.memory_space<vmem>>
    %dma_start3A_414 = tpu.memref_squeeze %dma_start3A_413 : memref<1x1x64xi32, #tpu.memory_space<vmem>> -> memref<64xi32, #tpu.memory_space<vmem>>
    %dma_start3A_415 = arith.constant 0 : i32
    %dma_start3A_416 = arith.constant 0 : i32
    %dma_start3A_417 = tpu.memref_slice %arg6[%dma_start3A_415, %dma_start3A_416] : memref<10240x128xf32, #tpu.memory_space<vmem_shared>> -> memref<10240x128xf32, #tpu.memory_space<vmem_shared>>
    tpu.enqueue_indirect_dma source(%dma_start3A_417 : memref<10240x128xf32, #tpu.memory_space<vmem_shared>>) target(%arg8 : memref<64x128xf32, #tpu.memory_space<vmem>>) offsets(%dma_start3A_414 : memref<64xi32, #tpu.memory_space<vmem>>) semaphore(%arg10 : memref<!tpu.dma_semaphore, #tpu.memory_space<semaphore_mem>>) {add = true}
    %dma_start3A_418 = arith.constant 19 : i32
    %dma_start3A_419 = arith.constant 1 : i32
    %dma_start3A_420 = arith.constant 0 : i32
    %dma_start3A_421 = tpu.memref_slice %arg5[%dma_start3A_418, %dma_start3A_419, %dma_start3A_420] : memref<32x5x64xi32, #tpu.memory_space<vmem>> -> memref<1x1x64xi32, #tpu.memory_space<vmem>>
    %dma_start3A_422 = tpu.memref_squeeze %dma_start3A_421 : memref<1x1x64xi32, #tpu.memory_space<vmem>> -> memref<64xi32, #tpu.memory_space<vmem>>
    %dma_start3A_423 = arith.constant 0 : i32
    %dma_start3A_424 = arith.constant 0 : i32
    %dma_start3A_425 = tpu.memref_slice %arg6[%dma_start3A_423, %dma_start3A_424] : memref<10240x128xf32, #tpu.memory_space<vmem_shared>> -> memref<10240x128xf32, #tpu.memory_space<vmem_shared>>
    tpu.enqueue_indirect_dma source(%dma_start3A_425 : memref<10240x128xf32, #tpu.memory_space<vmem_shared>>) target(%arg8 : memref<64x128xf32, #tpu.memory_space<vmem>>) offsets(%dma_start3A_422 : memref<64xi32, #tpu.memory_space<vmem>>) semaphore(%arg10 : memref<!tpu.dma_semaphore, #tpu.memory_space<semaphore_mem>>) {add = true}
    %dma_start3A_426 = arith.constant 20 : i32
    %dma_start3A_427 = arith.constant 1 : i32
    %dma_start3A_428 = arith.constant 0 : i32
    %dma_start3A_429 = tpu.memref_slice %arg5[%dma_start3A_426, %dma_start3A_427, %dma_start3A_428] : memref<32x5x64xi32, #tpu.memory_space<vmem>> -> memref<1x1x64xi32, #tpu.memory_space<vmem>>
    %dma_start3A_430 = tpu.memref_squeeze %dma_start3A_429 : memref<1x1x64xi32, #tpu.memory_space<vmem>> -> memref<64xi32, #tpu.memory_space<vmem>>
    %dma_start3A_431 = arith.constant 0 : i32
    %dma_start3A_432 = arith.constant 0 : i32
    %dma_start3A_433 = tpu.memref_slice %arg6[%dma_start3A_431, %dma_start3A_432] : memref<10240x128xf32, #tpu.memory_space<vmem_shared>> -> memref<10240x128xf32, #tpu.memory_space<vmem_shared>>
    tpu.enqueue_indirect_dma source(%dma_start3A_433 : memref<10240x128xf32, #tpu.memory_space<vmem_shared>>) target(%arg8 : memref<64x128xf32, #tpu.memory_space<vmem>>) offsets(%dma_start3A_430 : memref<64xi32, #tpu.memory_space<vmem>>) semaphore(%arg10 : memref<!tpu.dma_semaphore, #tpu.memory_space<semaphore_mem>>) {add = true}
    %dma_start3A_434 = arith.constant 21 : i32
    %dma_start3A_435 = arith.constant 1 : i32
    %dma_start3A_436 = arith.constant 0 : i32
    %dma_start3A_437 = tpu.memref_slice %arg5[%dma_start3A_434, %dma_start3A_435, %dma_start3A_436] : memref<32x5x64xi32, #tpu.memory_space<vmem>> -> memref<1x1x64xi32, #tpu.memory_space<vmem>>
    %dma_start3A_438 = tpu.memref_squeeze %dma_start3A_437 : memref<1x1x64xi32, #tpu.memory_space<vmem>> -> memref<64xi32, #tpu.memory_space<vmem>>
    %dma_start3A_439 = arith.constant 0 : i32
    %dma_start3A_440 = arith.constant 0 : i32
    %dma_start3A_441 = tpu.memref_slice %arg6[%dma_start3A_439, %dma_start3A_440] : memref<10240x128xf32, #tpu.memory_space<vmem_shared>> -> memref<10240x128xf32, #tpu.memory_space<vmem_shared>>
    tpu.enqueue_indirect_dma source(%dma_start3A_441 : memref<10240x128xf32, #tpu.memory_space<vmem_shared>>) target(%arg8 : memref<64x128xf32, #tpu.memory_space<vmem>>) offsets(%dma_start3A_438 : memref<64xi32, #tpu.memory_space<vmem>>) semaphore(%arg10 : memref<!tpu.dma_semaphore, #tpu.memory_space<semaphore_mem>>) {add = true}
    %dma_start3A_442 = arith.constant 22 : i32
    %dma_start3A_443 = arith.constant 1 : i32
    %dma_start3A_444 = arith.constant 0 : i32
    %dma_start3A_445 = tpu.memref_slice %arg5[%dma_start3A_442, %dma_start3A_443, %dma_start3A_444] : memref<32x5x64xi32, #tpu.memory_space<vmem>> -> memref<1x1x64xi32, #tpu.memory_space<vmem>>
    %dma_start3A_446 = tpu.memref_squeeze %dma_start3A_445 : memref<1x1x64xi32, #tpu.memory_space<vmem>> -> memref<64xi32, #tpu.memory_space<vmem>>
    %dma_start3A_447 = arith.constant 0 : i32
    %dma_start3A_448 = arith.constant 0 : i32
    %dma_start3A_449 = tpu.memref_slice %arg6[%dma_start3A_447, %dma_start3A_448] : memref<10240x128xf32, #tpu.memory_space<vmem_shared>> -> memref<10240x128xf32, #tpu.memory_space<vmem_shared>>
    tpu.enqueue_indirect_dma source(%dma_start3A_449 : memref<10240x128xf32, #tpu.memory_space<vmem_shared>>) target(%arg8 : memref<64x128xf32, #tpu.memory_space<vmem>>) offsets(%dma_start3A_446 : memref<64xi32, #tpu.memory_space<vmem>>) semaphore(%arg10 : memref<!tpu.dma_semaphore, #tpu.memory_space<semaphore_mem>>) {add = true}
    %dma_start3A_450 = arith.constant 23 : i32
    %dma_start3A_451 = arith.constant 1 : i32
    %dma_start3A_452 = arith.constant 0 : i32
    %dma_start3A_453 = tpu.memref_slice %arg5[%dma_start3A_450, %dma_start3A_451, %dma_start3A_452] : memref<32x5x64xi32, #tpu.memory_space<vmem>> -> memref<1x1x64xi32, #tpu.memory_space<vmem>>
    %dma_start3A_454 = tpu.memref_squeeze %dma_start3A_453 : memref<1x1x64xi32, #tpu.memory_space<vmem>> -> memref<64xi32, #tpu.memory_space<vmem>>
    %dma_start3A_455 = arith.constant 0 : i32
    %dma_start3A_456 = arith.constant 0 : i32
    %dma_start3A_457 = tpu.memref_slice %arg6[%dma_start3A_455, %dma_start3A_456] : memref<10240x128xf32, #tpu.memory_space<vmem_shared>> -> memref<10240x128xf32, #tpu.memory_space<vmem_shared>>
    tpu.enqueue_indirect_dma source(%dma_start3A_457 : memref<10240x128xf32, #tpu.memory_space<vmem_shared>>) target(%arg8 : memref<64x128xf32, #tpu.memory_space<vmem>>) offsets(%dma_start3A_454 : memref<64xi32, #tpu.memory_space<vmem>>) semaphore(%arg10 : memref<!tpu.dma_semaphore, #tpu.memory_space<semaphore_mem>>) {add = true}
    %dma_start3A_458 = arith.constant 24 : i32
    %dma_start3A_459 = arith.constant 1 : i32
    %dma_start3A_460 = arith.constant 0 : i32
    %dma_start3A_461 = tpu.memref_slice %arg5[%dma_start3A_458, %dma_start3A_459, %dma_start3A_460] : memref<32x5x64xi32, #tpu.memory_space<vmem>> -> memref<1x1x64xi32, #tpu.memory_space<vmem>>
    %dma_start3A_462 = tpu.memref_squeeze %dma_start3A_461 : memref<1x1x64xi32, #tpu.memory_space<vmem>> -> memref<64xi32, #tpu.memory_space<vmem>>
    %dma_start3A_463 = arith.constant 0 : i32
    %dma_start3A_464 = arith.constant 0 : i32
    %dma_start3A_465 = tpu.memref_slice %arg6[%dma_start3A_463, %dma_start3A_464] : memref<10240x128xf32, #tpu.memory_space<vmem_shared>> -> memref<10240x128xf32, #tpu.memory_space<vmem_shared>>
    tpu.enqueue_indirect_dma source(%dma_start3A_465 : memref<10240x128xf32, #tpu.memory_space<vmem_shared>>) target(%arg8 : memref<64x128xf32, #tpu.memory_space<vmem>>) offsets(%dma_start3A_462 : memref<64xi32, #tpu.memory_space<vmem>>) semaphore(%arg10 : memref<!tpu.dma_semaphore, #tpu.memory_space<semaphore_mem>>) {add = true}
    %dma_start3A_466 = arith.constant 25 : i32
    %dma_start3A_467 = arith.constant 1 : i32
    %dma_start3A_468 = arith.constant 0 : i32
    %dma_start3A_469 = tpu.memref_slice %arg5[%dma_start3A_466, %dma_start3A_467, %dma_start3A_468] : memref<32x5x64xi32, #tpu.memory_space<vmem>> -> memref<1x1x64xi32, #tpu.memory_space<vmem>>
    %dma_start3A_470 = tpu.memref_squeeze %dma_start3A_469 : memref<1x1x64xi32, #tpu.memory_space<vmem>> -> memref<64xi32, #tpu.memory_space<vmem>>
    %dma_start3A_471 = arith.constant 0 : i32
    %dma_start3A_472 = arith.constant 0 : i32
    %dma_start3A_473 = tpu.memref_slice %arg6[%dma_start3A_471, %dma_start3A_472] : memref<10240x128xf32, #tpu.memory_space<vmem_shared>> -> memref<10240x128xf32, #tpu.memory_space<vmem_shared>>
    tpu.enqueue_indirect_dma source(%dma_start3A_473 : memref<10240x128xf32, #tpu.memory_space<vmem_shared>>) target(%arg8 : memref<64x128xf32, #tpu.memory_space<vmem>>) offsets(%dma_start3A_470 : memref<64xi32, #tpu.memory_space<vmem>>) semaphore(%arg10 : memref<!tpu.dma_semaphore, #tpu.memory_space<semaphore_mem>>) {add = true}
    %dma_start3A_474 = arith.constant 26 : i32
    %dma_start3A_475 = arith.constant 1 : i32
    %dma_start3A_476 = arith.constant 0 : i32
    %dma_start3A_477 = tpu.memref_slice %arg5[%dma_start3A_474, %dma_start3A_475, %dma_start3A_476] : memref<32x5x64xi32, #tpu.memory_space<vmem>> -> memref<1x1x64xi32, #tpu.memory_space<vmem>>
    %dma_start3A_478 = tpu.memref_squeeze %dma_start3A_477 : memref<1x1x64xi32, #tpu.memory_space<vmem>> -> memref<64xi32, #tpu.memory_space<vmem>>
    %dma_start3A_479 = arith.constant 0 : i32
    %dma_start3A_480 = arith.constant 0 : i32
    %dma_start3A_481 = tpu.memref_slice %arg6[%dma_start3A_479, %dma_start3A_480] : memref<10240x128xf32, #tpu.memory_space<vmem_shared>> -> memref<10240x128xf32, #tpu.memory_space<vmem_shared>>
    tpu.enqueue_indirect_dma source(%dma_start3A_481 : memref<10240x128xf32, #tpu.memory_space<vmem_shared>>) target(%arg8 : memref<64x128xf32, #tpu.memory_space<vmem>>) offsets(%dma_start3A_478 : memref<64xi32, #tpu.memory_space<vmem>>) semaphore(%arg10 : memref<!tpu.dma_semaphore, #tpu.memory_space<semaphore_mem>>) {add = true}
    %dma_start3A_482 = arith.constant 27 : i32
    %dma_start3A_483 = arith.constant 1 : i32
    %dma_start3A_484 = arith.constant 0 : i32
    %dma_start3A_485 = tpu.memref_slice %arg5[%dma_start3A_482, %dma_start3A_483, %dma_start3A_484] : memref<32x5x64xi32, #tpu.memory_space<vmem>> -> memref<1x1x64xi32, #tpu.memory_space<vmem>>
    %dma_start3A_486 = tpu.memref_squeeze %dma_start3A_485 : memref<1x1x64xi32, #tpu.memory_space<vmem>> -> memref<64xi32, #tpu.memory_space<vmem>>
    %dma_start3A_487 = arith.constant 0 : i32
    %dma_start3A_488 = arith.constant 0 : i32
    %dma_start3A_489 = tpu.memref_slice %arg6[%dma_start3A_487, %dma_start3A_488] : memref<10240x128xf32, #tpu.memory_space<vmem_shared>> -> memref<10240x128xf32, #tpu.memory_space<vmem_shared>>
    tpu.enqueue_indirect_dma source(%dma_start3A_489 : memref<10240x128xf32, #tpu.memory_space<vmem_shared>>) target(%arg8 : memref<64x128xf32, #tpu.memory_space<vmem>>) offsets(%dma_start3A_486 : memref<64xi32, #tpu.memory_space<vmem>>) semaphore(%arg10 : memref<!tpu.dma_semaphore, #tpu.memory_space<semaphore_mem>>) {add = true}
    %dma_start3A_490 = arith.constant 28 : i32
    %dma_start3A_491 = arith.constant 1 : i32
    %dma_start3A_492 = arith.constant 0 : i32
    %dma_start3A_493 = tpu.memref_slice %arg5[%dma_start3A_490, %dma_start3A_491, %dma_start3A_492] : memref<32x5x64xi32, #tpu.memory_space<vmem>> -> memref<1x1x64xi32, #tpu.memory_space<vmem>>
    %dma_start3A_494 = tpu.memref_squeeze %dma_start3A_493 : memref<1x1x64xi32, #tpu.memory_space<vmem>> -> memref<64xi32, #tpu.memory_space<vmem>>
    %dma_start3A_495 = arith.constant 0 : i32
    %dma_start3A_496 = arith.constant 0 : i32
    %dma_start3A_497 = tpu.memref_slice %arg6[%dma_start3A_495, %dma_start3A_496] : memref<10240x128xf32, #tpu.memory_space<vmem_shared>> -> memref<10240x128xf32, #tpu.memory_space<vmem_shared>>
    tpu.enqueue_indirect_dma source(%dma_start3A_497 : memref<10240x128xf32, #tpu.memory_space<vmem_shared>>) target(%arg8 : memref<64x128xf32, #tpu.memory_space<vmem>>) offsets(%dma_start3A_494 : memref<64xi32, #tpu.memory_space<vmem>>) semaphore(%arg10 : memref<!tpu.dma_semaphore, #tpu.memory_space<semaphore_mem>>) {add = true}
    %dma_start3A_498 = arith.constant 29 : i32
    %dma_start3A_499 = arith.constant 1 : i32
    %dma_start3A_500 = arith.constant 0 : i32
    %dma_start3A_501 = tpu.memref_slice %arg5[%dma_start3A_498, %dma_start3A_499, %dma_start3A_500] : memref<32x5x64xi32, #tpu.memory_space<vmem>> -> memref<1x1x64xi32, #tpu.memory_space<vmem>>
    %dma_start3A_502 = tpu.memref_squeeze %dma_start3A_501 : memref<1x1x64xi32, #tpu.memory_space<vmem>> -> memref<64xi32, #tpu.memory_space<vmem>>
    %dma_start3A_503 = arith.constant 0 : i32
    %dma_start3A_504 = arith.constant 0 : i32
    %dma_start3A_505 = tpu.memref_slice %arg6[%dma_start3A_503, %dma_start3A_504] : memref<10240x128xf32, #tpu.memory_space<vmem_shared>> -> memref<10240x128xf32, #tpu.memory_space<vmem_shared>>
    tpu.enqueue_indirect_dma source(%dma_start3A_505 : memref<10240x128xf32, #tpu.memory_space<vmem_shared>>) target(%arg8 : memref<64x128xf32, #tpu.memory_space<vmem>>) offsets(%dma_start3A_502 : memref<64xi32, #tpu.memory_space<vmem>>) semaphore(%arg10 : memref<!tpu.dma_semaphore, #tpu.memory_space<semaphore_mem>>) {add = true}
    %dma_start3A_506 = arith.constant 30 : i32
    %dma_start3A_507 = arith.constant 1 : i32
    %dma_start3A_508 = arith.constant 0 : i32
    %dma_start3A_509 = tpu.memref_slice %arg5[%dma_start3A_506, %dma_start3A_507, %dma_start3A_508] : memref<32x5x64xi32, #tpu.memory_space<vmem>> -> memref<1x1x64xi32, #tpu.memory_space<vmem>>
    %dma_start3A_510 = tpu.memref_squeeze %dma_start3A_509 : memref<1x1x64xi32, #tpu.memory_space<vmem>> -> memref<64xi32, #tpu.memory_space<vmem>>
    %dma_start3A_511 = arith.constant 0 : i32
    %dma_start3A_512 = arith.constant 0 : i32
    %dma_start3A_513 = tpu.memref_slice %arg6[%dma_start3A_511, %dma_start3A_512] : memref<10240x128xf32, #tpu.memory_space<vmem_shared>> -> memref<10240x128xf32, #tpu.memory_space<vmem_shared>>
    tpu.enqueue_indirect_dma source(%dma_start3A_513 : memref<10240x128xf32, #tpu.memory_space<vmem_shared>>) target(%arg8 : memref<64x128xf32, #tpu.memory_space<vmem>>) offsets(%dma_start3A_510 : memref<64xi32, #tpu.memory_space<vmem>>) semaphore(%arg10 : memref<!tpu.dma_semaphore, #tpu.memory_space<semaphore_mem>>) {add = true}
    %dma_start3A_514 = arith.constant 31 : i32
    %dma_start3A_515 = arith.constant 1 : i32
    %dma_start3A_516 = arith.constant 0 : i32
    %dma_start3A_517 = tpu.memref_slice %arg5[%dma_start3A_514, %dma_start3A_515, %dma_start3A_516] : memref<32x5x64xi32, #tpu.memory_space<vmem>> -> memref<1x1x64xi32, #tpu.memory_space<vmem>>
    %dma_start3A_518 = tpu.memref_squeeze %dma_start3A_517 : memref<1x1x64xi32, #tpu.memory_space<vmem>> -> memref<64xi32, #tpu.memory_space<vmem>>
    %dma_start3A_519 = arith.constant 0 : i32
    %dma_start3A_520 = arith.constant 0 : i32
    %dma_start3A_521 = tpu.memref_slice %arg6[%dma_start3A_519, %dma_start3A_520] : memref<10240x128xf32, #tpu.memory_space<vmem_shared>> -> memref<10240x128xf32, #tpu.memory_space<vmem_shared>>
    tpu.enqueue_indirect_dma source(%dma_start3A_521 : memref<10240x128xf32, #tpu.memory_space<vmem_shared>>) target(%arg8 : memref<64x128xf32, #tpu.memory_space<vmem>>) offsets(%dma_start3A_518 : memref<64xi32, #tpu.memory_space<vmem>>) semaphore(%arg10 : memref<!tpu.dma_semaphore, #tpu.memory_space<semaphore_mem>>) {add = true}
    %dma_wait3A = arith.constant 0 : i32
    %dma_wait3A_522 = arith.constant 0 : i32
    %dma_wait3A_523 = arith.constant 0 : i32
    %dma_wait3A_524 = tpu.memref_slice %arg5[%dma_wait3A, %dma_wait3A_522, %dma_wait3A_523] : memref<32x5x64xi32, #tpu.memory_space<vmem>> -> memref<1x1x64xi32, #tpu.memory_space<vmem>>
    %dma_wait3A_525 = tpu.memref_squeeze %dma_wait3A_524 : memref<1x1x64xi32, #tpu.memory_space<vmem>> -> memref<64xi32, #tpu.memory_space<vmem>>
    %dma_wait3A_526 = arith.constant 0 : i32
    %dma_wait3A_527 = arith.constant 0 : i32
    %dma_wait3A_528 = tpu.memref_slice %arg6[%dma_wait3A_526, %dma_wait3A_527] : memref<10240x128xf32, #tpu.memory_space<vmem_shared>> -> memref<10240x128xf32, #tpu.memory_space<vmem_shared>>
    tpu.wait_indirect_dma semaphore(%arg9 : memref<!tpu.dma_semaphore, #tpu.memory_space<semaphore_mem>>) src(%dma_wait3A_528 : memref<10240x128xf32, #tpu.memory_space<vmem_shared>>) dst(%arg7 : memref<64x128xf32, #tpu.memory_space<vmem>>)
    %dma_wait3A_529 = arith.constant 1 : i32
    %dma_wait3A_530 = arith.constant 0 : i32
    %dma_wait3A_531 = arith.constant 0 : i32
    %dma_wait3A_532 = tpu.memref_slice %arg5[%dma_wait3A_529, %dma_wait3A_530, %dma_wait3A_531] : memref<32x5x64xi32, #tpu.memory_space<vmem>> -> memref<1x1x64xi32, #tpu.memory_space<vmem>>
    %dma_wait3A_533 = tpu.memref_squeeze %dma_wait3A_532 : memref<1x1x64xi32, #tpu.memory_space<vmem>> -> memref<64xi32, #tpu.memory_space<vmem>>
    %dma_wait3A_534 = arith.constant 0 : i32
    %dma_wait3A_535 = arith.constant 0 : i32
    %dma_wait3A_536 = tpu.memref_slice %arg6[%dma_wait3A_534, %dma_wait3A_535] : memref<10240x128xf32, #tpu.memory_space<vmem_shared>> -> memref<10240x128xf32, #tpu.memory_space<vmem_shared>>
    tpu.wait_indirect_dma semaphore(%arg9 : memref<!tpu.dma_semaphore, #tpu.memory_space<semaphore_mem>>) src(%dma_wait3A_536 : memref<10240x128xf32, #tpu.memory_space<vmem_shared>>) dst(%arg7 : memref<64x128xf32, #tpu.memory_space<vmem>>)
    %dma_wait3A_537 = arith.constant 2 : i32
    %dma_wait3A_538 = arith.constant 0 : i32
    %dma_wait3A_539 = arith.constant 0 : i32
    %dma_wait3A_540 = tpu.memref_slice %arg5[%dma_wait3A_537, %dma_wait3A_538, %dma_wait3A_539] : memref<32x5x64xi32, #tpu.memory_space<vmem>> -> memref<1x1x64xi32, #tpu.memory_space<vmem>>
    %dma_wait3A_541 = tpu.memref_squeeze %dma_wait3A_540 : memref<1x1x64xi32, #tpu.memory_space<vmem>> -> memref<64xi32, #tpu.memory_space<vmem>>
    %dma_wait3A_542 = arith.constant 0 : i32
    %dma_wait3A_543 = arith.constant 0 : i32
    %dma_wait3A_544 = tpu.memref_slice %arg6[%dma_wait3A_542, %dma_wait3A_543] : memref<10240x128xf32, #tpu.memory_space<vmem_shared>> -> memref<10240x128xf32, #tpu.memory_space<vmem_shared>>
    tpu.wait_indirect_dma semaphore(%arg9 : memref<!tpu.dma_semaphore, #tpu.memory_space<semaphore_mem>>) src(%dma_wait3A_544 : memref<10240x128xf32, #tpu.memory_space<vmem_shared>>) dst(%arg7 : memref<64x128xf32, #tpu.memory_space<vmem>>)
    %dma_wait3A_545 = arith.constant 3 : i32
    %dma_wait3A_546 = arith.constant 0 : i32
    %dma_wait3A_547 = arith.constant 0 : i32
    %dma_wait3A_548 = tpu.memref_slice %arg5[%dma_wait3A_545, %dma_wait3A_546, %dma_wait3A_547] : memref<32x5x64xi32, #tpu.memory_space<vmem>> -> memref<1x1x64xi32, #tpu.memory_space<vmem>>
    %dma_wait3A_549 = tpu.memref_squeeze %dma_wait3A_548 : memref<1x1x64xi32, #tpu.memory_space<vmem>> -> memref<64xi32, #tpu.memory_space<vmem>>
    %dma_wait3A_550 = arith.constant 0 : i32
    %dma_wait3A_551 = arith.constant 0 : i32
    %dma_wait3A_552 = tpu.memref_slice %arg6[%dma_wait3A_550, %dma_wait3A_551] : memref<10240x128xf32, #tpu.memory_space<vmem_shared>> -> memref<10240x128xf32, #tpu.memory_space<vmem_shared>>
    tpu.wait_indirect_dma semaphore(%arg9 : memref<!tpu.dma_semaphore, #tpu.memory_space<semaphore_mem>>) src(%dma_wait3A_552 : memref<10240x128xf32, #tpu.memory_space<vmem_shared>>) dst(%arg7 : memref<64x128xf32, #tpu.memory_space<vmem>>)
    %dma_wait3A_553 = arith.constant 4 : i32
    %dma_wait3A_554 = arith.constant 0 : i32
    %dma_wait3A_555 = arith.constant 0 : i32
    %dma_wait3A_556 = tpu.memref_slice %arg5[%dma_wait3A_553, %dma_wait3A_554, %dma_wait3A_555] : memref<32x5x64xi32, #tpu.memory_space<vmem>> -> memref<1x1x64xi32, #tpu.memory_space<vmem>>
    %dma_wait3A_557 = tpu.memref_squeeze %dma_wait3A_556 : memref<1x1x64xi32, #tpu.memory_space<vmem>> -> memref<64xi32, #tpu.memory_space<vmem>>
    %dma_wait3A_558 = arith.constant 0 : i32
    %dma_wait3A_559 = arith.constant 0 : i32
    %dma_wait3A_560 = tpu.memref_slice %arg6[%dma_wait3A_558, %dma_wait3A_559] : memref<10240x128xf32, #tpu.memory_space<vmem_shared>> -> memref<10240x128xf32, #tpu.memory_space<vmem_shared>>
    tpu.wait_indirect_dma semaphore(%arg9 : memref<!tpu.dma_semaphore, #tpu.memory_space<semaphore_mem>>) src(%dma_wait3A_560 : memref<10240x128xf32, #tpu.memory_space<vmem_shared>>) dst(%arg7 : memref<64x128xf32, #tpu.memory_space<vmem>>)
    %dma_wait3A_561 = arith.constant 5 : i32
    %dma_wait3A_562 = arith.constant 0 : i32
    %dma_wait3A_563 = arith.constant 0 : i32
    %dma_wait3A_564 = tpu.memref_slice %arg5[%dma_wait3A_561, %dma_wait3A_562, %dma_wait3A_563] : memref<32x5x64xi32, #tpu.memory_space<vmem>> -> memref<1x1x64xi32, #tpu.memory_space<vmem>>
    %dma_wait3A_565 = tpu.memref_squeeze %dma_wait3A_564 : memref<1x1x64xi32, #tpu.memory_space<vmem>> -> memref<64xi32, #tpu.memory_space<vmem>>
    %dma_wait3A_566 = arith.constant 0 : i32
    %dma_wait3A_567 = arith.constant 0 : i32
    %dma_wait3A_568 = tpu.memref_slice %arg6[%dma_wait3A_566, %dma_wait3A_567] : memref<10240x128xf32, #tpu.memory_space<vmem_shared>> -> memref<10240x128xf32, #tpu.memory_space<vmem_shared>>
    tpu.wait_indirect_dma semaphore(%arg9 : memref<!tpu.dma_semaphore, #tpu.memory_space<semaphore_mem>>) src(%dma_wait3A_568 : memref<10240x128xf32, #tpu.memory_space<vmem_shared>>) dst(%arg7 : memref<64x128xf32, #tpu.memory_space<vmem>>)
    %dma_wait3A_569 = arith.constant 6 : i32
    %dma_wait3A_570 = arith.constant 0 : i32
    %dma_wait3A_571 = arith.constant 0 : i32
    %dma_wait3A_572 = tpu.memref_slice %arg5[%dma_wait3A_569, %dma_wait3A_570, %dma_wait3A_571] : memref<32x5x64xi32, #tpu.memory_space<vmem>> -> memref<1x1x64xi32, #tpu.memory_space<vmem>>
    %dma_wait3A_573 = tpu.memref_squeeze %dma_wait3A_572 : memref<1x1x64xi32, #tpu.memory_space<vmem>> -> memref<64xi32, #tpu.memory_space<vmem>>
    %dma_wait3A_574 = arith.constant 0 : i32
    %dma_wait3A_575 = arith.constant 0 : i32
    %dma_wait3A_576 = tpu.memref_slice %arg6[%dma_wait3A_574, %dma_wait3A_575] : memref<10240x128xf32, #tpu.memory_space<vmem_shared>> -> memref<10240x128xf32, #tpu.memory_space<vmem_shared>>
    tpu.wait_indirect_dma semaphore(%arg9 : memref<!tpu.dma_semaphore, #tpu.memory_space<semaphore_mem>>) src(%dma_wait3A_576 : memref<10240x128xf32, #tpu.memory_space<vmem_shared>>) dst(%arg7 : memref<64x128xf32, #tpu.memory_space<vmem>>)
    %dma_wait3A_577 = arith.constant 7 : i32
    %dma_wait3A_578 = arith.constant 0 : i32
    %dma_wait3A_579 = arith.constant 0 : i32
    %dma_wait3A_580 = tpu.memref_slice %arg5[%dma_wait3A_577, %dma_wait3A_578, %dma_wait3A_579] : memref<32x5x64xi32, #tpu.memory_space<vmem>> -> memref<1x1x64xi32, #tpu.memory_space<vmem>>
    %dma_wait3A_581 = tpu.memref_squeeze %dma_wait3A_580 : memref<1x1x64xi32, #tpu.memory_space<vmem>> -> memref<64xi32, #tpu.memory_space<vmem>>
    %dma_wait3A_582 = arith.constant 0 : i32
    %dma_wait3A_583 = arith.constant 0 : i32
    %dma_wait3A_584 = tpu.memref_slice %arg6[%dma_wait3A_582, %dma_wait3A_583] : memref<10240x128xf32, #tpu.memory_space<vmem_shared>> -> memref<10240x128xf32, #tpu.memory_space<vmem_shared>>
    tpu.wait_indirect_dma semaphore(%arg9 : memref<!tpu.dma_semaphore, #tpu.memory_space<semaphore_mem>>) src(%dma_wait3A_584 : memref<10240x128xf32, #tpu.memory_space<vmem_shared>>) dst(%arg7 : memref<64x128xf32, #tpu.memory_space<vmem>>)
    %dma_wait3A_585 = arith.constant 8 : i32
    %dma_wait3A_586 = arith.constant 0 : i32
    %dma_wait3A_587 = arith.constant 0 : i32
    %dma_wait3A_588 = tpu.memref_slice %arg5[%dma_wait3A_585, %dma_wait3A_586, %dma_wait3A_587] : memref<32x5x64xi32, #tpu.memory_space<vmem>> -> memref<1x1x64xi32, #tpu.memory_space<vmem>>
    %dma_wait3A_589 = tpu.memref_squeeze %dma_wait3A_588 : memref<1x1x64xi32, #tpu.memory_space<vmem>> -> memref<64xi32, #tpu.memory_space<vmem>>
    %dma_wait3A_590 = arith.constant 0 : i32
    %dma_wait3A_591 = arith.constant 0 : i32
    %dma_wait3A_592 = tpu.memref_slice %arg6[%dma_wait3A_590, %dma_wait3A_591] : memref<10240x128xf32, #tpu.memory_space<vmem_shared>> -> memref<10240x128xf32, #tpu.memory_space<vmem_shared>>
    tpu.wait_indirect_dma semaphore(%arg9 : memref<!tpu.dma_semaphore, #tpu.memory_space<semaphore_mem>>) src(%dma_wait3A_592 : memref<10240x128xf32, #tpu.memory_space<vmem_shared>>) dst(%arg7 : memref<64x128xf32, #tpu.memory_space<vmem>>)
    %dma_wait3A_593 = arith.constant 9 : i32
    %dma_wait3A_594 = arith.constant 0 : i32
    %dma_wait3A_595 = arith.constant 0 : i32
    %dma_wait3A_596 = tpu.memref_slice %arg5[%dma_wait3A_593, %dma_wait3A_594, %dma_wait3A_595] : memref<32x5x64xi32, #tpu.memory_space<vmem>> -> memref<1x1x64xi32, #tpu.memory_space<vmem>>
    %dma_wait3A_597 = tpu.memref_squeeze %dma_wait3A_596 : memref<1x1x64xi32, #tpu.memory_space<vmem>> -> memref<64xi32, #tpu.memory_space<vmem>>
    %dma_wait3A_598 = arith.constant 0 : i32
    %dma_wait3A_599 = arith.constant 0 : i32
    %dma_wait3A_600 = tpu.memref_slice %arg6[%dma_wait3A_598, %dma_wait3A_599] : memref<10240x128xf32, #tpu.memory_space<vmem_shared>> -> memref<10240x128xf32, #tpu.memory_space<vmem_shared>>
    tpu.wait_indirect_dma semaphore(%arg9 : memref<!tpu.dma_semaphore, #tpu.memory_space<semaphore_mem>>) src(%dma_wait3A_600 : memref<10240x128xf32, #tpu.memory_space<vmem_shared>>) dst(%arg7 : memref<64x128xf32, #tpu.memory_space<vmem>>)
    %dma_wait3A_601 = arith.constant 10 : i32
    %dma_wait3A_602 = arith.constant 0 : i32
    %dma_wait3A_603 = arith.constant 0 : i32
    %dma_wait3A_604 = tpu.memref_slice %arg5[%dma_wait3A_601, %dma_wait3A_602, %dma_wait3A_603] : memref<32x5x64xi32, #tpu.memory_space<vmem>> -> memref<1x1x64xi32, #tpu.memory_space<vmem>>
    %dma_wait3A_605 = tpu.memref_squeeze %dma_wait3A_604 : memref<1x1x64xi32, #tpu.memory_space<vmem>> -> memref<64xi32, #tpu.memory_space<vmem>>
    %dma_wait3A_606 = arith.constant 0 : i32
    %dma_wait3A_607 = arith.constant 0 : i32
    %dma_wait3A_608 = tpu.memref_slice %arg6[%dma_wait3A_606, %dma_wait3A_607] : memref<10240x128xf32, #tpu.memory_space<vmem_shared>> -> memref<10240x128xf32, #tpu.memory_space<vmem_shared>>
    tpu.wait_indirect_dma semaphore(%arg9 : memref<!tpu.dma_semaphore, #tpu.memory_space<semaphore_mem>>) src(%dma_wait3A_608 : memref<10240x128xf32, #tpu.memory_space<vmem_shared>>) dst(%arg7 : memref<64x128xf32, #tpu.memory_space<vmem>>)
    %dma_wait3A_609 = arith.constant 11 : i32
    %dma_wait3A_610 = arith.constant 0 : i32
    %dma_wait3A_611 = arith.constant 0 : i32
    %dma_wait3A_612 = tpu.memref_slice %arg5[%dma_wait3A_609, %dma_wait3A_610, %dma_wait3A_611] : memref<32x5x64xi32, #tpu.memory_space<vmem>> -> memref<1x1x64xi32, #tpu.memory_space<vmem>>
    %dma_wait3A_613 = tpu.memref_squeeze %dma_wait3A_612 : memref<1x1x64xi32, #tpu.memory_space<vmem>> -> memref<64xi32, #tpu.memory_space<vmem>>
    %dma_wait3A_614 = arith.constant 0 : i32
    %dma_wait3A_615 = arith.constant 0 : i32
    %dma_wait3A_616 = tpu.memref_slice %arg6[%dma_wait3A_614, %dma_wait3A_615] : memref<10240x128xf32, #tpu.memory_space<vmem_shared>> -> memref<10240x128xf32, #tpu.memory_space<vmem_shared>>
    tpu.wait_indirect_dma semaphore(%arg9 : memref<!tpu.dma_semaphore, #tpu.memory_space<semaphore_mem>>) src(%dma_wait3A_616 : memref<10240x128xf32, #tpu.memory_space<vmem_shared>>) dst(%arg7 : memref<64x128xf32, #tpu.memory_space<vmem>>)
    %dma_wait3A_617 = arith.constant 12 : i32
    %dma_wait3A_618 = arith.constant 0 : i32
    %dma_wait3A_619 = arith.constant 0 : i32
    %dma_wait3A_620 = tpu.memref_slice %arg5[%dma_wait3A_617, %dma_wait3A_618, %dma_wait3A_619] : memref<32x5x64xi32, #tpu.memory_space<vmem>> -> memref<1x1x64xi32, #tpu.memory_space<vmem>>
    %dma_wait3A_621 = tpu.memref_squeeze %dma_wait3A_620 : memref<1x1x64xi32, #tpu.memory_space<vmem>> -> memref<64xi32, #tpu.memory_space<vmem>>
    %dma_wait3A_622 = arith.constant 0 : i32
    %dma_wait3A_623 = arith.constant 0 : i32
    %dma_wait3A_624 = tpu.memref_slice %arg6[%dma_wait3A_622, %dma_wait3A_623] : memref<10240x128xf32, #tpu.memory_space<vmem_shared>> -> memref<10240x128xf32, #tpu.memory_space<vmem_shared>>
    tpu.wait_indirect_dma semaphore(%arg9 : memref<!tpu.dma_semaphore, #tpu.memory_space<semaphore_mem>>) src(%dma_wait3A_624 : memref<10240x128xf32, #tpu.memory_space<vmem_shared>>) dst(%arg7 : memref<64x128xf32, #tpu.memory_space<vmem>>)
    %dma_wait3A_625 = arith.constant 13 : i32
    %dma_wait3A_626 = arith.constant 0 : i32
    %dma_wait3A_627 = arith.constant 0 : i32
    %dma_wait3A_628 = tpu.memref_slice %arg5[%dma_wait3A_625, %dma_wait3A_626, %dma_wait3A_627] : memref<32x5x64xi32, #tpu.memory_space<vmem>> -> memref<1x1x64xi32, #tpu.memory_space<vmem>>
    %dma_wait3A_629 = tpu.memref_squeeze %dma_wait3A_628 : memref<1x1x64xi32, #tpu.memory_space<vmem>> -> memref<64xi32, #tpu.memory_space<vmem>>
    %dma_wait3A_630 = arith.constant 0 : i32
    %dma_wait3A_631 = arith.constant 0 : i32
    %dma_wait3A_632 = tpu.memref_slice %arg6[%dma_wait3A_630, %dma_wait3A_631] : memref<10240x128xf32, #tpu.memory_space<vmem_shared>> -> memref<10240x128xf32, #tpu.memory_space<vmem_shared>>
    tpu.wait_indirect_dma semaphore(%arg9 : memref<!tpu.dma_semaphore, #tpu.memory_space<semaphore_mem>>) src(%dma_wait3A_632 : memref<10240x128xf32, #tpu.memory_space<vmem_shared>>) dst(%arg7 : memref<64x128xf32, #tpu.memory_space<vmem>>)
    %dma_wait3A_633 = arith.constant 14 : i32
    %dma_wait3A_634 = arith.constant 0 : i32
    %dma_wait3A_635 = arith.constant 0 : i32
    %dma_wait3A_636 = tpu.memref_slice %arg5[%dma_wait3A_633, %dma_wait3A_634, %dma_wait3A_635] : memref<32x5x64xi32, #tpu.memory_space<vmem>> -> memref<1x1x64xi32, #tpu.memory_space<vmem>>
    %dma_wait3A_637 = tpu.memref_squeeze %dma_wait3A_636 : memref<1x1x64xi32, #tpu.memory_space<vmem>> -> memref<64xi32, #tpu.memory_space<vmem>>
    %dma_wait3A_638 = arith.constant 0 : i32
    %dma_wait3A_639 = arith.constant 0 : i32
    %dma_wait3A_640 = tpu.memref_slice %arg6[%dma_wait3A_638, %dma_wait3A_639] : memref<10240x128xf32, #tpu.memory_space<vmem_shared>> -> memref<10240x128xf32, #tpu.memory_space<vmem_shared>>
    tpu.wait_indirect_dma semaphore(%arg9 : memref<!tpu.dma_semaphore, #tpu.memory_space<semaphore_mem>>) src(%dma_wait3A_640 : memref<10240x128xf32, #tpu.memory_space<vmem_shared>>) dst(%arg7 : memref<64x128xf32, #tpu.memory_space<vmem>>)
    %dma_wait3A_641 = arith.constant 15 : i32
    %dma_wait3A_642 = arith.constant 0 : i32
    %dma_wait3A_643 = arith.constant 0 : i32
    %dma_wait3A_644 = tpu.memref_slice %arg5[%dma_wait3A_641, %dma_wait3A_642, %dma_wait3A_643] : memref<32x5x64xi32, #tpu.memory_space<vmem>> -> memref<1x1x64xi32, #tpu.memory_space<vmem>>
    %dma_wait3A_645 = tpu.memref_squeeze %dma_wait3A_644 : memref<1x1x64xi32, #tpu.memory_space<vmem>> -> memref<64xi32, #tpu.memory_space<vmem>>
    %dma_wait3A_646 = arith.constant 0 : i32
    %dma_wait3A_647 = arith.constant 0 : i32
    %dma_wait3A_648 = tpu.memref_slice %arg6[%dma_wait3A_646, %dma_wait3A_647] : memref<10240x128xf32, #tpu.memory_space<vmem_shared>> -> memref<10240x128xf32, #tpu.memory_space<vmem_shared>>
    tpu.wait_indirect_dma semaphore(%arg9 : memref<!tpu.dma_semaphore, #tpu.memory_space<semaphore_mem>>) src(%dma_wait3A_648 : memref<10240x128xf32, #tpu.memory_space<vmem_shared>>) dst(%arg7 : memref<64x128xf32, #tpu.memory_space<vmem>>)
    %dma_wait3A_649 = arith.constant 16 : i32
    %dma_wait3A_650 = arith.constant 0 : i32
    %dma_wait3A_651 = arith.constant 0 : i32
    %dma_wait3A_652 = tpu.memref_slice %arg5[%dma_wait3A_649, %dma_wait3A_650, %dma_wait3A_651] : memref<32x5x64xi32, #tpu.memory_space<vmem>> -> memref<1x1x64xi32, #tpu.memory_space<vmem>>
    %dma_wait3A_653 = tpu.memref_squeeze %dma_wait3A_652 : memref<1x1x64xi32, #tpu.memory_space<vmem>> -> memref<64xi32, #tpu.memory_space<vmem>>
    %dma_wait3A_654 = arith.constant 0 : i32
    %dma_wait3A_655 = arith.constant 0 : i32
    %dma_wait3A_656 = tpu.memref_slice %arg6[%dma_wait3A_654, %dma_wait3A_655] : memref<10240x128xf32, #tpu.memory_space<vmem_shared>> -> memref<10240x128xf32, #tpu.memory_space<vmem_shared>>
    tpu.wait_indirect_dma semaphore(%arg9 : memref<!tpu.dma_semaphore, #tpu.memory_space<semaphore_mem>>) src(%dma_wait3A_656 : memref<10240x128xf32, #tpu.memory_space<vmem_shared>>) dst(%arg7 : memref<64x128xf32, #tpu.memory_space<vmem>>)
    %dma_wait3A_657 = arith.constant 17 : i32
    %dma_wait3A_658 = arith.constant 0 : i32
    %dma_wait3A_659 = arith.constant 0 : i32
    %dma_wait3A_660 = tpu.memref_slice %arg5[%dma_wait3A_657, %dma_wait3A_658, %dma_wait3A_659] : memref<32x5x64xi32, #tpu.memory_space<vmem>> -> memref<1x1x64xi32, #tpu.memory_space<vmem>>
    %dma_wait3A_661 = tpu.memref_squeeze %dma_wait3A_660 : memref<1x1x64xi32, #tpu.memory_space<vmem>> -> memref<64xi32, #tpu.memory_space<vmem>>
    %dma_wait3A_662 = arith.constant 0 : i32
    %dma_wait3A_663 = arith.constant 0 : i32
    %dma_wait3A_664 = tpu.memref_slice %arg6[%dma_wait3A_662, %dma_wait3A_663] : memref<10240x128xf32, #tpu.memory_space<vmem_shared>> -> memref<10240x128xf32, #tpu.memory_space<vmem_shared>>
    tpu.wait_indirect_dma semaphore(%arg9 : memref<!tpu.dma_semaphore, #tpu.memory_space<semaphore_mem>>) src(%dma_wait3A_664 : memref<10240x128xf32, #tpu.memory_space<vmem_shared>>) dst(%arg7 : memref<64x128xf32, #tpu.memory_space<vmem>>)
    %dma_wait3A_665 = arith.constant 18 : i32
    %dma_wait3A_666 = arith.constant 0 : i32
    %dma_wait3A_667 = arith.constant 0 : i32
    %dma_wait3A_668 = tpu.memref_slice %arg5[%dma_wait3A_665, %dma_wait3A_666, %dma_wait3A_667] : memref<32x5x64xi32, #tpu.memory_space<vmem>> -> memref<1x1x64xi32, #tpu.memory_space<vmem>>
    %dma_wait3A_669 = tpu.memref_squeeze %dma_wait3A_668 : memref<1x1x64xi32, #tpu.memory_space<vmem>> -> memref<64xi32, #tpu.memory_space<vmem>>
    %dma_wait3A_670 = arith.constant 0 : i32
    %dma_wait3A_671 = arith.constant 0 : i32
    %dma_wait3A_672 = tpu.memref_slice %arg6[%dma_wait3A_670, %dma_wait3A_671] : memref<10240x128xf32, #tpu.memory_space<vmem_shared>> -> memref<10240x128xf32, #tpu.memory_space<vmem_shared>>
    tpu.wait_indirect_dma semaphore(%arg9 : memref<!tpu.dma_semaphore, #tpu.memory_space<semaphore_mem>>) src(%dma_wait3A_672 : memref<10240x128xf32, #tpu.memory_space<vmem_shared>>) dst(%arg7 : memref<64x128xf32, #tpu.memory_space<vmem>>)
    %dma_wait3A_673 = arith.constant 19 : i32
    %dma_wait3A_674 = arith.constant 0 : i32
    %dma_wait3A_675 = arith.constant 0 : i32
    %dma_wait3A_676 = tpu.memref_slice %arg5[%dma_wait3A_673, %dma_wait3A_674, %dma_wait3A_675] : memref<32x5x64xi32, #tpu.memory_space<vmem>> -> memref<1x1x64xi32, #tpu.memory_space<vmem>>
    %dma_wait3A_677 = tpu.memref_squeeze %dma_wait3A_676 : memref<1x1x64xi32, #tpu.memory_space<vmem>> -> memref<64xi32, #tpu.memory_space<vmem>>
    %dma_wait3A_678 = arith.constant 0 : i32
    %dma_wait3A_679 = arith.constant 0 : i32
    %dma_wait3A_680 = tpu.memref_slice %arg6[%dma_wait3A_678, %dma_wait3A_679] : memref<10240x128xf32, #tpu.memory_space<vmem_shared>> -> memref<10240x128xf32, #tpu.memory_space<vmem_shared>>
    tpu.wait_indirect_dma semaphore(%arg9 : memref<!tpu.dma_semaphore, #tpu.memory_space<semaphore_mem>>) src(%dma_wait3A_680 : memref<10240x128xf32, #tpu.memory_space<vmem_shared>>) dst(%arg7 : memref<64x128xf32, #tpu.memory_space<vmem>>)
    %dma_wait3A_681 = arith.constant 20 : i32
    %dma_wait3A_682 = arith.constant 0 : i32
    %dma_wait3A_683 = arith.constant 0 : i32
    %dma_wait3A_684 = tpu.memref_slice %arg5[%dma_wait3A_681, %dma_wait3A_682, %dma_wait3A_683] : memref<32x5x64xi32, #tpu.memory_space<vmem>> -> memref<1x1x64xi32, #tpu.memory_space<vmem>>
    %dma_wait3A_685 = tpu.memref_squeeze %dma_wait3A_684 : memref<1x1x64xi32, #tpu.memory_space<vmem>> -> memref<64xi32, #tpu.memory_space<vmem>>
    %dma_wait3A_686 = arith.constant 0 : i32
    %dma_wait3A_687 = arith.constant 0 : i32
    %dma_wait3A_688 = tpu.memref_slice %arg6[%dma_wait3A_686, %dma_wait3A_687] : memref<10240x128xf32, #tpu.memory_space<vmem_shared>> -> memref<10240x128xf32, #tpu.memory_space<vmem_shared>>
    tpu.wait_indirect_dma semaphore(%arg9 : memref<!tpu.dma_semaphore, #tpu.memory_space<semaphore_mem>>) src(%dma_wait3A_688 : memref<10240x128xf32, #tpu.memory_space<vmem_shared>>) dst(%arg7 : memref<64x128xf32, #tpu.memory_space<vmem>>)
    %dma_wait3A_689 = arith.constant 21 : i32
    %dma_wait3A_690 = arith.constant 0 : i32
    %dma_wait3A_691 = arith.constant 0 : i32
    %dma_wait3A_692 = tpu.memref_slice %arg5[%dma_wait3A_689, %dma_wait3A_690, %dma_wait3A_691] : memref<32x5x64xi32, #tpu.memory_space<vmem>> -> memref<1x1x64xi32, #tpu.memory_space<vmem>>
    %dma_wait3A_693 = tpu.memref_squeeze %dma_wait3A_692 : memref<1x1x64xi32, #tpu.memory_space<vmem>> -> memref<64xi32, #tpu.memory_space<vmem>>
    %dma_wait3A_694 = arith.constant 0 : i32
    %dma_wait3A_695 = arith.constant 0 : i32
    %dma_wait3A_696 = tpu.memref_slice %arg6[%dma_wait3A_694, %dma_wait3A_695] : memref<10240x128xf32, #tpu.memory_space<vmem_shared>> -> memref<10240x128xf32, #tpu.memory_space<vmem_shared>>
    tpu.wait_indirect_dma semaphore(%arg9 : memref<!tpu.dma_semaphore, #tpu.memory_space<semaphore_mem>>) src(%dma_wait3A_696 : memref<10240x128xf32, #tpu.memory_space<vmem_shared>>) dst(%arg7 : memref<64x128xf32, #tpu.memory_space<vmem>>)
    %dma_wait3A_697 = arith.constant 22 : i32
    %dma_wait3A_698 = arith.constant 0 : i32
    %dma_wait3A_699 = arith.constant 0 : i32
    %dma_wait3A_700 = tpu.memref_slice %arg5[%dma_wait3A_697, %dma_wait3A_698, %dma_wait3A_699] : memref<32x5x64xi32, #tpu.memory_space<vmem>> -> memref<1x1x64xi32, #tpu.memory_space<vmem>>
    %dma_wait3A_701 = tpu.memref_squeeze %dma_wait3A_700 : memref<1x1x64xi32, #tpu.memory_space<vmem>> -> memref<64xi32, #tpu.memory_space<vmem>>
    %dma_wait3A_702 = arith.constant 0 : i32
    %dma_wait3A_703 = arith.constant 0 : i32
    %dma_wait3A_704 = tpu.memref_slice %arg6[%dma_wait3A_702, %dma_wait3A_703] : memref<10240x128xf32, #tpu.memory_space<vmem_shared>> -> memref<10240x128xf32, #tpu.memory_space<vmem_shared>>
    tpu.wait_indirect_dma semaphore(%arg9 : memref<!tpu.dma_semaphore, #tpu.memory_space<semaphore_mem>>) src(%dma_wait3A_704 : memref<10240x128xf32, #tpu.memory_space<vmem_shared>>) dst(%arg7 : memref<64x128xf32, #tpu.memory_space<vmem>>)
    %dma_wait3A_705 = arith.constant 23 : i32
    %dma_wait3A_706 = arith.constant 0 : i32
    %dma_wait3A_707 = arith.constant 0 : i32
    %dma_wait3A_708 = tpu.memref_slice %arg5[%dma_wait3A_705, %dma_wait3A_706, %dma_wait3A_707] : memref<32x5x64xi32, #tpu.memory_space<vmem>> -> memref<1x1x64xi32, #tpu.memory_space<vmem>>
    %dma_wait3A_709 = tpu.memref_squeeze %dma_wait3A_708 : memref<1x1x64xi32, #tpu.memory_space<vmem>> -> memref<64xi32, #tpu.memory_space<vmem>>
    %dma_wait3A_710 = arith.constant 0 : i32
    %dma_wait3A_711 = arith.constant 0 : i32
    %dma_wait3A_712 = tpu.memref_slice %arg6[%dma_wait3A_710, %dma_wait3A_711] : memref<10240x128xf32, #tpu.memory_space<vmem_shared>> -> memref<10240x128xf32, #tpu.memory_space<vmem_shared>>
    tpu.wait_indirect_dma semaphore(%arg9 : memref<!tpu.dma_semaphore, #tpu.memory_space<semaphore_mem>>) src(%dma_wait3A_712 : memref<10240x128xf32, #tpu.memory_space<vmem_shared>>) dst(%arg7 : memref<64x128xf32, #tpu.memory_space<vmem>>)
    %dma_wait3A_713 = arith.constant 24 : i32
    %dma_wait3A_714 = arith.constant 0 : i32
    %dma_wait3A_715 = arith.constant 0 : i32
    %dma_wait3A_716 = tpu.memref_slice %arg5[%dma_wait3A_713, %dma_wait3A_714, %dma_wait3A_715] : memref<32x5x64xi32, #tpu.memory_space<vmem>> -> memref<1x1x64xi32, #tpu.memory_space<vmem>>
    %dma_wait3A_717 = tpu.memref_squeeze %dma_wait3A_716 : memref<1x1x64xi32, #tpu.memory_space<vmem>> -> memref<64xi32, #tpu.memory_space<vmem>>
    %dma_wait3A_718 = arith.constant 0 : i32
    %dma_wait3A_719 = arith.constant 0 : i32
    %dma_wait3A_720 = tpu.memref_slice %arg6[%dma_wait3A_718, %dma_wait3A_719] : memref<10240x128xf32, #tpu.memory_space<vmem_shared>> -> memref<10240x128xf32, #tpu.memory_space<vmem_shared>>
    tpu.wait_indirect_dma semaphore(%arg9 : memref<!tpu.dma_semaphore, #tpu.memory_space<semaphore_mem>>) src(%dma_wait3A_720 : memref<10240x128xf32, #tpu.memory_space<vmem_shared>>) dst(%arg7 : memref<64x128xf32, #tpu.memory_space<vmem>>)
    %dma_wait3A_721 = arith.constant 25 : i32
    %dma_wait3A_722 = arith.constant 0 : i32
    %dma_wait3A_723 = arith.constant 0 : i32
    %dma_wait3A_724 = tpu.memref_slice %arg5[%dma_wait3A_721, %dma_wait3A_722, %dma_wait3A_723] : memref<32x5x64xi32, #tpu.memory_space<vmem>> -> memref<1x1x64xi32, #tpu.memory_space<vmem>>
    %dma_wait3A_725 = tpu.memref_squeeze %dma_wait3A_724 : memref<1x1x64xi32, #tpu.memory_space<vmem>> -> memref<64xi32, #tpu.memory_space<vmem>>
    %dma_wait3A_726 = arith.constant 0 : i32
    %dma_wait3A_727 = arith.constant 0 : i32
    %dma_wait3A_728 = tpu.memref_slice %arg6[%dma_wait3A_726, %dma_wait3A_727] : memref<10240x128xf32, #tpu.memory_space<vmem_shared>> -> memref<10240x128xf32, #tpu.memory_space<vmem_shared>>
    tpu.wait_indirect_dma semaphore(%arg9 : memref<!tpu.dma_semaphore, #tpu.memory_space<semaphore_mem>>) src(%dma_wait3A_728 : memref<10240x128xf32, #tpu.memory_space<vmem_shared>>) dst(%arg7 : memref<64x128xf32, #tpu.memory_space<vmem>>)
    %dma_wait3A_729 = arith.constant 26 : i32
    %dma_wait3A_730 = arith.constant 0 : i32
    %dma_wait3A_731 = arith.constant 0 : i32
    %dma_wait3A_732 = tpu.memref_slice %arg5[%dma_wait3A_729, %dma_wait3A_730, %dma_wait3A_731] : memref<32x5x64xi32, #tpu.memory_space<vmem>> -> memref<1x1x64xi32, #tpu.memory_space<vmem>>
    %dma_wait3A_733 = tpu.memref_squeeze %dma_wait3A_732 : memref<1x1x64xi32, #tpu.memory_space<vmem>> -> memref<64xi32, #tpu.memory_space<vmem>>
    %dma_wait3A_734 = arith.constant 0 : i32
    %dma_wait3A_735 = arith.constant 0 : i32
    %dma_wait3A_736 = tpu.memref_slice %arg6[%dma_wait3A_734, %dma_wait3A_735] : memref<10240x128xf32, #tpu.memory_space<vmem_shared>> -> memref<10240x128xf32, #tpu.memory_space<vmem_shared>>
    tpu.wait_indirect_dma semaphore(%arg9 : memref<!tpu.dma_semaphore, #tpu.memory_space<semaphore_mem>>) src(%dma_wait3A_736 : memref<10240x128xf32, #tpu.memory_space<vmem_shared>>) dst(%arg7 : memref<64x128xf32, #tpu.memory_space<vmem>>)
    %dma_wait3A_737 = arith.constant 27 : i32
    %dma_wait3A_738 = arith.constant 0 : i32
    %dma_wait3A_739 = arith.constant 0 : i32
    %dma_wait3A_740 = tpu.memref_slice %arg5[%dma_wait3A_737, %dma_wait3A_738, %dma_wait3A_739] : memref<32x5x64xi32, #tpu.memory_space<vmem>> -> memref<1x1x64xi32, #tpu.memory_space<vmem>>
    %dma_wait3A_741 = tpu.memref_squeeze %dma_wait3A_740 : memref<1x1x64xi32, #tpu.memory_space<vmem>> -> memref<64xi32, #tpu.memory_space<vmem>>
    %dma_wait3A_742 = arith.constant 0 : i32
    %dma_wait3A_743 = arith.constant 0 : i32
    %dma_wait3A_744 = tpu.memref_slice %arg6[%dma_wait3A_742, %dma_wait3A_743] : memref<10240x128xf32, #tpu.memory_space<vmem_shared>> -> memref<10240x128xf32, #tpu.memory_space<vmem_shared>>
    tpu.wait_indirect_dma semaphore(%arg9 : memref<!tpu.dma_semaphore, #tpu.memory_space<semaphore_mem>>) src(%dma_wait3A_744 : memref<10240x128xf32, #tpu.memory_space<vmem_shared>>) dst(%arg7 : memref<64x128xf32, #tpu.memory_space<vmem>>)
    %dma_wait3A_745 = arith.constant 28 : i32
    %dma_wait3A_746 = arith.constant 0 : i32
    %dma_wait3A_747 = arith.constant 0 : i32
    %dma_wait3A_748 = tpu.memref_slice %arg5[%dma_wait3A_745, %dma_wait3A_746, %dma_wait3A_747] : memref<32x5x64xi32, #tpu.memory_space<vmem>> -> memref<1x1x64xi32, #tpu.memory_space<vmem>>
    %dma_wait3A_749 = tpu.memref_squeeze %dma_wait3A_748 : memref<1x1x64xi32, #tpu.memory_space<vmem>> -> memref<64xi32, #tpu.memory_space<vmem>>
    %dma_wait3A_750 = arith.constant 0 : i32
    %dma_wait3A_751 = arith.constant 0 : i32
    %dma_wait3A_752 = tpu.memref_slice %arg6[%dma_wait3A_750, %dma_wait3A_751] : memref<10240x128xf32, #tpu.memory_space<vmem_shared>> -> memref<10240x128xf32, #tpu.memory_space<vmem_shared>>
    tpu.wait_indirect_dma semaphore(%arg9 : memref<!tpu.dma_semaphore, #tpu.memory_space<semaphore_mem>>) src(%dma_wait3A_752 : memref<10240x128xf32, #tpu.memory_space<vmem_shared>>) dst(%arg7 : memref<64x128xf32, #tpu.memory_space<vmem>>)
    %dma_wait3A_753 = arith.constant 29 : i32
    %dma_wait3A_754 = arith.constant 0 : i32
    %dma_wait3A_755 = arith.constant 0 : i32
    %dma_wait3A_756 = tpu.memref_slice %arg5[%dma_wait3A_753, %dma_wait3A_754, %dma_wait3A_755] : memref<32x5x64xi32, #tpu.memory_space<vmem>> -> memref<1x1x64xi32, #tpu.memory_space<vmem>>
    %dma_wait3A_757 = tpu.memref_squeeze %dma_wait3A_756 : memref<1x1x64xi32, #tpu.memory_space<vmem>> -> memref<64xi32, #tpu.memory_space<vmem>>
    %dma_wait3A_758 = arith.constant 0 : i32
    %dma_wait3A_759 = arith.constant 0 : i32
    %dma_wait3A_760 = tpu.memref_slice %arg6[%dma_wait3A_758, %dma_wait3A_759] : memref<10240x128xf32, #tpu.memory_space<vmem_shared>> -> memref<10240x128xf32, #tpu.memory_space<vmem_shared>>
    tpu.wait_indirect_dma semaphore(%arg9 : memref<!tpu.dma_semaphore, #tpu.memory_space<semaphore_mem>>) src(%dma_wait3A_760 : memref<10240x128xf32, #tpu.memory_space<vmem_shared>>) dst(%arg7 : memref<64x128xf32, #tpu.memory_space<vmem>>)
    %dma_wait3A_761 = arith.constant 30 : i32
    %dma_wait3A_762 = arith.constant 0 : i32
    %dma_wait3A_763 = arith.constant 0 : i32
    %dma_wait3A_764 = tpu.memref_slice %arg5[%dma_wait3A_761, %dma_wait3A_762, %dma_wait3A_763] : memref<32x5x64xi32, #tpu.memory_space<vmem>> -> memref<1x1x64xi32, #tpu.memory_space<vmem>>
    %dma_wait3A_765 = tpu.memref_squeeze %dma_wait3A_764 : memref<1x1x64xi32, #tpu.memory_space<vmem>> -> memref<64xi32, #tpu.memory_space<vmem>>
    %dma_wait3A_766 = arith.constant 0 : i32
    %dma_wait3A_767 = arith.constant 0 : i32
    %dma_wait3A_768 = tpu.memref_slice %arg6[%dma_wait3A_766, %dma_wait3A_767] : memref<10240x128xf32, #tpu.memory_space<vmem_shared>> -> memref<10240x128xf32, #tpu.memory_space<vmem_shared>>
    tpu.wait_indirect_dma semaphore(%arg9 : memref<!tpu.dma_semaphore, #tpu.memory_space<semaphore_mem>>) src(%dma_wait3A_768 : memref<10240x128xf32, #tpu.memory_space<vmem_shared>>) dst(%arg7 : memref<64x128xf32, #tpu.memory_space<vmem>>)
    %dma_wait3A_769 = arith.constant 31 : i32
    %dma_wait3A_770 = arith.constant 0 : i32
    %dma_wait3A_771 = arith.constant 0 : i32
    %dma_wait3A_772 = tpu.memref_slice %arg5[%dma_wait3A_769, %dma_wait3A_770, %dma_wait3A_771] : memref<32x5x64xi32, #tpu.memory_space<vmem>> -> memref<1x1x64xi32, #tpu.memory_space<vmem>>
    %dma_wait3A_773 = tpu.memref_squeeze %dma_wait3A_772 : memref<1x1x64xi32, #tpu.memory_space<vmem>> -> memref<64xi32, #tpu.memory_space<vmem>>
    %dma_wait3A_774 = arith.constant 0 : i32
    %dma_wait3A_775 = arith.constant 0 : i32
    %dma_wait3A_776 = tpu.memref_slice %arg6[%dma_wait3A_774, %dma_wait3A_775] : memref<10240x128xf32, #tpu.memory_space<vmem_shared>> -> memref<10240x128xf32, #tpu.memory_space<vmem_shared>>
    tpu.wait_indirect_dma semaphore(%arg9 : memref<!tpu.dma_semaphore, #tpu.memory_space<semaphore_mem>>) src(%dma_wait3A_776 : memref<10240x128xf32, #tpu.memory_space<vmem_shared>>) dst(%arg7 : memref<64x128xf32, #tpu.memory_space<vmem>>)
    %add3A_777 = arith.constant 0 : i32
    %add3A_778 = arith.addi %mul3A_2, %add3A_777 : i32
    %dma_start3A_779 = arith.constant 0 : i32
    %dma_start3A_780 = tpu.memref_slice %arg4[%add3A_778, %dma_start3A_779] : memref<10240x128xf32, #tpu.memory_space<hbm>> -> memref<64x128xf32, #tpu.memory_space<hbm>>
    %dma_start3A_781 = arith.constant 0 : i32
    %dma_start3A_782 = tpu.memref_slice %arg4[%add3A_778, %dma_start3A_781] : memref<10240x128xf32, #tpu.memory_space<hbm>> -> memref<64x128xf32, #tpu.memory_space<hbm>>
    tpu.enqueue_dma source(%arg7 : memref<64x128xf32, #tpu.memory_space<vmem>>) target(%dma_start3A_782 : memref<64x128xf32, #tpu.memory_space<hbm>>) target_semaphore(%arg11 : memref<!tpu.dma_semaphore, #tpu.memory_space<semaphore_mem>>)
    %dma_wait3A_783 = arith.constant 0 : i32
    %dma_wait3A_784 = tpu.memref_slice %arg4[%add3A_778, %dma_wait3A_783] : memref<10240x128xf32, #tpu.memory_space<hbm>> -> memref<64x128xf32, #tpu.memory_space<hbm>>
    %dma_wait3A_785 = arith.constant 0 : i32
    %dma_wait3A_786 = tpu.memref_slice %arg4[%add3A_778, %dma_wait3A_785] : memref<10240x128xf32, #tpu.memory_space<hbm>> -> memref<64x128xf32, #tpu.memory_space<hbm>>
    tpu.wait_dma2 semaphore(%arg11 : memref<!tpu.dma_semaphore, #tpu.memory_space<semaphore_mem>>) src(%arg7 : memref<64x128xf32, #tpu.memory_space<vmem>>) dst(%dma_wait3A_786 : memref<64x128xf32, #tpu.memory_space<hbm>>)
    %add3A_787 = arith.constant 128 : i32
    %add3A_788 = arith.addi %mul3A_2, %add3A_787 : i32
    "tpu.region"() ({
      %run_scoped3A = tpu.sem_alloc : memref<!tpu.dma_semaphore, #tpu.memory_space<semaphore_mem>>
      %dma_start3A_2617 = arith.constant 0 : i32
      %dma_start3A_2618 = tpu.memref_slice %arg6[%add3A_788, %dma_start3A_2617] : memref<10240x128xf32, #tpu.memory_space<vmem_shared>> -> memref<64x128xf32, #tpu.memory_space<vmem_shared>>
      %dma_start3A_2619 = arith.constant 0 : i32
      %dma_start3A_2620 = tpu.memref_slice %arg6[%add3A_788, %dma_start3A_2619] : memref<10240x128xf32, #tpu.memory_space<vmem_shared>> -> memref<64x128xf32, #tpu.memory_space<vmem_shared>>
      tpu.enqueue_dma source(%dma_start3A_2620 : memref<64x128xf32, #tpu.memory_space<vmem_shared>>) target(%arg7 : memref<64x128xf32, #tpu.memory_space<vmem>>) target_semaphore(%run_scoped3A : memref<!tpu.dma_semaphore, #tpu.memory_space<semaphore_mem>>)
      %dma_wait3A_2621 = arith.constant 0 : i32
      %dma_wait3A_2622 = tpu.memref_slice %arg6[%add3A_788, %dma_wait3A_2621] : memref<10240x128xf32, #tpu.memory_space<vmem_shared>> -> memref<64x128xf32, #tpu.memory_space<vmem_shared>>
      %dma_wait3A_2623 = arith.constant 0 : i32
      %dma_wait3A_2624 = tpu.memref_slice %arg6[%add3A_788, %dma_wait3A_2623] : memref<10240x128xf32, #tpu.memory_space<vmem_shared>> -> memref<64x128xf32, #tpu.memory_space<vmem_shared>>
      tpu.wait_dma2 semaphore(%run_scoped3A : memref<!tpu.dma_semaphore, #tpu.memory_space<semaphore_mem>>) src(%dma_wait3A_2624 : memref<64x128xf32, #tpu.memory_space<vmem_shared>>) dst(%arg7 : memref<64x128xf32, #tpu.memory_space<vmem>>)
      tpu.yield
    }) : () -> ()
    %dma_start3A_789 = arith.constant 0 : i32
    %dma_start3A_790 = arith.constant 2 : i32
    %dma_start3A_791 = arith.constant 0 : i32
    %dma_start3A_792 = tpu.memref_slice %arg5[%dma_start3A_789, %dma_start3A_790, %dma_start3A_791] : memref<32x5x64xi32, #tpu.memory_space<vmem>> -> memref<1x1x64xi32, #tpu.memory_space<vmem>>
    %dma_start3A_793 = tpu.memref_squeeze %dma_start3A_792 : memref<1x1x64xi32, #tpu.memory_space<vmem>> -> memref<64xi32, #tpu.memory_space<vmem>>
    %dma_start3A_794 = arith.constant 0 : i32
    %dma_start3A_795 = arith.constant 0 : i32
    %dma_start3A_796 = tpu.memref_slice %arg6[%dma_start3A_794, %dma_start3A_795] : memref<10240x128xf32, #tpu.memory_space<vmem_shared>> -> memref<10240x128xf32, #tpu.memory_space<vmem_shared>>
    tpu.enqueue_indirect_dma source(%dma_start3A_796 : memref<10240x128xf32, #tpu.memory_space<vmem_shared>>) target(%arg7 : memref<64x128xf32, #tpu.memory_space<vmem>>) offsets(%dma_start3A_793 : memref<64xi32, #tpu.memory_space<vmem>>) semaphore(%arg9 : memref<!tpu.dma_semaphore, #tpu.memory_space<semaphore_mem>>) {add = true}
    %dma_start3A_797 = arith.constant 1 : i32
    %dma_start3A_798 = arith.constant 2 : i32
    %dma_start3A_799 = arith.constant 0 : i32
    %dma_start3A_800 = tpu.memref_slice %arg5[%dma_start3A_797, %dma_start3A_798, %dma_start3A_799] : memref<32x5x64xi32, #tpu.memory_space<vmem>> -> memref<1x1x64xi32, #tpu.memory_space<vmem>>
    %dma_start3A_801 = tpu.memref_squeeze %dma_start3A_800 : memref<1x1x64xi32, #tpu.memory_space<vmem>> -> memref<64xi32, #tpu.memory_space<vmem>>
    %dma_start3A_802 = arith.constant 0 : i32
    %dma_start3A_803 = arith.constant 0 : i32
    %dma_start3A_804 = tpu.memref_slice %arg6[%dma_start3A_802, %dma_start3A_803] : memref<10240x128xf32, #tpu.memory_space<vmem_shared>> -> memref<10240x128xf32, #tpu.memory_space<vmem_shared>>
    tpu.enqueue_indirect_dma source(%dma_start3A_804 : memref<10240x128xf32, #tpu.memory_space<vmem_shared>>) target(%arg7 : memref<64x128xf32, #tpu.memory_space<vmem>>) offsets(%dma_start3A_801 : memref<64xi32, #tpu.memory_space<vmem>>) semaphore(%arg9 : memref<!tpu.dma_semaphore, #tpu.memory_space<semaphore_mem>>) {add = true}
    %dma_start3A_805 = arith.constant 2 : i32
    %dma_start3A_806 = arith.constant 2 : i32
    %dma_start3A_807 = arith.constant 0 : i32
    %dma_start3A_808 = tpu.memref_slice %arg5[%dma_start3A_805, %dma_start3A_806, %dma_start3A_807] : memref<32x5x64xi32, #tpu.memory_space<vmem>> -> memref<1x1x64xi32, #tpu.memory_space<vmem>>
    %dma_start3A_809 = tpu.memref_squeeze %dma_start3A_808 : memref<1x1x64xi32, #tpu.memory_space<vmem>> -> memref<64xi32, #tpu.memory_space<vmem>>
    %dma_start3A_810 = arith.constant 0 : i32
    %dma_start3A_811 = arith.constant 0 : i32
    %dma_start3A_812 = tpu.memref_slice %arg6[%dma_start3A_810, %dma_start3A_811] : memref<10240x128xf32, #tpu.memory_space<vmem_shared>> -> memref<10240x128xf32, #tpu.memory_space<vmem_shared>>
    tpu.enqueue_indirect_dma source(%dma_start3A_812 : memref<10240x128xf32, #tpu.memory_space<vmem_shared>>) target(%arg7 : memref<64x128xf32, #tpu.memory_space<vmem>>) offsets(%dma_start3A_809 : memref<64xi32, #tpu.memory_space<vmem>>) semaphore(%arg9 : memref<!tpu.dma_semaphore, #tpu.memory_space<semaphore_mem>>) {add = true}
    %dma_start3A_813 = arith.constant 3 : i32
    %dma_start3A_814 = arith.constant 2 : i32
    %dma_start3A_815 = arith.constant 0 : i32
    %dma_start3A_816 = tpu.memref_slice %arg5[%dma_start3A_813, %dma_start3A_814, %dma_start3A_815] : memref<32x5x64xi32, #tpu.memory_space<vmem>> -> memref<1x1x64xi32, #tpu.memory_space<vmem>>
    %dma_start3A_817 = tpu.memref_squeeze %dma_start3A_816 : memref<1x1x64xi32, #tpu.memory_space<vmem>> -> memref<64xi32, #tpu.memory_space<vmem>>
    %dma_start3A_818 = arith.constant 0 : i32
    %dma_start3A_819 = arith.constant 0 : i32
    %dma_start3A_820 = tpu.memref_slice %arg6[%dma_start3A_818, %dma_start3A_819] : memref<10240x128xf32, #tpu.memory_space<vmem_shared>> -> memref<10240x128xf32, #tpu.memory_space<vmem_shared>>
    tpu.enqueue_indirect_dma source(%dma_start3A_820 : memref<10240x128xf32, #tpu.memory_space<vmem_shared>>) target(%arg7 : memref<64x128xf32, #tpu.memory_space<vmem>>) offsets(%dma_start3A_817 : memref<64xi32, #tpu.memory_space<vmem>>) semaphore(%arg9 : memref<!tpu.dma_semaphore, #tpu.memory_space<semaphore_mem>>) {add = true}
    %dma_start3A_821 = arith.constant 4 : i32
    %dma_start3A_822 = arith.constant 2 : i32
    %dma_start3A_823 = arith.constant 0 : i32
    %dma_start3A_824 = tpu.memref_slice %arg5[%dma_start3A_821, %dma_start3A_822, %dma_start3A_823] : memref<32x5x64xi32, #tpu.memory_space<vmem>> -> memref<1x1x64xi32, #tpu.memory_space<vmem>>
    %dma_start3A_825 = tpu.memref_squeeze %dma_start3A_824 : memref<1x1x64xi32, #tpu.memory_space<vmem>> -> memref<64xi32, #tpu.memory_space<vmem>>
    %dma_start3A_826 = arith.constant 0 : i32
    %dma_start3A_827 = arith.constant 0 : i32
    %dma_start3A_828 = tpu.memref_slice %arg6[%dma_start3A_826, %dma_start3A_827] : memref<10240x128xf32, #tpu.memory_space<vmem_shared>> -> memref<10240x128xf32, #tpu.memory_space<vmem_shared>>
    tpu.enqueue_indirect_dma source(%dma_start3A_828 : memref<10240x128xf32, #tpu.memory_space<vmem_shared>>) target(%arg7 : memref<64x128xf32, #tpu.memory_space<vmem>>) offsets(%dma_start3A_825 : memref<64xi32, #tpu.memory_space<vmem>>) semaphore(%arg9 : memref<!tpu.dma_semaphore, #tpu.memory_space<semaphore_mem>>) {add = true}
    %dma_start3A_829 = arith.constant 5 : i32
    %dma_start3A_830 = arith.constant 2 : i32
    %dma_start3A_831 = arith.constant 0 : i32
    %dma_start3A_832 = tpu.memref_slice %arg5[%dma_start3A_829, %dma_start3A_830, %dma_start3A_831] : memref<32x5x64xi32, #tpu.memory_space<vmem>> -> memref<1x1x64xi32, #tpu.memory_space<vmem>>
    %dma_start3A_833 = tpu.memref_squeeze %dma_start3A_832 : memref<1x1x64xi32, #tpu.memory_space<vmem>> -> memref<64xi32, #tpu.memory_space<vmem>>
    %dma_start3A_834 = arith.constant 0 : i32
    %dma_start3A_835 = arith.constant 0 : i32
    %dma_start3A_836 = tpu.memref_slice %arg6[%dma_start3A_834, %dma_start3A_835] : memref<10240x128xf32, #tpu.memory_space<vmem_shared>> -> memref<10240x128xf32, #tpu.memory_space<vmem_shared>>
    tpu.enqueue_indirect_dma source(%dma_start3A_836 : memref<10240x128xf32, #tpu.memory_space<vmem_shared>>) target(%arg7 : memref<64x128xf32, #tpu.memory_space<vmem>>) offsets(%dma_start3A_833 : memref<64xi32, #tpu.memory_space<vmem>>) semaphore(%arg9 : memref<!tpu.dma_semaphore, #tpu.memory_space<semaphore_mem>>) {add = true}
    %dma_start3A_837 = arith.constant 6 : i32
    %dma_start3A_838 = arith.constant 2 : i32
    %dma_start3A_839 = arith.constant 0 : i32
    %dma_start3A_840 = tpu.memref_slice %arg5[%dma_start3A_837, %dma_start3A_838, %dma_start3A_839] : memref<32x5x64xi32, #tpu.memory_space<vmem>> -> memref<1x1x64xi32, #tpu.memory_space<vmem>>
    %dma_start3A_841 = tpu.memref_squeeze %dma_start3A_840 : memref<1x1x64xi32, #tpu.memory_space<vmem>> -> memref<64xi32, #tpu.memory_space<vmem>>
    %dma_start3A_842 = arith.constant 0 : i32
    %dma_start3A_843 = arith.constant 0 : i32
    %dma_start3A_844 = tpu.memref_slice %arg6[%dma_start3A_842, %dma_start3A_843] : memref<10240x128xf32, #tpu.memory_space<vmem_shared>> -> memref<10240x128xf32, #tpu.memory_space<vmem_shared>>
    tpu.enqueue_indirect_dma source(%dma_start3A_844 : memref<10240x128xf32, #tpu.memory_space<vmem_shared>>) target(%arg7 : memref<64x128xf32, #tpu.memory_space<vmem>>) offsets(%dma_start3A_841 : memref<64xi32, #tpu.memory_space<vmem>>) semaphore(%arg9 : memref<!tpu.dma_semaphore, #tpu.memory_space<semaphore_mem>>) {add = true}
    %dma_start3A_845 = arith.constant 7 : i32
    %dma_start3A_846 = arith.constant 2 : i32
    %dma_start3A_847 = arith.constant 0 : i32
    %dma_start3A_848 = tpu.memref_slice %arg5[%dma_start3A_845, %dma_start3A_846, %dma_start3A_847] : memref<32x5x64xi32, #tpu.memory_space<vmem>> -> memref<1x1x64xi32, #tpu.memory_space<vmem>>
    %dma_start3A_849 = tpu.memref_squeeze %dma_start3A_848 : memref<1x1x64xi32, #tpu.memory_space<vmem>> -> memref<64xi32, #tpu.memory_space<vmem>>
    %dma_start3A_850 = arith.constant 0 : i32
    %dma_start3A_851 = arith.constant 0 : i32
    %dma_start3A_852 = tpu.memref_slice %arg6[%dma_start3A_850, %dma_start3A_851] : memref<10240x128xf32, #tpu.memory_space<vmem_shared>> -> memref<10240x128xf32, #tpu.memory_space<vmem_shared>>
    tpu.enqueue_indirect_dma source(%dma_start3A_852 : memref<10240x128xf32, #tpu.memory_space<vmem_shared>>) target(%arg7 : memref<64x128xf32, #tpu.memory_space<vmem>>) offsets(%dma_start3A_849 : memref<64xi32, #tpu.memory_space<vmem>>) semaphore(%arg9 : memref<!tpu.dma_semaphore, #tpu.memory_space<semaphore_mem>>) {add = true}
    %dma_start3A_853 = arith.constant 8 : i32
    %dma_start3A_854 = arith.constant 2 : i32
    %dma_start3A_855 = arith.constant 0 : i32
    %dma_start3A_856 = tpu.memref_slice %arg5[%dma_start3A_853, %dma_start3A_854, %dma_start3A_855] : memref<32x5x64xi32, #tpu.memory_space<vmem>> -> memref<1x1x64xi32, #tpu.memory_space<vmem>>
    %dma_start3A_857 = tpu.memref_squeeze %dma_start3A_856 : memref<1x1x64xi32, #tpu.memory_space<vmem>> -> memref<64xi32, #tpu.memory_space<vmem>>
    %dma_start3A_858 = arith.constant 0 : i32
    %dma_start3A_859 = arith.constant 0 : i32
    %dma_start3A_860 = tpu.memref_slice %arg6[%dma_start3A_858, %dma_start3A_859] : memref<10240x128xf32, #tpu.memory_space<vmem_shared>> -> memref<10240x128xf32, #tpu.memory_space<vmem_shared>>
    tpu.enqueue_indirect_dma source(%dma_start3A_860 : memref<10240x128xf32, #tpu.memory_space<vmem_shared>>) target(%arg7 : memref<64x128xf32, #tpu.memory_space<vmem>>) offsets(%dma_start3A_857 : memref<64xi32, #tpu.memory_space<vmem>>) semaphore(%arg9 : memref<!tpu.dma_semaphore, #tpu.memory_space<semaphore_mem>>) {add = true}
    %dma_start3A_861 = arith.constant 9 : i32
    %dma_start3A_862 = arith.constant 2 : i32
    %dma_start3A_863 = arith.constant 0 : i32
    %dma_start3A_864 = tpu.memref_slice %arg5[%dma_start3A_861, %dma_start3A_862, %dma_start3A_863] : memref<32x5x64xi32, #tpu.memory_space<vmem>> -> memref<1x1x64xi32, #tpu.memory_space<vmem>>
    %dma_start3A_865 = tpu.memref_squeeze %dma_start3A_864 : memref<1x1x64xi32, #tpu.memory_space<vmem>> -> memref<64xi32, #tpu.memory_space<vmem>>
    %dma_start3A_866 = arith.constant 0 : i32
    %dma_start3A_867 = arith.constant 0 : i32
    %dma_start3A_868 = tpu.memref_slice %arg6[%dma_start3A_866, %dma_start3A_867] : memref<10240x128xf32, #tpu.memory_space<vmem_shared>> -> memref<10240x128xf32, #tpu.memory_space<vmem_shared>>
    tpu.enqueue_indirect_dma source(%dma_start3A_868 : memref<10240x128xf32, #tpu.memory_space<vmem_shared>>) target(%arg7 : memref<64x128xf32, #tpu.memory_space<vmem>>) offsets(%dma_start3A_865 : memref<64xi32, #tpu.memory_space<vmem>>) semaphore(%arg9 : memref<!tpu.dma_semaphore, #tpu.memory_space<semaphore_mem>>) {add = true}
    %dma_start3A_869 = arith.constant 10 : i32
    %dma_start3A_870 = arith.constant 2 : i32
    %dma_start3A_871 = arith.constant 0 : i32
    %dma_start3A_872 = tpu.memref_slice %arg5[%dma_start3A_869, %dma_start3A_870, %dma_start3A_871] : memref<32x5x64xi32, #tpu.memory_space<vmem>> -> memref<1x1x64xi32, #tpu.memory_space<vmem>>
    %dma_start3A_873 = tpu.memref_squeeze %dma_start3A_872 : memref<1x1x64xi32, #tpu.memory_space<vmem>> -> memref<64xi32, #tpu.memory_space<vmem>>
    %dma_start3A_874 = arith.constant 0 : i32
    %dma_start3A_875 = arith.constant 0 : i32
    %dma_start3A_876 = tpu.memref_slice %arg6[%dma_start3A_874, %dma_start3A_875] : memref<10240x128xf32, #tpu.memory_space<vmem_shared>> -> memref<10240x128xf32, #tpu.memory_space<vmem_shared>>
    tpu.enqueue_indirect_dma source(%dma_start3A_876 : memref<10240x128xf32, #tpu.memory_space<vmem_shared>>) target(%arg7 : memref<64x128xf32, #tpu.memory_space<vmem>>) offsets(%dma_start3A_873 : memref<64xi32, #tpu.memory_space<vmem>>) semaphore(%arg9 : memref<!tpu.dma_semaphore, #tpu.memory_space<semaphore_mem>>) {add = true}
    %dma_start3A_877 = arith.constant 11 : i32
    %dma_start3A_878 = arith.constant 2 : i32
    %dma_start3A_879 = arith.constant 0 : i32
    %dma_start3A_880 = tpu.memref_slice %arg5[%dma_start3A_877, %dma_start3A_878, %dma_start3A_879] : memref<32x5x64xi32, #tpu.memory_space<vmem>> -> memref<1x1x64xi32, #tpu.memory_space<vmem>>
    %dma_start3A_881 = tpu.memref_squeeze %dma_start3A_880 : memref<1x1x64xi32, #tpu.memory_space<vmem>> -> memref<64xi32, #tpu.memory_space<vmem>>
    %dma_start3A_882 = arith.constant 0 : i32
    %dma_start3A_883 = arith.constant 0 : i32
    %dma_start3A_884 = tpu.memref_slice %arg6[%dma_start3A_882, %dma_start3A_883] : memref<10240x128xf32, #tpu.memory_space<vmem_shared>> -> memref<10240x128xf32, #tpu.memory_space<vmem_shared>>
    tpu.enqueue_indirect_dma source(%dma_start3A_884 : memref<10240x128xf32, #tpu.memory_space<vmem_shared>>) target(%arg7 : memref<64x128xf32, #tpu.memory_space<vmem>>) offsets(%dma_start3A_881 : memref<64xi32, #tpu.memory_space<vmem>>) semaphore(%arg9 : memref<!tpu.dma_semaphore, #tpu.memory_space<semaphore_mem>>) {add = true}
    %dma_start3A_885 = arith.constant 12 : i32
    %dma_start3A_886 = arith.constant 2 : i32
    %dma_start3A_887 = arith.constant 0 : i32
    %dma_start3A_888 = tpu.memref_slice %arg5[%dma_start3A_885, %dma_start3A_886, %dma_start3A_887] : memref<32x5x64xi32, #tpu.memory_space<vmem>> -> memref<1x1x64xi32, #tpu.memory_space<vmem>>
    %dma_start3A_889 = tpu.memref_squeeze %dma_start3A_888 : memref<1x1x64xi32, #tpu.memory_space<vmem>> -> memref<64xi32, #tpu.memory_space<vmem>>
    %dma_start3A_890 = arith.constant 0 : i32
    %dma_start3A_891 = arith.constant 0 : i32
    %dma_start3A_892 = tpu.memref_slice %arg6[%dma_start3A_890, %dma_start3A_891] : memref<10240x128xf32, #tpu.memory_space<vmem_shared>> -> memref<10240x128xf32, #tpu.memory_space<vmem_shared>>
    tpu.enqueue_indirect_dma source(%dma_start3A_892 : memref<10240x128xf32, #tpu.memory_space<vmem_shared>>) target(%arg7 : memref<64x128xf32, #tpu.memory_space<vmem>>) offsets(%dma_start3A_889 : memref<64xi32, #tpu.memory_space<vmem>>) semaphore(%arg9 : memref<!tpu.dma_semaphore, #tpu.memory_space<semaphore_mem>>) {add = true}
    %dma_start3A_893 = arith.constant 13 : i32
    %dma_start3A_894 = arith.constant 2 : i32
    %dma_start3A_895 = arith.constant 0 : i32
    %dma_start3A_896 = tpu.memref_slice %arg5[%dma_start3A_893, %dma_start3A_894, %dma_start3A_895] : memref<32x5x64xi32, #tpu.memory_space<vmem>> -> memref<1x1x64xi32, #tpu.memory_space<vmem>>
    %dma_start3A_897 = tpu.memref_squeeze %dma_start3A_896 : memref<1x1x64xi32, #tpu.memory_space<vmem>> -> memref<64xi32, #tpu.memory_space<vmem>>
    %dma_start3A_898 = arith.constant 0 : i32
    %dma_start3A_899 = arith.constant 0 : i32
    %dma_start3A_900 = tpu.memref_slice %arg6[%dma_start3A_898, %dma_start3A_899] : memref<10240x128xf32, #tpu.memory_space<vmem_shared>> -> memref<10240x128xf32, #tpu.memory_space<vmem_shared>>
    tpu.enqueue_indirect_dma source(%dma_start3A_900 : memref<10240x128xf32, #tpu.memory_space<vmem_shared>>) target(%arg7 : memref<64x128xf32, #tpu.memory_space<vmem>>) offsets(%dma_start3A_897 : memref<64xi32, #tpu.memory_space<vmem>>) semaphore(%arg9 : memref<!tpu.dma_semaphore, #tpu.memory_space<semaphore_mem>>) {add = true}
    %dma_start3A_901 = arith.constant 14 : i32
    %dma_start3A_902 = arith.constant 2 : i32
    %dma_start3A_903 = arith.constant 0 : i32
    %dma_start3A_904 = tpu.memref_slice %arg5[%dma_start3A_901, %dma_start3A_902, %dma_start3A_903] : memref<32x5x64xi32, #tpu.memory_space<vmem>> -> memref<1x1x64xi32, #tpu.memory_space<vmem>>
    %dma_start3A_905 = tpu.memref_squeeze %dma_start3A_904 : memref<1x1x64xi32, #tpu.memory_space<vmem>> -> memref<64xi32, #tpu.memory_space<vmem>>
    %dma_start3A_906 = arith.constant 0 : i32
    %dma_start3A_907 = arith.constant 0 : i32
    %dma_start3A_908 = tpu.memref_slice %arg6[%dma_start3A_906, %dma_start3A_907] : memref<10240x128xf32, #tpu.memory_space<vmem_shared>> -> memref<10240x128xf32, #tpu.memory_space<vmem_shared>>
    tpu.enqueue_indirect_dma source(%dma_start3A_908 : memref<10240x128xf32, #tpu.memory_space<vmem_shared>>) target(%arg7 : memref<64x128xf32, #tpu.memory_space<vmem>>) offsets(%dma_start3A_905 : memref<64xi32, #tpu.memory_space<vmem>>) semaphore(%arg9 : memref<!tpu.dma_semaphore, #tpu.memory_space<semaphore_mem>>) {add = true}
    %dma_start3A_909 = arith.constant 15 : i32
    %dma_start3A_910 = arith.constant 2 : i32
    %dma_start3A_911 = arith.constant 0 : i32
    %dma_start3A_912 = tpu.memref_slice %arg5[%dma_start3A_909, %dma_start3A_910, %dma_start3A_911] : memref<32x5x64xi32, #tpu.memory_space<vmem>> -> memref<1x1x64xi32, #tpu.memory_space<vmem>>
    %dma_start3A_913 = tpu.memref_squeeze %dma_start3A_912 : memref<1x1x64xi32, #tpu.memory_space<vmem>> -> memref<64xi32, #tpu.memory_space<vmem>>
    %dma_start3A_914 = arith.constant 0 : i32
    %dma_start3A_915 = arith.constant 0 : i32
    %dma_start3A_916 = tpu.memref_slice %arg6[%dma_start3A_914, %dma_start3A_915] : memref<10240x128xf32, #tpu.memory_space<vmem_shared>> -> memref<10240x128xf32, #tpu.memory_space<vmem_shared>>
    tpu.enqueue_indirect_dma source(%dma_start3A_916 : memref<10240x128xf32, #tpu.memory_space<vmem_shared>>) target(%arg7 : memref<64x128xf32, #tpu.memory_space<vmem>>) offsets(%dma_start3A_913 : memref<64xi32, #tpu.memory_space<vmem>>) semaphore(%arg9 : memref<!tpu.dma_semaphore, #tpu.memory_space<semaphore_mem>>) {add = true}
    %dma_start3A_917 = arith.constant 16 : i32
    %dma_start3A_918 = arith.constant 2 : i32
    %dma_start3A_919 = arith.constant 0 : i32
    %dma_start3A_920 = tpu.memref_slice %arg5[%dma_start3A_917, %dma_start3A_918, %dma_start3A_919] : memref<32x5x64xi32, #tpu.memory_space<vmem>> -> memref<1x1x64xi32, #tpu.memory_space<vmem>>
    %dma_start3A_921 = tpu.memref_squeeze %dma_start3A_920 : memref<1x1x64xi32, #tpu.memory_space<vmem>> -> memref<64xi32, #tpu.memory_space<vmem>>
    %dma_start3A_922 = arith.constant 0 : i32
    %dma_start3A_923 = arith.constant 0 : i32
    %dma_start3A_924 = tpu.memref_slice %arg6[%dma_start3A_922, %dma_start3A_923] : memref<10240x128xf32, #tpu.memory_space<vmem_shared>> -> memref<10240x128xf32, #tpu.memory_space<vmem_shared>>
    tpu.enqueue_indirect_dma source(%dma_start3A_924 : memref<10240x128xf32, #tpu.memory_space<vmem_shared>>) target(%arg7 : memref<64x128xf32, #tpu.memory_space<vmem>>) offsets(%dma_start3A_921 : memref<64xi32, #tpu.memory_space<vmem>>) semaphore(%arg9 : memref<!tpu.dma_semaphore, #tpu.memory_space<semaphore_mem>>) {add = true}
    %dma_start3A_925 = arith.constant 17 : i32
    %dma_start3A_926 = arith.constant 2 : i32
    %dma_start3A_927 = arith.constant 0 : i32
    %dma_start3A_928 = tpu.memref_slice %arg5[%dma_start3A_925, %dma_start3A_926, %dma_start3A_927] : memref<32x5x64xi32, #tpu.memory_space<vmem>> -> memref<1x1x64xi32, #tpu.memory_space<vmem>>
    %dma_start3A_929 = tpu.memref_squeeze %dma_start3A_928 : memref<1x1x64xi32, #tpu.memory_space<vmem>> -> memref<64xi32, #tpu.memory_space<vmem>>
    %dma_start3A_930 = arith.constant 0 : i32
    %dma_start3A_931 = arith.constant 0 : i32
    %dma_start3A_932 = tpu.memref_slice %arg6[%dma_start3A_930, %dma_start3A_931] : memref<10240x128xf32, #tpu.memory_space<vmem_shared>> -> memref<10240x128xf32, #tpu.memory_space<vmem_shared>>
    tpu.enqueue_indirect_dma source(%dma_start3A_932 : memref<10240x128xf32, #tpu.memory_space<vmem_shared>>) target(%arg7 : memref<64x128xf32, #tpu.memory_space<vmem>>) offsets(%dma_start3A_929 : memref<64xi32, #tpu.memory_space<vmem>>) semaphore(%arg9 : memref<!tpu.dma_semaphore, #tpu.memory_space<semaphore_mem>>) {add = true}
    %dma_start3A_933 = arith.constant 18 : i32
    %dma_start3A_934 = arith.constant 2 : i32
    %dma_start3A_935 = arith.constant 0 : i32
    %dma_start3A_936 = tpu.memref_slice %arg5[%dma_start3A_933, %dma_start3A_934, %dma_start3A_935] : memref<32x5x64xi32, #tpu.memory_space<vmem>> -> memref<1x1x64xi32, #tpu.memory_space<vmem>>
    %dma_start3A_937 = tpu.memref_squeeze %dma_start3A_936 : memref<1x1x64xi32, #tpu.memory_space<vmem>> -> memref<64xi32, #tpu.memory_space<vmem>>
    %dma_start3A_938 = arith.constant 0 : i32
    %dma_start3A_939 = arith.constant 0 : i32
    %dma_start3A_940 = tpu.memref_slice %arg6[%dma_start3A_938, %dma_start3A_939] : memref<10240x128xf32, #tpu.memory_space<vmem_shared>> -> memref<10240x128xf32, #tpu.memory_space<vmem_shared>>
    tpu.enqueue_indirect_dma source(%dma_start3A_940 : memref<10240x128xf32, #tpu.memory_space<vmem_shared>>) target(%arg7 : memref<64x128xf32, #tpu.memory_space<vmem>>) offsets(%dma_start3A_937 : memref<64xi32, #tpu.memory_space<vmem>>) semaphore(%arg9 : memref<!tpu.dma_semaphore, #tpu.memory_space<semaphore_mem>>) {add = true}
    %dma_start3A_941 = arith.constant 19 : i32
    %dma_start3A_942 = arith.constant 2 : i32
    %dma_start3A_943 = arith.constant 0 : i32
    %dma_start3A_944 = tpu.memref_slice %arg5[%dma_start3A_941, %dma_start3A_942, %dma_start3A_943] : memref<32x5x64xi32, #tpu.memory_space<vmem>> -> memref<1x1x64xi32, #tpu.memory_space<vmem>>
    %dma_start3A_945 = tpu.memref_squeeze %dma_start3A_944 : memref<1x1x64xi32, #tpu.memory_space<vmem>> -> memref<64xi32, #tpu.memory_space<vmem>>
    %dma_start3A_946 = arith.constant 0 : i32
    %dma_start3A_947 = arith.constant 0 : i32
    %dma_start3A_948 = tpu.memref_slice %arg6[%dma_start3A_946, %dma_start3A_947] : memref<10240x128xf32, #tpu.memory_space<vmem_shared>> -> memref<10240x128xf32, #tpu.memory_space<vmem_shared>>
    tpu.enqueue_indirect_dma source(%dma_start3A_948 : memref<10240x128xf32, #tpu.memory_space<vmem_shared>>) target(%arg7 : memref<64x128xf32, #tpu.memory_space<vmem>>) offsets(%dma_start3A_945 : memref<64xi32, #tpu.memory_space<vmem>>) semaphore(%arg9 : memref<!tpu.dma_semaphore, #tpu.memory_space<semaphore_mem>>) {add = true}
    %dma_start3A_949 = arith.constant 20 : i32
    %dma_start3A_950 = arith.constant 2 : i32
    %dma_start3A_951 = arith.constant 0 : i32
    %dma_start3A_952 = tpu.memref_slice %arg5[%dma_start3A_949, %dma_start3A_950, %dma_start3A_951] : memref<32x5x64xi32, #tpu.memory_space<vmem>> -> memref<1x1x64xi32, #tpu.memory_space<vmem>>
    %dma_start3A_953 = tpu.memref_squeeze %dma_start3A_952 : memref<1x1x64xi32, #tpu.memory_space<vmem>> -> memref<64xi32, #tpu.memory_space<vmem>>
    %dma_start3A_954 = arith.constant 0 : i32
    %dma_start3A_955 = arith.constant 0 : i32
    %dma_start3A_956 = tpu.memref_slice %arg6[%dma_start3A_954, %dma_start3A_955] : memref<10240x128xf32, #tpu.memory_space<vmem_shared>> -> memref<10240x128xf32, #tpu.memory_space<vmem_shared>>
    tpu.enqueue_indirect_dma source(%dma_start3A_956 : memref<10240x128xf32, #tpu.memory_space<vmem_shared>>) target(%arg7 : memref<64x128xf32, #tpu.memory_space<vmem>>) offsets(%dma_start3A_953 : memref<64xi32, #tpu.memory_space<vmem>>) semaphore(%arg9 : memref<!tpu.dma_semaphore, #tpu.memory_space<semaphore_mem>>) {add = true}
    %dma_start3A_957 = arith.constant 21 : i32
    %dma_start3A_958 = arith.constant 2 : i32
    %dma_start3A_959 = arith.constant 0 : i32
    %dma_start3A_960 = tpu.memref_slice %arg5[%dma_start3A_957, %dma_start3A_958, %dma_start3A_959] : memref<32x5x64xi32, #tpu.memory_space<vmem>> -> memref<1x1x64xi32, #tpu.memory_space<vmem>>
    %dma_start3A_961 = tpu.memref_squeeze %dma_start3A_960 : memref<1x1x64xi32, #tpu.memory_space<vmem>> -> memref<64xi32, #tpu.memory_space<vmem>>
    %dma_start3A_962 = arith.constant 0 : i32
    %dma_start3A_963 = arith.constant 0 : i32
    %dma_start3A_964 = tpu.memref_slice %arg6[%dma_start3A_962, %dma_start3A_963] : memref<10240x128xf32, #tpu.memory_space<vmem_shared>> -> memref<10240x128xf32, #tpu.memory_space<vmem_shared>>
    tpu.enqueue_indirect_dma source(%dma_start3A_964 : memref<10240x128xf32, #tpu.memory_space<vmem_shared>>) target(%arg7 : memref<64x128xf32, #tpu.memory_space<vmem>>) offsets(%dma_start3A_961 : memref<64xi32, #tpu.memory_space<vmem>>) semaphore(%arg9 : memref<!tpu.dma_semaphore, #tpu.memory_space<semaphore_mem>>) {add = true}
    %dma_start3A_965 = arith.constant 22 : i32
    %dma_start3A_966 = arith.constant 2 : i32
    %dma_start3A_967 = arith.constant 0 : i32
    %dma_start3A_968 = tpu.memref_slice %arg5[%dma_start3A_965, %dma_start3A_966, %dma_start3A_967] : memref<32x5x64xi32, #tpu.memory_space<vmem>> -> memref<1x1x64xi32, #tpu.memory_space<vmem>>
    %dma_start3A_969 = tpu.memref_squeeze %dma_start3A_968 : memref<1x1x64xi32, #tpu.memory_space<vmem>> -> memref<64xi32, #tpu.memory_space<vmem>>
    %dma_start3A_970 = arith.constant 0 : i32
    %dma_start3A_971 = arith.constant 0 : i32
    %dma_start3A_972 = tpu.memref_slice %arg6[%dma_start3A_970, %dma_start3A_971] : memref<10240x128xf32, #tpu.memory_space<vmem_shared>> -> memref<10240x128xf32, #tpu.memory_space<vmem_shared>>
    tpu.enqueue_indirect_dma source(%dma_start3A_972 : memref<10240x128xf32, #tpu.memory_space<vmem_shared>>) target(%arg7 : memref<64x128xf32, #tpu.memory_space<vmem>>) offsets(%dma_start3A_969 : memref<64xi32, #tpu.memory_space<vmem>>) semaphore(%arg9 : memref<!tpu.dma_semaphore, #tpu.memory_space<semaphore_mem>>) {add = true}
    %dma_start3A_973 = arith.constant 23 : i32
    %dma_start3A_974 = arith.constant 2 : i32
    %dma_start3A_975 = arith.constant 0 : i32
    %dma_start3A_976 = tpu.memref_slice %arg5[%dma_start3A_973, %dma_start3A_974, %dma_start3A_975] : memref<32x5x64xi32, #tpu.memory_space<vmem>> -> memref<1x1x64xi32, #tpu.memory_space<vmem>>
    %dma_start3A_977 = tpu.memref_squeeze %dma_start3A_976 : memref<1x1x64xi32, #tpu.memory_space<vmem>> -> memref<64xi32, #tpu.memory_space<vmem>>
    %dma_start3A_978 = arith.constant 0 : i32
    %dma_start3A_979 = arith.constant 0 : i32
    %dma_start3A_980 = tpu.memref_slice %arg6[%dma_start3A_978, %dma_start3A_979] : memref<10240x128xf32, #tpu.memory_space<vmem_shared>> -> memref<10240x128xf32, #tpu.memory_space<vmem_shared>>
    tpu.enqueue_indirect_dma source(%dma_start3A_980 : memref<10240x128xf32, #tpu.memory_space<vmem_shared>>) target(%arg7 : memref<64x128xf32, #tpu.memory_space<vmem>>) offsets(%dma_start3A_977 : memref<64xi32, #tpu.memory_space<vmem>>) semaphore(%arg9 : memref<!tpu.dma_semaphore, #tpu.memory_space<semaphore_mem>>) {add = true}
    %dma_start3A_981 = arith.constant 24 : i32
    %dma_start3A_982 = arith.constant 2 : i32
    %dma_start3A_983 = arith.constant 0 : i32
    %dma_start3A_984 = tpu.memref_slice %arg5[%dma_start3A_981, %dma_start3A_982, %dma_start3A_983] : memref<32x5x64xi32, #tpu.memory_space<vmem>> -> memref<1x1x64xi32, #tpu.memory_space<vmem>>
    %dma_start3A_985 = tpu.memref_squeeze %dma_start3A_984 : memref<1x1x64xi32, #tpu.memory_space<vmem>> -> memref<64xi32, #tpu.memory_space<vmem>>
    %dma_start3A_986 = arith.constant 0 : i32
    %dma_start3A_987 = arith.constant 0 : i32
    %dma_start3A_988 = tpu.memref_slice %arg6[%dma_start3A_986, %dma_start3A_987] : memref<10240x128xf32, #tpu.memory_space<vmem_shared>> -> memref<10240x128xf32, #tpu.memory_space<vmem_shared>>
    tpu.enqueue_indirect_dma source(%dma_start3A_988 : memref<10240x128xf32, #tpu.memory_space<vmem_shared>>) target(%arg7 : memref<64x128xf32, #tpu.memory_space<vmem>>) offsets(%dma_start3A_985 : memref<64xi32, #tpu.memory_space<vmem>>) semaphore(%arg9 : memref<!tpu.dma_semaphore, #tpu.memory_space<semaphore_mem>>) {add = true}
    %dma_start3A_989 = arith.constant 25 : i32
    %dma_start3A_990 = arith.constant 2 : i32
    %dma_start3A_991 = arith.constant 0 : i32
    %dma_start3A_992 = tpu.memref_slice %arg5[%dma_start3A_989, %dma_start3A_990, %dma_start3A_991] : memref<32x5x64xi32, #tpu.memory_space<vmem>> -> memref<1x1x64xi32, #tpu.memory_space<vmem>>
    %dma_start3A_993 = tpu.memref_squeeze %dma_start3A_992 : memref<1x1x64xi32, #tpu.memory_space<vmem>> -> memref<64xi32, #tpu.memory_space<vmem>>
    %dma_start3A_994 = arith.constant 0 : i32
    %dma_start3A_995 = arith.constant 0 : i32
    %dma_start3A_996 = tpu.memref_slice %arg6[%dma_start3A_994, %dma_start3A_995] : memref<10240x128xf32, #tpu.memory_space<vmem_shared>> -> memref<10240x128xf32, #tpu.memory_space<vmem_shared>>
    tpu.enqueue_indirect_dma source(%dma_start3A_996 : memref<10240x128xf32, #tpu.memory_space<vmem_shared>>) target(%arg7 : memref<64x128xf32, #tpu.memory_space<vmem>>) offsets(%dma_start3A_993 : memref<64xi32, #tpu.memory_space<vmem>>) semaphore(%arg9 : memref<!tpu.dma_semaphore, #tpu.memory_space<semaphore_mem>>) {add = true}
    %dma_start3A_997 = arith.constant 26 : i32
    %dma_start3A_998 = arith.constant 2 : i32
    %dma_start3A_999 = arith.constant 0 : i32
    %dma_start3A_1000 = tpu.memref_slice %arg5[%dma_start3A_997, %dma_start3A_998, %dma_start3A_999] : memref<32x5x64xi32, #tpu.memory_space<vmem>> -> memref<1x1x64xi32, #tpu.memory_space<vmem>>
    %dma_start3A_1001 = tpu.memref_squeeze %dma_start3A_1000 : memref<1x1x64xi32, #tpu.memory_space<vmem>> -> memref<64xi32, #tpu.memory_space<vmem>>
    %dma_start3A_1002 = arith.constant 0 : i32
    %dma_start3A_1003 = arith.constant 0 : i32
    %dma_start3A_1004 = tpu.memref_slice %arg6[%dma_start3A_1002, %dma_start3A_1003] : memref<10240x128xf32, #tpu.memory_space<vmem_shared>> -> memref<10240x128xf32, #tpu.memory_space<vmem_shared>>
    tpu.enqueue_indirect_dma source(%dma_start3A_1004 : memref<10240x128xf32, #tpu.memory_space<vmem_shared>>) target(%arg7 : memref<64x128xf32, #tpu.memory_space<vmem>>) offsets(%dma_start3A_1001 : memref<64xi32, #tpu.memory_space<vmem>>) semaphore(%arg9 : memref<!tpu.dma_semaphore, #tpu.memory_space<semaphore_mem>>) {add = true}
    %dma_start3A_1005 = arith.constant 27 : i32
    %dma_start3A_1006 = arith.constant 2 : i32
    %dma_start3A_1007 = arith.constant 0 : i32
    %dma_start3A_1008 = tpu.memref_slice %arg5[%dma_start3A_1005, %dma_start3A_1006, %dma_start3A_1007] : memref<32x5x64xi32, #tpu.memory_space<vmem>> -> memref<1x1x64xi32, #tpu.memory_space<vmem>>
    %dma_start3A_1009 = tpu.memref_squeeze %dma_start3A_1008 : memref<1x1x64xi32, #tpu.memory_space<vmem>> -> memref<64xi32, #tpu.memory_space<vmem>>
    %dma_start3A_1010 = arith.constant 0 : i32
    %dma_start3A_1011 = arith.constant 0 : i32
    %dma_start3A_1012 = tpu.memref_slice %arg6[%dma_start3A_1010, %dma_start3A_1011] : memref<10240x128xf32, #tpu.memory_space<vmem_shared>> -> memref<10240x128xf32, #tpu.memory_space<vmem_shared>>
    tpu.enqueue_indirect_dma source(%dma_start3A_1012 : memref<10240x128xf32, #tpu.memory_space<vmem_shared>>) target(%arg7 : memref<64x128xf32, #tpu.memory_space<vmem>>) offsets(%dma_start3A_1009 : memref<64xi32, #tpu.memory_space<vmem>>) semaphore(%arg9 : memref<!tpu.dma_semaphore, #tpu.memory_space<semaphore_mem>>) {add = true}
    %dma_start3A_1013 = arith.constant 28 : i32
    %dma_start3A_1014 = arith.constant 2 : i32
    %dma_start3A_1015 = arith.constant 0 : i32
    %dma_start3A_1016 = tpu.memref_slice %arg5[%dma_start3A_1013, %dma_start3A_1014, %dma_start3A_1015] : memref<32x5x64xi32, #tpu.memory_space<vmem>> -> memref<1x1x64xi32, #tpu.memory_space<vmem>>
    %dma_start3A_1017 = tpu.memref_squeeze %dma_start3A_1016 : memref<1x1x64xi32, #tpu.memory_space<vmem>> -> memref<64xi32, #tpu.memory_space<vmem>>
    %dma_start3A_1018 = arith.constant 0 : i32
    %dma_start3A_1019 = arith.constant 0 : i32
    %dma_start3A_1020 = tpu.memref_slice %arg6[%dma_start3A_1018, %dma_start3A_1019] : memref<10240x128xf32, #tpu.memory_space<vmem_shared>> -> memref<10240x128xf32, #tpu.memory_space<vmem_shared>>
    tpu.enqueue_indirect_dma source(%dma_start3A_1020 : memref<10240x128xf32, #tpu.memory_space<vmem_shared>>) target(%arg7 : memref<64x128xf32, #tpu.memory_space<vmem>>) offsets(%dma_start3A_1017 : memref<64xi32, #tpu.memory_space<vmem>>) semaphore(%arg9 : memref<!tpu.dma_semaphore, #tpu.memory_space<semaphore_mem>>) {add = true}
    %dma_start3A_1021 = arith.constant 29 : i32
    %dma_start3A_1022 = arith.constant 2 : i32
    %dma_start3A_1023 = arith.constant 0 : i32
    %dma_start3A_1024 = tpu.memref_slice %arg5[%dma_start3A_1021, %dma_start3A_1022, %dma_start3A_1023] : memref<32x5x64xi32, #tpu.memory_space<vmem>> -> memref<1x1x64xi32, #tpu.memory_space<vmem>>
    %dma_start3A_1025 = tpu.memref_squeeze %dma_start3A_1024 : memref<1x1x64xi32, #tpu.memory_space<vmem>> -> memref<64xi32, #tpu.memory_space<vmem>>
    %dma_start3A_1026 = arith.constant 0 : i32
    %dma_start3A_1027 = arith.constant 0 : i32
    %dma_start3A_1028 = tpu.memref_slice %arg6[%dma_start3A_1026, %dma_start3A_1027] : memref<10240x128xf32, #tpu.memory_space<vmem_shared>> -> memref<10240x128xf32, #tpu.memory_space<vmem_shared>>
    tpu.enqueue_indirect_dma source(%dma_start3A_1028 : memref<10240x128xf32, #tpu.memory_space<vmem_shared>>) target(%arg7 : memref<64x128xf32, #tpu.memory_space<vmem>>) offsets(%dma_start3A_1025 : memref<64xi32, #tpu.memory_space<vmem>>) semaphore(%arg9 : memref<!tpu.dma_semaphore, #tpu.memory_space<semaphore_mem>>) {add = true}
    %dma_start3A_1029 = arith.constant 30 : i32
    %dma_start3A_1030 = arith.constant 2 : i32
    %dma_start3A_1031 = arith.constant 0 : i32
    %dma_start3A_1032 = tpu.memref_slice %arg5[%dma_start3A_1029, %dma_start3A_1030, %dma_start3A_1031] : memref<32x5x64xi32, #tpu.memory_space<vmem>> -> memref<1x1x64xi32, #tpu.memory_space<vmem>>
    %dma_start3A_1033 = tpu.memref_squeeze %dma_start3A_1032 : memref<1x1x64xi32, #tpu.memory_space<vmem>> -> memref<64xi32, #tpu.memory_space<vmem>>
    %dma_start3A_1034 = arith.constant 0 : i32
    %dma_start3A_1035 = arith.constant 0 : i32
    %dma_start3A_1036 = tpu.memref_slice %arg6[%dma_start3A_1034, %dma_start3A_1035] : memref<10240x128xf32, #tpu.memory_space<vmem_shared>> -> memref<10240x128xf32, #tpu.memory_space<vmem_shared>>
    tpu.enqueue_indirect_dma source(%dma_start3A_1036 : memref<10240x128xf32, #tpu.memory_space<vmem_shared>>) target(%arg7 : memref<64x128xf32, #tpu.memory_space<vmem>>) offsets(%dma_start3A_1033 : memref<64xi32, #tpu.memory_space<vmem>>) semaphore(%arg9 : memref<!tpu.dma_semaphore, #tpu.memory_space<semaphore_mem>>) {add = true}
    %dma_start3A_1037 = arith.constant 31 : i32
    %dma_start3A_1038 = arith.constant 2 : i32
    %dma_start3A_1039 = arith.constant 0 : i32
    %dma_start3A_1040 = tpu.memref_slice %arg5[%dma_start3A_1037, %dma_start3A_1038, %dma_start3A_1039] : memref<32x5x64xi32, #tpu.memory_space<vmem>> -> memref<1x1x64xi32, #tpu.memory_space<vmem>>
    %dma_start3A_1041 = tpu.memref_squeeze %dma_start3A_1040 : memref<1x1x64xi32, #tpu.memory_space<vmem>> -> memref<64xi32, #tpu.memory_space<vmem>>
    %dma_start3A_1042 = arith.constant 0 : i32
    %dma_start3A_1043 = arith.constant 0 : i32
    %dma_start3A_1044 = tpu.memref_slice %arg6[%dma_start3A_1042, %dma_start3A_1043] : memref<10240x128xf32, #tpu.memory_space<vmem_shared>> -> memref<10240x128xf32, #tpu.memory_space<vmem_shared>>
    tpu.enqueue_indirect_dma source(%dma_start3A_1044 : memref<10240x128xf32, #tpu.memory_space<vmem_shared>>) target(%arg7 : memref<64x128xf32, #tpu.memory_space<vmem>>) offsets(%dma_start3A_1041 : memref<64xi32, #tpu.memory_space<vmem>>) semaphore(%arg9 : memref<!tpu.dma_semaphore, #tpu.memory_space<semaphore_mem>>) {add = true}
    %dma_wait3A_1045 = arith.constant 0 : i32
    %dma_wait3A_1046 = arith.constant 1 : i32
    %dma_wait3A_1047 = arith.constant 0 : i32
    %dma_wait3A_1048 = tpu.memref_slice %arg5[%dma_wait3A_1045, %dma_wait3A_1046, %dma_wait3A_1047] : memref<32x5x64xi32, #tpu.memory_space<vmem>> -> memref<1x1x64xi32, #tpu.memory_space<vmem>>
    %dma_wait3A_1049 = tpu.memref_squeeze %dma_wait3A_1048 : memref<1x1x64xi32, #tpu.memory_space<vmem>> -> memref<64xi32, #tpu.memory_space<vmem>>
    %dma_wait3A_1050 = arith.constant 0 : i32
    %dma_wait3A_1051 = arith.constant 0 : i32
    %dma_wait3A_1052 = tpu.memref_slice %arg6[%dma_wait3A_1050, %dma_wait3A_1051] : memref<10240x128xf32, #tpu.memory_space<vmem_shared>> -> memref<10240x128xf32, #tpu.memory_space<vmem_shared>>
    tpu.wait_indirect_dma semaphore(%arg10 : memref<!tpu.dma_semaphore, #tpu.memory_space<semaphore_mem>>) src(%dma_wait3A_1052 : memref<10240x128xf32, #tpu.memory_space<vmem_shared>>) dst(%arg8 : memref<64x128xf32, #tpu.memory_space<vmem>>)
    %dma_wait3A_1053 = arith.constant 1 : i32
    %dma_wait3A_1054 = arith.constant 1 : i32
    %dma_wait3A_1055 = arith.constant 0 : i32
    %dma_wait3A_1056 = tpu.memref_slice %arg5[%dma_wait3A_1053, %dma_wait3A_1054, %dma_wait3A_1055] : memref<32x5x64xi32, #tpu.memory_space<vmem>> -> memref<1x1x64xi32, #tpu.memory_space<vmem>>
    %dma_wait3A_1057 = tpu.memref_squeeze %dma_wait3A_1056 : memref<1x1x64xi32, #tpu.memory_space<vmem>> -> memref<64xi32, #tpu.memory_space<vmem>>
    %dma_wait3A_1058 = arith.constant 0 : i32
    %dma_wait3A_1059 = arith.constant 0 : i32
    %dma_wait3A_1060 = tpu.memref_slice %arg6[%dma_wait3A_1058, %dma_wait3A_1059] : memref<10240x128xf32, #tpu.memory_space<vmem_shared>> -> memref<10240x128xf32, #tpu.memory_space<vmem_shared>>
    tpu.wait_indirect_dma semaphore(%arg10 : memref<!tpu.dma_semaphore, #tpu.memory_space<semaphore_mem>>) src(%dma_wait3A_1060 : memref<10240x128xf32, #tpu.memory_space<vmem_shared>>) dst(%arg8 : memref<64x128xf32, #tpu.memory_space<vmem>>)
    %dma_wait3A_1061 = arith.constant 2 : i32
    %dma_wait3A_1062 = arith.constant 1 : i32
    %dma_wait3A_1063 = arith.constant 0 : i32
    %dma_wait3A_1064 = tpu.memref_slice %arg5[%dma_wait3A_1061, %dma_wait3A_1062, %dma_wait3A_1063] : memref<32x5x64xi32, #tpu.memory_space<vmem>> -> memref<1x1x64xi32, #tpu.memory_space<vmem>>
    %dma_wait3A_1065 = tpu.memref_squeeze %dma_wait3A_1064 : memref<1x1x64xi32, #tpu.memory_space<vmem>> -> memref<64xi32, #tpu.memory_space<vmem>>
    %dma_wait3A_1066 = arith.constant 0 : i32
    %dma_wait3A_1067 = arith.constant 0 : i32
    %dma_wait3A_1068 = tpu.memref_slice %arg6[%dma_wait3A_1066, %dma_wait3A_1067] : memref<10240x128xf32, #tpu.memory_space<vmem_shared>> -> memref<10240x128xf32, #tpu.memory_space<vmem_shared>>
    tpu.wait_indirect_dma semaphore(%arg10 : memref<!tpu.dma_semaphore, #tpu.memory_space<semaphore_mem>>) src(%dma_wait3A_1068 : memref<10240x128xf32, #tpu.memory_space<vmem_shared>>) dst(%arg8 : memref<64x128xf32, #tpu.memory_space<vmem>>)
    %dma_wait3A_1069 = arith.constant 3 : i32
    %dma_wait3A_1070 = arith.constant 1 : i32
    %dma_wait3A_1071 = arith.constant 0 : i32
    %dma_wait3A_1072 = tpu.memref_slice %arg5[%dma_wait3A_1069, %dma_wait3A_1070, %dma_wait3A_1071] : memref<32x5x64xi32, #tpu.memory_space<vmem>> -> memref<1x1x64xi32, #tpu.memory_space<vmem>>
    %dma_wait3A_1073 = tpu.memref_squeeze %dma_wait3A_1072 : memref<1x1x64xi32, #tpu.memory_space<vmem>> -> memref<64xi32, #tpu.memory_space<vmem>>
    %dma_wait3A_1074 = arith.constant 0 : i32
    %dma_wait3A_1075 = arith.constant 0 : i32
    %dma_wait3A_1076 = tpu.memref_slice %arg6[%dma_wait3A_1074, %dma_wait3A_1075] : memref<10240x128xf32, #tpu.memory_space<vmem_shared>> -> memref<10240x128xf32, #tpu.memory_space<vmem_shared>>
    tpu.wait_indirect_dma semaphore(%arg10 : memref<!tpu.dma_semaphore, #tpu.memory_space<semaphore_mem>>) src(%dma_wait3A_1076 : memref<10240x128xf32, #tpu.memory_space<vmem_shared>>) dst(%arg8 : memref<64x128xf32, #tpu.memory_space<vmem>>)
    %dma_wait3A_1077 = arith.constant 4 : i32
    %dma_wait3A_1078 = arith.constant 1 : i32
    %dma_wait3A_1079 = arith.constant 0 : i32
    %dma_wait3A_1080 = tpu.memref_slice %arg5[%dma_wait3A_1077, %dma_wait3A_1078, %dma_wait3A_1079] : memref<32x5x64xi32, #tpu.memory_space<vmem>> -> memref<1x1x64xi32, #tpu.memory_space<vmem>>
    %dma_wait3A_1081 = tpu.memref_squeeze %dma_wait3A_1080 : memref<1x1x64xi32, #tpu.memory_space<vmem>> -> memref<64xi32, #tpu.memory_space<vmem>>
    %dma_wait3A_1082 = arith.constant 0 : i32
    %dma_wait3A_1083 = arith.constant 0 : i32
    %dma_wait3A_1084 = tpu.memref_slice %arg6[%dma_wait3A_1082, %dma_wait3A_1083] : memref<10240x128xf32, #tpu.memory_space<vmem_shared>> -> memref<10240x128xf32, #tpu.memory_space<vmem_shared>>
    tpu.wait_indirect_dma semaphore(%arg10 : memref<!tpu.dma_semaphore, #tpu.memory_space<semaphore_mem>>) src(%dma_wait3A_1084 : memref<10240x128xf32, #tpu.memory_space<vmem_shared>>) dst(%arg8 : memref<64x128xf32, #tpu.memory_space<vmem>>)
    %dma_wait3A_1085 = arith.constant 5 : i32
    %dma_wait3A_1086 = arith.constant 1 : i32
    %dma_wait3A_1087 = arith.constant 0 : i32
    %dma_wait3A_1088 = tpu.memref_slice %arg5[%dma_wait3A_1085, %dma_wait3A_1086, %dma_wait3A_1087] : memref<32x5x64xi32, #tpu.memory_space<vmem>> -> memref<1x1x64xi32, #tpu.memory_space<vmem>>
    %dma_wait3A_1089 = tpu.memref_squeeze %dma_wait3A_1088 : memref<1x1x64xi32, #tpu.memory_space<vmem>> -> memref<64xi32, #tpu.memory_space<vmem>>
    %dma_wait3A_1090 = arith.constant 0 : i32
    %dma_wait3A_1091 = arith.constant 0 : i32
    %dma_wait3A_1092 = tpu.memref_slice %arg6[%dma_wait3A_1090, %dma_wait3A_1091] : memref<10240x128xf32, #tpu.memory_space<vmem_shared>> -> memref<10240x128xf32, #tpu.memory_space<vmem_shared>>
    tpu.wait_indirect_dma semaphore(%arg10 : memref<!tpu.dma_semaphore, #tpu.memory_space<semaphore_mem>>) src(%dma_wait3A_1092 : memref<10240x128xf32, #tpu.memory_space<vmem_shared>>) dst(%arg8 : memref<64x128xf32, #tpu.memory_space<vmem>>)
    %dma_wait3A_1093 = arith.constant 6 : i32
    %dma_wait3A_1094 = arith.constant 1 : i32
    %dma_wait3A_1095 = arith.constant 0 : i32
    %dma_wait3A_1096 = tpu.memref_slice %arg5[%dma_wait3A_1093, %dma_wait3A_1094, %dma_wait3A_1095] : memref<32x5x64xi32, #tpu.memory_space<vmem>> -> memref<1x1x64xi32, #tpu.memory_space<vmem>>
    %dma_wait3A_1097 = tpu.memref_squeeze %dma_wait3A_1096 : memref<1x1x64xi32, #tpu.memory_space<vmem>> -> memref<64xi32, #tpu.memory_space<vmem>>
    %dma_wait3A_1098 = arith.constant 0 : i32
    %dma_wait3A_1099 = arith.constant 0 : i32
    %dma_wait3A_1100 = tpu.memref_slice %arg6[%dma_wait3A_1098, %dma_wait3A_1099] : memref<10240x128xf32, #tpu.memory_space<vmem_shared>> -> memref<10240x128xf32, #tpu.memory_space<vmem_shared>>
    tpu.wait_indirect_dma semaphore(%arg10 : memref<!tpu.dma_semaphore, #tpu.memory_space<semaphore_mem>>) src(%dma_wait3A_1100 : memref<10240x128xf32, #tpu.memory_space<vmem_shared>>) dst(%arg8 : memref<64x128xf32, #tpu.memory_space<vmem>>)
    %dma_wait3A_1101 = arith.constant 7 : i32
    %dma_wait3A_1102 = arith.constant 1 : i32
    %dma_wait3A_1103 = arith.constant 0 : i32
    %dma_wait3A_1104 = tpu.memref_slice %arg5[%dma_wait3A_1101, %dma_wait3A_1102, %dma_wait3A_1103] : memref<32x5x64xi32, #tpu.memory_space<vmem>> -> memref<1x1x64xi32, #tpu.memory_space<vmem>>
    %dma_wait3A_1105 = tpu.memref_squeeze %dma_wait3A_1104 : memref<1x1x64xi32, #tpu.memory_space<vmem>> -> memref<64xi32, #tpu.memory_space<vmem>>
    %dma_wait3A_1106 = arith.constant 0 : i32
    %dma_wait3A_1107 = arith.constant 0 : i32
    %dma_wait3A_1108 = tpu.memref_slice %arg6[%dma_wait3A_1106, %dma_wait3A_1107] : memref<10240x128xf32, #tpu.memory_space<vmem_shared>> -> memref<10240x128xf32, #tpu.memory_space<vmem_shared>>
    tpu.wait_indirect_dma semaphore(%arg10 : memref<!tpu.dma_semaphore, #tpu.memory_space<semaphore_mem>>) src(%dma_wait3A_1108 : memref<10240x128xf32, #tpu.memory_space<vmem_shared>>) dst(%arg8 : memref<64x128xf32, #tpu.memory_space<vmem>>)
    %dma_wait3A_1109 = arith.constant 8 : i32
    %dma_wait3A_1110 = arith.constant 1 : i32
    %dma_wait3A_1111 = arith.constant 0 : i32
    %dma_wait3A_1112 = tpu.memref_slice %arg5[%dma_wait3A_1109, %dma_wait3A_1110, %dma_wait3A_1111] : memref<32x5x64xi32, #tpu.memory_space<vmem>> -> memref<1x1x64xi32, #tpu.memory_space<vmem>>
    %dma_wait3A_1113 = tpu.memref_squeeze %dma_wait3A_1112 : memref<1x1x64xi32, #tpu.memory_space<vmem>> -> memref<64xi32, #tpu.memory_space<vmem>>
    %dma_wait3A_1114 = arith.constant 0 : i32
    %dma_wait3A_1115 = arith.constant 0 : i32
    %dma_wait3A_1116 = tpu.memref_slice %arg6[%dma_wait3A_1114, %dma_wait3A_1115] : memref<10240x128xf32, #tpu.memory_space<vmem_shared>> -> memref<10240x128xf32, #tpu.memory_space<vmem_shared>>
    tpu.wait_indirect_dma semaphore(%arg10 : memref<!tpu.dma_semaphore, #tpu.memory_space<semaphore_mem>>) src(%dma_wait3A_1116 : memref<10240x128xf32, #tpu.memory_space<vmem_shared>>) dst(%arg8 : memref<64x128xf32, #tpu.memory_space<vmem>>)
    %dma_wait3A_1117 = arith.constant 9 : i32
    %dma_wait3A_1118 = arith.constant 1 : i32
    %dma_wait3A_1119 = arith.constant 0 : i32
    %dma_wait3A_1120 = tpu.memref_slice %arg5[%dma_wait3A_1117, %dma_wait3A_1118, %dma_wait3A_1119] : memref<32x5x64xi32, #tpu.memory_space<vmem>> -> memref<1x1x64xi32, #tpu.memory_space<vmem>>
    %dma_wait3A_1121 = tpu.memref_squeeze %dma_wait3A_1120 : memref<1x1x64xi32, #tpu.memory_space<vmem>> -> memref<64xi32, #tpu.memory_space<vmem>>
    %dma_wait3A_1122 = arith.constant 0 : i32
    %dma_wait3A_1123 = arith.constant 0 : i32
    %dma_wait3A_1124 = tpu.memref_slice %arg6[%dma_wait3A_1122, %dma_wait3A_1123] : memref<10240x128xf32, #tpu.memory_space<vmem_shared>> -> memref<10240x128xf32, #tpu.memory_space<vmem_shared>>
    tpu.wait_indirect_dma semaphore(%arg10 : memref<!tpu.dma_semaphore, #tpu.memory_space<semaphore_mem>>) src(%dma_wait3A_1124 : memref<10240x128xf32, #tpu.memory_space<vmem_shared>>) dst(%arg8 : memref<64x128xf32, #tpu.memory_space<vmem>>)
    %dma_wait3A_1125 = arith.constant 10 : i32
    %dma_wait3A_1126 = arith.constant 1 : i32
    %dma_wait3A_1127 = arith.constant 0 : i32
    %dma_wait3A_1128 = tpu.memref_slice %arg5[%dma_wait3A_1125, %dma_wait3A_1126, %dma_wait3A_1127] : memref<32x5x64xi32, #tpu.memory_space<vmem>> -> memref<1x1x64xi32, #tpu.memory_space<vmem>>
    %dma_wait3A_1129 = tpu.memref_squeeze %dma_wait3A_1128 : memref<1x1x64xi32, #tpu.memory_space<vmem>> -> memref<64xi32, #tpu.memory_space<vmem>>
    %dma_wait3A_1130 = arith.constant 0 : i32
    %dma_wait3A_1131 = arith.constant 0 : i32
    %dma_wait3A_1132 = tpu.memref_slice %arg6[%dma_wait3A_1130, %dma_wait3A_1131] : memref<10240x128xf32, #tpu.memory_space<vmem_shared>> -> memref<10240x128xf32, #tpu.memory_space<vmem_shared>>
    tpu.wait_indirect_dma semaphore(%arg10 : memref<!tpu.dma_semaphore, #tpu.memory_space<semaphore_mem>>) src(%dma_wait3A_1132 : memref<10240x128xf32, #tpu.memory_space<vmem_shared>>) dst(%arg8 : memref<64x128xf32, #tpu.memory_space<vmem>>)
    %dma_wait3A_1133 = arith.constant 11 : i32
    %dma_wait3A_1134 = arith.constant 1 : i32
    %dma_wait3A_1135 = arith.constant 0 : i32
    %dma_wait3A_1136 = tpu.memref_slice %arg5[%dma_wait3A_1133, %dma_wait3A_1134, %dma_wait3A_1135] : memref<32x5x64xi32, #tpu.memory_space<vmem>> -> memref<1x1x64xi32, #tpu.memory_space<vmem>>
    %dma_wait3A_1137 = tpu.memref_squeeze %dma_wait3A_1136 : memref<1x1x64xi32, #tpu.memory_space<vmem>> -> memref<64xi32, #tpu.memory_space<vmem>>
    %dma_wait3A_1138 = arith.constant 0 : i32
    %dma_wait3A_1139 = arith.constant 0 : i32
    %dma_wait3A_1140 = tpu.memref_slice %arg6[%dma_wait3A_1138, %dma_wait3A_1139] : memref<10240x128xf32, #tpu.memory_space<vmem_shared>> -> memref<10240x128xf32, #tpu.memory_space<vmem_shared>>
    tpu.wait_indirect_dma semaphore(%arg10 : memref<!tpu.dma_semaphore, #tpu.memory_space<semaphore_mem>>) src(%dma_wait3A_1140 : memref<10240x128xf32, #tpu.memory_space<vmem_shared>>) dst(%arg8 : memref<64x128xf32, #tpu.memory_space<vmem>>)
    %dma_wait3A_1141 = arith.constant 12 : i32
    %dma_wait3A_1142 = arith.constant 1 : i32
    %dma_wait3A_1143 = arith.constant 0 : i32
    %dma_wait3A_1144 = tpu.memref_slice %arg5[%dma_wait3A_1141, %dma_wait3A_1142, %dma_wait3A_1143] : memref<32x5x64xi32, #tpu.memory_space<vmem>> -> memref<1x1x64xi32, #tpu.memory_space<vmem>>
    %dma_wait3A_1145 = tpu.memref_squeeze %dma_wait3A_1144 : memref<1x1x64xi32, #tpu.memory_space<vmem>> -> memref<64xi32, #tpu.memory_space<vmem>>
    %dma_wait3A_1146 = arith.constant 0 : i32
    %dma_wait3A_1147 = arith.constant 0 : i32
    %dma_wait3A_1148 = tpu.memref_slice %arg6[%dma_wait3A_1146, %dma_wait3A_1147] : memref<10240x128xf32, #tpu.memory_space<vmem_shared>> -> memref<10240x128xf32, #tpu.memory_space<vmem_shared>>
    tpu.wait_indirect_dma semaphore(%arg10 : memref<!tpu.dma_semaphore, #tpu.memory_space<semaphore_mem>>) src(%dma_wait3A_1148 : memref<10240x128xf32, #tpu.memory_space<vmem_shared>>) dst(%arg8 : memref<64x128xf32, #tpu.memory_space<vmem>>)
    %dma_wait3A_1149 = arith.constant 13 : i32
    %dma_wait3A_1150 = arith.constant 1 : i32
    %dma_wait3A_1151 = arith.constant 0 : i32
    %dma_wait3A_1152 = tpu.memref_slice %arg5[%dma_wait3A_1149, %dma_wait3A_1150, %dma_wait3A_1151] : memref<32x5x64xi32, #tpu.memory_space<vmem>> -> memref<1x1x64xi32, #tpu.memory_space<vmem>>
    %dma_wait3A_1153 = tpu.memref_squeeze %dma_wait3A_1152 : memref<1x1x64xi32, #tpu.memory_space<vmem>> -> memref<64xi32, #tpu.memory_space<vmem>>
    %dma_wait3A_1154 = arith.constant 0 : i32
    %dma_wait3A_1155 = arith.constant 0 : i32
    %dma_wait3A_1156 = tpu.memref_slice %arg6[%dma_wait3A_1154, %dma_wait3A_1155] : memref<10240x128xf32, #tpu.memory_space<vmem_shared>> -> memref<10240x128xf32, #tpu.memory_space<vmem_shared>>
    tpu.wait_indirect_dma semaphore(%arg10 : memref<!tpu.dma_semaphore, #tpu.memory_space<semaphore_mem>>) src(%dma_wait3A_1156 : memref<10240x128xf32, #tpu.memory_space<vmem_shared>>) dst(%arg8 : memref<64x128xf32, #tpu.memory_space<vmem>>)
    %dma_wait3A_1157 = arith.constant 14 : i32
    %dma_wait3A_1158 = arith.constant 1 : i32
    %dma_wait3A_1159 = arith.constant 0 : i32
    %dma_wait3A_1160 = tpu.memref_slice %arg5[%dma_wait3A_1157, %dma_wait3A_1158, %dma_wait3A_1159] : memref<32x5x64xi32, #tpu.memory_space<vmem>> -> memref<1x1x64xi32, #tpu.memory_space<vmem>>
    %dma_wait3A_1161 = tpu.memref_squeeze %dma_wait3A_1160 : memref<1x1x64xi32, #tpu.memory_space<vmem>> -> memref<64xi32, #tpu.memory_space<vmem>>
    %dma_wait3A_1162 = arith.constant 0 : i32
    %dma_wait3A_1163 = arith.constant 0 : i32
    %dma_wait3A_1164 = tpu.memref_slice %arg6[%dma_wait3A_1162, %dma_wait3A_1163] : memref<10240x128xf32, #tpu.memory_space<vmem_shared>> -> memref<10240x128xf32, #tpu.memory_space<vmem_shared>>
    tpu.wait_indirect_dma semaphore(%arg10 : memref<!tpu.dma_semaphore, #tpu.memory_space<semaphore_mem>>) src(%dma_wait3A_1164 : memref<10240x128xf32, #tpu.memory_space<vmem_shared>>) dst(%arg8 : memref<64x128xf32, #tpu.memory_space<vmem>>)
    %dma_wait3A_1165 = arith.constant 15 : i32
    %dma_wait3A_1166 = arith.constant 1 : i32
    %dma_wait3A_1167 = arith.constant 0 : i32
    %dma_wait3A_1168 = tpu.memref_slice %arg5[%dma_wait3A_1165, %dma_wait3A_1166, %dma_wait3A_1167] : memref<32x5x64xi32, #tpu.memory_space<vmem>> -> memref<1x1x64xi32, #tpu.memory_space<vmem>>
    %dma_wait3A_1169 = tpu.memref_squeeze %dma_wait3A_1168 : memref<1x1x64xi32, #tpu.memory_space<vmem>> -> memref<64xi32, #tpu.memory_space<vmem>>
    %dma_wait3A_1170 = arith.constant 0 : i32
    %dma_wait3A_1171 = arith.constant 0 : i32
    %dma_wait3A_1172 = tpu.memref_slice %arg6[%dma_wait3A_1170, %dma_wait3A_1171] : memref<10240x128xf32, #tpu.memory_space<vmem_shared>> -> memref<10240x128xf32, #tpu.memory_space<vmem_shared>>
    tpu.wait_indirect_dma semaphore(%arg10 : memref<!tpu.dma_semaphore, #tpu.memory_space<semaphore_mem>>) src(%dma_wait3A_1172 : memref<10240x128xf32, #tpu.memory_space<vmem_shared>>) dst(%arg8 : memref<64x128xf32, #tpu.memory_space<vmem>>)
    %dma_wait3A_1173 = arith.constant 16 : i32
    %dma_wait3A_1174 = arith.constant 1 : i32
    %dma_wait3A_1175 = arith.constant 0 : i32
    %dma_wait3A_1176 = tpu.memref_slice %arg5[%dma_wait3A_1173, %dma_wait3A_1174, %dma_wait3A_1175] : memref<32x5x64xi32, #tpu.memory_space<vmem>> -> memref<1x1x64xi32, #tpu.memory_space<vmem>>
    %dma_wait3A_1177 = tpu.memref_squeeze %dma_wait3A_1176 : memref<1x1x64xi32, #tpu.memory_space<vmem>> -> memref<64xi32, #tpu.memory_space<vmem>>
    %dma_wait3A_1178 = arith.constant 0 : i32
    %dma_wait3A_1179 = arith.constant 0 : i32
    %dma_wait3A_1180 = tpu.memref_slice %arg6[%dma_wait3A_1178, %dma_wait3A_1179] : memref<10240x128xf32, #tpu.memory_space<vmem_shared>> -> memref<10240x128xf32, #tpu.memory_space<vmem_shared>>
    tpu.wait_indirect_dma semaphore(%arg10 : memref<!tpu.dma_semaphore, #tpu.memory_space<semaphore_mem>>) src(%dma_wait3A_1180 : memref<10240x128xf32, #tpu.memory_space<vmem_shared>>) dst(%arg8 : memref<64x128xf32, #tpu.memory_space<vmem>>)
    %dma_wait3A_1181 = arith.constant 17 : i32
    %dma_wait3A_1182 = arith.constant 1 : i32
    %dma_wait3A_1183 = arith.constant 0 : i32
    %dma_wait3A_1184 = tpu.memref_slice %arg5[%dma_wait3A_1181, %dma_wait3A_1182, %dma_wait3A_1183] : memref<32x5x64xi32, #tpu.memory_space<vmem>> -> memref<1x1x64xi32, #tpu.memory_space<vmem>>
    %dma_wait3A_1185 = tpu.memref_squeeze %dma_wait3A_1184 : memref<1x1x64xi32, #tpu.memory_space<vmem>> -> memref<64xi32, #tpu.memory_space<vmem>>
    %dma_wait3A_1186 = arith.constant 0 : i32
    %dma_wait3A_1187 = arith.constant 0 : i32
    %dma_wait3A_1188 = tpu.memref_slice %arg6[%dma_wait3A_1186, %dma_wait3A_1187] : memref<10240x128xf32, #tpu.memory_space<vmem_shared>> -> memref<10240x128xf32, #tpu.memory_space<vmem_shared>>
    tpu.wait_indirect_dma semaphore(%arg10 : memref<!tpu.dma_semaphore, #tpu.memory_space<semaphore_mem>>) src(%dma_wait3A_1188 : memref<10240x128xf32, #tpu.memory_space<vmem_shared>>) dst(%arg8 : memref<64x128xf32, #tpu.memory_space<vmem>>)
    %dma_wait3A_1189 = arith.constant 18 : i32
    %dma_wait3A_1190 = arith.constant 1 : i32
    %dma_wait3A_1191 = arith.constant 0 : i32
    %dma_wait3A_1192 = tpu.memref_slice %arg5[%dma_wait3A_1189, %dma_wait3A_1190, %dma_wait3A_1191] : memref<32x5x64xi32, #tpu.memory_space<vmem>> -> memref<1x1x64xi32, #tpu.memory_space<vmem>>
    %dma_wait3A_1193 = tpu.memref_squeeze %dma_wait3A_1192 : memref<1x1x64xi32, #tpu.memory_space<vmem>> -> memref<64xi32, #tpu.memory_space<vmem>>
    %dma_wait3A_1194 = arith.constant 0 : i32
    %dma_wait3A_1195 = arith.constant 0 : i32
    %dma_wait3A_1196 = tpu.memref_slice %arg6[%dma_wait3A_1194, %dma_wait3A_1195] : memref<10240x128xf32, #tpu.memory_space<vmem_shared>> -> memref<10240x128xf32, #tpu.memory_space<vmem_shared>>
    tpu.wait_indirect_dma semaphore(%arg10 : memref<!tpu.dma_semaphore, #tpu.memory_space<semaphore_mem>>) src(%dma_wait3A_1196 : memref<10240x128xf32, #tpu.memory_space<vmem_shared>>) dst(%arg8 : memref<64x128xf32, #tpu.memory_space<vmem>>)
    %dma_wait3A_1197 = arith.constant 19 : i32
    %dma_wait3A_1198 = arith.constant 1 : i32
    %dma_wait3A_1199 = arith.constant 0 : i32
    %dma_wait3A_1200 = tpu.memref_slice %arg5[%dma_wait3A_1197, %dma_wait3A_1198, %dma_wait3A_1199] : memref<32x5x64xi32, #tpu.memory_space<vmem>> -> memref<1x1x64xi32, #tpu.memory_space<vmem>>
    %dma_wait3A_1201 = tpu.memref_squeeze %dma_wait3A_1200 : memref<1x1x64xi32, #tpu.memory_space<vmem>> -> memref<64xi32, #tpu.memory_space<vmem>>
    %dma_wait3A_1202 = arith.constant 0 : i32
    %dma_wait3A_1203 = arith.constant 0 : i32
    %dma_wait3A_1204 = tpu.memref_slice %arg6[%dma_wait3A_1202, %dma_wait3A_1203] : memref<10240x128xf32, #tpu.memory_space<vmem_shared>> -> memref<10240x128xf32, #tpu.memory_space<vmem_shared>>
    tpu.wait_indirect_dma semaphore(%arg10 : memref<!tpu.dma_semaphore, #tpu.memory_space<semaphore_mem>>) src(%dma_wait3A_1204 : memref<10240x128xf32, #tpu.memory_space<vmem_shared>>) dst(%arg8 : memref<64x128xf32, #tpu.memory_space<vmem>>)
    %dma_wait3A_1205 = arith.constant 20 : i32
    %dma_wait3A_1206 = arith.constant 1 : i32
    %dma_wait3A_1207 = arith.constant 0 : i32
    %dma_wait3A_1208 = tpu.memref_slice %arg5[%dma_wait3A_1205, %dma_wait3A_1206, %dma_wait3A_1207] : memref<32x5x64xi32, #tpu.memory_space<vmem>> -> memref<1x1x64xi32, #tpu.memory_space<vmem>>
    %dma_wait3A_1209 = tpu.memref_squeeze %dma_wait3A_1208 : memref<1x1x64xi32, #tpu.memory_space<vmem>> -> memref<64xi32, #tpu.memory_space<vmem>>
    %dma_wait3A_1210 = arith.constant 0 : i32
    %dma_wait3A_1211 = arith.constant 0 : i32
    %dma_wait3A_1212 = tpu.memref_slice %arg6[%dma_wait3A_1210, %dma_wait3A_1211] : memref<10240x128xf32, #tpu.memory_space<vmem_shared>> -> memref<10240x128xf32, #tpu.memory_space<vmem_shared>>
    tpu.wait_indirect_dma semaphore(%arg10 : memref<!tpu.dma_semaphore, #tpu.memory_space<semaphore_mem>>) src(%dma_wait3A_1212 : memref<10240x128xf32, #tpu.memory_space<vmem_shared>>) dst(%arg8 : memref<64x128xf32, #tpu.memory_space<vmem>>)
    %dma_wait3A_1213 = arith.constant 21 : i32
    %dma_wait3A_1214 = arith.constant 1 : i32
    %dma_wait3A_1215 = arith.constant 0 : i32
    %dma_wait3A_1216 = tpu.memref_slice %arg5[%dma_wait3A_1213, %dma_wait3A_1214, %dma_wait3A_1215] : memref<32x5x64xi32, #tpu.memory_space<vmem>> -> memref<1x1x64xi32, #tpu.memory_space<vmem>>
    %dma_wait3A_1217 = tpu.memref_squeeze %dma_wait3A_1216 : memref<1x1x64xi32, #tpu.memory_space<vmem>> -> memref<64xi32, #tpu.memory_space<vmem>>
    %dma_wait3A_1218 = arith.constant 0 : i32
    %dma_wait3A_1219 = arith.constant 0 : i32
    %dma_wait3A_1220 = tpu.memref_slice %arg6[%dma_wait3A_1218, %dma_wait3A_1219] : memref<10240x128xf32, #tpu.memory_space<vmem_shared>> -> memref<10240x128xf32, #tpu.memory_space<vmem_shared>>
    tpu.wait_indirect_dma semaphore(%arg10 : memref<!tpu.dma_semaphore, #tpu.memory_space<semaphore_mem>>) src(%dma_wait3A_1220 : memref<10240x128xf32, #tpu.memory_space<vmem_shared>>) dst(%arg8 : memref<64x128xf32, #tpu.memory_space<vmem>>)
    %dma_wait3A_1221 = arith.constant 22 : i32
    %dma_wait3A_1222 = arith.constant 1 : i32
    %dma_wait3A_1223 = arith.constant 0 : i32
    %dma_wait3A_1224 = tpu.memref_slice %arg5[%dma_wait3A_1221, %dma_wait3A_1222, %dma_wait3A_1223] : memref<32x5x64xi32, #tpu.memory_space<vmem>> -> memref<1x1x64xi32, #tpu.memory_space<vmem>>
    %dma_wait3A_1225 = tpu.memref_squeeze %dma_wait3A_1224 : memref<1x1x64xi32, #tpu.memory_space<vmem>> -> memref<64xi32, #tpu.memory_space<vmem>>
    %dma_wait3A_1226 = arith.constant 0 : i32
    %dma_wait3A_1227 = arith.constant 0 : i32
    %dma_wait3A_1228 = tpu.memref_slice %arg6[%dma_wait3A_1226, %dma_wait3A_1227] : memref<10240x128xf32, #tpu.memory_space<vmem_shared>> -> memref<10240x128xf32, #tpu.memory_space<vmem_shared>>
    tpu.wait_indirect_dma semaphore(%arg10 : memref<!tpu.dma_semaphore, #tpu.memory_space<semaphore_mem>>) src(%dma_wait3A_1228 : memref<10240x128xf32, #tpu.memory_space<vmem_shared>>) dst(%arg8 : memref<64x128xf32, #tpu.memory_space<vmem>>)
    %dma_wait3A_1229 = arith.constant 23 : i32
    %dma_wait3A_1230 = arith.constant 1 : i32
    %dma_wait3A_1231 = arith.constant 0 : i32
    %dma_wait3A_1232 = tpu.memref_slice %arg5[%dma_wait3A_1229, %dma_wait3A_1230, %dma_wait3A_1231] : memref<32x5x64xi32, #tpu.memory_space<vmem>> -> memref<1x1x64xi32, #tpu.memory_space<vmem>>
    %dma_wait3A_1233 = tpu.memref_squeeze %dma_wait3A_1232 : memref<1x1x64xi32, #tpu.memory_space<vmem>> -> memref<64xi32, #tpu.memory_space<vmem>>
    %dma_wait3A_1234 = arith.constant 0 : i32
    %dma_wait3A_1235 = arith.constant 0 : i32
    %dma_wait3A_1236 = tpu.memref_slice %arg6[%dma_wait3A_1234, %dma_wait3A_1235] : memref<10240x128xf32, #tpu.memory_space<vmem_shared>> -> memref<10240x128xf32, #tpu.memory_space<vmem_shared>>
    tpu.wait_indirect_dma semaphore(%arg10 : memref<!tpu.dma_semaphore, #tpu.memory_space<semaphore_mem>>) src(%dma_wait3A_1236 : memref<10240x128xf32, #tpu.memory_space<vmem_shared>>) dst(%arg8 : memref<64x128xf32, #tpu.memory_space<vmem>>)
    %dma_wait3A_1237 = arith.constant 24 : i32
    %dma_wait3A_1238 = arith.constant 1 : i32
    %dma_wait3A_1239 = arith.constant 0 : i32
    %dma_wait3A_1240 = tpu.memref_slice %arg5[%dma_wait3A_1237, %dma_wait3A_1238, %dma_wait3A_1239] : memref<32x5x64xi32, #tpu.memory_space<vmem>> -> memref<1x1x64xi32, #tpu.memory_space<vmem>>
    %dma_wait3A_1241 = tpu.memref_squeeze %dma_wait3A_1240 : memref<1x1x64xi32, #tpu.memory_space<vmem>> -> memref<64xi32, #tpu.memory_space<vmem>>
    %dma_wait3A_1242 = arith.constant 0 : i32
    %dma_wait3A_1243 = arith.constant 0 : i32
    %dma_wait3A_1244 = tpu.memref_slice %arg6[%dma_wait3A_1242, %dma_wait3A_1243] : memref<10240x128xf32, #tpu.memory_space<vmem_shared>> -> memref<10240x128xf32, #tpu.memory_space<vmem_shared>>
    tpu.wait_indirect_dma semaphore(%arg10 : memref<!tpu.dma_semaphore, #tpu.memory_space<semaphore_mem>>) src(%dma_wait3A_1244 : memref<10240x128xf32, #tpu.memory_space<vmem_shared>>) dst(%arg8 : memref<64x128xf32, #tpu.memory_space<vmem>>)
    %dma_wait3A_1245 = arith.constant 25 : i32
    %dma_wait3A_1246 = arith.constant 1 : i32
    %dma_wait3A_1247 = arith.constant 0 : i32
    %dma_wait3A_1248 = tpu.memref_slice %arg5[%dma_wait3A_1245, %dma_wait3A_1246, %dma_wait3A_1247] : memref<32x5x64xi32, #tpu.memory_space<vmem>> -> memref<1x1x64xi32, #tpu.memory_space<vmem>>
    %dma_wait3A_1249 = tpu.memref_squeeze %dma_wait3A_1248 : memref<1x1x64xi32, #tpu.memory_space<vmem>> -> memref<64xi32, #tpu.memory_space<vmem>>
    %dma_wait3A_1250 = arith.constant 0 : i32
    %dma_wait3A_1251 = arith.constant 0 : i32
    %dma_wait3A_1252 = tpu.memref_slice %arg6[%dma_wait3A_1250, %dma_wait3A_1251] : memref<10240x128xf32, #tpu.memory_space<vmem_shared>> -> memref<10240x128xf32, #tpu.memory_space<vmem_shared>>
    tpu.wait_indirect_dma semaphore(%arg10 : memref<!tpu.dma_semaphore, #tpu.memory_space<semaphore_mem>>) src(%dma_wait3A_1252 : memref<10240x128xf32, #tpu.memory_space<vmem_shared>>) dst(%arg8 : memref<64x128xf32, #tpu.memory_space<vmem>>)
    %dma_wait3A_1253 = arith.constant 26 : i32
    %dma_wait3A_1254 = arith.constant 1 : i32
    %dma_wait3A_1255 = arith.constant 0 : i32
    %dma_wait3A_1256 = tpu.memref_slice %arg5[%dma_wait3A_1253, %dma_wait3A_1254, %dma_wait3A_1255] : memref<32x5x64xi32, #tpu.memory_space<vmem>> -> memref<1x1x64xi32, #tpu.memory_space<vmem>>
    %dma_wait3A_1257 = tpu.memref_squeeze %dma_wait3A_1256 : memref<1x1x64xi32, #tpu.memory_space<vmem>> -> memref<64xi32, #tpu.memory_space<vmem>>
    %dma_wait3A_1258 = arith.constant 0 : i32
    %dma_wait3A_1259 = arith.constant 0 : i32
    %dma_wait3A_1260 = tpu.memref_slice %arg6[%dma_wait3A_1258, %dma_wait3A_1259] : memref<10240x128xf32, #tpu.memory_space<vmem_shared>> -> memref<10240x128xf32, #tpu.memory_space<vmem_shared>>
    tpu.wait_indirect_dma semaphore(%arg10 : memref<!tpu.dma_semaphore, #tpu.memory_space<semaphore_mem>>) src(%dma_wait3A_1260 : memref<10240x128xf32, #tpu.memory_space<vmem_shared>>) dst(%arg8 : memref<64x128xf32, #tpu.memory_space<vmem>>)
    %dma_wait3A_1261 = arith.constant 27 : i32
    %dma_wait3A_1262 = arith.constant 1 : i32
    %dma_wait3A_1263 = arith.constant 0 : i32
    %dma_wait3A_1264 = tpu.memref_slice %arg5[%dma_wait3A_1261, %dma_wait3A_1262, %dma_wait3A_1263] : memref<32x5x64xi32, #tpu.memory_space<vmem>> -> memref<1x1x64xi32, #tpu.memory_space<vmem>>
    %dma_wait3A_1265 = tpu.memref_squeeze %dma_wait3A_1264 : memref<1x1x64xi32, #tpu.memory_space<vmem>> -> memref<64xi32, #tpu.memory_space<vmem>>
    %dma_wait3A_1266 = arith.constant 0 : i32
    %dma_wait3A_1267 = arith.constant 0 : i32
    %dma_wait3A_1268 = tpu.memref_slice %arg6[%dma_wait3A_1266, %dma_wait3A_1267] : memref<10240x128xf32, #tpu.memory_space<vmem_shared>> -> memref<10240x128xf32, #tpu.memory_space<vmem_shared>>
    tpu.wait_indirect_dma semaphore(%arg10 : memref<!tpu.dma_semaphore, #tpu.memory_space<semaphore_mem>>) src(%dma_wait3A_1268 : memref<10240x128xf32, #tpu.memory_space<vmem_shared>>) dst(%arg8 : memref<64x128xf32, #tpu.memory_space<vmem>>)
    %dma_wait3A_1269 = arith.constant 28 : i32
    %dma_wait3A_1270 = arith.constant 1 : i32
    %dma_wait3A_1271 = arith.constant 0 : i32
    %dma_wait3A_1272 = tpu.memref_slice %arg5[%dma_wait3A_1269, %dma_wait3A_1270, %dma_wait3A_1271] : memref<32x5x64xi32, #tpu.memory_space<vmem>> -> memref<1x1x64xi32, #tpu.memory_space<vmem>>
    %dma_wait3A_1273 = tpu.memref_squeeze %dma_wait3A_1272 : memref<1x1x64xi32, #tpu.memory_space<vmem>> -> memref<64xi32, #tpu.memory_space<vmem>>
    %dma_wait3A_1274 = arith.constant 0 : i32
    %dma_wait3A_1275 = arith.constant 0 : i32
    %dma_wait3A_1276 = tpu.memref_slice %arg6[%dma_wait3A_1274, %dma_wait3A_1275] : memref<10240x128xf32, #tpu.memory_space<vmem_shared>> -> memref<10240x128xf32, #tpu.memory_space<vmem_shared>>
    tpu.wait_indirect_dma semaphore(%arg10 : memref<!tpu.dma_semaphore, #tpu.memory_space<semaphore_mem>>) src(%dma_wait3A_1276 : memref<10240x128xf32, #tpu.memory_space<vmem_shared>>) dst(%arg8 : memref<64x128xf32, #tpu.memory_space<vmem>>)
    %dma_wait3A_1277 = arith.constant 29 : i32
    %dma_wait3A_1278 = arith.constant 1 : i32
    %dma_wait3A_1279 = arith.constant 0 : i32
    %dma_wait3A_1280 = tpu.memref_slice %arg5[%dma_wait3A_1277, %dma_wait3A_1278, %dma_wait3A_1279] : memref<32x5x64xi32, #tpu.memory_space<vmem>> -> memref<1x1x64xi32, #tpu.memory_space<vmem>>
    %dma_wait3A_1281 = tpu.memref_squeeze %dma_wait3A_1280 : memref<1x1x64xi32, #tpu.memory_space<vmem>> -> memref<64xi32, #tpu.memory_space<vmem>>
    %dma_wait3A_1282 = arith.constant 0 : i32
    %dma_wait3A_1283 = arith.constant 0 : i32
    %dma_wait3A_1284 = tpu.memref_slice %arg6[%dma_wait3A_1282, %dma_wait3A_1283] : memref<10240x128xf32, #tpu.memory_space<vmem_shared>> -> memref<10240x128xf32, #tpu.memory_space<vmem_shared>>
    tpu.wait_indirect_dma semaphore(%arg10 : memref<!tpu.dma_semaphore, #tpu.memory_space<semaphore_mem>>) src(%dma_wait3A_1284 : memref<10240x128xf32, #tpu.memory_space<vmem_shared>>) dst(%arg8 : memref<64x128xf32, #tpu.memory_space<vmem>>)
    %dma_wait3A_1285 = arith.constant 30 : i32
    %dma_wait3A_1286 = arith.constant 1 : i32
    %dma_wait3A_1287 = arith.constant 0 : i32
    %dma_wait3A_1288 = tpu.memref_slice %arg5[%dma_wait3A_1285, %dma_wait3A_1286, %dma_wait3A_1287] : memref<32x5x64xi32, #tpu.memory_space<vmem>> -> memref<1x1x64xi32, #tpu.memory_space<vmem>>
    %dma_wait3A_1289 = tpu.memref_squeeze %dma_wait3A_1288 : memref<1x1x64xi32, #tpu.memory_space<vmem>> -> memref<64xi32, #tpu.memory_space<vmem>>
    %dma_wait3A_1290 = arith.constant 0 : i32
    %dma_wait3A_1291 = arith.constant 0 : i32
    %dma_wait3A_1292 = tpu.memref_slice %arg6[%dma_wait3A_1290, %dma_wait3A_1291] : memref<10240x128xf32, #tpu.memory_space<vmem_shared>> -> memref<10240x128xf32, #tpu.memory_space<vmem_shared>>
    tpu.wait_indirect_dma semaphore(%arg10 : memref<!tpu.dma_semaphore, #tpu.memory_space<semaphore_mem>>) src(%dma_wait3A_1292 : memref<10240x128xf32, #tpu.memory_space<vmem_shared>>) dst(%arg8 : memref<64x128xf32, #tpu.memory_space<vmem>>)
    %dma_wait3A_1293 = arith.constant 31 : i32
    %dma_wait3A_1294 = arith.constant 1 : i32
    %dma_wait3A_1295 = arith.constant 0 : i32
    %dma_wait3A_1296 = tpu.memref_slice %arg5[%dma_wait3A_1293, %dma_wait3A_1294, %dma_wait3A_1295] : memref<32x5x64xi32, #tpu.memory_space<vmem>> -> memref<1x1x64xi32, #tpu.memory_space<vmem>>
    %dma_wait3A_1297 = tpu.memref_squeeze %dma_wait3A_1296 : memref<1x1x64xi32, #tpu.memory_space<vmem>> -> memref<64xi32, #tpu.memory_space<vmem>>
    %dma_wait3A_1298 = arith.constant 0 : i32
    %dma_wait3A_1299 = arith.constant 0 : i32
    %dma_wait3A_1300 = tpu.memref_slice %arg6[%dma_wait3A_1298, %dma_wait3A_1299] : memref<10240x128xf32, #tpu.memory_space<vmem_shared>> -> memref<10240x128xf32, #tpu.memory_space<vmem_shared>>
    tpu.wait_indirect_dma semaphore(%arg10 : memref<!tpu.dma_semaphore, #tpu.memory_space<semaphore_mem>>) src(%dma_wait3A_1300 : memref<10240x128xf32, #tpu.memory_space<vmem_shared>>) dst(%arg8 : memref<64x128xf32, #tpu.memory_space<vmem>>)
    %add3A_1301 = arith.constant 64 : i32
    %add3A_1302 = arith.addi %mul3A_2, %add3A_1301 : i32
    %dma_start3A_1303 = arith.constant 0 : i32
    %dma_start3A_1304 = tpu.memref_slice %arg4[%add3A_1302, %dma_start3A_1303] : memref<10240x128xf32, #tpu.memory_space<hbm>> -> memref<64x128xf32, #tpu.memory_space<hbm>>
    %dma_start3A_1305 = arith.constant 0 : i32
    %dma_start3A_1306 = tpu.memref_slice %arg4[%add3A_1302, %dma_start3A_1305] : memref<10240x128xf32, #tpu.memory_space<hbm>> -> memref<64x128xf32, #tpu.memory_space<hbm>>
    tpu.enqueue_dma source(%arg8 : memref<64x128xf32, #tpu.memory_space<vmem>>) target(%dma_start3A_1306 : memref<64x128xf32, #tpu.memory_space<hbm>>) target_semaphore(%arg12 : memref<!tpu.dma_semaphore, #tpu.memory_space<semaphore_mem>>)
    %dma_wait3A_1307 = arith.constant 0 : i32
    %dma_wait3A_1308 = tpu.memref_slice %arg4[%add3A_1302, %dma_wait3A_1307] : memref<10240x128xf32, #tpu.memory_space<hbm>> -> memref<64x128xf32, #tpu.memory_space<hbm>>
    %dma_wait3A_1309 = arith.constant 0 : i32
    %dma_wait3A_1310 = tpu.memref_slice %arg4[%add3A_1302, %dma_wait3A_1309] : memref<10240x128xf32, #tpu.memory_space<hbm>> -> memref<64x128xf32, #tpu.memory_space<hbm>>
    tpu.wait_dma2 semaphore(%arg12 : memref<!tpu.dma_semaphore, #tpu.memory_space<semaphore_mem>>) src(%arg8 : memref<64x128xf32, #tpu.memory_space<vmem>>) dst(%dma_wait3A_1310 : memref<64x128xf32, #tpu.memory_space<hbm>>)
    %add3A_1311 = arith.constant 192 : i32
    %add3A_1312 = arith.addi %mul3A_2, %add3A_1311 : i32
    "tpu.region"() ({
      %run_scoped3A = tpu.sem_alloc : memref<!tpu.dma_semaphore, #tpu.memory_space<semaphore_mem>>
      %dma_start3A_2617 = arith.constant 0 : i32
      %dma_start3A_2618 = tpu.memref_slice %arg6[%add3A_1312, %dma_start3A_2617] : memref<10240x128xf32, #tpu.memory_space<vmem_shared>> -> memref<64x128xf32, #tpu.memory_space<vmem_shared>>
      %dma_start3A_2619 = arith.constant 0 : i32
      %dma_start3A_2620 = tpu.memref_slice %arg6[%add3A_1312, %dma_start3A_2619] : memref<10240x128xf32, #tpu.memory_space<vmem_shared>> -> memref<64x128xf32, #tpu.memory_space<vmem_shared>>
      tpu.enqueue_dma source(%dma_start3A_2620 : memref<64x128xf32, #tpu.memory_space<vmem_shared>>) target(%arg8 : memref<64x128xf32, #tpu.memory_space<vmem>>) target_semaphore(%run_scoped3A : memref<!tpu.dma_semaphore, #tpu.memory_space<semaphore_mem>>)
      %dma_wait3A_2621 = arith.constant 0 : i32
      %dma_wait3A_2622 = tpu.memref_slice %arg6[%add3A_1312, %dma_wait3A_2621] : memref<10240x128xf32, #tpu.memory_space<vmem_shared>> -> memref<64x128xf32, #tpu.memory_space<vmem_shared>>
      %dma_wait3A_2623 = arith.constant 0 : i32
      %dma_wait3A_2624 = tpu.memref_slice %arg6[%add3A_1312, %dma_wait3A_2623] : memref<10240x128xf32, #tpu.memory_space<vmem_shared>> -> memref<64x128xf32, #tpu.memory_space<vmem_shared>>
      tpu.wait_dma2 semaphore(%run_scoped3A : memref<!tpu.dma_semaphore, #tpu.memory_space<semaphore_mem>>) src(%dma_wait3A_2624 : memref<64x128xf32, #tpu.memory_space<vmem_shared>>) dst(%arg8 : memref<64x128xf32, #tpu.memory_space<vmem>>)
      tpu.yield
    }) : () -> ()
    %dma_start3A_1313 = arith.constant 0 : i32
    %dma_start3A_1314 = arith.constant 3 : i32
    %dma_start3A_1315 = arith.constant 0 : i32
    %dma_start3A_1316 = tpu.memref_slice %arg5[%dma_start3A_1313, %dma_start3A_1314, %dma_start3A_1315] : memref<32x5x64xi32, #tpu.memory_space<vmem>> -> memref<1x1x64xi32, #tpu.memory_space<vmem>>
    %dma_start3A_1317 = tpu.memref_squeeze %dma_start3A_1316 : memref<1x1x64xi32, #tpu.memory_space<vmem>> -> memref<64xi32, #tpu.memory_space<vmem>>
    %dma_start3A_1318 = arith.constant 0 : i32
    %dma_start3A_1319 = arith.constant 0 : i32
    %dma_start3A_1320 = tpu.memref_slice %arg6[%dma_start3A_1318, %dma_start3A_1319] : memref<10240x128xf32, #tpu.memory_space<vmem_shared>> -> memref<10240x128xf32, #tpu.memory_space<vmem_shared>>
    tpu.enqueue_indirect_dma source(%dma_start3A_1320 : memref<10240x128xf32, #tpu.memory_space<vmem_shared>>) target(%arg8 : memref<64x128xf32, #tpu.memory_space<vmem>>) offsets(%dma_start3A_1317 : memref<64xi32, #tpu.memory_space<vmem>>) semaphore(%arg10 : memref<!tpu.dma_semaphore, #tpu.memory_space<semaphore_mem>>) {add = true}
    %dma_start3A_1321 = arith.constant 1 : i32
    %dma_start3A_1322 = arith.constant 3 : i32
    %dma_start3A_1323 = arith.constant 0 : i32
    %dma_start3A_1324 = tpu.memref_slice %arg5[%dma_start3A_1321, %dma_start3A_1322, %dma_start3A_1323] : memref<32x5x64xi32, #tpu.memory_space<vmem>> -> memref<1x1x64xi32, #tpu.memory_space<vmem>>
    %dma_start3A_1325 = tpu.memref_squeeze %dma_start3A_1324 : memref<1x1x64xi32, #tpu.memory_space<vmem>> -> memref<64xi32, #tpu.memory_space<vmem>>
    %dma_start3A_1326 = arith.constant 0 : i32
    %dma_start3A_1327 = arith.constant 0 : i32
    %dma_start3A_1328 = tpu.memref_slice %arg6[%dma_start3A_1326, %dma_start3A_1327] : memref<10240x128xf32, #tpu.memory_space<vmem_shared>> -> memref<10240x128xf32, #tpu.memory_space<vmem_shared>>
    tpu.enqueue_indirect_dma source(%dma_start3A_1328 : memref<10240x128xf32, #tpu.memory_space<vmem_shared>>) target(%arg8 : memref<64x128xf32, #tpu.memory_space<vmem>>) offsets(%dma_start3A_1325 : memref<64xi32, #tpu.memory_space<vmem>>) semaphore(%arg10 : memref<!tpu.dma_semaphore, #tpu.memory_space<semaphore_mem>>) {add = true}
    %dma_start3A_1329 = arith.constant 2 : i32
    %dma_start3A_1330 = arith.constant 3 : i32
    %dma_start3A_1331 = arith.constant 0 : i32
    %dma_start3A_1332 = tpu.memref_slice %arg5[%dma_start3A_1329, %dma_start3A_1330, %dma_start3A_1331] : memref<32x5x64xi32, #tpu.memory_space<vmem>> -> memref<1x1x64xi32, #tpu.memory_space<vmem>>
    %dma_start3A_1333 = tpu.memref_squeeze %dma_start3A_1332 : memref<1x1x64xi32, #tpu.memory_space<vmem>> -> memref<64xi32, #tpu.memory_space<vmem>>
    %dma_start3A_1334 = arith.constant 0 : i32
    %dma_start3A_1335 = arith.constant 0 : i32
    %dma_start3A_1336 = tpu.memref_slice %arg6[%dma_start3A_1334, %dma_start3A_1335] : memref<10240x128xf32, #tpu.memory_space<vmem_shared>> -> memref<10240x128xf32, #tpu.memory_space<vmem_shared>>
    tpu.enqueue_indirect_dma source(%dma_start3A_1336 : memref<10240x128xf32, #tpu.memory_space<vmem_shared>>) target(%arg8 : memref<64x128xf32, #tpu.memory_space<vmem>>) offsets(%dma_start3A_1333 : memref<64xi32, #tpu.memory_space<vmem>>) semaphore(%arg10 : memref<!tpu.dma_semaphore, #tpu.memory_space<semaphore_mem>>) {add = true}
    %dma_start3A_1337 = arith.constant 3 : i32
    %dma_start3A_1338 = arith.constant 3 : i32
    %dma_start3A_1339 = arith.constant 0 : i32
    %dma_start3A_1340 = tpu.memref_slice %arg5[%dma_start3A_1337, %dma_start3A_1338, %dma_start3A_1339] : memref<32x5x64xi32, #tpu.memory_space<vmem>> -> memref<1x1x64xi32, #tpu.memory_space<vmem>>
    %dma_start3A_1341 = tpu.memref_squeeze %dma_start3A_1340 : memref<1x1x64xi32, #tpu.memory_space<vmem>> -> memref<64xi32, #tpu.memory_space<vmem>>
    %dma_start3A_1342 = arith.constant 0 : i32
    %dma_start3A_1343 = arith.constant 0 : i32
    %dma_start3A_1344 = tpu.memref_slice %arg6[%dma_start3A_1342, %dma_start3A_1343] : memref<10240x128xf32, #tpu.memory_space<vmem_shared>> -> memref<10240x128xf32, #tpu.memory_space<vmem_shared>>
    tpu.enqueue_indirect_dma source(%dma_start3A_1344 : memref<10240x128xf32, #tpu.memory_space<vmem_shared>>) target(%arg8 : memref<64x128xf32, #tpu.memory_space<vmem>>) offsets(%dma_start3A_1341 : memref<64xi32, #tpu.memory_space<vmem>>) semaphore(%arg10 : memref<!tpu.dma_semaphore, #tpu.memory_space<semaphore_mem>>) {add = true}
    %dma_start3A_1345 = arith.constant 4 : i32
    %dma_start3A_1346 = arith.constant 3 : i32
    %dma_start3A_1347 = arith.constant 0 : i32
    %dma_start3A_1348 = tpu.memref_slice %arg5[%dma_start3A_1345, %dma_start3A_1346, %dma_start3A_1347] : memref<32x5x64xi32, #tpu.memory_space<vmem>> -> memref<1x1x64xi32, #tpu.memory_space<vmem>>
    %dma_start3A_1349 = tpu.memref_squeeze %dma_start3A_1348 : memref<1x1x64xi32, #tpu.memory_space<vmem>> -> memref<64xi32, #tpu.memory_space<vmem>>
    %dma_start3A_1350 = arith.constant 0 : i32
    %dma_start3A_1351 = arith.constant 0 : i32
    %dma_start3A_1352 = tpu.memref_slice %arg6[%dma_start3A_1350, %dma_start3A_1351] : memref<10240x128xf32, #tpu.memory_space<vmem_shared>> -> memref<10240x128xf32, #tpu.memory_space<vmem_shared>>
    tpu.enqueue_indirect_dma source(%dma_start3A_1352 : memref<10240x128xf32, #tpu.memory_space<vmem_shared>>) target(%arg8 : memref<64x128xf32, #tpu.memory_space<vmem>>) offsets(%dma_start3A_1349 : memref<64xi32, #tpu.memory_space<vmem>>) semaphore(%arg10 : memref<!tpu.dma_semaphore, #tpu.memory_space<semaphore_mem>>) {add = true}
    %dma_start3A_1353 = arith.constant 5 : i32
    %dma_start3A_1354 = arith.constant 3 : i32
    %dma_start3A_1355 = arith.constant 0 : i32
    %dma_start3A_1356 = tpu.memref_slice %arg5[%dma_start3A_1353, %dma_start3A_1354, %dma_start3A_1355] : memref<32x5x64xi32, #tpu.memory_space<vmem>> -> memref<1x1x64xi32, #tpu.memory_space<vmem>>
    %dma_start3A_1357 = tpu.memref_squeeze %dma_start3A_1356 : memref<1x1x64xi32, #tpu.memory_space<vmem>> -> memref<64xi32, #tpu.memory_space<vmem>>
    %dma_start3A_1358 = arith.constant 0 : i32
    %dma_start3A_1359 = arith.constant 0 : i32
    %dma_start3A_1360 = tpu.memref_slice %arg6[%dma_start3A_1358, %dma_start3A_1359] : memref<10240x128xf32, #tpu.memory_space<vmem_shared>> -> memref<10240x128xf32, #tpu.memory_space<vmem_shared>>
    tpu.enqueue_indirect_dma source(%dma_start3A_1360 : memref<10240x128xf32, #tpu.memory_space<vmem_shared>>) target(%arg8 : memref<64x128xf32, #tpu.memory_space<vmem>>) offsets(%dma_start3A_1357 : memref<64xi32, #tpu.memory_space<vmem>>) semaphore(%arg10 : memref<!tpu.dma_semaphore, #tpu.memory_space<semaphore_mem>>) {add = true}
    %dma_start3A_1361 = arith.constant 6 : i32
    %dma_start3A_1362 = arith.constant 3 : i32
    %dma_start3A_1363 = arith.constant 0 : i32
    %dma_start3A_1364 = tpu.memref_slice %arg5[%dma_start3A_1361, %dma_start3A_1362, %dma_start3A_1363] : memref<32x5x64xi32, #tpu.memory_space<vmem>> -> memref<1x1x64xi32, #tpu.memory_space<vmem>>
    %dma_start3A_1365 = tpu.memref_squeeze %dma_start3A_1364 : memref<1x1x64xi32, #tpu.memory_space<vmem>> -> memref<64xi32, #tpu.memory_space<vmem>>
    %dma_start3A_1366 = arith.constant 0 : i32
    %dma_start3A_1367 = arith.constant 0 : i32
    %dma_start3A_1368 = tpu.memref_slice %arg6[%dma_start3A_1366, %dma_start3A_1367] : memref<10240x128xf32, #tpu.memory_space<vmem_shared>> -> memref<10240x128xf32, #tpu.memory_space<vmem_shared>>
    tpu.enqueue_indirect_dma source(%dma_start3A_1368 : memref<10240x128xf32, #tpu.memory_space<vmem_shared>>) target(%arg8 : memref<64x128xf32, #tpu.memory_space<vmem>>) offsets(%dma_start3A_1365 : memref<64xi32, #tpu.memory_space<vmem>>) semaphore(%arg10 : memref<!tpu.dma_semaphore, #tpu.memory_space<semaphore_mem>>) {add = true}
    %dma_start3A_1369 = arith.constant 7 : i32
    %dma_start3A_1370 = arith.constant 3 : i32
    %dma_start3A_1371 = arith.constant 0 : i32
    %dma_start3A_1372 = tpu.memref_slice %arg5[%dma_start3A_1369, %dma_start3A_1370, %dma_start3A_1371] : memref<32x5x64xi32, #tpu.memory_space<vmem>> -> memref<1x1x64xi32, #tpu.memory_space<vmem>>
    %dma_start3A_1373 = tpu.memref_squeeze %dma_start3A_1372 : memref<1x1x64xi32, #tpu.memory_space<vmem>> -> memref<64xi32, #tpu.memory_space<vmem>>
    %dma_start3A_1374 = arith.constant 0 : i32
    %dma_start3A_1375 = arith.constant 0 : i32
    %dma_start3A_1376 = tpu.memref_slice %arg6[%dma_start3A_1374, %dma_start3A_1375] : memref<10240x128xf32, #tpu.memory_space<vmem_shared>> -> memref<10240x128xf32, #tpu.memory_space<vmem_shared>>
    tpu.enqueue_indirect_dma source(%dma_start3A_1376 : memref<10240x128xf32, #tpu.memory_space<vmem_shared>>) target(%arg8 : memref<64x128xf32, #tpu.memory_space<vmem>>) offsets(%dma_start3A_1373 : memref<64xi32, #tpu.memory_space<vmem>>) semaphore(%arg10 : memref<!tpu.dma_semaphore, #tpu.memory_space<semaphore_mem>>) {add = true}
    %dma_start3A_1377 = arith.constant 8 : i32
    %dma_start3A_1378 = arith.constant 3 : i32
    %dma_start3A_1379 = arith.constant 0 : i32
    %dma_start3A_1380 = tpu.memref_slice %arg5[%dma_start3A_1377, %dma_start3A_1378, %dma_start3A_1379] : memref<32x5x64xi32, #tpu.memory_space<vmem>> -> memref<1x1x64xi32, #tpu.memory_space<vmem>>
    %dma_start3A_1381 = tpu.memref_squeeze %dma_start3A_1380 : memref<1x1x64xi32, #tpu.memory_space<vmem>> -> memref<64xi32, #tpu.memory_space<vmem>>
    %dma_start3A_1382 = arith.constant 0 : i32
    %dma_start3A_1383 = arith.constant 0 : i32
    %dma_start3A_1384 = tpu.memref_slice %arg6[%dma_start3A_1382, %dma_start3A_1383] : memref<10240x128xf32, #tpu.memory_space<vmem_shared>> -> memref<10240x128xf32, #tpu.memory_space<vmem_shared>>
    tpu.enqueue_indirect_dma source(%dma_start3A_1384 : memref<10240x128xf32, #tpu.memory_space<vmem_shared>>) target(%arg8 : memref<64x128xf32, #tpu.memory_space<vmem>>) offsets(%dma_start3A_1381 : memref<64xi32, #tpu.memory_space<vmem>>) semaphore(%arg10 : memref<!tpu.dma_semaphore, #tpu.memory_space<semaphore_mem>>) {add = true}
    %dma_start3A_1385 = arith.constant 9 : i32
    %dma_start3A_1386 = arith.constant 3 : i32
    %dma_start3A_1387 = arith.constant 0 : i32
    %dma_start3A_1388 = tpu.memref_slice %arg5[%dma_start3A_1385, %dma_start3A_1386, %dma_start3A_1387] : memref<32x5x64xi32, #tpu.memory_space<vmem>> -> memref<1x1x64xi32, #tpu.memory_space<vmem>>
    %dma_start3A_1389 = tpu.memref_squeeze %dma_start3A_1388 : memref<1x1x64xi32, #tpu.memory_space<vmem>> -> memref<64xi32, #tpu.memory_space<vmem>>
    %dma_start3A_1390 = arith.constant 0 : i32
    %dma_start3A_1391 = arith.constant 0 : i32
    %dma_start3A_1392 = tpu.memref_slice %arg6[%dma_start3A_1390, %dma_start3A_1391] : memref<10240x128xf32, #tpu.memory_space<vmem_shared>> -> memref<10240x128xf32, #tpu.memory_space<vmem_shared>>
    tpu.enqueue_indirect_dma source(%dma_start3A_1392 : memref<10240x128xf32, #tpu.memory_space<vmem_shared>>) target(%arg8 : memref<64x128xf32, #tpu.memory_space<vmem>>) offsets(%dma_start3A_1389 : memref<64xi32, #tpu.memory_space<vmem>>) semaphore(%arg10 : memref<!tpu.dma_semaphore, #tpu.memory_space<semaphore_mem>>) {add = true}
    %dma_start3A_1393 = arith.constant 10 : i32
    %dma_start3A_1394 = arith.constant 3 : i32
    %dma_start3A_1395 = arith.constant 0 : i32
    %dma_start3A_1396 = tpu.memref_slice %arg5[%dma_start3A_1393, %dma_start3A_1394, %dma_start3A_1395] : memref<32x5x64xi32, #tpu.memory_space<vmem>> -> memref<1x1x64xi32, #tpu.memory_space<vmem>>
    %dma_start3A_1397 = tpu.memref_squeeze %dma_start3A_1396 : memref<1x1x64xi32, #tpu.memory_space<vmem>> -> memref<64xi32, #tpu.memory_space<vmem>>
    %dma_start3A_1398 = arith.constant 0 : i32
    %dma_start3A_1399 = arith.constant 0 : i32
    %dma_start3A_1400 = tpu.memref_slice %arg6[%dma_start3A_1398, %dma_start3A_1399] : memref<10240x128xf32, #tpu.memory_space<vmem_shared>> -> memref<10240x128xf32, #tpu.memory_space<vmem_shared>>
    tpu.enqueue_indirect_dma source(%dma_start3A_1400 : memref<10240x128xf32, #tpu.memory_space<vmem_shared>>) target(%arg8 : memref<64x128xf32, #tpu.memory_space<vmem>>) offsets(%dma_start3A_1397 : memref<64xi32, #tpu.memory_space<vmem>>) semaphore(%arg10 : memref<!tpu.dma_semaphore, #tpu.memory_space<semaphore_mem>>) {add = true}
    %dma_start3A_1401 = arith.constant 11 : i32
    %dma_start3A_1402 = arith.constant 3 : i32
    %dma_start3A_1403 = arith.constant 0 : i32
    %dma_start3A_1404 = tpu.memref_slice %arg5[%dma_start3A_1401, %dma_start3A_1402, %dma_start3A_1403] : memref<32x5x64xi32, #tpu.memory_space<vmem>> -> memref<1x1x64xi32, #tpu.memory_space<vmem>>
    %dma_start3A_1405 = tpu.memref_squeeze %dma_start3A_1404 : memref<1x1x64xi32, #tpu.memory_space<vmem>> -> memref<64xi32, #tpu.memory_space<vmem>>
    %dma_start3A_1406 = arith.constant 0 : i32
    %dma_start3A_1407 = arith.constant 0 : i32
    %dma_start3A_1408 = tpu.memref_slice %arg6[%dma_start3A_1406, %dma_start3A_1407] : memref<10240x128xf32, #tpu.memory_space<vmem_shared>> -> memref<10240x128xf32, #tpu.memory_space<vmem_shared>>
    tpu.enqueue_indirect_dma source(%dma_start3A_1408 : memref<10240x128xf32, #tpu.memory_space<vmem_shared>>) target(%arg8 : memref<64x128xf32, #tpu.memory_space<vmem>>) offsets(%dma_start3A_1405 : memref<64xi32, #tpu.memory_space<vmem>>) semaphore(%arg10 : memref<!tpu.dma_semaphore, #tpu.memory_space<semaphore_mem>>) {add = true}
    %dma_start3A_1409 = arith.constant 12 : i32
    %dma_start3A_1410 = arith.constant 3 : i32
    %dma_start3A_1411 = arith.constant 0 : i32
    %dma_start3A_1412 = tpu.memref_slice %arg5[%dma_start3A_1409, %dma_start3A_1410, %dma_start3A_1411] : memref<32x5x64xi32, #tpu.memory_space<vmem>> -> memref<1x1x64xi32, #tpu.memory_space<vmem>>
    %dma_start3A_1413 = tpu.memref_squeeze %dma_start3A_1412 : memref<1x1x64xi32, #tpu.memory_space<vmem>> -> memref<64xi32, #tpu.memory_space<vmem>>
    %dma_start3A_1414 = arith.constant 0 : i32
    %dma_start3A_1415 = arith.constant 0 : i32
    %dma_start3A_1416 = tpu.memref_slice %arg6[%dma_start3A_1414, %dma_start3A_1415] : memref<10240x128xf32, #tpu.memory_space<vmem_shared>> -> memref<10240x128xf32, #tpu.memory_space<vmem_shared>>
    tpu.enqueue_indirect_dma source(%dma_start3A_1416 : memref<10240x128xf32, #tpu.memory_space<vmem_shared>>) target(%arg8 : memref<64x128xf32, #tpu.memory_space<vmem>>) offsets(%dma_start3A_1413 : memref<64xi32, #tpu.memory_space<vmem>>) semaphore(%arg10 : memref<!tpu.dma_semaphore, #tpu.memory_space<semaphore_mem>>) {add = true}
    %dma_start3A_1417 = arith.constant 13 : i32
    %dma_start3A_1418 = arith.constant 3 : i32
    %dma_start3A_1419 = arith.constant 0 : i32
    %dma_start3A_1420 = tpu.memref_slice %arg5[%dma_start3A_1417, %dma_start3A_1418, %dma_start3A_1419] : memref<32x5x64xi32, #tpu.memory_space<vmem>> -> memref<1x1x64xi32, #tpu.memory_space<vmem>>
    %dma_start3A_1421 = tpu.memref_squeeze %dma_start3A_1420 : memref<1x1x64xi32, #tpu.memory_space<vmem>> -> memref<64xi32, #tpu.memory_space<vmem>>
    %dma_start3A_1422 = arith.constant 0 : i32
    %dma_start3A_1423 = arith.constant 0 : i32
    %dma_start3A_1424 = tpu.memref_slice %arg6[%dma_start3A_1422, %dma_start3A_1423] : memref<10240x128xf32, #tpu.memory_space<vmem_shared>> -> memref<10240x128xf32, #tpu.memory_space<vmem_shared>>
    tpu.enqueue_indirect_dma source(%dma_start3A_1424 : memref<10240x128xf32, #tpu.memory_space<vmem_shared>>) target(%arg8 : memref<64x128xf32, #tpu.memory_space<vmem>>) offsets(%dma_start3A_1421 : memref<64xi32, #tpu.memory_space<vmem>>) semaphore(%arg10 : memref<!tpu.dma_semaphore, #tpu.memory_space<semaphore_mem>>) {add = true}
    %dma_start3A_1425 = arith.constant 14 : i32
    %dma_start3A_1426 = arith.constant 3 : i32
    %dma_start3A_1427 = arith.constant 0 : i32
    %dma_start3A_1428 = tpu.memref_slice %arg5[%dma_start3A_1425, %dma_start3A_1426, %dma_start3A_1427] : memref<32x5x64xi32, #tpu.memory_space<vmem>> -> memref<1x1x64xi32, #tpu.memory_space<vmem>>
    %dma_start3A_1429 = tpu.memref_squeeze %dma_start3A_1428 : memref<1x1x64xi32, #tpu.memory_space<vmem>> -> memref<64xi32, #tpu.memory_space<vmem>>
    %dma_start3A_1430 = arith.constant 0 : i32
    %dma_start3A_1431 = arith.constant 0 : i32
    %dma_start3A_1432 = tpu.memref_slice %arg6[%dma_start3A_1430, %dma_start3A_1431] : memref<10240x128xf32, #tpu.memory_space<vmem_shared>> -> memref<10240x128xf32, #tpu.memory_space<vmem_shared>>
    tpu.enqueue_indirect_dma source(%dma_start3A_1432 : memref<10240x128xf32, #tpu.memory_space<vmem_shared>>) target(%arg8 : memref<64x128xf32, #tpu.memory_space<vmem>>) offsets(%dma_start3A_1429 : memref<64xi32, #tpu.memory_space<vmem>>) semaphore(%arg10 : memref<!tpu.dma_semaphore, #tpu.memory_space<semaphore_mem>>) {add = true}
    %dma_start3A_1433 = arith.constant 15 : i32
    %dma_start3A_1434 = arith.constant 3 : i32
    %dma_start3A_1435 = arith.constant 0 : i32
    %dma_start3A_1436 = tpu.memref_slice %arg5[%dma_start3A_1433, %dma_start3A_1434, %dma_start3A_1435] : memref<32x5x64xi32, #tpu.memory_space<vmem>> -> memref<1x1x64xi32, #tpu.memory_space<vmem>>
    %dma_start3A_1437 = tpu.memref_squeeze %dma_start3A_1436 : memref<1x1x64xi32, #tpu.memory_space<vmem>> -> memref<64xi32, #tpu.memory_space<vmem>>
    %dma_start3A_1438 = arith.constant 0 : i32
    %dma_start3A_1439 = arith.constant 0 : i32
    %dma_start3A_1440 = tpu.memref_slice %arg6[%dma_start3A_1438, %dma_start3A_1439] : memref<10240x128xf32, #tpu.memory_space<vmem_shared>> -> memref<10240x128xf32, #tpu.memory_space<vmem_shared>>
    tpu.enqueue_indirect_dma source(%dma_start3A_1440 : memref<10240x128xf32, #tpu.memory_space<vmem_shared>>) target(%arg8 : memref<64x128xf32, #tpu.memory_space<vmem>>) offsets(%dma_start3A_1437 : memref<64xi32, #tpu.memory_space<vmem>>) semaphore(%arg10 : memref<!tpu.dma_semaphore, #tpu.memory_space<semaphore_mem>>) {add = true}
    %dma_start3A_1441 = arith.constant 16 : i32
    %dma_start3A_1442 = arith.constant 3 : i32
    %dma_start3A_1443 = arith.constant 0 : i32
    %dma_start3A_1444 = tpu.memref_slice %arg5[%dma_start3A_1441, %dma_start3A_1442, %dma_start3A_1443] : memref<32x5x64xi32, #tpu.memory_space<vmem>> -> memref<1x1x64xi32, #tpu.memory_space<vmem>>
    %dma_start3A_1445 = tpu.memref_squeeze %dma_start3A_1444 : memref<1x1x64xi32, #tpu.memory_space<vmem>> -> memref<64xi32, #tpu.memory_space<vmem>>
    %dma_start3A_1446 = arith.constant 0 : i32
    %dma_start3A_1447 = arith.constant 0 : i32
    %dma_start3A_1448 = tpu.memref_slice %arg6[%dma_start3A_1446, %dma_start3A_1447] : memref<10240x128xf32, #tpu.memory_space<vmem_shared>> -> memref<10240x128xf32, #tpu.memory_space<vmem_shared>>
    tpu.enqueue_indirect_dma source(%dma_start3A_1448 : memref<10240x128xf32, #tpu.memory_space<vmem_shared>>) target(%arg8 : memref<64x128xf32, #tpu.memory_space<vmem>>) offsets(%dma_start3A_1445 : memref<64xi32, #tpu.memory_space<vmem>>) semaphore(%arg10 : memref<!tpu.dma_semaphore, #tpu.memory_space<semaphore_mem>>) {add = true}
    %dma_start3A_1449 = arith.constant 17 : i32
    %dma_start3A_1450 = arith.constant 3 : i32
    %dma_start3A_1451 = arith.constant 0 : i32
    %dma_start3A_1452 = tpu.memref_slice %arg5[%dma_start3A_1449, %dma_start3A_1450, %dma_start3A_1451] : memref<32x5x64xi32, #tpu.memory_space<vmem>> -> memref<1x1x64xi32, #tpu.memory_space<vmem>>
    %dma_start3A_1453 = tpu.memref_squeeze %dma_start3A_1452 : memref<1x1x64xi32, #tpu.memory_space<vmem>> -> memref<64xi32, #tpu.memory_space<vmem>>
    %dma_start3A_1454 = arith.constant 0 : i32
    %dma_start3A_1455 = arith.constant 0 : i32
    %dma_start3A_1456 = tpu.memref_slice %arg6[%dma_start3A_1454, %dma_start3A_1455] : memref<10240x128xf32, #tpu.memory_space<vmem_shared>> -> memref<10240x128xf32, #tpu.memory_space<vmem_shared>>
    tpu.enqueue_indirect_dma source(%dma_start3A_1456 : memref<10240x128xf32, #tpu.memory_space<vmem_shared>>) target(%arg8 : memref<64x128xf32, #tpu.memory_space<vmem>>) offsets(%dma_start3A_1453 : memref<64xi32, #tpu.memory_space<vmem>>) semaphore(%arg10 : memref<!tpu.dma_semaphore, #tpu.memory_space<semaphore_mem>>) {add = true}
    %dma_start3A_1457 = arith.constant 18 : i32
    %dma_start3A_1458 = arith.constant 3 : i32
    %dma_start3A_1459 = arith.constant 0 : i32
    %dma_start3A_1460 = tpu.memref_slice %arg5[%dma_start3A_1457, %dma_start3A_1458, %dma_start3A_1459] : memref<32x5x64xi32, #tpu.memory_space<vmem>> -> memref<1x1x64xi32, #tpu.memory_space<vmem>>
    %dma_start3A_1461 = tpu.memref_squeeze %dma_start3A_1460 : memref<1x1x64xi32, #tpu.memory_space<vmem>> -> memref<64xi32, #tpu.memory_space<vmem>>
    %dma_start3A_1462 = arith.constant 0 : i32
    %dma_start3A_1463 = arith.constant 0 : i32
    %dma_start3A_1464 = tpu.memref_slice %arg6[%dma_start3A_1462, %dma_start3A_1463] : memref<10240x128xf32, #tpu.memory_space<vmem_shared>> -> memref<10240x128xf32, #tpu.memory_space<vmem_shared>>
    tpu.enqueue_indirect_dma source(%dma_start3A_1464 : memref<10240x128xf32, #tpu.memory_space<vmem_shared>>) target(%arg8 : memref<64x128xf32, #tpu.memory_space<vmem>>) offsets(%dma_start3A_1461 : memref<64xi32, #tpu.memory_space<vmem>>) semaphore(%arg10 : memref<!tpu.dma_semaphore, #tpu.memory_space<semaphore_mem>>) {add = true}
    %dma_start3A_1465 = arith.constant 19 : i32
    %dma_start3A_1466 = arith.constant 3 : i32
    %dma_start3A_1467 = arith.constant 0 : i32
    %dma_start3A_1468 = tpu.memref_slice %arg5[%dma_start3A_1465, %dma_start3A_1466, %dma_start3A_1467] : memref<32x5x64xi32, #tpu.memory_space<vmem>> -> memref<1x1x64xi32, #tpu.memory_space<vmem>>
    %dma_start3A_1469 = tpu.memref_squeeze %dma_start3A_1468 : memref<1x1x64xi32, #tpu.memory_space<vmem>> -> memref<64xi32, #tpu.memory_space<vmem>>
    %dma_start3A_1470 = arith.constant 0 : i32
    %dma_start3A_1471 = arith.constant 0 : i32
    %dma_start3A_1472 = tpu.memref_slice %arg6[%dma_start3A_1470, %dma_start3A_1471] : memref<10240x128xf32, #tpu.memory_space<vmem_shared>> -> memref<10240x128xf32, #tpu.memory_space<vmem_shared>>
    tpu.enqueue_indirect_dma source(%dma_start3A_1472 : memref<10240x128xf32, #tpu.memory_space<vmem_shared>>) target(%arg8 : memref<64x128xf32, #tpu.memory_space<vmem>>) offsets(%dma_start3A_1469 : memref<64xi32, #tpu.memory_space<vmem>>) semaphore(%arg10 : memref<!tpu.dma_semaphore, #tpu.memory_space<semaphore_mem>>) {add = true}
    %dma_start3A_1473 = arith.constant 20 : i32
    %dma_start3A_1474 = arith.constant 3 : i32
    %dma_start3A_1475 = arith.constant 0 : i32
    %dma_start3A_1476 = tpu.memref_slice %arg5[%dma_start3A_1473, %dma_start3A_1474, %dma_start3A_1475] : memref<32x5x64xi32, #tpu.memory_space<vmem>> -> memref<1x1x64xi32, #tpu.memory_space<vmem>>
    %dma_start3A_1477 = tpu.memref_squeeze %dma_start3A_1476 : memref<1x1x64xi32, #tpu.memory_space<vmem>> -> memref<64xi32, #tpu.memory_space<vmem>>
    %dma_start3A_1478 = arith.constant 0 : i32
    %dma_start3A_1479 = arith.constant 0 : i32
    %dma_start3A_1480 = tpu.memref_slice %arg6[%dma_start3A_1478, %dma_start3A_1479] : memref<10240x128xf32, #tpu.memory_space<vmem_shared>> -> memref<10240x128xf32, #tpu.memory_space<vmem_shared>>
    tpu.enqueue_indirect_dma source(%dma_start3A_1480 : memref<10240x128xf32, #tpu.memory_space<vmem_shared>>) target(%arg8 : memref<64x128xf32, #tpu.memory_space<vmem>>) offsets(%dma_start3A_1477 : memref<64xi32, #tpu.memory_space<vmem>>) semaphore(%arg10 : memref<!tpu.dma_semaphore, #tpu.memory_space<semaphore_mem>>) {add = true}
    %dma_start3A_1481 = arith.constant 21 : i32
    %dma_start3A_1482 = arith.constant 3 : i32
    %dma_start3A_1483 = arith.constant 0 : i32
    %dma_start3A_1484 = tpu.memref_slice %arg5[%dma_start3A_1481, %dma_start3A_1482, %dma_start3A_1483] : memref<32x5x64xi32, #tpu.memory_space<vmem>> -> memref<1x1x64xi32, #tpu.memory_space<vmem>>
    %dma_start3A_1485 = tpu.memref_squeeze %dma_start3A_1484 : memref<1x1x64xi32, #tpu.memory_space<vmem>> -> memref<64xi32, #tpu.memory_space<vmem>>
    %dma_start3A_1486 = arith.constant 0 : i32
    %dma_start3A_1487 = arith.constant 0 : i32
    %dma_start3A_1488 = tpu.memref_slice %arg6[%dma_start3A_1486, %dma_start3A_1487] : memref<10240x128xf32, #tpu.memory_space<vmem_shared>> -> memref<10240x128xf32, #tpu.memory_space<vmem_shared>>
    tpu.enqueue_indirect_dma source(%dma_start3A_1488 : memref<10240x128xf32, #tpu.memory_space<vmem_shared>>) target(%arg8 : memref<64x128xf32, #tpu.memory_space<vmem>>) offsets(%dma_start3A_1485 : memref<64xi32, #tpu.memory_space<vmem>>) semaphore(%arg10 : memref<!tpu.dma_semaphore, #tpu.memory_space<semaphore_mem>>) {add = true}
    %dma_start3A_1489 = arith.constant 22 : i32
    %dma_start3A_1490 = arith.constant 3 : i32
    %dma_start3A_1491 = arith.constant 0 : i32
    %dma_start3A_1492 = tpu.memref_slice %arg5[%dma_start3A_1489, %dma_start3A_1490, %dma_start3A_1491] : memref<32x5x64xi32, #tpu.memory_space<vmem>> -> memref<1x1x64xi32, #tpu.memory_space<vmem>>
    %dma_start3A_1493 = tpu.memref_squeeze %dma_start3A_1492 : memref<1x1x64xi32, #tpu.memory_space<vmem>> -> memref<64xi32, #tpu.memory_space<vmem>>
    %dma_start3A_1494 = arith.constant 0 : i32
    %dma_start3A_1495 = arith.constant 0 : i32
    %dma_start3A_1496 = tpu.memref_slice %arg6[%dma_start3A_1494, %dma_start3A_1495] : memref<10240x128xf32, #tpu.memory_space<vmem_shared>> -> memref<10240x128xf32, #tpu.memory_space<vmem_shared>>
    tpu.enqueue_indirect_dma source(%dma_start3A_1496 : memref<10240x128xf32, #tpu.memory_space<vmem_shared>>) target(%arg8 : memref<64x128xf32, #tpu.memory_space<vmem>>) offsets(%dma_start3A_1493 : memref<64xi32, #tpu.memory_space<vmem>>) semaphore(%arg10 : memref<!tpu.dma_semaphore, #tpu.memory_space<semaphore_mem>>) {add = true}
    %dma_start3A_1497 = arith.constant 23 : i32
    %dma_start3A_1498 = arith.constant 3 : i32
    %dma_start3A_1499 = arith.constant 0 : i32
    %dma_start3A_1500 = tpu.memref_slice %arg5[%dma_start3A_1497, %dma_start3A_1498, %dma_start3A_1499] : memref<32x5x64xi32, #tpu.memory_space<vmem>> -> memref<1x1x64xi32, #tpu.memory_space<vmem>>
    %dma_start3A_1501 = tpu.memref_squeeze %dma_start3A_1500 : memref<1x1x64xi32, #tpu.memory_space<vmem>> -> memref<64xi32, #tpu.memory_space<vmem>>
    %dma_start3A_1502 = arith.constant 0 : i32
    %dma_start3A_1503 = arith.constant 0 : i32
    %dma_start3A_1504 = tpu.memref_slice %arg6[%dma_start3A_1502, %dma_start3A_1503] : memref<10240x128xf32, #tpu.memory_space<vmem_shared>> -> memref<10240x128xf32, #tpu.memory_space<vmem_shared>>
    tpu.enqueue_indirect_dma source(%dma_start3A_1504 : memref<10240x128xf32, #tpu.memory_space<vmem_shared>>) target(%arg8 : memref<64x128xf32, #tpu.memory_space<vmem>>) offsets(%dma_start3A_1501 : memref<64xi32, #tpu.memory_space<vmem>>) semaphore(%arg10 : memref<!tpu.dma_semaphore, #tpu.memory_space<semaphore_mem>>) {add = true}
    %dma_start3A_1505 = arith.constant 24 : i32
    %dma_start3A_1506 = arith.constant 3 : i32
    %dma_start3A_1507 = arith.constant 0 : i32
    %dma_start3A_1508 = tpu.memref_slice %arg5[%dma_start3A_1505, %dma_start3A_1506, %dma_start3A_1507] : memref<32x5x64xi32, #tpu.memory_space<vmem>> -> memref<1x1x64xi32, #tpu.memory_space<vmem>>
    %dma_start3A_1509 = tpu.memref_squeeze %dma_start3A_1508 : memref<1x1x64xi32, #tpu.memory_space<vmem>> -> memref<64xi32, #tpu.memory_space<vmem>>
    %dma_start3A_1510 = arith.constant 0 : i32
    %dma_start3A_1511 = arith.constant 0 : i32
    %dma_start3A_1512 = tpu.memref_slice %arg6[%dma_start3A_1510, %dma_start3A_1511] : memref<10240x128xf32, #tpu.memory_space<vmem_shared>> -> memref<10240x128xf32, #tpu.memory_space<vmem_shared>>
    tpu.enqueue_indirect_dma source(%dma_start3A_1512 : memref<10240x128xf32, #tpu.memory_space<vmem_shared>>) target(%arg8 : memref<64x128xf32, #tpu.memory_space<vmem>>) offsets(%dma_start3A_1509 : memref<64xi32, #tpu.memory_space<vmem>>) semaphore(%arg10 : memref<!tpu.dma_semaphore, #tpu.memory_space<semaphore_mem>>) {add = true}
    %dma_start3A_1513 = arith.constant 25 : i32
    %dma_start3A_1514 = arith.constant 3 : i32
    %dma_start3A_1515 = arith.constant 0 : i32
    %dma_start3A_1516 = tpu.memref_slice %arg5[%dma_start3A_1513, %dma_start3A_1514, %dma_start3A_1515] : memref<32x5x64xi32, #tpu.memory_space<vmem>> -> memref<1x1x64xi32, #tpu.memory_space<vmem>>
    %dma_start3A_1517 = tpu.memref_squeeze %dma_start3A_1516 : memref<1x1x64xi32, #tpu.memory_space<vmem>> -> memref<64xi32, #tpu.memory_space<vmem>>
    %dma_start3A_1518 = arith.constant 0 : i32
    %dma_start3A_1519 = arith.constant 0 : i32
    %dma_start3A_1520 = tpu.memref_slice %arg6[%dma_start3A_1518, %dma_start3A_1519] : memref<10240x128xf32, #tpu.memory_space<vmem_shared>> -> memref<10240x128xf32, #tpu.memory_space<vmem_shared>>
    tpu.enqueue_indirect_dma source(%dma_start3A_1520 : memref<10240x128xf32, #tpu.memory_space<vmem_shared>>) target(%arg8 : memref<64x128xf32, #tpu.memory_space<vmem>>) offsets(%dma_start3A_1517 : memref<64xi32, #tpu.memory_space<vmem>>) semaphore(%arg10 : memref<!tpu.dma_semaphore, #tpu.memory_space<semaphore_mem>>) {add = true}
    %dma_start3A_1521 = arith.constant 26 : i32
    %dma_start3A_1522 = arith.constant 3 : i32
    %dma_start3A_1523 = arith.constant 0 : i32
    %dma_start3A_1524 = tpu.memref_slice %arg5[%dma_start3A_1521, %dma_start3A_1522, %dma_start3A_1523] : memref<32x5x64xi32, #tpu.memory_space<vmem>> -> memref<1x1x64xi32, #tpu.memory_space<vmem>>
    %dma_start3A_1525 = tpu.memref_squeeze %dma_start3A_1524 : memref<1x1x64xi32, #tpu.memory_space<vmem>> -> memref<64xi32, #tpu.memory_space<vmem>>
    %dma_start3A_1526 = arith.constant 0 : i32
    %dma_start3A_1527 = arith.constant 0 : i32
    %dma_start3A_1528 = tpu.memref_slice %arg6[%dma_start3A_1526, %dma_start3A_1527] : memref<10240x128xf32, #tpu.memory_space<vmem_shared>> -> memref<10240x128xf32, #tpu.memory_space<vmem_shared>>
    tpu.enqueue_indirect_dma source(%dma_start3A_1528 : memref<10240x128xf32, #tpu.memory_space<vmem_shared>>) target(%arg8 : memref<64x128xf32, #tpu.memory_space<vmem>>) offsets(%dma_start3A_1525 : memref<64xi32, #tpu.memory_space<vmem>>) semaphore(%arg10 : memref<!tpu.dma_semaphore, #tpu.memory_space<semaphore_mem>>) {add = true}
    %dma_start3A_1529 = arith.constant 27 : i32
    %dma_start3A_1530 = arith.constant 3 : i32
    %dma_start3A_1531 = arith.constant 0 : i32
    %dma_start3A_1532 = tpu.memref_slice %arg5[%dma_start3A_1529, %dma_start3A_1530, %dma_start3A_1531] : memref<32x5x64xi32, #tpu.memory_space<vmem>> -> memref<1x1x64xi32, #tpu.memory_space<vmem>>
    %dma_start3A_1533 = tpu.memref_squeeze %dma_start3A_1532 : memref<1x1x64xi32, #tpu.memory_space<vmem>> -> memref<64xi32, #tpu.memory_space<vmem>>
    %dma_start3A_1534 = arith.constant 0 : i32
    %dma_start3A_1535 = arith.constant 0 : i32
    %dma_start3A_1536 = tpu.memref_slice %arg6[%dma_start3A_1534, %dma_start3A_1535] : memref<10240x128xf32, #tpu.memory_space<vmem_shared>> -> memref<10240x128xf32, #tpu.memory_space<vmem_shared>>
    tpu.enqueue_indirect_dma source(%dma_start3A_1536 : memref<10240x128xf32, #tpu.memory_space<vmem_shared>>) target(%arg8 : memref<64x128xf32, #tpu.memory_space<vmem>>) offsets(%dma_start3A_1533 : memref<64xi32, #tpu.memory_space<vmem>>) semaphore(%arg10 : memref<!tpu.dma_semaphore, #tpu.memory_space<semaphore_mem>>) {add = true}
    %dma_start3A_1537 = arith.constant 28 : i32
    %dma_start3A_1538 = arith.constant 3 : i32
    %dma_start3A_1539 = arith.constant 0 : i32
    %dma_start3A_1540 = tpu.memref_slice %arg5[%dma_start3A_1537, %dma_start3A_1538, %dma_start3A_1539] : memref<32x5x64xi32, #tpu.memory_space<vmem>> -> memref<1x1x64xi32, #tpu.memory_space<vmem>>
    %dma_start3A_1541 = tpu.memref_squeeze %dma_start3A_1540 : memref<1x1x64xi32, #tpu.memory_space<vmem>> -> memref<64xi32, #tpu.memory_space<vmem>>
    %dma_start3A_1542 = arith.constant 0 : i32
    %dma_start3A_1543 = arith.constant 0 : i32
    %dma_start3A_1544 = tpu.memref_slice %arg6[%dma_start3A_1542, %dma_start3A_1543] : memref<10240x128xf32, #tpu.memory_space<vmem_shared>> -> memref<10240x128xf32, #tpu.memory_space<vmem_shared>>
    tpu.enqueue_indirect_dma source(%dma_start3A_1544 : memref<10240x128xf32, #tpu.memory_space<vmem_shared>>) target(%arg8 : memref<64x128xf32, #tpu.memory_space<vmem>>) offsets(%dma_start3A_1541 : memref<64xi32, #tpu.memory_space<vmem>>) semaphore(%arg10 : memref<!tpu.dma_semaphore, #tpu.memory_space<semaphore_mem>>) {add = true}
    %dma_start3A_1545 = arith.constant 29 : i32
    %dma_start3A_1546 = arith.constant 3 : i32
    %dma_start3A_1547 = arith.constant 0 : i32
    %dma_start3A_1548 = tpu.memref_slice %arg5[%dma_start3A_1545, %dma_start3A_1546, %dma_start3A_1547] : memref<32x5x64xi32, #tpu.memory_space<vmem>> -> memref<1x1x64xi32, #tpu.memory_space<vmem>>
    %dma_start3A_1549 = tpu.memref_squeeze %dma_start3A_1548 : memref<1x1x64xi32, #tpu.memory_space<vmem>> -> memref<64xi32, #tpu.memory_space<vmem>>
    %dma_start3A_1550 = arith.constant 0 : i32
    %dma_start3A_1551 = arith.constant 0 : i32
    %dma_start3A_1552 = tpu.memref_slice %arg6[%dma_start3A_1550, %dma_start3A_1551] : memref<10240x128xf32, #tpu.memory_space<vmem_shared>> -> memref<10240x128xf32, #tpu.memory_space<vmem_shared>>
    tpu.enqueue_indirect_dma source(%dma_start3A_1552 : memref<10240x128xf32, #tpu.memory_space<vmem_shared>>) target(%arg8 : memref<64x128xf32, #tpu.memory_space<vmem>>) offsets(%dma_start3A_1549 : memref<64xi32, #tpu.memory_space<vmem>>) semaphore(%arg10 : memref<!tpu.dma_semaphore, #tpu.memory_space<semaphore_mem>>) {add = true}
    %dma_start3A_1553 = arith.constant 30 : i32
    %dma_start3A_1554 = arith.constant 3 : i32
    %dma_start3A_1555 = arith.constant 0 : i32
    %dma_start3A_1556 = tpu.memref_slice %arg5[%dma_start3A_1553, %dma_start3A_1554, %dma_start3A_1555] : memref<32x5x64xi32, #tpu.memory_space<vmem>> -> memref<1x1x64xi32, #tpu.memory_space<vmem>>
    %dma_start3A_1557 = tpu.memref_squeeze %dma_start3A_1556 : memref<1x1x64xi32, #tpu.memory_space<vmem>> -> memref<64xi32, #tpu.memory_space<vmem>>
    %dma_start3A_1558 = arith.constant 0 : i32
    %dma_start3A_1559 = arith.constant 0 : i32
    %dma_start3A_1560 = tpu.memref_slice %arg6[%dma_start3A_1558, %dma_start3A_1559] : memref<10240x128xf32, #tpu.memory_space<vmem_shared>> -> memref<10240x128xf32, #tpu.memory_space<vmem_shared>>
    tpu.enqueue_indirect_dma source(%dma_start3A_1560 : memref<10240x128xf32, #tpu.memory_space<vmem_shared>>) target(%arg8 : memref<64x128xf32, #tpu.memory_space<vmem>>) offsets(%dma_start3A_1557 : memref<64xi32, #tpu.memory_space<vmem>>) semaphore(%arg10 : memref<!tpu.dma_semaphore, #tpu.memory_space<semaphore_mem>>) {add = true}
    %dma_start3A_1561 = arith.constant 31 : i32
    %dma_start3A_1562 = arith.constant 3 : i32
    %dma_start3A_1563 = arith.constant 0 : i32
    %dma_start3A_1564 = tpu.memref_slice %arg5[%dma_start3A_1561, %dma_start3A_1562, %dma_start3A_1563] : memref<32x5x64xi32, #tpu.memory_space<vmem>> -> memref<1x1x64xi32, #tpu.memory_space<vmem>>
    %dma_start3A_1565 = tpu.memref_squeeze %dma_start3A_1564 : memref<1x1x64xi32, #tpu.memory_space<vmem>> -> memref<64xi32, #tpu.memory_space<vmem>>
    %dma_start3A_1566 = arith.constant 0 : i32
    %dma_start3A_1567 = arith.constant 0 : i32
    %dma_start3A_1568 = tpu.memref_slice %arg6[%dma_start3A_1566, %dma_start3A_1567] : memref<10240x128xf32, #tpu.memory_space<vmem_shared>> -> memref<10240x128xf32, #tpu.memory_space<vmem_shared>>
    tpu.enqueue_indirect_dma source(%dma_start3A_1568 : memref<10240x128xf32, #tpu.memory_space<vmem_shared>>) target(%arg8 : memref<64x128xf32, #tpu.memory_space<vmem>>) offsets(%dma_start3A_1565 : memref<64xi32, #tpu.memory_space<vmem>>) semaphore(%arg10 : memref<!tpu.dma_semaphore, #tpu.memory_space<semaphore_mem>>) {add = true}
    %dma_wait3A_1569 = arith.constant 0 : i32
    %dma_wait3A_1570 = arith.constant 2 : i32
    %dma_wait3A_1571 = arith.constant 0 : i32
    %dma_wait3A_1572 = tpu.memref_slice %arg5[%dma_wait3A_1569, %dma_wait3A_1570, %dma_wait3A_1571] : memref<32x5x64xi32, #tpu.memory_space<vmem>> -> memref<1x1x64xi32, #tpu.memory_space<vmem>>
    %dma_wait3A_1573 = tpu.memref_squeeze %dma_wait3A_1572 : memref<1x1x64xi32, #tpu.memory_space<vmem>> -> memref<64xi32, #tpu.memory_space<vmem>>
    %dma_wait3A_1574 = arith.constant 0 : i32
    %dma_wait3A_1575 = arith.constant 0 : i32
    %dma_wait3A_1576 = tpu.memref_slice %arg6[%dma_wait3A_1574, %dma_wait3A_1575] : memref<10240x128xf32, #tpu.memory_space<vmem_shared>> -> memref<10240x128xf32, #tpu.memory_space<vmem_shared>>
    tpu.wait_indirect_dma semaphore(%arg9 : memref<!tpu.dma_semaphore, #tpu.memory_space<semaphore_mem>>) src(%dma_wait3A_1576 : memref<10240x128xf32, #tpu.memory_space<vmem_shared>>) dst(%arg7 : memref<64x128xf32, #tpu.memory_space<vmem>>)
    %dma_wait3A_1577 = arith.constant 1 : i32
    %dma_wait3A_1578 = arith.constant 2 : i32
    %dma_wait3A_1579 = arith.constant 0 : i32
    %dma_wait3A_1580 = tpu.memref_slice %arg5[%dma_wait3A_1577, %dma_wait3A_1578, %dma_wait3A_1579] : memref<32x5x64xi32, #tpu.memory_space<vmem>> -> memref<1x1x64xi32, #tpu.memory_space<vmem>>
    %dma_wait3A_1581 = tpu.memref_squeeze %dma_wait3A_1580 : memref<1x1x64xi32, #tpu.memory_space<vmem>> -> memref<64xi32, #tpu.memory_space<vmem>>
    %dma_wait3A_1582 = arith.constant 0 : i32
    %dma_wait3A_1583 = arith.constant 0 : i32
    %dma_wait3A_1584 = tpu.memref_slice %arg6[%dma_wait3A_1582, %dma_wait3A_1583] : memref<10240x128xf32, #tpu.memory_space<vmem_shared>> -> memref<10240x128xf32, #tpu.memory_space<vmem_shared>>
    tpu.wait_indirect_dma semaphore(%arg9 : memref<!tpu.dma_semaphore, #tpu.memory_space<semaphore_mem>>) src(%dma_wait3A_1584 : memref<10240x128xf32, #tpu.memory_space<vmem_shared>>) dst(%arg7 : memref<64x128xf32, #tpu.memory_space<vmem>>)
    %dma_wait3A_1585 = arith.constant 2 : i32
    %dma_wait3A_1586 = arith.constant 2 : i32
    %dma_wait3A_1587 = arith.constant 0 : i32
    %dma_wait3A_1588 = tpu.memref_slice %arg5[%dma_wait3A_1585, %dma_wait3A_1586, %dma_wait3A_1587] : memref<32x5x64xi32, #tpu.memory_space<vmem>> -> memref<1x1x64xi32, #tpu.memory_space<vmem>>
    %dma_wait3A_1589 = tpu.memref_squeeze %dma_wait3A_1588 : memref<1x1x64xi32, #tpu.memory_space<vmem>> -> memref<64xi32, #tpu.memory_space<vmem>>
    %dma_wait3A_1590 = arith.constant 0 : i32
    %dma_wait3A_1591 = arith.constant 0 : i32
    %dma_wait3A_1592 = tpu.memref_slice %arg6[%dma_wait3A_1590, %dma_wait3A_1591] : memref<10240x128xf32, #tpu.memory_space<vmem_shared>> -> memref<10240x128xf32, #tpu.memory_space<vmem_shared>>
    tpu.wait_indirect_dma semaphore(%arg9 : memref<!tpu.dma_semaphore, #tpu.memory_space<semaphore_mem>>) src(%dma_wait3A_1592 : memref<10240x128xf32, #tpu.memory_space<vmem_shared>>) dst(%arg7 : memref<64x128xf32, #tpu.memory_space<vmem>>)
    %dma_wait3A_1593 = arith.constant 3 : i32
    %dma_wait3A_1594 = arith.constant 2 : i32
    %dma_wait3A_1595 = arith.constant 0 : i32
    %dma_wait3A_1596 = tpu.memref_slice %arg5[%dma_wait3A_1593, %dma_wait3A_1594, %dma_wait3A_1595] : memref<32x5x64xi32, #tpu.memory_space<vmem>> -> memref<1x1x64xi32, #tpu.memory_space<vmem>>
    %dma_wait3A_1597 = tpu.memref_squeeze %dma_wait3A_1596 : memref<1x1x64xi32, #tpu.memory_space<vmem>> -> memref<64xi32, #tpu.memory_space<vmem>>
    %dma_wait3A_1598 = arith.constant 0 : i32
    %dma_wait3A_1599 = arith.constant 0 : i32
    %dma_wait3A_1600 = tpu.memref_slice %arg6[%dma_wait3A_1598, %dma_wait3A_1599] : memref<10240x128xf32, #tpu.memory_space<vmem_shared>> -> memref<10240x128xf32, #tpu.memory_space<vmem_shared>>
    tpu.wait_indirect_dma semaphore(%arg9 : memref<!tpu.dma_semaphore, #tpu.memory_space<semaphore_mem>>) src(%dma_wait3A_1600 : memref<10240x128xf32, #tpu.memory_space<vmem_shared>>) dst(%arg7 : memref<64x128xf32, #tpu.memory_space<vmem>>)
    %dma_wait3A_1601 = arith.constant 4 : i32
    %dma_wait3A_1602 = arith.constant 2 : i32
    %dma_wait3A_1603 = arith.constant 0 : i32
    %dma_wait3A_1604 = tpu.memref_slice %arg5[%dma_wait3A_1601, %dma_wait3A_1602, %dma_wait3A_1603] : memref<32x5x64xi32, #tpu.memory_space<vmem>> -> memref<1x1x64xi32, #tpu.memory_space<vmem>>
    %dma_wait3A_1605 = tpu.memref_squeeze %dma_wait3A_1604 : memref<1x1x64xi32, #tpu.memory_space<vmem>> -> memref<64xi32, #tpu.memory_space<vmem>>
    %dma_wait3A_1606 = arith.constant 0 : i32
    %dma_wait3A_1607 = arith.constant 0 : i32
    %dma_wait3A_1608 = tpu.memref_slice %arg6[%dma_wait3A_1606, %dma_wait3A_1607] : memref<10240x128xf32, #tpu.memory_space<vmem_shared>> -> memref<10240x128xf32, #tpu.memory_space<vmem_shared>>
    tpu.wait_indirect_dma semaphore(%arg9 : memref<!tpu.dma_semaphore, #tpu.memory_space<semaphore_mem>>) src(%dma_wait3A_1608 : memref<10240x128xf32, #tpu.memory_space<vmem_shared>>) dst(%arg7 : memref<64x128xf32, #tpu.memory_space<vmem>>)
    %dma_wait3A_1609 = arith.constant 5 : i32
    %dma_wait3A_1610 = arith.constant 2 : i32
    %dma_wait3A_1611 = arith.constant 0 : i32
    %dma_wait3A_1612 = tpu.memref_slice %arg5[%dma_wait3A_1609, %dma_wait3A_1610, %dma_wait3A_1611] : memref<32x5x64xi32, #tpu.memory_space<vmem>> -> memref<1x1x64xi32, #tpu.memory_space<vmem>>
    %dma_wait3A_1613 = tpu.memref_squeeze %dma_wait3A_1612 : memref<1x1x64xi32, #tpu.memory_space<vmem>> -> memref<64xi32, #tpu.memory_space<vmem>>
    %dma_wait3A_1614 = arith.constant 0 : i32
    %dma_wait3A_1615 = arith.constant 0 : i32
    %dma_wait3A_1616 = tpu.memref_slice %arg6[%dma_wait3A_1614, %dma_wait3A_1615] : memref<10240x128xf32, #tpu.memory_space<vmem_shared>> -> memref<10240x128xf32, #tpu.memory_space<vmem_shared>>
    tpu.wait_indirect_dma semaphore(%arg9 : memref<!tpu.dma_semaphore, #tpu.memory_space<semaphore_mem>>) src(%dma_wait3A_1616 : memref<10240x128xf32, #tpu.memory_space<vmem_shared>>) dst(%arg7 : memref<64x128xf32, #tpu.memory_space<vmem>>)
    %dma_wait3A_1617 = arith.constant 6 : i32
    %dma_wait3A_1618 = arith.constant 2 : i32
    %dma_wait3A_1619 = arith.constant 0 : i32
    %dma_wait3A_1620 = tpu.memref_slice %arg5[%dma_wait3A_1617, %dma_wait3A_1618, %dma_wait3A_1619] : memref<32x5x64xi32, #tpu.memory_space<vmem>> -> memref<1x1x64xi32, #tpu.memory_space<vmem>>
    %dma_wait3A_1621 = tpu.memref_squeeze %dma_wait3A_1620 : memref<1x1x64xi32, #tpu.memory_space<vmem>> -> memref<64xi32, #tpu.memory_space<vmem>>
    %dma_wait3A_1622 = arith.constant 0 : i32
    %dma_wait3A_1623 = arith.constant 0 : i32
    %dma_wait3A_1624 = tpu.memref_slice %arg6[%dma_wait3A_1622, %dma_wait3A_1623] : memref<10240x128xf32, #tpu.memory_space<vmem_shared>> -> memref<10240x128xf32, #tpu.memory_space<vmem_shared>>
    tpu.wait_indirect_dma semaphore(%arg9 : memref<!tpu.dma_semaphore, #tpu.memory_space<semaphore_mem>>) src(%dma_wait3A_1624 : memref<10240x128xf32, #tpu.memory_space<vmem_shared>>) dst(%arg7 : memref<64x128xf32, #tpu.memory_space<vmem>>)
    %dma_wait3A_1625 = arith.constant 7 : i32
    %dma_wait3A_1626 = arith.constant 2 : i32
    %dma_wait3A_1627 = arith.constant 0 : i32
    %dma_wait3A_1628 = tpu.memref_slice %arg5[%dma_wait3A_1625, %dma_wait3A_1626, %dma_wait3A_1627] : memref<32x5x64xi32, #tpu.memory_space<vmem>> -> memref<1x1x64xi32, #tpu.memory_space<vmem>>
    %dma_wait3A_1629 = tpu.memref_squeeze %dma_wait3A_1628 : memref<1x1x64xi32, #tpu.memory_space<vmem>> -> memref<64xi32, #tpu.memory_space<vmem>>
    %dma_wait3A_1630 = arith.constant 0 : i32
    %dma_wait3A_1631 = arith.constant 0 : i32
    %dma_wait3A_1632 = tpu.memref_slice %arg6[%dma_wait3A_1630, %dma_wait3A_1631] : memref<10240x128xf32, #tpu.memory_space<vmem_shared>> -> memref<10240x128xf32, #tpu.memory_space<vmem_shared>>
    tpu.wait_indirect_dma semaphore(%arg9 : memref<!tpu.dma_semaphore, #tpu.memory_space<semaphore_mem>>) src(%dma_wait3A_1632 : memref<10240x128xf32, #tpu.memory_space<vmem_shared>>) dst(%arg7 : memref<64x128xf32, #tpu.memory_space<vmem>>)
    %dma_wait3A_1633 = arith.constant 8 : i32
    %dma_wait3A_1634 = arith.constant 2 : i32
    %dma_wait3A_1635 = arith.constant 0 : i32
    %dma_wait3A_1636 = tpu.memref_slice %arg5[%dma_wait3A_1633, %dma_wait3A_1634, %dma_wait3A_1635] : memref<32x5x64xi32, #tpu.memory_space<vmem>> -> memref<1x1x64xi32, #tpu.memory_space<vmem>>
    %dma_wait3A_1637 = tpu.memref_squeeze %dma_wait3A_1636 : memref<1x1x64xi32, #tpu.memory_space<vmem>> -> memref<64xi32, #tpu.memory_space<vmem>>
    %dma_wait3A_1638 = arith.constant 0 : i32
    %dma_wait3A_1639 = arith.constant 0 : i32
    %dma_wait3A_1640 = tpu.memref_slice %arg6[%dma_wait3A_1638, %dma_wait3A_1639] : memref<10240x128xf32, #tpu.memory_space<vmem_shared>> -> memref<10240x128xf32, #tpu.memory_space<vmem_shared>>
    tpu.wait_indirect_dma semaphore(%arg9 : memref<!tpu.dma_semaphore, #tpu.memory_space<semaphore_mem>>) src(%dma_wait3A_1640 : memref<10240x128xf32, #tpu.memory_space<vmem_shared>>) dst(%arg7 : memref<64x128xf32, #tpu.memory_space<vmem>>)
    %dma_wait3A_1641 = arith.constant 9 : i32
    %dma_wait3A_1642 = arith.constant 2 : i32
    %dma_wait3A_1643 = arith.constant 0 : i32
    %dma_wait3A_1644 = tpu.memref_slice %arg5[%dma_wait3A_1641, %dma_wait3A_1642, %dma_wait3A_1643] : memref<32x5x64xi32, #tpu.memory_space<vmem>> -> memref<1x1x64xi32, #tpu.memory_space<vmem>>
    %dma_wait3A_1645 = tpu.memref_squeeze %dma_wait3A_1644 : memref<1x1x64xi32, #tpu.memory_space<vmem>> -> memref<64xi32, #tpu.memory_space<vmem>>
    %dma_wait3A_1646 = arith.constant 0 : i32
    %dma_wait3A_1647 = arith.constant 0 : i32
    %dma_wait3A_1648 = tpu.memref_slice %arg6[%dma_wait3A_1646, %dma_wait3A_1647] : memref<10240x128xf32, #tpu.memory_space<vmem_shared>> -> memref<10240x128xf32, #tpu.memory_space<vmem_shared>>
    tpu.wait_indirect_dma semaphore(%arg9 : memref<!tpu.dma_semaphore, #tpu.memory_space<semaphore_mem>>) src(%dma_wait3A_1648 : memref<10240x128xf32, #tpu.memory_space<vmem_shared>>) dst(%arg7 : memref<64x128xf32, #tpu.memory_space<vmem>>)
    %dma_wait3A_1649 = arith.constant 10 : i32
    %dma_wait3A_1650 = arith.constant 2 : i32
    %dma_wait3A_1651 = arith.constant 0 : i32
    %dma_wait3A_1652 = tpu.memref_slice %arg5[%dma_wait3A_1649, %dma_wait3A_1650, %dma_wait3A_1651] : memref<32x5x64xi32, #tpu.memory_space<vmem>> -> memref<1x1x64xi32, #tpu.memory_space<vmem>>
    %dma_wait3A_1653 = tpu.memref_squeeze %dma_wait3A_1652 : memref<1x1x64xi32, #tpu.memory_space<vmem>> -> memref<64xi32, #tpu.memory_space<vmem>>
    %dma_wait3A_1654 = arith.constant 0 : i32
    %dma_wait3A_1655 = arith.constant 0 : i32
    %dma_wait3A_1656 = tpu.memref_slice %arg6[%dma_wait3A_1654, %dma_wait3A_1655] : memref<10240x128xf32, #tpu.memory_space<vmem_shared>> -> memref<10240x128xf32, #tpu.memory_space<vmem_shared>>
    tpu.wait_indirect_dma semaphore(%arg9 : memref<!tpu.dma_semaphore, #tpu.memory_space<semaphore_mem>>) src(%dma_wait3A_1656 : memref<10240x128xf32, #tpu.memory_space<vmem_shared>>) dst(%arg7 : memref<64x128xf32, #tpu.memory_space<vmem>>)
    %dma_wait3A_1657 = arith.constant 11 : i32
    %dma_wait3A_1658 = arith.constant 2 : i32
    %dma_wait3A_1659 = arith.constant 0 : i32
    %dma_wait3A_1660 = tpu.memref_slice %arg5[%dma_wait3A_1657, %dma_wait3A_1658, %dma_wait3A_1659] : memref<32x5x64xi32, #tpu.memory_space<vmem>> -> memref<1x1x64xi32, #tpu.memory_space<vmem>>
    %dma_wait3A_1661 = tpu.memref_squeeze %dma_wait3A_1660 : memref<1x1x64xi32, #tpu.memory_space<vmem>> -> memref<64xi32, #tpu.memory_space<vmem>>
    %dma_wait3A_1662 = arith.constant 0 : i32
    %dma_wait3A_1663 = arith.constant 0 : i32
    %dma_wait3A_1664 = tpu.memref_slice %arg6[%dma_wait3A_1662, %dma_wait3A_1663] : memref<10240x128xf32, #tpu.memory_space<vmem_shared>> -> memref<10240x128xf32, #tpu.memory_space<vmem_shared>>
    tpu.wait_indirect_dma semaphore(%arg9 : memref<!tpu.dma_semaphore, #tpu.memory_space<semaphore_mem>>) src(%dma_wait3A_1664 : memref<10240x128xf32, #tpu.memory_space<vmem_shared>>) dst(%arg7 : memref<64x128xf32, #tpu.memory_space<vmem>>)
    %dma_wait3A_1665 = arith.constant 12 : i32
    %dma_wait3A_1666 = arith.constant 2 : i32
    %dma_wait3A_1667 = arith.constant 0 : i32
    %dma_wait3A_1668 = tpu.memref_slice %arg5[%dma_wait3A_1665, %dma_wait3A_1666, %dma_wait3A_1667] : memref<32x5x64xi32, #tpu.memory_space<vmem>> -> memref<1x1x64xi32, #tpu.memory_space<vmem>>
    %dma_wait3A_1669 = tpu.memref_squeeze %dma_wait3A_1668 : memref<1x1x64xi32, #tpu.memory_space<vmem>> -> memref<64xi32, #tpu.memory_space<vmem>>
    %dma_wait3A_1670 = arith.constant 0 : i32
    %dma_wait3A_1671 = arith.constant 0 : i32
    %dma_wait3A_1672 = tpu.memref_slice %arg6[%dma_wait3A_1670, %dma_wait3A_1671] : memref<10240x128xf32, #tpu.memory_space<vmem_shared>> -> memref<10240x128xf32, #tpu.memory_space<vmem_shared>>
    tpu.wait_indirect_dma semaphore(%arg9 : memref<!tpu.dma_semaphore, #tpu.memory_space<semaphore_mem>>) src(%dma_wait3A_1672 : memref<10240x128xf32, #tpu.memory_space<vmem_shared>>) dst(%arg7 : memref<64x128xf32, #tpu.memory_space<vmem>>)
    %dma_wait3A_1673 = arith.constant 13 : i32
    %dma_wait3A_1674 = arith.constant 2 : i32
    %dma_wait3A_1675 = arith.constant 0 : i32
    %dma_wait3A_1676 = tpu.memref_slice %arg5[%dma_wait3A_1673, %dma_wait3A_1674, %dma_wait3A_1675] : memref<32x5x64xi32, #tpu.memory_space<vmem>> -> memref<1x1x64xi32, #tpu.memory_space<vmem>>
    %dma_wait3A_1677 = tpu.memref_squeeze %dma_wait3A_1676 : memref<1x1x64xi32, #tpu.memory_space<vmem>> -> memref<64xi32, #tpu.memory_space<vmem>>
    %dma_wait3A_1678 = arith.constant 0 : i32
    %dma_wait3A_1679 = arith.constant 0 : i32
    %dma_wait3A_1680 = tpu.memref_slice %arg6[%dma_wait3A_1678, %dma_wait3A_1679] : memref<10240x128xf32, #tpu.memory_space<vmem_shared>> -> memref<10240x128xf32, #tpu.memory_space<vmem_shared>>
    tpu.wait_indirect_dma semaphore(%arg9 : memref<!tpu.dma_semaphore, #tpu.memory_space<semaphore_mem>>) src(%dma_wait3A_1680 : memref<10240x128xf32, #tpu.memory_space<vmem_shared>>) dst(%arg7 : memref<64x128xf32, #tpu.memory_space<vmem>>)
    %dma_wait3A_1681 = arith.constant 14 : i32
    %dma_wait3A_1682 = arith.constant 2 : i32
    %dma_wait3A_1683 = arith.constant 0 : i32
    %dma_wait3A_1684 = tpu.memref_slice %arg5[%dma_wait3A_1681, %dma_wait3A_1682, %dma_wait3A_1683] : memref<32x5x64xi32, #tpu.memory_space<vmem>> -> memref<1x1x64xi32, #tpu.memory_space<vmem>>
    %dma_wait3A_1685 = tpu.memref_squeeze %dma_wait3A_1684 : memref<1x1x64xi32, #tpu.memory_space<vmem>> -> memref<64xi32, #tpu.memory_space<vmem>>
    %dma_wait3A_1686 = arith.constant 0 : i32
    %dma_wait3A_1687 = arith.constant 0 : i32
    %dma_wait3A_1688 = tpu.memref_slice %arg6[%dma_wait3A_1686, %dma_wait3A_1687] : memref<10240x128xf32, #tpu.memory_space<vmem_shared>> -> memref<10240x128xf32, #tpu.memory_space<vmem_shared>>
    tpu.wait_indirect_dma semaphore(%arg9 : memref<!tpu.dma_semaphore, #tpu.memory_space<semaphore_mem>>) src(%dma_wait3A_1688 : memref<10240x128xf32, #tpu.memory_space<vmem_shared>>) dst(%arg7 : memref<64x128xf32, #tpu.memory_space<vmem>>)
    %dma_wait3A_1689 = arith.constant 15 : i32
    %dma_wait3A_1690 = arith.constant 2 : i32
    %dma_wait3A_1691 = arith.constant 0 : i32
    %dma_wait3A_1692 = tpu.memref_slice %arg5[%dma_wait3A_1689, %dma_wait3A_1690, %dma_wait3A_1691] : memref<32x5x64xi32, #tpu.memory_space<vmem>> -> memref<1x1x64xi32, #tpu.memory_space<vmem>>
    %dma_wait3A_1693 = tpu.memref_squeeze %dma_wait3A_1692 : memref<1x1x64xi32, #tpu.memory_space<vmem>> -> memref<64xi32, #tpu.memory_space<vmem>>
    %dma_wait3A_1694 = arith.constant 0 : i32
    %dma_wait3A_1695 = arith.constant 0 : i32
    %dma_wait3A_1696 = tpu.memref_slice %arg6[%dma_wait3A_1694, %dma_wait3A_1695] : memref<10240x128xf32, #tpu.memory_space<vmem_shared>> -> memref<10240x128xf32, #tpu.memory_space<vmem_shared>>
    tpu.wait_indirect_dma semaphore(%arg9 : memref<!tpu.dma_semaphore, #tpu.memory_space<semaphore_mem>>) src(%dma_wait3A_1696 : memref<10240x128xf32, #tpu.memory_space<vmem_shared>>) dst(%arg7 : memref<64x128xf32, #tpu.memory_space<vmem>>)
    %dma_wait3A_1697 = arith.constant 16 : i32
    %dma_wait3A_1698 = arith.constant 2 : i32
    %dma_wait3A_1699 = arith.constant 0 : i32
    %dma_wait3A_1700 = tpu.memref_slice %arg5[%dma_wait3A_1697, %dma_wait3A_1698, %dma_wait3A_1699] : memref<32x5x64xi32, #tpu.memory_space<vmem>> -> memref<1x1x64xi32, #tpu.memory_space<vmem>>
    %dma_wait3A_1701 = tpu.memref_squeeze %dma_wait3A_1700 : memref<1x1x64xi32, #tpu.memory_space<vmem>> -> memref<64xi32, #tpu.memory_space<vmem>>
    %dma_wait3A_1702 = arith.constant 0 : i32
    %dma_wait3A_1703 = arith.constant 0 : i32
    %dma_wait3A_1704 = tpu.memref_slice %arg6[%dma_wait3A_1702, %dma_wait3A_1703] : memref<10240x128xf32, #tpu.memory_space<vmem_shared>> -> memref<10240x128xf32, #tpu.memory_space<vmem_shared>>
    tpu.wait_indirect_dma semaphore(%arg9 : memref<!tpu.dma_semaphore, #tpu.memory_space<semaphore_mem>>) src(%dma_wait3A_1704 : memref<10240x128xf32, #tpu.memory_space<vmem_shared>>) dst(%arg7 : memref<64x128xf32, #tpu.memory_space<vmem>>)
    %dma_wait3A_1705 = arith.constant 17 : i32
    %dma_wait3A_1706 = arith.constant 2 : i32
    %dma_wait3A_1707 = arith.constant 0 : i32
    %dma_wait3A_1708 = tpu.memref_slice %arg5[%dma_wait3A_1705, %dma_wait3A_1706, %dma_wait3A_1707] : memref<32x5x64xi32, #tpu.memory_space<vmem>> -> memref<1x1x64xi32, #tpu.memory_space<vmem>>
    %dma_wait3A_1709 = tpu.memref_squeeze %dma_wait3A_1708 : memref<1x1x64xi32, #tpu.memory_space<vmem>> -> memref<64xi32, #tpu.memory_space<vmem>>
    %dma_wait3A_1710 = arith.constant 0 : i32
    %dma_wait3A_1711 = arith.constant 0 : i32
    %dma_wait3A_1712 = tpu.memref_slice %arg6[%dma_wait3A_1710, %dma_wait3A_1711] : memref<10240x128xf32, #tpu.memory_space<vmem_shared>> -> memref<10240x128xf32, #tpu.memory_space<vmem_shared>>
    tpu.wait_indirect_dma semaphore(%arg9 : memref<!tpu.dma_semaphore, #tpu.memory_space<semaphore_mem>>) src(%dma_wait3A_1712 : memref<10240x128xf32, #tpu.memory_space<vmem_shared>>) dst(%arg7 : memref<64x128xf32, #tpu.memory_space<vmem>>)
    %dma_wait3A_1713 = arith.constant 18 : i32
    %dma_wait3A_1714 = arith.constant 2 : i32
    %dma_wait3A_1715 = arith.constant 0 : i32
    %dma_wait3A_1716 = tpu.memref_slice %arg5[%dma_wait3A_1713, %dma_wait3A_1714, %dma_wait3A_1715] : memref<32x5x64xi32, #tpu.memory_space<vmem>> -> memref<1x1x64xi32, #tpu.memory_space<vmem>>
    %dma_wait3A_1717 = tpu.memref_squeeze %dma_wait3A_1716 : memref<1x1x64xi32, #tpu.memory_space<vmem>> -> memref<64xi32, #tpu.memory_space<vmem>>
    %dma_wait3A_1718 = arith.constant 0 : i32
    %dma_wait3A_1719 = arith.constant 0 : i32
    %dma_wait3A_1720 = tpu.memref_slice %arg6[%dma_wait3A_1718, %dma_wait3A_1719] : memref<10240x128xf32, #tpu.memory_space<vmem_shared>> -> memref<10240x128xf32, #tpu.memory_space<vmem_shared>>
    tpu.wait_indirect_dma semaphore(%arg9 : memref<!tpu.dma_semaphore, #tpu.memory_space<semaphore_mem>>) src(%dma_wait3A_1720 : memref<10240x128xf32, #tpu.memory_space<vmem_shared>>) dst(%arg7 : memref<64x128xf32, #tpu.memory_space<vmem>>)
    %dma_wait3A_1721 = arith.constant 19 : i32
    %dma_wait3A_1722 = arith.constant 2 : i32
    %dma_wait3A_1723 = arith.constant 0 : i32
    %dma_wait3A_1724 = tpu.memref_slice %arg5[%dma_wait3A_1721, %dma_wait3A_1722, %dma_wait3A_1723] : memref<32x5x64xi32, #tpu.memory_space<vmem>> -> memref<1x1x64xi32, #tpu.memory_space<vmem>>
    %dma_wait3A_1725 = tpu.memref_squeeze %dma_wait3A_1724 : memref<1x1x64xi32, #tpu.memory_space<vmem>> -> memref<64xi32, #tpu.memory_space<vmem>>
    %dma_wait3A_1726 = arith.constant 0 : i32
    %dma_wait3A_1727 = arith.constant 0 : i32
    %dma_wait3A_1728 = tpu.memref_slice %arg6[%dma_wait3A_1726, %dma_wait3A_1727] : memref<10240x128xf32, #tpu.memory_space<vmem_shared>> -> memref<10240x128xf32, #tpu.memory_space<vmem_shared>>
    tpu.wait_indirect_dma semaphore(%arg9 : memref<!tpu.dma_semaphore, #tpu.memory_space<semaphore_mem>>) src(%dma_wait3A_1728 : memref<10240x128xf32, #tpu.memory_space<vmem_shared>>) dst(%arg7 : memref<64x128xf32, #tpu.memory_space<vmem>>)
    %dma_wait3A_1729 = arith.constant 20 : i32
    %dma_wait3A_1730 = arith.constant 2 : i32
    %dma_wait3A_1731 = arith.constant 0 : i32
    %dma_wait3A_1732 = tpu.memref_slice %arg5[%dma_wait3A_1729, %dma_wait3A_1730, %dma_wait3A_1731] : memref<32x5x64xi32, #tpu.memory_space<vmem>> -> memref<1x1x64xi32, #tpu.memory_space<vmem>>
    %dma_wait3A_1733 = tpu.memref_squeeze %dma_wait3A_1732 : memref<1x1x64xi32, #tpu.memory_space<vmem>> -> memref<64xi32, #tpu.memory_space<vmem>>
    %dma_wait3A_1734 = arith.constant 0 : i32
    %dma_wait3A_1735 = arith.constant 0 : i32
    %dma_wait3A_1736 = tpu.memref_slice %arg6[%dma_wait3A_1734, %dma_wait3A_1735] : memref<10240x128xf32, #tpu.memory_space<vmem_shared>> -> memref<10240x128xf32, #tpu.memory_space<vmem_shared>>
    tpu.wait_indirect_dma semaphore(%arg9 : memref<!tpu.dma_semaphore, #tpu.memory_space<semaphore_mem>>) src(%dma_wait3A_1736 : memref<10240x128xf32, #tpu.memory_space<vmem_shared>>) dst(%arg7 : memref<64x128xf32, #tpu.memory_space<vmem>>)
    %dma_wait3A_1737 = arith.constant 21 : i32
    %dma_wait3A_1738 = arith.constant 2 : i32
    %dma_wait3A_1739 = arith.constant 0 : i32
    %dma_wait3A_1740 = tpu.memref_slice %arg5[%dma_wait3A_1737, %dma_wait3A_1738, %dma_wait3A_1739] : memref<32x5x64xi32, #tpu.memory_space<vmem>> -> memref<1x1x64xi32, #tpu.memory_space<vmem>>
    %dma_wait3A_1741 = tpu.memref_squeeze %dma_wait3A_1740 : memref<1x1x64xi32, #tpu.memory_space<vmem>> -> memref<64xi32, #tpu.memory_space<vmem>>
    %dma_wait3A_1742 = arith.constant 0 : i32
    %dma_wait3A_1743 = arith.constant 0 : i32
    %dma_wait3A_1744 = tpu.memref_slice %arg6[%dma_wait3A_1742, %dma_wait3A_1743] : memref<10240x128xf32, #tpu.memory_space<vmem_shared>> -> memref<10240x128xf32, #tpu.memory_space<vmem_shared>>
    tpu.wait_indirect_dma semaphore(%arg9 : memref<!tpu.dma_semaphore, #tpu.memory_space<semaphore_mem>>) src(%dma_wait3A_1744 : memref<10240x128xf32, #tpu.memory_space<vmem_shared>>) dst(%arg7 : memref<64x128xf32, #tpu.memory_space<vmem>>)
    %dma_wait3A_1745 = arith.constant 22 : i32
    %dma_wait3A_1746 = arith.constant 2 : i32
    %dma_wait3A_1747 = arith.constant 0 : i32
    %dma_wait3A_1748 = tpu.memref_slice %arg5[%dma_wait3A_1745, %dma_wait3A_1746, %dma_wait3A_1747] : memref<32x5x64xi32, #tpu.memory_space<vmem>> -> memref<1x1x64xi32, #tpu.memory_space<vmem>>
    %dma_wait3A_1749 = tpu.memref_squeeze %dma_wait3A_1748 : memref<1x1x64xi32, #tpu.memory_space<vmem>> -> memref<64xi32, #tpu.memory_space<vmem>>
    %dma_wait3A_1750 = arith.constant 0 : i32
    %dma_wait3A_1751 = arith.constant 0 : i32
    %dma_wait3A_1752 = tpu.memref_slice %arg6[%dma_wait3A_1750, %dma_wait3A_1751] : memref<10240x128xf32, #tpu.memory_space<vmem_shared>> -> memref<10240x128xf32, #tpu.memory_space<vmem_shared>>
    tpu.wait_indirect_dma semaphore(%arg9 : memref<!tpu.dma_semaphore, #tpu.memory_space<semaphore_mem>>) src(%dma_wait3A_1752 : memref<10240x128xf32, #tpu.memory_space<vmem_shared>>) dst(%arg7 : memref<64x128xf32, #tpu.memory_space<vmem>>)
    %dma_wait3A_1753 = arith.constant 23 : i32
    %dma_wait3A_1754 = arith.constant 2 : i32
    %dma_wait3A_1755 = arith.constant 0 : i32
    %dma_wait3A_1756 = tpu.memref_slice %arg5[%dma_wait3A_1753, %dma_wait3A_1754, %dma_wait3A_1755] : memref<32x5x64xi32, #tpu.memory_space<vmem>> -> memref<1x1x64xi32, #tpu.memory_space<vmem>>
    %dma_wait3A_1757 = tpu.memref_squeeze %dma_wait3A_1756 : memref<1x1x64xi32, #tpu.memory_space<vmem>> -> memref<64xi32, #tpu.memory_space<vmem>>
    %dma_wait3A_1758 = arith.constant 0 : i32
    %dma_wait3A_1759 = arith.constant 0 : i32
    %dma_wait3A_1760 = tpu.memref_slice %arg6[%dma_wait3A_1758, %dma_wait3A_1759] : memref<10240x128xf32, #tpu.memory_space<vmem_shared>> -> memref<10240x128xf32, #tpu.memory_space<vmem_shared>>
    tpu.wait_indirect_dma semaphore(%arg9 : memref<!tpu.dma_semaphore, #tpu.memory_space<semaphore_mem>>) src(%dma_wait3A_1760 : memref<10240x128xf32, #tpu.memory_space<vmem_shared>>) dst(%arg7 : memref<64x128xf32, #tpu.memory_space<vmem>>)
    %dma_wait3A_1761 = arith.constant 24 : i32
    %dma_wait3A_1762 = arith.constant 2 : i32
    %dma_wait3A_1763 = arith.constant 0 : i32
    %dma_wait3A_1764 = tpu.memref_slice %arg5[%dma_wait3A_1761, %dma_wait3A_1762, %dma_wait3A_1763] : memref<32x5x64xi32, #tpu.memory_space<vmem>> -> memref<1x1x64xi32, #tpu.memory_space<vmem>>
    %dma_wait3A_1765 = tpu.memref_squeeze %dma_wait3A_1764 : memref<1x1x64xi32, #tpu.memory_space<vmem>> -> memref<64xi32, #tpu.memory_space<vmem>>
    %dma_wait3A_1766 = arith.constant 0 : i32
    %dma_wait3A_1767 = arith.constant 0 : i32
    %dma_wait3A_1768 = tpu.memref_slice %arg6[%dma_wait3A_1766, %dma_wait3A_1767] : memref<10240x128xf32, #tpu.memory_space<vmem_shared>> -> memref<10240x128xf32, #tpu.memory_space<vmem_shared>>
    tpu.wait_indirect_dma semaphore(%arg9 : memref<!tpu.dma_semaphore, #tpu.memory_space<semaphore_mem>>) src(%dma_wait3A_1768 : memref<10240x128xf32, #tpu.memory_space<vmem_shared>>) dst(%arg7 : memref<64x128xf32, #tpu.memory_space<vmem>>)
    %dma_wait3A_1769 = arith.constant 25 : i32
    %dma_wait3A_1770 = arith.constant 2 : i32
    %dma_wait3A_1771 = arith.constant 0 : i32
    %dma_wait3A_1772 = tpu.memref_slice %arg5[%dma_wait3A_1769, %dma_wait3A_1770, %dma_wait3A_1771] : memref<32x5x64xi32, #tpu.memory_space<vmem>> -> memref<1x1x64xi32, #tpu.memory_space<vmem>>
    %dma_wait3A_1773 = tpu.memref_squeeze %dma_wait3A_1772 : memref<1x1x64xi32, #tpu.memory_space<vmem>> -> memref<64xi32, #tpu.memory_space<vmem>>
    %dma_wait3A_1774 = arith.constant 0 : i32
    %dma_wait3A_1775 = arith.constant 0 : i32
    %dma_wait3A_1776 = tpu.memref_slice %arg6[%dma_wait3A_1774, %dma_wait3A_1775] : memref<10240x128xf32, #tpu.memory_space<vmem_shared>> -> memref<10240x128xf32, #tpu.memory_space<vmem_shared>>
    tpu.wait_indirect_dma semaphore(%arg9 : memref<!tpu.dma_semaphore, #tpu.memory_space<semaphore_mem>>) src(%dma_wait3A_1776 : memref<10240x128xf32, #tpu.memory_space<vmem_shared>>) dst(%arg7 : memref<64x128xf32, #tpu.memory_space<vmem>>)
    %dma_wait3A_1777 = arith.constant 26 : i32
    %dma_wait3A_1778 = arith.constant 2 : i32
    %dma_wait3A_1779 = arith.constant 0 : i32
    %dma_wait3A_1780 = tpu.memref_slice %arg5[%dma_wait3A_1777, %dma_wait3A_1778, %dma_wait3A_1779] : memref<32x5x64xi32, #tpu.memory_space<vmem>> -> memref<1x1x64xi32, #tpu.memory_space<vmem>>
    %dma_wait3A_1781 = tpu.memref_squeeze %dma_wait3A_1780 : memref<1x1x64xi32, #tpu.memory_space<vmem>> -> memref<64xi32, #tpu.memory_space<vmem>>
    %dma_wait3A_1782 = arith.constant 0 : i32
    %dma_wait3A_1783 = arith.constant 0 : i32
    %dma_wait3A_1784 = tpu.memref_slice %arg6[%dma_wait3A_1782, %dma_wait3A_1783] : memref<10240x128xf32, #tpu.memory_space<vmem_shared>> -> memref<10240x128xf32, #tpu.memory_space<vmem_shared>>
    tpu.wait_indirect_dma semaphore(%arg9 : memref<!tpu.dma_semaphore, #tpu.memory_space<semaphore_mem>>) src(%dma_wait3A_1784 : memref<10240x128xf32, #tpu.memory_space<vmem_shared>>) dst(%arg7 : memref<64x128xf32, #tpu.memory_space<vmem>>)
    %dma_wait3A_1785 = arith.constant 27 : i32
    %dma_wait3A_1786 = arith.constant 2 : i32
    %dma_wait3A_1787 = arith.constant 0 : i32
    %dma_wait3A_1788 = tpu.memref_slice %arg5[%dma_wait3A_1785, %dma_wait3A_1786, %dma_wait3A_1787] : memref<32x5x64xi32, #tpu.memory_space<vmem>> -> memref<1x1x64xi32, #tpu.memory_space<vmem>>
    %dma_wait3A_1789 = tpu.memref_squeeze %dma_wait3A_1788 : memref<1x1x64xi32, #tpu.memory_space<vmem>> -> memref<64xi32, #tpu.memory_space<vmem>>
    %dma_wait3A_1790 = arith.constant 0 : i32
    %dma_wait3A_1791 = arith.constant 0 : i32
    %dma_wait3A_1792 = tpu.memref_slice %arg6[%dma_wait3A_1790, %dma_wait3A_1791] : memref<10240x128xf32, #tpu.memory_space<vmem_shared>> -> memref<10240x128xf32, #tpu.memory_space<vmem_shared>>
    tpu.wait_indirect_dma semaphore(%arg9 : memref<!tpu.dma_semaphore, #tpu.memory_space<semaphore_mem>>) src(%dma_wait3A_1792 : memref<10240x128xf32, #tpu.memory_space<vmem_shared>>) dst(%arg7 : memref<64x128xf32, #tpu.memory_space<vmem>>)
    %dma_wait3A_1793 = arith.constant 28 : i32
    %dma_wait3A_1794 = arith.constant 2 : i32
    %dma_wait3A_1795 = arith.constant 0 : i32
    %dma_wait3A_1796 = tpu.memref_slice %arg5[%dma_wait3A_1793, %dma_wait3A_1794, %dma_wait3A_1795] : memref<32x5x64xi32, #tpu.memory_space<vmem>> -> memref<1x1x64xi32, #tpu.memory_space<vmem>>
    %dma_wait3A_1797 = tpu.memref_squeeze %dma_wait3A_1796 : memref<1x1x64xi32, #tpu.memory_space<vmem>> -> memref<64xi32, #tpu.memory_space<vmem>>
    %dma_wait3A_1798 = arith.constant 0 : i32
    %dma_wait3A_1799 = arith.constant 0 : i32
    %dma_wait3A_1800 = tpu.memref_slice %arg6[%dma_wait3A_1798, %dma_wait3A_1799] : memref<10240x128xf32, #tpu.memory_space<vmem_shared>> -> memref<10240x128xf32, #tpu.memory_space<vmem_shared>>
    tpu.wait_indirect_dma semaphore(%arg9 : memref<!tpu.dma_semaphore, #tpu.memory_space<semaphore_mem>>) src(%dma_wait3A_1800 : memref<10240x128xf32, #tpu.memory_space<vmem_shared>>) dst(%arg7 : memref<64x128xf32, #tpu.memory_space<vmem>>)
    %dma_wait3A_1801 = arith.constant 29 : i32
    %dma_wait3A_1802 = arith.constant 2 : i32
    %dma_wait3A_1803 = arith.constant 0 : i32
    %dma_wait3A_1804 = tpu.memref_slice %arg5[%dma_wait3A_1801, %dma_wait3A_1802, %dma_wait3A_1803] : memref<32x5x64xi32, #tpu.memory_space<vmem>> -> memref<1x1x64xi32, #tpu.memory_space<vmem>>
    %dma_wait3A_1805 = tpu.memref_squeeze %dma_wait3A_1804 : memref<1x1x64xi32, #tpu.memory_space<vmem>> -> memref<64xi32, #tpu.memory_space<vmem>>
    %dma_wait3A_1806 = arith.constant 0 : i32
    %dma_wait3A_1807 = arith.constant 0 : i32
    %dma_wait3A_1808 = tpu.memref_slice %arg6[%dma_wait3A_1806, %dma_wait3A_1807] : memref<10240x128xf32, #tpu.memory_space<vmem_shared>> -> memref<10240x128xf32, #tpu.memory_space<vmem_shared>>
    tpu.wait_indirect_dma semaphore(%arg9 : memref<!tpu.dma_semaphore, #tpu.memory_space<semaphore_mem>>) src(%dma_wait3A_1808 : memref<10240x128xf32, #tpu.memory_space<vmem_shared>>) dst(%arg7 : memref<64x128xf32, #tpu.memory_space<vmem>>)
    %dma_wait3A_1809 = arith.constant 30 : i32
    %dma_wait3A_1810 = arith.constant 2 : i32
    %dma_wait3A_1811 = arith.constant 0 : i32
    %dma_wait3A_1812 = tpu.memref_slice %arg5[%dma_wait3A_1809, %dma_wait3A_1810, %dma_wait3A_1811] : memref<32x5x64xi32, #tpu.memory_space<vmem>> -> memref<1x1x64xi32, #tpu.memory_space<vmem>>
    %dma_wait3A_1813 = tpu.memref_squeeze %dma_wait3A_1812 : memref<1x1x64xi32, #tpu.memory_space<vmem>> -> memref<64xi32, #tpu.memory_space<vmem>>
    %dma_wait3A_1814 = arith.constant 0 : i32
    %dma_wait3A_1815 = arith.constant 0 : i32
    %dma_wait3A_1816 = tpu.memref_slice %arg6[%dma_wait3A_1814, %dma_wait3A_1815] : memref<10240x128xf32, #tpu.memory_space<vmem_shared>> -> memref<10240x128xf32, #tpu.memory_space<vmem_shared>>
    tpu.wait_indirect_dma semaphore(%arg9 : memref<!tpu.dma_semaphore, #tpu.memory_space<semaphore_mem>>) src(%dma_wait3A_1816 : memref<10240x128xf32, #tpu.memory_space<vmem_shared>>) dst(%arg7 : memref<64x128xf32, #tpu.memory_space<vmem>>)
    %dma_wait3A_1817 = arith.constant 31 : i32
    %dma_wait3A_1818 = arith.constant 2 : i32
    %dma_wait3A_1819 = arith.constant 0 : i32
    %dma_wait3A_1820 = tpu.memref_slice %arg5[%dma_wait3A_1817, %dma_wait3A_1818, %dma_wait3A_1819] : memref<32x5x64xi32, #tpu.memory_space<vmem>> -> memref<1x1x64xi32, #tpu.memory_space<vmem>>
    %dma_wait3A_1821 = tpu.memref_squeeze %dma_wait3A_1820 : memref<1x1x64xi32, #tpu.memory_space<vmem>> -> memref<64xi32, #tpu.memory_space<vmem>>
    %dma_wait3A_1822 = arith.constant 0 : i32
    %dma_wait3A_1823 = arith.constant 0 : i32
    %dma_wait3A_1824 = tpu.memref_slice %arg6[%dma_wait3A_1822, %dma_wait3A_1823] : memref<10240x128xf32, #tpu.memory_space<vmem_shared>> -> memref<10240x128xf32, #tpu.memory_space<vmem_shared>>
    tpu.wait_indirect_dma semaphore(%arg9 : memref<!tpu.dma_semaphore, #tpu.memory_space<semaphore_mem>>) src(%dma_wait3A_1824 : memref<10240x128xf32, #tpu.memory_space<vmem_shared>>) dst(%arg7 : memref<64x128xf32, #tpu.memory_space<vmem>>)
    %add3A_1825 = arith.constant 128 : i32
    %add3A_1826 = arith.addi %mul3A_2, %add3A_1825 : i32
    %dma_start3A_1827 = arith.constant 0 : i32
    %dma_start3A_1828 = tpu.memref_slice %arg4[%add3A_1826, %dma_start3A_1827] : memref<10240x128xf32, #tpu.memory_space<hbm>> -> memref<64x128xf32, #tpu.memory_space<hbm>>
    %dma_start3A_1829 = arith.constant 0 : i32
    %dma_start3A_1830 = tpu.memref_slice %arg4[%add3A_1826, %dma_start3A_1829] : memref<10240x128xf32, #tpu.memory_space<hbm>> -> memref<64x128xf32, #tpu.memory_space<hbm>>
    tpu.enqueue_dma source(%arg7 : memref<64x128xf32, #tpu.memory_space<vmem>>) target(%dma_start3A_1830 : memref<64x128xf32, #tpu.memory_space<hbm>>) target_semaphore(%arg11 : memref<!tpu.dma_semaphore, #tpu.memory_space<semaphore_mem>>)
    %dma_wait3A_1831 = arith.constant 0 : i32
    %dma_wait3A_1832 = tpu.memref_slice %arg4[%add3A_1826, %dma_wait3A_1831] : memref<10240x128xf32, #tpu.memory_space<hbm>> -> memref<64x128xf32, #tpu.memory_space<hbm>>
    %dma_wait3A_1833 = arith.constant 0 : i32
    %dma_wait3A_1834 = tpu.memref_slice %arg4[%add3A_1826, %dma_wait3A_1833] : memref<10240x128xf32, #tpu.memory_space<hbm>> -> memref<64x128xf32, #tpu.memory_space<hbm>>
    tpu.wait_dma2 semaphore(%arg11 : memref<!tpu.dma_semaphore, #tpu.memory_space<semaphore_mem>>) src(%arg7 : memref<64x128xf32, #tpu.memory_space<vmem>>) dst(%dma_wait3A_1834 : memref<64x128xf32, #tpu.memory_space<hbm>>)
    %add3A_1835 = arith.constant 256 : i32
    %add3A_1836 = arith.addi %mul3A_2, %add3A_1835 : i32
    "tpu.region"() ({
      %run_scoped3A = tpu.sem_alloc : memref<!tpu.dma_semaphore, #tpu.memory_space<semaphore_mem>>
      %dma_start3A_2617 = arith.constant 0 : i32
      %dma_start3A_2618 = tpu.memref_slice %arg6[%add3A_1836, %dma_start3A_2617] : memref<10240x128xf32, #tpu.memory_space<vmem_shared>> -> memref<64x128xf32, #tpu.memory_space<vmem_shared>>
      %dma_start3A_2619 = arith.constant 0 : i32
      %dma_start3A_2620 = tpu.memref_slice %arg6[%add3A_1836, %dma_start3A_2619] : memref<10240x128xf32, #tpu.memory_space<vmem_shared>> -> memref<64x128xf32, #tpu.memory_space<vmem_shared>>
      tpu.enqueue_dma source(%dma_start3A_2620 : memref<64x128xf32, #tpu.memory_space<vmem_shared>>) target(%arg7 : memref<64x128xf32, #tpu.memory_space<vmem>>) target_semaphore(%run_scoped3A : memref<!tpu.dma_semaphore, #tpu.memory_space<semaphore_mem>>)
      %dma_wait3A_2621 = arith.constant 0 : i32
      %dma_wait3A_2622 = tpu.memref_slice %arg6[%add3A_1836, %dma_wait3A_2621] : memref<10240x128xf32, #tpu.memory_space<vmem_shared>> -> memref<64x128xf32, #tpu.memory_space<vmem_shared>>
      %dma_wait3A_2623 = arith.constant 0 : i32
      %dma_wait3A_2624 = tpu.memref_slice %arg6[%add3A_1836, %dma_wait3A_2623] : memref<10240x128xf32, #tpu.memory_space<vmem_shared>> -> memref<64x128xf32, #tpu.memory_space<vmem_shared>>
      tpu.wait_dma2 semaphore(%run_scoped3A : memref<!tpu.dma_semaphore, #tpu.memory_space<semaphore_mem>>) src(%dma_wait3A_2624 : memref<64x128xf32, #tpu.memory_space<vmem_shared>>) dst(%arg7 : memref<64x128xf32, #tpu.memory_space<vmem>>)
      tpu.yield
    }) : () -> ()
    %dma_start3A_1837 = arith.constant 0 : i32
    %dma_start3A_1838 = arith.constant 4 : i32
    %dma_start3A_1839 = arith.constant 0 : i32
    %dma_start3A_1840 = tpu.memref_slice %arg5[%dma_start3A_1837, %dma_start3A_1838, %dma_start3A_1839] : memref<32x5x64xi32, #tpu.memory_space<vmem>> -> memref<1x1x64xi32, #tpu.memory_space<vmem>>
    %dma_start3A_1841 = tpu.memref_squeeze %dma_start3A_1840 : memref<1x1x64xi32, #tpu.memory_space<vmem>> -> memref<64xi32, #tpu.memory_space<vmem>>
    %dma_start3A_1842 = arith.constant 0 : i32
    %dma_start3A_1843 = arith.constant 0 : i32
    %dma_start3A_1844 = tpu.memref_slice %arg6[%dma_start3A_1842, %dma_start3A_1843] : memref<10240x128xf32, #tpu.memory_space<vmem_shared>> -> memref<10240x128xf32, #tpu.memory_space<vmem_shared>>
    tpu.enqueue_indirect_dma source(%dma_start3A_1844 : memref<10240x128xf32, #tpu.memory_space<vmem_shared>>) target(%arg7 : memref<64x128xf32, #tpu.memory_space<vmem>>) offsets(%dma_start3A_1841 : memref<64xi32, #tpu.memory_space<vmem>>) semaphore(%arg9 : memref<!tpu.dma_semaphore, #tpu.memory_space<semaphore_mem>>) {add = true}
    %dma_start3A_1845 = arith.constant 1 : i32
    %dma_start3A_1846 = arith.constant 4 : i32
    %dma_start3A_1847 = arith.constant 0 : i32
    %dma_start3A_1848 = tpu.memref_slice %arg5[%dma_start3A_1845, %dma_start3A_1846, %dma_start3A_1847] : memref<32x5x64xi32, #tpu.memory_space<vmem>> -> memref<1x1x64xi32, #tpu.memory_space<vmem>>
    %dma_start3A_1849 = tpu.memref_squeeze %dma_start3A_1848 : memref<1x1x64xi32, #tpu.memory_space<vmem>> -> memref<64xi32, #tpu.memory_space<vmem>>
    %dma_start3A_1850 = arith.constant 0 : i32
    %dma_start3A_1851 = arith.constant 0 : i32
    %dma_start3A_1852 = tpu.memref_slice %arg6[%dma_start3A_1850, %dma_start3A_1851] : memref<10240x128xf32, #tpu.memory_space<vmem_shared>> -> memref<10240x128xf32, #tpu.memory_space<vmem_shared>>
    tpu.enqueue_indirect_dma source(%dma_start3A_1852 : memref<10240x128xf32, #tpu.memory_space<vmem_shared>>) target(%arg7 : memref<64x128xf32, #tpu.memory_space<vmem>>) offsets(%dma_start3A_1849 : memref<64xi32, #tpu.memory_space<vmem>>) semaphore(%arg9 : memref<!tpu.dma_semaphore, #tpu.memory_space<semaphore_mem>>) {add = true}
    %dma_start3A_1853 = arith.constant 2 : i32
    %dma_start3A_1854 = arith.constant 4 : i32
    %dma_start3A_1855 = arith.constant 0 : i32
    %dma_start3A_1856 = tpu.memref_slice %arg5[%dma_start3A_1853, %dma_start3A_1854, %dma_start3A_1855] : memref<32x5x64xi32, #tpu.memory_space<vmem>> -> memref<1x1x64xi32, #tpu.memory_space<vmem>>
    %dma_start3A_1857 = tpu.memref_squeeze %dma_start3A_1856 : memref<1x1x64xi32, #tpu.memory_space<vmem>> -> memref<64xi32, #tpu.memory_space<vmem>>
    %dma_start3A_1858 = arith.constant 0 : i32
    %dma_start3A_1859 = arith.constant 0 : i32
    %dma_start3A_1860 = tpu.memref_slice %arg6[%dma_start3A_1858, %dma_start3A_1859] : memref<10240x128xf32, #tpu.memory_space<vmem_shared>> -> memref<10240x128xf32, #tpu.memory_space<vmem_shared>>
    tpu.enqueue_indirect_dma source(%dma_start3A_1860 : memref<10240x128xf32, #tpu.memory_space<vmem_shared>>) target(%arg7 : memref<64x128xf32, #tpu.memory_space<vmem>>) offsets(%dma_start3A_1857 : memref<64xi32, #tpu.memory_space<vmem>>) semaphore(%arg9 : memref<!tpu.dma_semaphore, #tpu.memory_space<semaphore_mem>>) {add = true}
    %dma_start3A_1861 = arith.constant 3 : i32
    %dma_start3A_1862 = arith.constant 4 : i32
    %dma_start3A_1863 = arith.constant 0 : i32
    %dma_start3A_1864 = tpu.memref_slice %arg5[%dma_start3A_1861, %dma_start3A_1862, %dma_start3A_1863] : memref<32x5x64xi32, #tpu.memory_space<vmem>> -> memref<1x1x64xi32, #tpu.memory_space<vmem>>
    %dma_start3A_1865 = tpu.memref_squeeze %dma_start3A_1864 : memref<1x1x64xi32, #tpu.memory_space<vmem>> -> memref<64xi32, #tpu.memory_space<vmem>>
    %dma_start3A_1866 = arith.constant 0 : i32
    %dma_start3A_1867 = arith.constant 0 : i32
    %dma_start3A_1868 = tpu.memref_slice %arg6[%dma_start3A_1866, %dma_start3A_1867] : memref<10240x128xf32, #tpu.memory_space<vmem_shared>> -> memref<10240x128xf32, #tpu.memory_space<vmem_shared>>
    tpu.enqueue_indirect_dma source(%dma_start3A_1868 : memref<10240x128xf32, #tpu.memory_space<vmem_shared>>) target(%arg7 : memref<64x128xf32, #tpu.memory_space<vmem>>) offsets(%dma_start3A_1865 : memref<64xi32, #tpu.memory_space<vmem>>) semaphore(%arg9 : memref<!tpu.dma_semaphore, #tpu.memory_space<semaphore_mem>>) {add = true}
    %dma_start3A_1869 = arith.constant 4 : i32
    %dma_start3A_1870 = arith.constant 4 : i32
    %dma_start3A_1871 = arith.constant 0 : i32
    %dma_start3A_1872 = tpu.memref_slice %arg5[%dma_start3A_1869, %dma_start3A_1870, %dma_start3A_1871] : memref<32x5x64xi32, #tpu.memory_space<vmem>> -> memref<1x1x64xi32, #tpu.memory_space<vmem>>
    %dma_start3A_1873 = tpu.memref_squeeze %dma_start3A_1872 : memref<1x1x64xi32, #tpu.memory_space<vmem>> -> memref<64xi32, #tpu.memory_space<vmem>>
    %dma_start3A_1874 = arith.constant 0 : i32
    %dma_start3A_1875 = arith.constant 0 : i32
    %dma_start3A_1876 = tpu.memref_slice %arg6[%dma_start3A_1874, %dma_start3A_1875] : memref<10240x128xf32, #tpu.memory_space<vmem_shared>> -> memref<10240x128xf32, #tpu.memory_space<vmem_shared>>
    tpu.enqueue_indirect_dma source(%dma_start3A_1876 : memref<10240x128xf32, #tpu.memory_space<vmem_shared>>) target(%arg7 : memref<64x128xf32, #tpu.memory_space<vmem>>) offsets(%dma_start3A_1873 : memref<64xi32, #tpu.memory_space<vmem>>) semaphore(%arg9 : memref<!tpu.dma_semaphore, #tpu.memory_space<semaphore_mem>>) {add = true}
    %dma_start3A_1877 = arith.constant 5 : i32
    %dma_start3A_1878 = arith.constant 4 : i32
    %dma_start3A_1879 = arith.constant 0 : i32
    %dma_start3A_1880 = tpu.memref_slice %arg5[%dma_start3A_1877, %dma_start3A_1878, %dma_start3A_1879] : memref<32x5x64xi32, #tpu.memory_space<vmem>> -> memref<1x1x64xi32, #tpu.memory_space<vmem>>
    %dma_start3A_1881 = tpu.memref_squeeze %dma_start3A_1880 : memref<1x1x64xi32, #tpu.memory_space<vmem>> -> memref<64xi32, #tpu.memory_space<vmem>>
    %dma_start3A_1882 = arith.constant 0 : i32
    %dma_start3A_1883 = arith.constant 0 : i32
    %dma_start3A_1884 = tpu.memref_slice %arg6[%dma_start3A_1882, %dma_start3A_1883] : memref<10240x128xf32, #tpu.memory_space<vmem_shared>> -> memref<10240x128xf32, #tpu.memory_space<vmem_shared>>
    tpu.enqueue_indirect_dma source(%dma_start3A_1884 : memref<10240x128xf32, #tpu.memory_space<vmem_shared>>) target(%arg7 : memref<64x128xf32, #tpu.memory_space<vmem>>) offsets(%dma_start3A_1881 : memref<64xi32, #tpu.memory_space<vmem>>) semaphore(%arg9 : memref<!tpu.dma_semaphore, #tpu.memory_space<semaphore_mem>>) {add = true}
    %dma_start3A_1885 = arith.constant 6 : i32
    %dma_start3A_1886 = arith.constant 4 : i32
    %dma_start3A_1887 = arith.constant 0 : i32
    %dma_start3A_1888 = tpu.memref_slice %arg5[%dma_start3A_1885, %dma_start3A_1886, %dma_start3A_1887] : memref<32x5x64xi32, #tpu.memory_space<vmem>> -> memref<1x1x64xi32, #tpu.memory_space<vmem>>
    %dma_start3A_1889 = tpu.memref_squeeze %dma_start3A_1888 : memref<1x1x64xi32, #tpu.memory_space<vmem>> -> memref<64xi32, #tpu.memory_space<vmem>>
    %dma_start3A_1890 = arith.constant 0 : i32
    %dma_start3A_1891 = arith.constant 0 : i32
    %dma_start3A_1892 = tpu.memref_slice %arg6[%dma_start3A_1890, %dma_start3A_1891] : memref<10240x128xf32, #tpu.memory_space<vmem_shared>> -> memref<10240x128xf32, #tpu.memory_space<vmem_shared>>
    tpu.enqueue_indirect_dma source(%dma_start3A_1892 : memref<10240x128xf32, #tpu.memory_space<vmem_shared>>) target(%arg7 : memref<64x128xf32, #tpu.memory_space<vmem>>) offsets(%dma_start3A_1889 : memref<64xi32, #tpu.memory_space<vmem>>) semaphore(%arg9 : memref<!tpu.dma_semaphore, #tpu.memory_space<semaphore_mem>>) {add = true}
    %dma_start3A_1893 = arith.constant 7 : i32
    %dma_start3A_1894 = arith.constant 4 : i32
    %dma_start3A_1895 = arith.constant 0 : i32
    %dma_start3A_1896 = tpu.memref_slice %arg5[%dma_start3A_1893, %dma_start3A_1894, %dma_start3A_1895] : memref<32x5x64xi32, #tpu.memory_space<vmem>> -> memref<1x1x64xi32, #tpu.memory_space<vmem>>
    %dma_start3A_1897 = tpu.memref_squeeze %dma_start3A_1896 : memref<1x1x64xi32, #tpu.memory_space<vmem>> -> memref<64xi32, #tpu.memory_space<vmem>>
    %dma_start3A_1898 = arith.constant 0 : i32
    %dma_start3A_1899 = arith.constant 0 : i32
    %dma_start3A_1900 = tpu.memref_slice %arg6[%dma_start3A_1898, %dma_start3A_1899] : memref<10240x128xf32, #tpu.memory_space<vmem_shared>> -> memref<10240x128xf32, #tpu.memory_space<vmem_shared>>
    tpu.enqueue_indirect_dma source(%dma_start3A_1900 : memref<10240x128xf32, #tpu.memory_space<vmem_shared>>) target(%arg7 : memref<64x128xf32, #tpu.memory_space<vmem>>) offsets(%dma_start3A_1897 : memref<64xi32, #tpu.memory_space<vmem>>) semaphore(%arg9 : memref<!tpu.dma_semaphore, #tpu.memory_space<semaphore_mem>>) {add = true}
    %dma_start3A_1901 = arith.constant 8 : i32
    %dma_start3A_1902 = arith.constant 4 : i32
    %dma_start3A_1903 = arith.constant 0 : i32
    %dma_start3A_1904 = tpu.memref_slice %arg5[%dma_start3A_1901, %dma_start3A_1902, %dma_start3A_1903] : memref<32x5x64xi32, #tpu.memory_space<vmem>> -> memref<1x1x64xi32, #tpu.memory_space<vmem>>
    %dma_start3A_1905 = tpu.memref_squeeze %dma_start3A_1904 : memref<1x1x64xi32, #tpu.memory_space<vmem>> -> memref<64xi32, #tpu.memory_space<vmem>>
    %dma_start3A_1906 = arith.constant 0 : i32
    %dma_start3A_1907 = arith.constant 0 : i32
    %dma_start3A_1908 = tpu.memref_slice %arg6[%dma_start3A_1906, %dma_start3A_1907] : memref<10240x128xf32, #tpu.memory_space<vmem_shared>> -> memref<10240x128xf32, #tpu.memory_space<vmem_shared>>
    tpu.enqueue_indirect_dma source(%dma_start3A_1908 : memref<10240x128xf32, #tpu.memory_space<vmem_shared>>) target(%arg7 : memref<64x128xf32, #tpu.memory_space<vmem>>) offsets(%dma_start3A_1905 : memref<64xi32, #tpu.memory_space<vmem>>) semaphore(%arg9 : memref<!tpu.dma_semaphore, #tpu.memory_space<semaphore_mem>>) {add = true}
    %dma_start3A_1909 = arith.constant 9 : i32
    %dma_start3A_1910 = arith.constant 4 : i32
    %dma_start3A_1911 = arith.constant 0 : i32
    %dma_start3A_1912 = tpu.memref_slice %arg5[%dma_start3A_1909, %dma_start3A_1910, %dma_start3A_1911] : memref<32x5x64xi32, #tpu.memory_space<vmem>> -> memref<1x1x64xi32, #tpu.memory_space<vmem>>
    %dma_start3A_1913 = tpu.memref_squeeze %dma_start3A_1912 : memref<1x1x64xi32, #tpu.memory_space<vmem>> -> memref<64xi32, #tpu.memory_space<vmem>>
    %dma_start3A_1914 = arith.constant 0 : i32
    %dma_start3A_1915 = arith.constant 0 : i32
    %dma_start3A_1916 = tpu.memref_slice %arg6[%dma_start3A_1914, %dma_start3A_1915] : memref<10240x128xf32, #tpu.memory_space<vmem_shared>> -> memref<10240x128xf32, #tpu.memory_space<vmem_shared>>
    tpu.enqueue_indirect_dma source(%dma_start3A_1916 : memref<10240x128xf32, #tpu.memory_space<vmem_shared>>) target(%arg7 : memref<64x128xf32, #tpu.memory_space<vmem>>) offsets(%dma_start3A_1913 : memref<64xi32, #tpu.memory_space<vmem>>) semaphore(%arg9 : memref<!tpu.dma_semaphore, #tpu.memory_space<semaphore_mem>>) {add = true}
    %dma_start3A_1917 = arith.constant 10 : i32
    %dma_start3A_1918 = arith.constant 4 : i32
    %dma_start3A_1919 = arith.constant 0 : i32
    %dma_start3A_1920 = tpu.memref_slice %arg5[%dma_start3A_1917, %dma_start3A_1918, %dma_start3A_1919] : memref<32x5x64xi32, #tpu.memory_space<vmem>> -> memref<1x1x64xi32, #tpu.memory_space<vmem>>
    %dma_start3A_1921 = tpu.memref_squeeze %dma_start3A_1920 : memref<1x1x64xi32, #tpu.memory_space<vmem>> -> memref<64xi32, #tpu.memory_space<vmem>>
    %dma_start3A_1922 = arith.constant 0 : i32
    %dma_start3A_1923 = arith.constant 0 : i32
    %dma_start3A_1924 = tpu.memref_slice %arg6[%dma_start3A_1922, %dma_start3A_1923] : memref<10240x128xf32, #tpu.memory_space<vmem_shared>> -> memref<10240x128xf32, #tpu.memory_space<vmem_shared>>
    tpu.enqueue_indirect_dma source(%dma_start3A_1924 : memref<10240x128xf32, #tpu.memory_space<vmem_shared>>) target(%arg7 : memref<64x128xf32, #tpu.memory_space<vmem>>) offsets(%dma_start3A_1921 : memref<64xi32, #tpu.memory_space<vmem>>) semaphore(%arg9 : memref<!tpu.dma_semaphore, #tpu.memory_space<semaphore_mem>>) {add = true}
    %dma_start3A_1925 = arith.constant 11 : i32
    %dma_start3A_1926 = arith.constant 4 : i32
    %dma_start3A_1927 = arith.constant 0 : i32
    %dma_start3A_1928 = tpu.memref_slice %arg5[%dma_start3A_1925, %dma_start3A_1926, %dma_start3A_1927] : memref<32x5x64xi32, #tpu.memory_space<vmem>> -> memref<1x1x64xi32, #tpu.memory_space<vmem>>
    %dma_start3A_1929 = tpu.memref_squeeze %dma_start3A_1928 : memref<1x1x64xi32, #tpu.memory_space<vmem>> -> memref<64xi32, #tpu.memory_space<vmem>>
    %dma_start3A_1930 = arith.constant 0 : i32
    %dma_start3A_1931 = arith.constant 0 : i32
    %dma_start3A_1932 = tpu.memref_slice %arg6[%dma_start3A_1930, %dma_start3A_1931] : memref<10240x128xf32, #tpu.memory_space<vmem_shared>> -> memref<10240x128xf32, #tpu.memory_space<vmem_shared>>
    tpu.enqueue_indirect_dma source(%dma_start3A_1932 : memref<10240x128xf32, #tpu.memory_space<vmem_shared>>) target(%arg7 : memref<64x128xf32, #tpu.memory_space<vmem>>) offsets(%dma_start3A_1929 : memref<64xi32, #tpu.memory_space<vmem>>) semaphore(%arg9 : memref<!tpu.dma_semaphore, #tpu.memory_space<semaphore_mem>>) {add = true}
    %dma_start3A_1933 = arith.constant 12 : i32
    %dma_start3A_1934 = arith.constant 4 : i32
    %dma_start3A_1935 = arith.constant 0 : i32
    %dma_start3A_1936 = tpu.memref_slice %arg5[%dma_start3A_1933, %dma_start3A_1934, %dma_start3A_1935] : memref<32x5x64xi32, #tpu.memory_space<vmem>> -> memref<1x1x64xi32, #tpu.memory_space<vmem>>
    %dma_start3A_1937 = tpu.memref_squeeze %dma_start3A_1936 : memref<1x1x64xi32, #tpu.memory_space<vmem>> -> memref<64xi32, #tpu.memory_space<vmem>>
    %dma_start3A_1938 = arith.constant 0 : i32
    %dma_start3A_1939 = arith.constant 0 : i32
    %dma_start3A_1940 = tpu.memref_slice %arg6[%dma_start3A_1938, %dma_start3A_1939] : memref<10240x128xf32, #tpu.memory_space<vmem_shared>> -> memref<10240x128xf32, #tpu.memory_space<vmem_shared>>
    tpu.enqueue_indirect_dma source(%dma_start3A_1940 : memref<10240x128xf32, #tpu.memory_space<vmem_shared>>) target(%arg7 : memref<64x128xf32, #tpu.memory_space<vmem>>) offsets(%dma_start3A_1937 : memref<64xi32, #tpu.memory_space<vmem>>) semaphore(%arg9 : memref<!tpu.dma_semaphore, #tpu.memory_space<semaphore_mem>>) {add = true}
    %dma_start3A_1941 = arith.constant 13 : i32
    %dma_start3A_1942 = arith.constant 4 : i32
    %dma_start3A_1943 = arith.constant 0 : i32
    %dma_start3A_1944 = tpu.memref_slice %arg5[%dma_start3A_1941, %dma_start3A_1942, %dma_start3A_1943] : memref<32x5x64xi32, #tpu.memory_space<vmem>> -> memref<1x1x64xi32, #tpu.memory_space<vmem>>
    %dma_start3A_1945 = tpu.memref_squeeze %dma_start3A_1944 : memref<1x1x64xi32, #tpu.memory_space<vmem>> -> memref<64xi32, #tpu.memory_space<vmem>>
    %dma_start3A_1946 = arith.constant 0 : i32
    %dma_start3A_1947 = arith.constant 0 : i32
    %dma_start3A_1948 = tpu.memref_slice %arg6[%dma_start3A_1946, %dma_start3A_1947] : memref<10240x128xf32, #tpu.memory_space<vmem_shared>> -> memref<10240x128xf32, #tpu.memory_space<vmem_shared>>
    tpu.enqueue_indirect_dma source(%dma_start3A_1948 : memref<10240x128xf32, #tpu.memory_space<vmem_shared>>) target(%arg7 : memref<64x128xf32, #tpu.memory_space<vmem>>) offsets(%dma_start3A_1945 : memref<64xi32, #tpu.memory_space<vmem>>) semaphore(%arg9 : memref<!tpu.dma_semaphore, #tpu.memory_space<semaphore_mem>>) {add = true}
    %dma_start3A_1949 = arith.constant 14 : i32
    %dma_start3A_1950 = arith.constant 4 : i32
    %dma_start3A_1951 = arith.constant 0 : i32
    %dma_start3A_1952 = tpu.memref_slice %arg5[%dma_start3A_1949, %dma_start3A_1950, %dma_start3A_1951] : memref<32x5x64xi32, #tpu.memory_space<vmem>> -> memref<1x1x64xi32, #tpu.memory_space<vmem>>
    %dma_start3A_1953 = tpu.memref_squeeze %dma_start3A_1952 : memref<1x1x64xi32, #tpu.memory_space<vmem>> -> memref<64xi32, #tpu.memory_space<vmem>>
    %dma_start3A_1954 = arith.constant 0 : i32
    %dma_start3A_1955 = arith.constant 0 : i32
    %dma_start3A_1956 = tpu.memref_slice %arg6[%dma_start3A_1954, %dma_start3A_1955] : memref<10240x128xf32, #tpu.memory_space<vmem_shared>> -> memref<10240x128xf32, #tpu.memory_space<vmem_shared>>
    tpu.enqueue_indirect_dma source(%dma_start3A_1956 : memref<10240x128xf32, #tpu.memory_space<vmem_shared>>) target(%arg7 : memref<64x128xf32, #tpu.memory_space<vmem>>) offsets(%dma_start3A_1953 : memref<64xi32, #tpu.memory_space<vmem>>) semaphore(%arg9 : memref<!tpu.dma_semaphore, #tpu.memory_space<semaphore_mem>>) {add = true}
    %dma_start3A_1957 = arith.constant 15 : i32
    %dma_start3A_1958 = arith.constant 4 : i32
    %dma_start3A_1959 = arith.constant 0 : i32
    %dma_start3A_1960 = tpu.memref_slice %arg5[%dma_start3A_1957, %dma_start3A_1958, %dma_start3A_1959] : memref<32x5x64xi32, #tpu.memory_space<vmem>> -> memref<1x1x64xi32, #tpu.memory_space<vmem>>
    %dma_start3A_1961 = tpu.memref_squeeze %dma_start3A_1960 : memref<1x1x64xi32, #tpu.memory_space<vmem>> -> memref<64xi32, #tpu.memory_space<vmem>>
    %dma_start3A_1962 = arith.constant 0 : i32
    %dma_start3A_1963 = arith.constant 0 : i32
    %dma_start3A_1964 = tpu.memref_slice %arg6[%dma_start3A_1962, %dma_start3A_1963] : memref<10240x128xf32, #tpu.memory_space<vmem_shared>> -> memref<10240x128xf32, #tpu.memory_space<vmem_shared>>
    tpu.enqueue_indirect_dma source(%dma_start3A_1964 : memref<10240x128xf32, #tpu.memory_space<vmem_shared>>) target(%arg7 : memref<64x128xf32, #tpu.memory_space<vmem>>) offsets(%dma_start3A_1961 : memref<64xi32, #tpu.memory_space<vmem>>) semaphore(%arg9 : memref<!tpu.dma_semaphore, #tpu.memory_space<semaphore_mem>>) {add = true}
    %dma_start3A_1965 = arith.constant 16 : i32
    %dma_start3A_1966 = arith.constant 4 : i32
    %dma_start3A_1967 = arith.constant 0 : i32
    %dma_start3A_1968 = tpu.memref_slice %arg5[%dma_start3A_1965, %dma_start3A_1966, %dma_start3A_1967] : memref<32x5x64xi32, #tpu.memory_space<vmem>> -> memref<1x1x64xi32, #tpu.memory_space<vmem>>
    %dma_start3A_1969 = tpu.memref_squeeze %dma_start3A_1968 : memref<1x1x64xi32, #tpu.memory_space<vmem>> -> memref<64xi32, #tpu.memory_space<vmem>>
    %dma_start3A_1970 = arith.constant 0 : i32
    %dma_start3A_1971 = arith.constant 0 : i32
    %dma_start3A_1972 = tpu.memref_slice %arg6[%dma_start3A_1970, %dma_start3A_1971] : memref<10240x128xf32, #tpu.memory_space<vmem_shared>> -> memref<10240x128xf32, #tpu.memory_space<vmem_shared>>
    tpu.enqueue_indirect_dma source(%dma_start3A_1972 : memref<10240x128xf32, #tpu.memory_space<vmem_shared>>) target(%arg7 : memref<64x128xf32, #tpu.memory_space<vmem>>) offsets(%dma_start3A_1969 : memref<64xi32, #tpu.memory_space<vmem>>) semaphore(%arg9 : memref<!tpu.dma_semaphore, #tpu.memory_space<semaphore_mem>>) {add = true}
    %dma_start3A_1973 = arith.constant 17 : i32
    %dma_start3A_1974 = arith.constant 4 : i32
    %dma_start3A_1975 = arith.constant 0 : i32
    %dma_start3A_1976 = tpu.memref_slice %arg5[%dma_start3A_1973, %dma_start3A_1974, %dma_start3A_1975] : memref<32x5x64xi32, #tpu.memory_space<vmem>> -> memref<1x1x64xi32, #tpu.memory_space<vmem>>
    %dma_start3A_1977 = tpu.memref_squeeze %dma_start3A_1976 : memref<1x1x64xi32, #tpu.memory_space<vmem>> -> memref<64xi32, #tpu.memory_space<vmem>>
    %dma_start3A_1978 = arith.constant 0 : i32
    %dma_start3A_1979 = arith.constant 0 : i32
    %dma_start3A_1980 = tpu.memref_slice %arg6[%dma_start3A_1978, %dma_start3A_1979] : memref<10240x128xf32, #tpu.memory_space<vmem_shared>> -> memref<10240x128xf32, #tpu.memory_space<vmem_shared>>
    tpu.enqueue_indirect_dma source(%dma_start3A_1980 : memref<10240x128xf32, #tpu.memory_space<vmem_shared>>) target(%arg7 : memref<64x128xf32, #tpu.memory_space<vmem>>) offsets(%dma_start3A_1977 : memref<64xi32, #tpu.memory_space<vmem>>) semaphore(%arg9 : memref<!tpu.dma_semaphore, #tpu.memory_space<semaphore_mem>>) {add = true}
    %dma_start3A_1981 = arith.constant 18 : i32
    %dma_start3A_1982 = arith.constant 4 : i32
    %dma_start3A_1983 = arith.constant 0 : i32
    %dma_start3A_1984 = tpu.memref_slice %arg5[%dma_start3A_1981, %dma_start3A_1982, %dma_start3A_1983] : memref<32x5x64xi32, #tpu.memory_space<vmem>> -> memref<1x1x64xi32, #tpu.memory_space<vmem>>
    %dma_start3A_1985 = tpu.memref_squeeze %dma_start3A_1984 : memref<1x1x64xi32, #tpu.memory_space<vmem>> -> memref<64xi32, #tpu.memory_space<vmem>>
    %dma_start3A_1986 = arith.constant 0 : i32
    %dma_start3A_1987 = arith.constant 0 : i32
    %dma_start3A_1988 = tpu.memref_slice %arg6[%dma_start3A_1986, %dma_start3A_1987] : memref<10240x128xf32, #tpu.memory_space<vmem_shared>> -> memref<10240x128xf32, #tpu.memory_space<vmem_shared>>
    tpu.enqueue_indirect_dma source(%dma_start3A_1988 : memref<10240x128xf32, #tpu.memory_space<vmem_shared>>) target(%arg7 : memref<64x128xf32, #tpu.memory_space<vmem>>) offsets(%dma_start3A_1985 : memref<64xi32, #tpu.memory_space<vmem>>) semaphore(%arg9 : memref<!tpu.dma_semaphore, #tpu.memory_space<semaphore_mem>>) {add = true}
    %dma_start3A_1989 = arith.constant 19 : i32
    %dma_start3A_1990 = arith.constant 4 : i32
    %dma_start3A_1991 = arith.constant 0 : i32
    %dma_start3A_1992 = tpu.memref_slice %arg5[%dma_start3A_1989, %dma_start3A_1990, %dma_start3A_1991] : memref<32x5x64xi32, #tpu.memory_space<vmem>> -> memref<1x1x64xi32, #tpu.memory_space<vmem>>
    %dma_start3A_1993 = tpu.memref_squeeze %dma_start3A_1992 : memref<1x1x64xi32, #tpu.memory_space<vmem>> -> memref<64xi32, #tpu.memory_space<vmem>>
    %dma_start3A_1994 = arith.constant 0 : i32
    %dma_start3A_1995 = arith.constant 0 : i32
    %dma_start3A_1996 = tpu.memref_slice %arg6[%dma_start3A_1994, %dma_start3A_1995] : memref<10240x128xf32, #tpu.memory_space<vmem_shared>> -> memref<10240x128xf32, #tpu.memory_space<vmem_shared>>
    tpu.enqueue_indirect_dma source(%dma_start3A_1996 : memref<10240x128xf32, #tpu.memory_space<vmem_shared>>) target(%arg7 : memref<64x128xf32, #tpu.memory_space<vmem>>) offsets(%dma_start3A_1993 : memref<64xi32, #tpu.memory_space<vmem>>) semaphore(%arg9 : memref<!tpu.dma_semaphore, #tpu.memory_space<semaphore_mem>>) {add = true}
    %dma_start3A_1997 = arith.constant 20 : i32
    %dma_start3A_1998 = arith.constant 4 : i32
    %dma_start3A_1999 = arith.constant 0 : i32
    %dma_start3A_2000 = tpu.memref_slice %arg5[%dma_start3A_1997, %dma_start3A_1998, %dma_start3A_1999] : memref<32x5x64xi32, #tpu.memory_space<vmem>> -> memref<1x1x64xi32, #tpu.memory_space<vmem>>
    %dma_start3A_2001 = tpu.memref_squeeze %dma_start3A_2000 : memref<1x1x64xi32, #tpu.memory_space<vmem>> -> memref<64xi32, #tpu.memory_space<vmem>>
    %dma_start3A_2002 = arith.constant 0 : i32
    %dma_start3A_2003 = arith.constant 0 : i32
    %dma_start3A_2004 = tpu.memref_slice %arg6[%dma_start3A_2002, %dma_start3A_2003] : memref<10240x128xf32, #tpu.memory_space<vmem_shared>> -> memref<10240x128xf32, #tpu.memory_space<vmem_shared>>
    tpu.enqueue_indirect_dma source(%dma_start3A_2004 : memref<10240x128xf32, #tpu.memory_space<vmem_shared>>) target(%arg7 : memref<64x128xf32, #tpu.memory_space<vmem>>) offsets(%dma_start3A_2001 : memref<64xi32, #tpu.memory_space<vmem>>) semaphore(%arg9 : memref<!tpu.dma_semaphore, #tpu.memory_space<semaphore_mem>>) {add = true}
    %dma_start3A_2005 = arith.constant 21 : i32
    %dma_start3A_2006 = arith.constant 4 : i32
    %dma_start3A_2007 = arith.constant 0 : i32
    %dma_start3A_2008 = tpu.memref_slice %arg5[%dma_start3A_2005, %dma_start3A_2006, %dma_start3A_2007] : memref<32x5x64xi32, #tpu.memory_space<vmem>> -> memref<1x1x64xi32, #tpu.memory_space<vmem>>
    %dma_start3A_2009 = tpu.memref_squeeze %dma_start3A_2008 : memref<1x1x64xi32, #tpu.memory_space<vmem>> -> memref<64xi32, #tpu.memory_space<vmem>>
    %dma_start3A_2010 = arith.constant 0 : i32
    %dma_start3A_2011 = arith.constant 0 : i32
    %dma_start3A_2012 = tpu.memref_slice %arg6[%dma_start3A_2010, %dma_start3A_2011] : memref<10240x128xf32, #tpu.memory_space<vmem_shared>> -> memref<10240x128xf32, #tpu.memory_space<vmem_shared>>
    tpu.enqueue_indirect_dma source(%dma_start3A_2012 : memref<10240x128xf32, #tpu.memory_space<vmem_shared>>) target(%arg7 : memref<64x128xf32, #tpu.memory_space<vmem>>) offsets(%dma_start3A_2009 : memref<64xi32, #tpu.memory_space<vmem>>) semaphore(%arg9 : memref<!tpu.dma_semaphore, #tpu.memory_space<semaphore_mem>>) {add = true}
    %dma_start3A_2013 = arith.constant 22 : i32
    %dma_start3A_2014 = arith.constant 4 : i32
    %dma_start3A_2015 = arith.constant 0 : i32
    %dma_start3A_2016 = tpu.memref_slice %arg5[%dma_start3A_2013, %dma_start3A_2014, %dma_start3A_2015] : memref<32x5x64xi32, #tpu.memory_space<vmem>> -> memref<1x1x64xi32, #tpu.memory_space<vmem>>
    %dma_start3A_2017 = tpu.memref_squeeze %dma_start3A_2016 : memref<1x1x64xi32, #tpu.memory_space<vmem>> -> memref<64xi32, #tpu.memory_space<vmem>>
    %dma_start3A_2018 = arith.constant 0 : i32
    %dma_start3A_2019 = arith.constant 0 : i32
    %dma_start3A_2020 = tpu.memref_slice %arg6[%dma_start3A_2018, %dma_start3A_2019] : memref<10240x128xf32, #tpu.memory_space<vmem_shared>> -> memref<10240x128xf32, #tpu.memory_space<vmem_shared>>
    tpu.enqueue_indirect_dma source(%dma_start3A_2020 : memref<10240x128xf32, #tpu.memory_space<vmem_shared>>) target(%arg7 : memref<64x128xf32, #tpu.memory_space<vmem>>) offsets(%dma_start3A_2017 : memref<64xi32, #tpu.memory_space<vmem>>) semaphore(%arg9 : memref<!tpu.dma_semaphore, #tpu.memory_space<semaphore_mem>>) {add = true}
    %dma_start3A_2021 = arith.constant 23 : i32
    %dma_start3A_2022 = arith.constant 4 : i32
    %dma_start3A_2023 = arith.constant 0 : i32
    %dma_start3A_2024 = tpu.memref_slice %arg5[%dma_start3A_2021, %dma_start3A_2022, %dma_start3A_2023] : memref<32x5x64xi32, #tpu.memory_space<vmem>> -> memref<1x1x64xi32, #tpu.memory_space<vmem>>
    %dma_start3A_2025 = tpu.memref_squeeze %dma_start3A_2024 : memref<1x1x64xi32, #tpu.memory_space<vmem>> -> memref<64xi32, #tpu.memory_space<vmem>>
    %dma_start3A_2026 = arith.constant 0 : i32
    %dma_start3A_2027 = arith.constant 0 : i32
    %dma_start3A_2028 = tpu.memref_slice %arg6[%dma_start3A_2026, %dma_start3A_2027] : memref<10240x128xf32, #tpu.memory_space<vmem_shared>> -> memref<10240x128xf32, #tpu.memory_space<vmem_shared>>
    tpu.enqueue_indirect_dma source(%dma_start3A_2028 : memref<10240x128xf32, #tpu.memory_space<vmem_shared>>) target(%arg7 : memref<64x128xf32, #tpu.memory_space<vmem>>) offsets(%dma_start3A_2025 : memref<64xi32, #tpu.memory_space<vmem>>) semaphore(%arg9 : memref<!tpu.dma_semaphore, #tpu.memory_space<semaphore_mem>>) {add = true}
    %dma_start3A_2029 = arith.constant 24 : i32
    %dma_start3A_2030 = arith.constant 4 : i32
    %dma_start3A_2031 = arith.constant 0 : i32
    %dma_start3A_2032 = tpu.memref_slice %arg5[%dma_start3A_2029, %dma_start3A_2030, %dma_start3A_2031] : memref<32x5x64xi32, #tpu.memory_space<vmem>> -> memref<1x1x64xi32, #tpu.memory_space<vmem>>
    %dma_start3A_2033 = tpu.memref_squeeze %dma_start3A_2032 : memref<1x1x64xi32, #tpu.memory_space<vmem>> -> memref<64xi32, #tpu.memory_space<vmem>>
    %dma_start3A_2034 = arith.constant 0 : i32
    %dma_start3A_2035 = arith.constant 0 : i32
    %dma_start3A_2036 = tpu.memref_slice %arg6[%dma_start3A_2034, %dma_start3A_2035] : memref<10240x128xf32, #tpu.memory_space<vmem_shared>> -> memref<10240x128xf32, #tpu.memory_space<vmem_shared>>
    tpu.enqueue_indirect_dma source(%dma_start3A_2036 : memref<10240x128xf32, #tpu.memory_space<vmem_shared>>) target(%arg7 : memref<64x128xf32, #tpu.memory_space<vmem>>) offsets(%dma_start3A_2033 : memref<64xi32, #tpu.memory_space<vmem>>) semaphore(%arg9 : memref<!tpu.dma_semaphore, #tpu.memory_space<semaphore_mem>>) {add = true}
    %dma_start3A_2037 = arith.constant 25 : i32
    %dma_start3A_2038 = arith.constant 4 : i32
    %dma_start3A_2039 = arith.constant 0 : i32
    %dma_start3A_2040 = tpu.memref_slice %arg5[%dma_start3A_2037, %dma_start3A_2038, %dma_start3A_2039] : memref<32x5x64xi32, #tpu.memory_space<vmem>> -> memref<1x1x64xi32, #tpu.memory_space<vmem>>
    %dma_start3A_2041 = tpu.memref_squeeze %dma_start3A_2040 : memref<1x1x64xi32, #tpu.memory_space<vmem>> -> memref<64xi32, #tpu.memory_space<vmem>>
    %dma_start3A_2042 = arith.constant 0 : i32
    %dma_start3A_2043 = arith.constant 0 : i32
    %dma_start3A_2044 = tpu.memref_slice %arg6[%dma_start3A_2042, %dma_start3A_2043] : memref<10240x128xf32, #tpu.memory_space<vmem_shared>> -> memref<10240x128xf32, #tpu.memory_space<vmem_shared>>
    tpu.enqueue_indirect_dma source(%dma_start3A_2044 : memref<10240x128xf32, #tpu.memory_space<vmem_shared>>) target(%arg7 : memref<64x128xf32, #tpu.memory_space<vmem>>) offsets(%dma_start3A_2041 : memref<64xi32, #tpu.memory_space<vmem>>) semaphore(%arg9 : memref<!tpu.dma_semaphore, #tpu.memory_space<semaphore_mem>>) {add = true}
    %dma_start3A_2045 = arith.constant 26 : i32
    %dma_start3A_2046 = arith.constant 4 : i32
    %dma_start3A_2047 = arith.constant 0 : i32
    %dma_start3A_2048 = tpu.memref_slice %arg5[%dma_start3A_2045, %dma_start3A_2046, %dma_start3A_2047] : memref<32x5x64xi32, #tpu.memory_space<vmem>> -> memref<1x1x64xi32, #tpu.memory_space<vmem>>
    %dma_start3A_2049 = tpu.memref_squeeze %dma_start3A_2048 : memref<1x1x64xi32, #tpu.memory_space<vmem>> -> memref<64xi32, #tpu.memory_space<vmem>>
    %dma_start3A_2050 = arith.constant 0 : i32
    %dma_start3A_2051 = arith.constant 0 : i32
    %dma_start3A_2052 = tpu.memref_slice %arg6[%dma_start3A_2050, %dma_start3A_2051] : memref<10240x128xf32, #tpu.memory_space<vmem_shared>> -> memref<10240x128xf32, #tpu.memory_space<vmem_shared>>
    tpu.enqueue_indirect_dma source(%dma_start3A_2052 : memref<10240x128xf32, #tpu.memory_space<vmem_shared>>) target(%arg7 : memref<64x128xf32, #tpu.memory_space<vmem>>) offsets(%dma_start3A_2049 : memref<64xi32, #tpu.memory_space<vmem>>) semaphore(%arg9 : memref<!tpu.dma_semaphore, #tpu.memory_space<semaphore_mem>>) {add = true}
    %dma_start3A_2053 = arith.constant 27 : i32
    %dma_start3A_2054 = arith.constant 4 : i32
    %dma_start3A_2055 = arith.constant 0 : i32
    %dma_start3A_2056 = tpu.memref_slice %arg5[%dma_start3A_2053, %dma_start3A_2054, %dma_start3A_2055] : memref<32x5x64xi32, #tpu.memory_space<vmem>> -> memref<1x1x64xi32, #tpu.memory_space<vmem>>
    %dma_start3A_2057 = tpu.memref_squeeze %dma_start3A_2056 : memref<1x1x64xi32, #tpu.memory_space<vmem>> -> memref<64xi32, #tpu.memory_space<vmem>>
    %dma_start3A_2058 = arith.constant 0 : i32
    %dma_start3A_2059 = arith.constant 0 : i32
    %dma_start3A_2060 = tpu.memref_slice %arg6[%dma_start3A_2058, %dma_start3A_2059] : memref<10240x128xf32, #tpu.memory_space<vmem_shared>> -> memref<10240x128xf32, #tpu.memory_space<vmem_shared>>
    tpu.enqueue_indirect_dma source(%dma_start3A_2060 : memref<10240x128xf32, #tpu.memory_space<vmem_shared>>) target(%arg7 : memref<64x128xf32, #tpu.memory_space<vmem>>) offsets(%dma_start3A_2057 : memref<64xi32, #tpu.memory_space<vmem>>) semaphore(%arg9 : memref<!tpu.dma_semaphore, #tpu.memory_space<semaphore_mem>>) {add = true}
    %dma_start3A_2061 = arith.constant 28 : i32
    %dma_start3A_2062 = arith.constant 4 : i32
    %dma_start3A_2063 = arith.constant 0 : i32
    %dma_start3A_2064 = tpu.memref_slice %arg5[%dma_start3A_2061, %dma_start3A_2062, %dma_start3A_2063] : memref<32x5x64xi32, #tpu.memory_space<vmem>> -> memref<1x1x64xi32, #tpu.memory_space<vmem>>
    %dma_start3A_2065 = tpu.memref_squeeze %dma_start3A_2064 : memref<1x1x64xi32, #tpu.memory_space<vmem>> -> memref<64xi32, #tpu.memory_space<vmem>>
    %dma_start3A_2066 = arith.constant 0 : i32
    %dma_start3A_2067 = arith.constant 0 : i32
    %dma_start3A_2068 = tpu.memref_slice %arg6[%dma_start3A_2066, %dma_start3A_2067] : memref<10240x128xf32, #tpu.memory_space<vmem_shared>> -> memref<10240x128xf32, #tpu.memory_space<vmem_shared>>
    tpu.enqueue_indirect_dma source(%dma_start3A_2068 : memref<10240x128xf32, #tpu.memory_space<vmem_shared>>) target(%arg7 : memref<64x128xf32, #tpu.memory_space<vmem>>) offsets(%dma_start3A_2065 : memref<64xi32, #tpu.memory_space<vmem>>) semaphore(%arg9 : memref<!tpu.dma_semaphore, #tpu.memory_space<semaphore_mem>>) {add = true}
    %dma_start3A_2069 = arith.constant 29 : i32
    %dma_start3A_2070 = arith.constant 4 : i32
    %dma_start3A_2071 = arith.constant 0 : i32
    %dma_start3A_2072 = tpu.memref_slice %arg5[%dma_start3A_2069, %dma_start3A_2070, %dma_start3A_2071] : memref<32x5x64xi32, #tpu.memory_space<vmem>> -> memref<1x1x64xi32, #tpu.memory_space<vmem>>
    %dma_start3A_2073 = tpu.memref_squeeze %dma_start3A_2072 : memref<1x1x64xi32, #tpu.memory_space<vmem>> -> memref<64xi32, #tpu.memory_space<vmem>>
    %dma_start3A_2074 = arith.constant 0 : i32
    %dma_start3A_2075 = arith.constant 0 : i32
    %dma_start3A_2076 = tpu.memref_slice %arg6[%dma_start3A_2074, %dma_start3A_2075] : memref<10240x128xf32, #tpu.memory_space<vmem_shared>> -> memref<10240x128xf32, #tpu.memory_space<vmem_shared>>
    tpu.enqueue_indirect_dma source(%dma_start3A_2076 : memref<10240x128xf32, #tpu.memory_space<vmem_shared>>) target(%arg7 : memref<64x128xf32, #tpu.memory_space<vmem>>) offsets(%dma_start3A_2073 : memref<64xi32, #tpu.memory_space<vmem>>) semaphore(%arg9 : memref<!tpu.dma_semaphore, #tpu.memory_space<semaphore_mem>>) {add = true}
    %dma_start3A_2077 = arith.constant 30 : i32
    %dma_start3A_2078 = arith.constant 4 : i32
    %dma_start3A_2079 = arith.constant 0 : i32
    %dma_start3A_2080 = tpu.memref_slice %arg5[%dma_start3A_2077, %dma_start3A_2078, %dma_start3A_2079] : memref<32x5x64xi32, #tpu.memory_space<vmem>> -> memref<1x1x64xi32, #tpu.memory_space<vmem>>
    %dma_start3A_2081 = tpu.memref_squeeze %dma_start3A_2080 : memref<1x1x64xi32, #tpu.memory_space<vmem>> -> memref<64xi32, #tpu.memory_space<vmem>>
    %dma_start3A_2082 = arith.constant 0 : i32
    %dma_start3A_2083 = arith.constant 0 : i32
    %dma_start3A_2084 = tpu.memref_slice %arg6[%dma_start3A_2082, %dma_start3A_2083] : memref<10240x128xf32, #tpu.memory_space<vmem_shared>> -> memref<10240x128xf32, #tpu.memory_space<vmem_shared>>
    tpu.enqueue_indirect_dma source(%dma_start3A_2084 : memref<10240x128xf32, #tpu.memory_space<vmem_shared>>) target(%arg7 : memref<64x128xf32, #tpu.memory_space<vmem>>) offsets(%dma_start3A_2081 : memref<64xi32, #tpu.memory_space<vmem>>) semaphore(%arg9 : memref<!tpu.dma_semaphore, #tpu.memory_space<semaphore_mem>>) {add = true}
    %dma_start3A_2085 = arith.constant 31 : i32
    %dma_start3A_2086 = arith.constant 4 : i32
    %dma_start3A_2087 = arith.constant 0 : i32
    %dma_start3A_2088 = tpu.memref_slice %arg5[%dma_start3A_2085, %dma_start3A_2086, %dma_start3A_2087] : memref<32x5x64xi32, #tpu.memory_space<vmem>> -> memref<1x1x64xi32, #tpu.memory_space<vmem>>
    %dma_start3A_2089 = tpu.memref_squeeze %dma_start3A_2088 : memref<1x1x64xi32, #tpu.memory_space<vmem>> -> memref<64xi32, #tpu.memory_space<vmem>>
    %dma_start3A_2090 = arith.constant 0 : i32
    %dma_start3A_2091 = arith.constant 0 : i32
    %dma_start3A_2092 = tpu.memref_slice %arg6[%dma_start3A_2090, %dma_start3A_2091] : memref<10240x128xf32, #tpu.memory_space<vmem_shared>> -> memref<10240x128xf32, #tpu.memory_space<vmem_shared>>
    tpu.enqueue_indirect_dma source(%dma_start3A_2092 : memref<10240x128xf32, #tpu.memory_space<vmem_shared>>) target(%arg7 : memref<64x128xf32, #tpu.memory_space<vmem>>) offsets(%dma_start3A_2089 : memref<64xi32, #tpu.memory_space<vmem>>) semaphore(%arg9 : memref<!tpu.dma_semaphore, #tpu.memory_space<semaphore_mem>>) {add = true}
    %dma_wait3A_2093 = arith.constant 0 : i32
    %dma_wait3A_2094 = arith.constant 3 : i32
    %dma_wait3A_2095 = arith.constant 0 : i32
    %dma_wait3A_2096 = tpu.memref_slice %arg5[%dma_wait3A_2093, %dma_wait3A_2094, %dma_wait3A_2095] : memref<32x5x64xi32, #tpu.memory_space<vmem>> -> memref<1x1x64xi32, #tpu.memory_space<vmem>>
    %dma_wait3A_2097 = tpu.memref_squeeze %dma_wait3A_2096 : memref<1x1x64xi32, #tpu.memory_space<vmem>> -> memref<64xi32, #tpu.memory_space<vmem>>
    %dma_wait3A_2098 = arith.constant 0 : i32
    %dma_wait3A_2099 = arith.constant 0 : i32
    %dma_wait3A_2100 = tpu.memref_slice %arg6[%dma_wait3A_2098, %dma_wait3A_2099] : memref<10240x128xf32, #tpu.memory_space<vmem_shared>> -> memref<10240x128xf32, #tpu.memory_space<vmem_shared>>
    tpu.wait_indirect_dma semaphore(%arg10 : memref<!tpu.dma_semaphore, #tpu.memory_space<semaphore_mem>>) src(%dma_wait3A_2100 : memref<10240x128xf32, #tpu.memory_space<vmem_shared>>) dst(%arg8 : memref<64x128xf32, #tpu.memory_space<vmem>>)
    %dma_wait3A_2101 = arith.constant 1 : i32
    %dma_wait3A_2102 = arith.constant 3 : i32
    %dma_wait3A_2103 = arith.constant 0 : i32
    %dma_wait3A_2104 = tpu.memref_slice %arg5[%dma_wait3A_2101, %dma_wait3A_2102, %dma_wait3A_2103] : memref<32x5x64xi32, #tpu.memory_space<vmem>> -> memref<1x1x64xi32, #tpu.memory_space<vmem>>
    %dma_wait3A_2105 = tpu.memref_squeeze %dma_wait3A_2104 : memref<1x1x64xi32, #tpu.memory_space<vmem>> -> memref<64xi32, #tpu.memory_space<vmem>>
    %dma_wait3A_2106 = arith.constant 0 : i32
    %dma_wait3A_2107 = arith.constant 0 : i32
    %dma_wait3A_2108 = tpu.memref_slice %arg6[%dma_wait3A_2106, %dma_wait3A_2107] : memref<10240x128xf32, #tpu.memory_space<vmem_shared>> -> memref<10240x128xf32, #tpu.memory_space<vmem_shared>>
    tpu.wait_indirect_dma semaphore(%arg10 : memref<!tpu.dma_semaphore, #tpu.memory_space<semaphore_mem>>) src(%dma_wait3A_2108 : memref<10240x128xf32, #tpu.memory_space<vmem_shared>>) dst(%arg8 : memref<64x128xf32, #tpu.memory_space<vmem>>)
    %dma_wait3A_2109 = arith.constant 2 : i32
    %dma_wait3A_2110 = arith.constant 3 : i32
    %dma_wait3A_2111 = arith.constant 0 : i32
    %dma_wait3A_2112 = tpu.memref_slice %arg5[%dma_wait3A_2109, %dma_wait3A_2110, %dma_wait3A_2111] : memref<32x5x64xi32, #tpu.memory_space<vmem>> -> memref<1x1x64xi32, #tpu.memory_space<vmem>>
    %dma_wait3A_2113 = tpu.memref_squeeze %dma_wait3A_2112 : memref<1x1x64xi32, #tpu.memory_space<vmem>> -> memref<64xi32, #tpu.memory_space<vmem>>
    %dma_wait3A_2114 = arith.constant 0 : i32
    %dma_wait3A_2115 = arith.constant 0 : i32
    %dma_wait3A_2116 = tpu.memref_slice %arg6[%dma_wait3A_2114, %dma_wait3A_2115] : memref<10240x128xf32, #tpu.memory_space<vmem_shared>> -> memref<10240x128xf32, #tpu.memory_space<vmem_shared>>
    tpu.wait_indirect_dma semaphore(%arg10 : memref<!tpu.dma_semaphore, #tpu.memory_space<semaphore_mem>>) src(%dma_wait3A_2116 : memref<10240x128xf32, #tpu.memory_space<vmem_shared>>) dst(%arg8 : memref<64x128xf32, #tpu.memory_space<vmem>>)
    %dma_wait3A_2117 = arith.constant 3 : i32
    %dma_wait3A_2118 = arith.constant 3 : i32
    %dma_wait3A_2119 = arith.constant 0 : i32
    %dma_wait3A_2120 = tpu.memref_slice %arg5[%dma_wait3A_2117, %dma_wait3A_2118, %dma_wait3A_2119] : memref<32x5x64xi32, #tpu.memory_space<vmem>> -> memref<1x1x64xi32, #tpu.memory_space<vmem>>
    %dma_wait3A_2121 = tpu.memref_squeeze %dma_wait3A_2120 : memref<1x1x64xi32, #tpu.memory_space<vmem>> -> memref<64xi32, #tpu.memory_space<vmem>>
    %dma_wait3A_2122 = arith.constant 0 : i32
    %dma_wait3A_2123 = arith.constant 0 : i32
    %dma_wait3A_2124 = tpu.memref_slice %arg6[%dma_wait3A_2122, %dma_wait3A_2123] : memref<10240x128xf32, #tpu.memory_space<vmem_shared>> -> memref<10240x128xf32, #tpu.memory_space<vmem_shared>>
    tpu.wait_indirect_dma semaphore(%arg10 : memref<!tpu.dma_semaphore, #tpu.memory_space<semaphore_mem>>) src(%dma_wait3A_2124 : memref<10240x128xf32, #tpu.memory_space<vmem_shared>>) dst(%arg8 : memref<64x128xf32, #tpu.memory_space<vmem>>)
    %dma_wait3A_2125 = arith.constant 4 : i32
    %dma_wait3A_2126 = arith.constant 3 : i32
    %dma_wait3A_2127 = arith.constant 0 : i32
    %dma_wait3A_2128 = tpu.memref_slice %arg5[%dma_wait3A_2125, %dma_wait3A_2126, %dma_wait3A_2127] : memref<32x5x64xi32, #tpu.memory_space<vmem>> -> memref<1x1x64xi32, #tpu.memory_space<vmem>>
    %dma_wait3A_2129 = tpu.memref_squeeze %dma_wait3A_2128 : memref<1x1x64xi32, #tpu.memory_space<vmem>> -> memref<64xi32, #tpu.memory_space<vmem>>
    %dma_wait3A_2130 = arith.constant 0 : i32
    %dma_wait3A_2131 = arith.constant 0 : i32
    %dma_wait3A_2132 = tpu.memref_slice %arg6[%dma_wait3A_2130, %dma_wait3A_2131] : memref<10240x128xf32, #tpu.memory_space<vmem_shared>> -> memref<10240x128xf32, #tpu.memory_space<vmem_shared>>
    tpu.wait_indirect_dma semaphore(%arg10 : memref<!tpu.dma_semaphore, #tpu.memory_space<semaphore_mem>>) src(%dma_wait3A_2132 : memref<10240x128xf32, #tpu.memory_space<vmem_shared>>) dst(%arg8 : memref<64x128xf32, #tpu.memory_space<vmem>>)
    %dma_wait3A_2133 = arith.constant 5 : i32
    %dma_wait3A_2134 = arith.constant 3 : i32
    %dma_wait3A_2135 = arith.constant 0 : i32
    %dma_wait3A_2136 = tpu.memref_slice %arg5[%dma_wait3A_2133, %dma_wait3A_2134, %dma_wait3A_2135] : memref<32x5x64xi32, #tpu.memory_space<vmem>> -> memref<1x1x64xi32, #tpu.memory_space<vmem>>
    %dma_wait3A_2137 = tpu.memref_squeeze %dma_wait3A_2136 : memref<1x1x64xi32, #tpu.memory_space<vmem>> -> memref<64xi32, #tpu.memory_space<vmem>>
    %dma_wait3A_2138 = arith.constant 0 : i32
    %dma_wait3A_2139 = arith.constant 0 : i32
    %dma_wait3A_2140 = tpu.memref_slice %arg6[%dma_wait3A_2138, %dma_wait3A_2139] : memref<10240x128xf32, #tpu.memory_space<vmem_shared>> -> memref<10240x128xf32, #tpu.memory_space<vmem_shared>>
    tpu.wait_indirect_dma semaphore(%arg10 : memref<!tpu.dma_semaphore, #tpu.memory_space<semaphore_mem>>) src(%dma_wait3A_2140 : memref<10240x128xf32, #tpu.memory_space<vmem_shared>>) dst(%arg8 : memref<64x128xf32, #tpu.memory_space<vmem>>)
    %dma_wait3A_2141 = arith.constant 6 : i32
    %dma_wait3A_2142 = arith.constant 3 : i32
    %dma_wait3A_2143 = arith.constant 0 : i32
    %dma_wait3A_2144 = tpu.memref_slice %arg5[%dma_wait3A_2141, %dma_wait3A_2142, %dma_wait3A_2143] : memref<32x5x64xi32, #tpu.memory_space<vmem>> -> memref<1x1x64xi32, #tpu.memory_space<vmem>>
    %dma_wait3A_2145 = tpu.memref_squeeze %dma_wait3A_2144 : memref<1x1x64xi32, #tpu.memory_space<vmem>> -> memref<64xi32, #tpu.memory_space<vmem>>
    %dma_wait3A_2146 = arith.constant 0 : i32
    %dma_wait3A_2147 = arith.constant 0 : i32
    %dma_wait3A_2148 = tpu.memref_slice %arg6[%dma_wait3A_2146, %dma_wait3A_2147] : memref<10240x128xf32, #tpu.memory_space<vmem_shared>> -> memref<10240x128xf32, #tpu.memory_space<vmem_shared>>
    tpu.wait_indirect_dma semaphore(%arg10 : memref<!tpu.dma_semaphore, #tpu.memory_space<semaphore_mem>>) src(%dma_wait3A_2148 : memref<10240x128xf32, #tpu.memory_space<vmem_shared>>) dst(%arg8 : memref<64x128xf32, #tpu.memory_space<vmem>>)
    %dma_wait3A_2149 = arith.constant 7 : i32
    %dma_wait3A_2150 = arith.constant 3 : i32
    %dma_wait3A_2151 = arith.constant 0 : i32
    %dma_wait3A_2152 = tpu.memref_slice %arg5[%dma_wait3A_2149, %dma_wait3A_2150, %dma_wait3A_2151] : memref<32x5x64xi32, #tpu.memory_space<vmem>> -> memref<1x1x64xi32, #tpu.memory_space<vmem>>
    %dma_wait3A_2153 = tpu.memref_squeeze %dma_wait3A_2152 : memref<1x1x64xi32, #tpu.memory_space<vmem>> -> memref<64xi32, #tpu.memory_space<vmem>>
    %dma_wait3A_2154 = arith.constant 0 : i32
    %dma_wait3A_2155 = arith.constant 0 : i32
    %dma_wait3A_2156 = tpu.memref_slice %arg6[%dma_wait3A_2154, %dma_wait3A_2155] : memref<10240x128xf32, #tpu.memory_space<vmem_shared>> -> memref<10240x128xf32, #tpu.memory_space<vmem_shared>>
    tpu.wait_indirect_dma semaphore(%arg10 : memref<!tpu.dma_semaphore, #tpu.memory_space<semaphore_mem>>) src(%dma_wait3A_2156 : memref<10240x128xf32, #tpu.memory_space<vmem_shared>>) dst(%arg8 : memref<64x128xf32, #tpu.memory_space<vmem>>)
    %dma_wait3A_2157 = arith.constant 8 : i32
    %dma_wait3A_2158 = arith.constant 3 : i32
    %dma_wait3A_2159 = arith.constant 0 : i32
    %dma_wait3A_2160 = tpu.memref_slice %arg5[%dma_wait3A_2157, %dma_wait3A_2158, %dma_wait3A_2159] : memref<32x5x64xi32, #tpu.memory_space<vmem>> -> memref<1x1x64xi32, #tpu.memory_space<vmem>>
    %dma_wait3A_2161 = tpu.memref_squeeze %dma_wait3A_2160 : memref<1x1x64xi32, #tpu.memory_space<vmem>> -> memref<64xi32, #tpu.memory_space<vmem>>
    %dma_wait3A_2162 = arith.constant 0 : i32
    %dma_wait3A_2163 = arith.constant 0 : i32
    %dma_wait3A_2164 = tpu.memref_slice %arg6[%dma_wait3A_2162, %dma_wait3A_2163] : memref<10240x128xf32, #tpu.memory_space<vmem_shared>> -> memref<10240x128xf32, #tpu.memory_space<vmem_shared>>
    tpu.wait_indirect_dma semaphore(%arg10 : memref<!tpu.dma_semaphore, #tpu.memory_space<semaphore_mem>>) src(%dma_wait3A_2164 : memref<10240x128xf32, #tpu.memory_space<vmem_shared>>) dst(%arg8 : memref<64x128xf32, #tpu.memory_space<vmem>>)
    %dma_wait3A_2165 = arith.constant 9 : i32
    %dma_wait3A_2166 = arith.constant 3 : i32
    %dma_wait3A_2167 = arith.constant 0 : i32
    %dma_wait3A_2168 = tpu.memref_slice %arg5[%dma_wait3A_2165, %dma_wait3A_2166, %dma_wait3A_2167] : memref<32x5x64xi32, #tpu.memory_space<vmem>> -> memref<1x1x64xi32, #tpu.memory_space<vmem>>
    %dma_wait3A_2169 = tpu.memref_squeeze %dma_wait3A_2168 : memref<1x1x64xi32, #tpu.memory_space<vmem>> -> memref<64xi32, #tpu.memory_space<vmem>>
    %dma_wait3A_2170 = arith.constant 0 : i32
    %dma_wait3A_2171 = arith.constant 0 : i32
    %dma_wait3A_2172 = tpu.memref_slice %arg6[%dma_wait3A_2170, %dma_wait3A_2171] : memref<10240x128xf32, #tpu.memory_space<vmem_shared>> -> memref<10240x128xf32, #tpu.memory_space<vmem_shared>>
    tpu.wait_indirect_dma semaphore(%arg10 : memref<!tpu.dma_semaphore, #tpu.memory_space<semaphore_mem>>) src(%dma_wait3A_2172 : memref<10240x128xf32, #tpu.memory_space<vmem_shared>>) dst(%arg8 : memref<64x128xf32, #tpu.memory_space<vmem>>)
    %dma_wait3A_2173 = arith.constant 10 : i32
    %dma_wait3A_2174 = arith.constant 3 : i32
    %dma_wait3A_2175 = arith.constant 0 : i32
    %dma_wait3A_2176 = tpu.memref_slice %arg5[%dma_wait3A_2173, %dma_wait3A_2174, %dma_wait3A_2175] : memref<32x5x64xi32, #tpu.memory_space<vmem>> -> memref<1x1x64xi32, #tpu.memory_space<vmem>>
    %dma_wait3A_2177 = tpu.memref_squeeze %dma_wait3A_2176 : memref<1x1x64xi32, #tpu.memory_space<vmem>> -> memref<64xi32, #tpu.memory_space<vmem>>
    %dma_wait3A_2178 = arith.constant 0 : i32
    %dma_wait3A_2179 = arith.constant 0 : i32
    %dma_wait3A_2180 = tpu.memref_slice %arg6[%dma_wait3A_2178, %dma_wait3A_2179] : memref<10240x128xf32, #tpu.memory_space<vmem_shared>> -> memref<10240x128xf32, #tpu.memory_space<vmem_shared>>
    tpu.wait_indirect_dma semaphore(%arg10 : memref<!tpu.dma_semaphore, #tpu.memory_space<semaphore_mem>>) src(%dma_wait3A_2180 : memref<10240x128xf32, #tpu.memory_space<vmem_shared>>) dst(%arg8 : memref<64x128xf32, #tpu.memory_space<vmem>>)
    %dma_wait3A_2181 = arith.constant 11 : i32
    %dma_wait3A_2182 = arith.constant 3 : i32
    %dma_wait3A_2183 = arith.constant 0 : i32
    %dma_wait3A_2184 = tpu.memref_slice %arg5[%dma_wait3A_2181, %dma_wait3A_2182, %dma_wait3A_2183] : memref<32x5x64xi32, #tpu.memory_space<vmem>> -> memref<1x1x64xi32, #tpu.memory_space<vmem>>
    %dma_wait3A_2185 = tpu.memref_squeeze %dma_wait3A_2184 : memref<1x1x64xi32, #tpu.memory_space<vmem>> -> memref<64xi32, #tpu.memory_space<vmem>>
    %dma_wait3A_2186 = arith.constant 0 : i32
    %dma_wait3A_2187 = arith.constant 0 : i32
    %dma_wait3A_2188 = tpu.memref_slice %arg6[%dma_wait3A_2186, %dma_wait3A_2187] : memref<10240x128xf32, #tpu.memory_space<vmem_shared>> -> memref<10240x128xf32, #tpu.memory_space<vmem_shared>>
    tpu.wait_indirect_dma semaphore(%arg10 : memref<!tpu.dma_semaphore, #tpu.memory_space<semaphore_mem>>) src(%dma_wait3A_2188 : memref<10240x128xf32, #tpu.memory_space<vmem_shared>>) dst(%arg8 : memref<64x128xf32, #tpu.memory_space<vmem>>)
    %dma_wait3A_2189 = arith.constant 12 : i32
    %dma_wait3A_2190 = arith.constant 3 : i32
    %dma_wait3A_2191 = arith.constant 0 : i32
    %dma_wait3A_2192 = tpu.memref_slice %arg5[%dma_wait3A_2189, %dma_wait3A_2190, %dma_wait3A_2191] : memref<32x5x64xi32, #tpu.memory_space<vmem>> -> memref<1x1x64xi32, #tpu.memory_space<vmem>>
    %dma_wait3A_2193 = tpu.memref_squeeze %dma_wait3A_2192 : memref<1x1x64xi32, #tpu.memory_space<vmem>> -> memref<64xi32, #tpu.memory_space<vmem>>
    %dma_wait3A_2194 = arith.constant 0 : i32
    %dma_wait3A_2195 = arith.constant 0 : i32
    %dma_wait3A_2196 = tpu.memref_slice %arg6[%dma_wait3A_2194, %dma_wait3A_2195] : memref<10240x128xf32, #tpu.memory_space<vmem_shared>> -> memref<10240x128xf32, #tpu.memory_space<vmem_shared>>
    tpu.wait_indirect_dma semaphore(%arg10 : memref<!tpu.dma_semaphore, #tpu.memory_space<semaphore_mem>>) src(%dma_wait3A_2196 : memref<10240x128xf32, #tpu.memory_space<vmem_shared>>) dst(%arg8 : memref<64x128xf32, #tpu.memory_space<vmem>>)
    %dma_wait3A_2197 = arith.constant 13 : i32
    %dma_wait3A_2198 = arith.constant 3 : i32
    %dma_wait3A_2199 = arith.constant 0 : i32
    %dma_wait3A_2200 = tpu.memref_slice %arg5[%dma_wait3A_2197, %dma_wait3A_2198, %dma_wait3A_2199] : memref<32x5x64xi32, #tpu.memory_space<vmem>> -> memref<1x1x64xi32, #tpu.memory_space<vmem>>
    %dma_wait3A_2201 = tpu.memref_squeeze %dma_wait3A_2200 : memref<1x1x64xi32, #tpu.memory_space<vmem>> -> memref<64xi32, #tpu.memory_space<vmem>>
    %dma_wait3A_2202 = arith.constant 0 : i32
    %dma_wait3A_2203 = arith.constant 0 : i32
    %dma_wait3A_2204 = tpu.memref_slice %arg6[%dma_wait3A_2202, %dma_wait3A_2203] : memref<10240x128xf32, #tpu.memory_space<vmem_shared>> -> memref<10240x128xf32, #tpu.memory_space<vmem_shared>>
    tpu.wait_indirect_dma semaphore(%arg10 : memref<!tpu.dma_semaphore, #tpu.memory_space<semaphore_mem>>) src(%dma_wait3A_2204 : memref<10240x128xf32, #tpu.memory_space<vmem_shared>>) dst(%arg8 : memref<64x128xf32, #tpu.memory_space<vmem>>)
    %dma_wait3A_2205 = arith.constant 14 : i32
    %dma_wait3A_2206 = arith.constant 3 : i32
    %dma_wait3A_2207 = arith.constant 0 : i32
    %dma_wait3A_2208 = tpu.memref_slice %arg5[%dma_wait3A_2205, %dma_wait3A_2206, %dma_wait3A_2207] : memref<32x5x64xi32, #tpu.memory_space<vmem>> -> memref<1x1x64xi32, #tpu.memory_space<vmem>>
    %dma_wait3A_2209 = tpu.memref_squeeze %dma_wait3A_2208 : memref<1x1x64xi32, #tpu.memory_space<vmem>> -> memref<64xi32, #tpu.memory_space<vmem>>
    %dma_wait3A_2210 = arith.constant 0 : i32
    %dma_wait3A_2211 = arith.constant 0 : i32
    %dma_wait3A_2212 = tpu.memref_slice %arg6[%dma_wait3A_2210, %dma_wait3A_2211] : memref<10240x128xf32, #tpu.memory_space<vmem_shared>> -> memref<10240x128xf32, #tpu.memory_space<vmem_shared>>
    tpu.wait_indirect_dma semaphore(%arg10 : memref<!tpu.dma_semaphore, #tpu.memory_space<semaphore_mem>>) src(%dma_wait3A_2212 : memref<10240x128xf32, #tpu.memory_space<vmem_shared>>) dst(%arg8 : memref<64x128xf32, #tpu.memory_space<vmem>>)
    %dma_wait3A_2213 = arith.constant 15 : i32
    %dma_wait3A_2214 = arith.constant 3 : i32
    %dma_wait3A_2215 = arith.constant 0 : i32
    %dma_wait3A_2216 = tpu.memref_slice %arg5[%dma_wait3A_2213, %dma_wait3A_2214, %dma_wait3A_2215] : memref<32x5x64xi32, #tpu.memory_space<vmem>> -> memref<1x1x64xi32, #tpu.memory_space<vmem>>
    %dma_wait3A_2217 = tpu.memref_squeeze %dma_wait3A_2216 : memref<1x1x64xi32, #tpu.memory_space<vmem>> -> memref<64xi32, #tpu.memory_space<vmem>>
    %dma_wait3A_2218 = arith.constant 0 : i32
    %dma_wait3A_2219 = arith.constant 0 : i32
    %dma_wait3A_2220 = tpu.memref_slice %arg6[%dma_wait3A_2218, %dma_wait3A_2219] : memref<10240x128xf32, #tpu.memory_space<vmem_shared>> -> memref<10240x128xf32, #tpu.memory_space<vmem_shared>>
    tpu.wait_indirect_dma semaphore(%arg10 : memref<!tpu.dma_semaphore, #tpu.memory_space<semaphore_mem>>) src(%dma_wait3A_2220 : memref<10240x128xf32, #tpu.memory_space<vmem_shared>>) dst(%arg8 : memref<64x128xf32, #tpu.memory_space<vmem>>)
    %dma_wait3A_2221 = arith.constant 16 : i32
    %dma_wait3A_2222 = arith.constant 3 : i32
    %dma_wait3A_2223 = arith.constant 0 : i32
    %dma_wait3A_2224 = tpu.memref_slice %arg5[%dma_wait3A_2221, %dma_wait3A_2222, %dma_wait3A_2223] : memref<32x5x64xi32, #tpu.memory_space<vmem>> -> memref<1x1x64xi32, #tpu.memory_space<vmem>>
    %dma_wait3A_2225 = tpu.memref_squeeze %dma_wait3A_2224 : memref<1x1x64xi32, #tpu.memory_space<vmem>> -> memref<64xi32, #tpu.memory_space<vmem>>
    %dma_wait3A_2226 = arith.constant 0 : i32
    %dma_wait3A_2227 = arith.constant 0 : i32
    %dma_wait3A_2228 = tpu.memref_slice %arg6[%dma_wait3A_2226, %dma_wait3A_2227] : memref<10240x128xf32, #tpu.memory_space<vmem_shared>> -> memref<10240x128xf32, #tpu.memory_space<vmem_shared>>
    tpu.wait_indirect_dma semaphore(%arg10 : memref<!tpu.dma_semaphore, #tpu.memory_space<semaphore_mem>>) src(%dma_wait3A_2228 : memref<10240x128xf32, #tpu.memory_space<vmem_shared>>) dst(%arg8 : memref<64x128xf32, #tpu.memory_space<vmem>>)
    %dma_wait3A_2229 = arith.constant 17 : i32
    %dma_wait3A_2230 = arith.constant 3 : i32
    %dma_wait3A_2231 = arith.constant 0 : i32
    %dma_wait3A_2232 = tpu.memref_slice %arg5[%dma_wait3A_2229, %dma_wait3A_2230, %dma_wait3A_2231] : memref<32x5x64xi32, #tpu.memory_space<vmem>> -> memref<1x1x64xi32, #tpu.memory_space<vmem>>
    %dma_wait3A_2233 = tpu.memref_squeeze %dma_wait3A_2232 : memref<1x1x64xi32, #tpu.memory_space<vmem>> -> memref<64xi32, #tpu.memory_space<vmem>>
    %dma_wait3A_2234 = arith.constant 0 : i32
    %dma_wait3A_2235 = arith.constant 0 : i32
    %dma_wait3A_2236 = tpu.memref_slice %arg6[%dma_wait3A_2234, %dma_wait3A_2235] : memref<10240x128xf32, #tpu.memory_space<vmem_shared>> -> memref<10240x128xf32, #tpu.memory_space<vmem_shared>>
    tpu.wait_indirect_dma semaphore(%arg10 : memref<!tpu.dma_semaphore, #tpu.memory_space<semaphore_mem>>) src(%dma_wait3A_2236 : memref<10240x128xf32, #tpu.memory_space<vmem_shared>>) dst(%arg8 : memref<64x128xf32, #tpu.memory_space<vmem>>)
    %dma_wait3A_2237 = arith.constant 18 : i32
    %dma_wait3A_2238 = arith.constant 3 : i32
    %dma_wait3A_2239 = arith.constant 0 : i32
    %dma_wait3A_2240 = tpu.memref_slice %arg5[%dma_wait3A_2237, %dma_wait3A_2238, %dma_wait3A_2239] : memref<32x5x64xi32, #tpu.memory_space<vmem>> -> memref<1x1x64xi32, #tpu.memory_space<vmem>>
    %dma_wait3A_2241 = tpu.memref_squeeze %dma_wait3A_2240 : memref<1x1x64xi32, #tpu.memory_space<vmem>> -> memref<64xi32, #tpu.memory_space<vmem>>
    %dma_wait3A_2242 = arith.constant 0 : i32
    %dma_wait3A_2243 = arith.constant 0 : i32
    %dma_wait3A_2244 = tpu.memref_slice %arg6[%dma_wait3A_2242, %dma_wait3A_2243] : memref<10240x128xf32, #tpu.memory_space<vmem_shared>> -> memref<10240x128xf32, #tpu.memory_space<vmem_shared>>
    tpu.wait_indirect_dma semaphore(%arg10 : memref<!tpu.dma_semaphore, #tpu.memory_space<semaphore_mem>>) src(%dma_wait3A_2244 : memref<10240x128xf32, #tpu.memory_space<vmem_shared>>) dst(%arg8 : memref<64x128xf32, #tpu.memory_space<vmem>>)
    %dma_wait3A_2245 = arith.constant 19 : i32
    %dma_wait3A_2246 = arith.constant 3 : i32
    %dma_wait3A_2247 = arith.constant 0 : i32
    %dma_wait3A_2248 = tpu.memref_slice %arg5[%dma_wait3A_2245, %dma_wait3A_2246, %dma_wait3A_2247] : memref<32x5x64xi32, #tpu.memory_space<vmem>> -> memref<1x1x64xi32, #tpu.memory_space<vmem>>
    %dma_wait3A_2249 = tpu.memref_squeeze %dma_wait3A_2248 : memref<1x1x64xi32, #tpu.memory_space<vmem>> -> memref<64xi32, #tpu.memory_space<vmem>>
    %dma_wait3A_2250 = arith.constant 0 : i32
    %dma_wait3A_2251 = arith.constant 0 : i32
    %dma_wait3A_2252 = tpu.memref_slice %arg6[%dma_wait3A_2250, %dma_wait3A_2251] : memref<10240x128xf32, #tpu.memory_space<vmem_shared>> -> memref<10240x128xf32, #tpu.memory_space<vmem_shared>>
    tpu.wait_indirect_dma semaphore(%arg10 : memref<!tpu.dma_semaphore, #tpu.memory_space<semaphore_mem>>) src(%dma_wait3A_2252 : memref<10240x128xf32, #tpu.memory_space<vmem_shared>>) dst(%arg8 : memref<64x128xf32, #tpu.memory_space<vmem>>)
    %dma_wait3A_2253 = arith.constant 20 : i32
    %dma_wait3A_2254 = arith.constant 3 : i32
    %dma_wait3A_2255 = arith.constant 0 : i32
    %dma_wait3A_2256 = tpu.memref_slice %arg5[%dma_wait3A_2253, %dma_wait3A_2254, %dma_wait3A_2255] : memref<32x5x64xi32, #tpu.memory_space<vmem>> -> memref<1x1x64xi32, #tpu.memory_space<vmem>>
    %dma_wait3A_2257 = tpu.memref_squeeze %dma_wait3A_2256 : memref<1x1x64xi32, #tpu.memory_space<vmem>> -> memref<64xi32, #tpu.memory_space<vmem>>
    %dma_wait3A_2258 = arith.constant 0 : i32
    %dma_wait3A_2259 = arith.constant 0 : i32
    %dma_wait3A_2260 = tpu.memref_slice %arg6[%dma_wait3A_2258, %dma_wait3A_2259] : memref<10240x128xf32, #tpu.memory_space<vmem_shared>> -> memref<10240x128xf32, #tpu.memory_space<vmem_shared>>
    tpu.wait_indirect_dma semaphore(%arg10 : memref<!tpu.dma_semaphore, #tpu.memory_space<semaphore_mem>>) src(%dma_wait3A_2260 : memref<10240x128xf32, #tpu.memory_space<vmem_shared>>) dst(%arg8 : memref<64x128xf32, #tpu.memory_space<vmem>>)
    %dma_wait3A_2261 = arith.constant 21 : i32
    %dma_wait3A_2262 = arith.constant 3 : i32
    %dma_wait3A_2263 = arith.constant 0 : i32
    %dma_wait3A_2264 = tpu.memref_slice %arg5[%dma_wait3A_2261, %dma_wait3A_2262, %dma_wait3A_2263] : memref<32x5x64xi32, #tpu.memory_space<vmem>> -> memref<1x1x64xi32, #tpu.memory_space<vmem>>
    %dma_wait3A_2265 = tpu.memref_squeeze %dma_wait3A_2264 : memref<1x1x64xi32, #tpu.memory_space<vmem>> -> memref<64xi32, #tpu.memory_space<vmem>>
    %dma_wait3A_2266 = arith.constant 0 : i32
    %dma_wait3A_2267 = arith.constant 0 : i32
    %dma_wait3A_2268 = tpu.memref_slice %arg6[%dma_wait3A_2266, %dma_wait3A_2267] : memref<10240x128xf32, #tpu.memory_space<vmem_shared>> -> memref<10240x128xf32, #tpu.memory_space<vmem_shared>>
    tpu.wait_indirect_dma semaphore(%arg10 : memref<!tpu.dma_semaphore, #tpu.memory_space<semaphore_mem>>) src(%dma_wait3A_2268 : memref<10240x128xf32, #tpu.memory_space<vmem_shared>>) dst(%arg8 : memref<64x128xf32, #tpu.memory_space<vmem>>)
    %dma_wait3A_2269 = arith.constant 22 : i32
    %dma_wait3A_2270 = arith.constant 3 : i32
    %dma_wait3A_2271 = arith.constant 0 : i32
    %dma_wait3A_2272 = tpu.memref_slice %arg5[%dma_wait3A_2269, %dma_wait3A_2270, %dma_wait3A_2271] : memref<32x5x64xi32, #tpu.memory_space<vmem>> -> memref<1x1x64xi32, #tpu.memory_space<vmem>>
    %dma_wait3A_2273 = tpu.memref_squeeze %dma_wait3A_2272 : memref<1x1x64xi32, #tpu.memory_space<vmem>> -> memref<64xi32, #tpu.memory_space<vmem>>
    %dma_wait3A_2274 = arith.constant 0 : i32
    %dma_wait3A_2275 = arith.constant 0 : i32
    %dma_wait3A_2276 = tpu.memref_slice %arg6[%dma_wait3A_2274, %dma_wait3A_2275] : memref<10240x128xf32, #tpu.memory_space<vmem_shared>> -> memref<10240x128xf32, #tpu.memory_space<vmem_shared>>
    tpu.wait_indirect_dma semaphore(%arg10 : memref<!tpu.dma_semaphore, #tpu.memory_space<semaphore_mem>>) src(%dma_wait3A_2276 : memref<10240x128xf32, #tpu.memory_space<vmem_shared>>) dst(%arg8 : memref<64x128xf32, #tpu.memory_space<vmem>>)
    %dma_wait3A_2277 = arith.constant 23 : i32
    %dma_wait3A_2278 = arith.constant 3 : i32
    %dma_wait3A_2279 = arith.constant 0 : i32
    %dma_wait3A_2280 = tpu.memref_slice %arg5[%dma_wait3A_2277, %dma_wait3A_2278, %dma_wait3A_2279] : memref<32x5x64xi32, #tpu.memory_space<vmem>> -> memref<1x1x64xi32, #tpu.memory_space<vmem>>
    %dma_wait3A_2281 = tpu.memref_squeeze %dma_wait3A_2280 : memref<1x1x64xi32, #tpu.memory_space<vmem>> -> memref<64xi32, #tpu.memory_space<vmem>>
    %dma_wait3A_2282 = arith.constant 0 : i32
    %dma_wait3A_2283 = arith.constant 0 : i32
    %dma_wait3A_2284 = tpu.memref_slice %arg6[%dma_wait3A_2282, %dma_wait3A_2283] : memref<10240x128xf32, #tpu.memory_space<vmem_shared>> -> memref<10240x128xf32, #tpu.memory_space<vmem_shared>>
    tpu.wait_indirect_dma semaphore(%arg10 : memref<!tpu.dma_semaphore, #tpu.memory_space<semaphore_mem>>) src(%dma_wait3A_2284 : memref<10240x128xf32, #tpu.memory_space<vmem_shared>>) dst(%arg8 : memref<64x128xf32, #tpu.memory_space<vmem>>)
    %dma_wait3A_2285 = arith.constant 24 : i32
    %dma_wait3A_2286 = arith.constant 3 : i32
    %dma_wait3A_2287 = arith.constant 0 : i32
    %dma_wait3A_2288 = tpu.memref_slice %arg5[%dma_wait3A_2285, %dma_wait3A_2286, %dma_wait3A_2287] : memref<32x5x64xi32, #tpu.memory_space<vmem>> -> memref<1x1x64xi32, #tpu.memory_space<vmem>>
    %dma_wait3A_2289 = tpu.memref_squeeze %dma_wait3A_2288 : memref<1x1x64xi32, #tpu.memory_space<vmem>> -> memref<64xi32, #tpu.memory_space<vmem>>
    %dma_wait3A_2290 = arith.constant 0 : i32
    %dma_wait3A_2291 = arith.constant 0 : i32
    %dma_wait3A_2292 = tpu.memref_slice %arg6[%dma_wait3A_2290, %dma_wait3A_2291] : memref<10240x128xf32, #tpu.memory_space<vmem_shared>> -> memref<10240x128xf32, #tpu.memory_space<vmem_shared>>
    tpu.wait_indirect_dma semaphore(%arg10 : memref<!tpu.dma_semaphore, #tpu.memory_space<semaphore_mem>>) src(%dma_wait3A_2292 : memref<10240x128xf32, #tpu.memory_space<vmem_shared>>) dst(%arg8 : memref<64x128xf32, #tpu.memory_space<vmem>>)
    %dma_wait3A_2293 = arith.constant 25 : i32
    %dma_wait3A_2294 = arith.constant 3 : i32
    %dma_wait3A_2295 = arith.constant 0 : i32
    %dma_wait3A_2296 = tpu.memref_slice %arg5[%dma_wait3A_2293, %dma_wait3A_2294, %dma_wait3A_2295] : memref<32x5x64xi32, #tpu.memory_space<vmem>> -> memref<1x1x64xi32, #tpu.memory_space<vmem>>
    %dma_wait3A_2297 = tpu.memref_squeeze %dma_wait3A_2296 : memref<1x1x64xi32, #tpu.memory_space<vmem>> -> memref<64xi32, #tpu.memory_space<vmem>>
    %dma_wait3A_2298 = arith.constant 0 : i32
    %dma_wait3A_2299 = arith.constant 0 : i32
    %dma_wait3A_2300 = tpu.memref_slice %arg6[%dma_wait3A_2298, %dma_wait3A_2299] : memref<10240x128xf32, #tpu.memory_space<vmem_shared>> -> memref<10240x128xf32, #tpu.memory_space<vmem_shared>>
    tpu.wait_indirect_dma semaphore(%arg10 : memref<!tpu.dma_semaphore, #tpu.memory_space<semaphore_mem>>) src(%dma_wait3A_2300 : memref<10240x128xf32, #tpu.memory_space<vmem_shared>>) dst(%arg8 : memref<64x128xf32, #tpu.memory_space<vmem>>)
    %dma_wait3A_2301 = arith.constant 26 : i32
    %dma_wait3A_2302 = arith.constant 3 : i32
    %dma_wait3A_2303 = arith.constant 0 : i32
    %dma_wait3A_2304 = tpu.memref_slice %arg5[%dma_wait3A_2301, %dma_wait3A_2302, %dma_wait3A_2303] : memref<32x5x64xi32, #tpu.memory_space<vmem>> -> memref<1x1x64xi32, #tpu.memory_space<vmem>>
    %dma_wait3A_2305 = tpu.memref_squeeze %dma_wait3A_2304 : memref<1x1x64xi32, #tpu.memory_space<vmem>> -> memref<64xi32, #tpu.memory_space<vmem>>
    %dma_wait3A_2306 = arith.constant 0 : i32
    %dma_wait3A_2307 = arith.constant 0 : i32
    %dma_wait3A_2308 = tpu.memref_slice %arg6[%dma_wait3A_2306, %dma_wait3A_2307] : memref<10240x128xf32, #tpu.memory_space<vmem_shared>> -> memref<10240x128xf32, #tpu.memory_space<vmem_shared>>
    tpu.wait_indirect_dma semaphore(%arg10 : memref<!tpu.dma_semaphore, #tpu.memory_space<semaphore_mem>>) src(%dma_wait3A_2308 : memref<10240x128xf32, #tpu.memory_space<vmem_shared>>) dst(%arg8 : memref<64x128xf32, #tpu.memory_space<vmem>>)
    %dma_wait3A_2309 = arith.constant 27 : i32
    %dma_wait3A_2310 = arith.constant 3 : i32
    %dma_wait3A_2311 = arith.constant 0 : i32
    %dma_wait3A_2312 = tpu.memref_slice %arg5[%dma_wait3A_2309, %dma_wait3A_2310, %dma_wait3A_2311] : memref<32x5x64xi32, #tpu.memory_space<vmem>> -> memref<1x1x64xi32, #tpu.memory_space<vmem>>
    %dma_wait3A_2313 = tpu.memref_squeeze %dma_wait3A_2312 : memref<1x1x64xi32, #tpu.memory_space<vmem>> -> memref<64xi32, #tpu.memory_space<vmem>>
    %dma_wait3A_2314 = arith.constant 0 : i32
    %dma_wait3A_2315 = arith.constant 0 : i32
    %dma_wait3A_2316 = tpu.memref_slice %arg6[%dma_wait3A_2314, %dma_wait3A_2315] : memref<10240x128xf32, #tpu.memory_space<vmem_shared>> -> memref<10240x128xf32, #tpu.memory_space<vmem_shared>>
    tpu.wait_indirect_dma semaphore(%arg10 : memref<!tpu.dma_semaphore, #tpu.memory_space<semaphore_mem>>) src(%dma_wait3A_2316 : memref<10240x128xf32, #tpu.memory_space<vmem_shared>>) dst(%arg8 : memref<64x128xf32, #tpu.memory_space<vmem>>)
    %dma_wait3A_2317 = arith.constant 28 : i32
    %dma_wait3A_2318 = arith.constant 3 : i32
    %dma_wait3A_2319 = arith.constant 0 : i32
    %dma_wait3A_2320 = tpu.memref_slice %arg5[%dma_wait3A_2317, %dma_wait3A_2318, %dma_wait3A_2319] : memref<32x5x64xi32, #tpu.memory_space<vmem>> -> memref<1x1x64xi32, #tpu.memory_space<vmem>>
    %dma_wait3A_2321 = tpu.memref_squeeze %dma_wait3A_2320 : memref<1x1x64xi32, #tpu.memory_space<vmem>> -> memref<64xi32, #tpu.memory_space<vmem>>
    %dma_wait3A_2322 = arith.constant 0 : i32
    %dma_wait3A_2323 = arith.constant 0 : i32
    %dma_wait3A_2324 = tpu.memref_slice %arg6[%dma_wait3A_2322, %dma_wait3A_2323] : memref<10240x128xf32, #tpu.memory_space<vmem_shared>> -> memref<10240x128xf32, #tpu.memory_space<vmem_shared>>
    tpu.wait_indirect_dma semaphore(%arg10 : memref<!tpu.dma_semaphore, #tpu.memory_space<semaphore_mem>>) src(%dma_wait3A_2324 : memref<10240x128xf32, #tpu.memory_space<vmem_shared>>) dst(%arg8 : memref<64x128xf32, #tpu.memory_space<vmem>>)
    %dma_wait3A_2325 = arith.constant 29 : i32
    %dma_wait3A_2326 = arith.constant 3 : i32
    %dma_wait3A_2327 = arith.constant 0 : i32
    %dma_wait3A_2328 = tpu.memref_slice %arg5[%dma_wait3A_2325, %dma_wait3A_2326, %dma_wait3A_2327] : memref<32x5x64xi32, #tpu.memory_space<vmem>> -> memref<1x1x64xi32, #tpu.memory_space<vmem>>
    %dma_wait3A_2329 = tpu.memref_squeeze %dma_wait3A_2328 : memref<1x1x64xi32, #tpu.memory_space<vmem>> -> memref<64xi32, #tpu.memory_space<vmem>>
    %dma_wait3A_2330 = arith.constant 0 : i32
    %dma_wait3A_2331 = arith.constant 0 : i32
    %dma_wait3A_2332 = tpu.memref_slice %arg6[%dma_wait3A_2330, %dma_wait3A_2331] : memref<10240x128xf32, #tpu.memory_space<vmem_shared>> -> memref<10240x128xf32, #tpu.memory_space<vmem_shared>>
    tpu.wait_indirect_dma semaphore(%arg10 : memref<!tpu.dma_semaphore, #tpu.memory_space<semaphore_mem>>) src(%dma_wait3A_2332 : memref<10240x128xf32, #tpu.memory_space<vmem_shared>>) dst(%arg8 : memref<64x128xf32, #tpu.memory_space<vmem>>)
    %dma_wait3A_2333 = arith.constant 30 : i32
    %dma_wait3A_2334 = arith.constant 3 : i32
    %dma_wait3A_2335 = arith.constant 0 : i32
    %dma_wait3A_2336 = tpu.memref_slice %arg5[%dma_wait3A_2333, %dma_wait3A_2334, %dma_wait3A_2335] : memref<32x5x64xi32, #tpu.memory_space<vmem>> -> memref<1x1x64xi32, #tpu.memory_space<vmem>>
    %dma_wait3A_2337 = tpu.memref_squeeze %dma_wait3A_2336 : memref<1x1x64xi32, #tpu.memory_space<vmem>> -> memref<64xi32, #tpu.memory_space<vmem>>
    %dma_wait3A_2338 = arith.constant 0 : i32
    %dma_wait3A_2339 = arith.constant 0 : i32
    %dma_wait3A_2340 = tpu.memref_slice %arg6[%dma_wait3A_2338, %dma_wait3A_2339] : memref<10240x128xf32, #tpu.memory_space<vmem_shared>> -> memref<10240x128xf32, #tpu.memory_space<vmem_shared>>
    tpu.wait_indirect_dma semaphore(%arg10 : memref<!tpu.dma_semaphore, #tpu.memory_space<semaphore_mem>>) src(%dma_wait3A_2340 : memref<10240x128xf32, #tpu.memory_space<vmem_shared>>) dst(%arg8 : memref<64x128xf32, #tpu.memory_space<vmem>>)
    %dma_wait3A_2341 = arith.constant 31 : i32
    %dma_wait3A_2342 = arith.constant 3 : i32
    %dma_wait3A_2343 = arith.constant 0 : i32
    %dma_wait3A_2344 = tpu.memref_slice %arg5[%dma_wait3A_2341, %dma_wait3A_2342, %dma_wait3A_2343] : memref<32x5x64xi32, #tpu.memory_space<vmem>> -> memref<1x1x64xi32, #tpu.memory_space<vmem>>
    %dma_wait3A_2345 = tpu.memref_squeeze %dma_wait3A_2344 : memref<1x1x64xi32, #tpu.memory_space<vmem>> -> memref<64xi32, #tpu.memory_space<vmem>>
    %dma_wait3A_2346 = arith.constant 0 : i32
    %dma_wait3A_2347 = arith.constant 0 : i32
    %dma_wait3A_2348 = tpu.memref_slice %arg6[%dma_wait3A_2346, %dma_wait3A_2347] : memref<10240x128xf32, #tpu.memory_space<vmem_shared>> -> memref<10240x128xf32, #tpu.memory_space<vmem_shared>>
    tpu.wait_indirect_dma semaphore(%arg10 : memref<!tpu.dma_semaphore, #tpu.memory_space<semaphore_mem>>) src(%dma_wait3A_2348 : memref<10240x128xf32, #tpu.memory_space<vmem_shared>>) dst(%arg8 : memref<64x128xf32, #tpu.memory_space<vmem>>)
    %add3A_2349 = arith.constant 192 : i32
    %add3A_2350 = arith.addi %mul3A_2, %add3A_2349 : i32
    %dma_start3A_2351 = arith.constant 0 : i32
    %dma_start3A_2352 = tpu.memref_slice %arg4[%add3A_2350, %dma_start3A_2351] : memref<10240x128xf32, #tpu.memory_space<hbm>> -> memref<64x128xf32, #tpu.memory_space<hbm>>
    %dma_start3A_2353 = arith.constant 0 : i32
    %dma_start3A_2354 = tpu.memref_slice %arg4[%add3A_2350, %dma_start3A_2353] : memref<10240x128xf32, #tpu.memory_space<hbm>> -> memref<64x128xf32, #tpu.memory_space<hbm>>
    tpu.enqueue_dma source(%arg8 : memref<64x128xf32, #tpu.memory_space<vmem>>) target(%dma_start3A_2354 : memref<64x128xf32, #tpu.memory_space<hbm>>) target_semaphore(%arg12 : memref<!tpu.dma_semaphore, #tpu.memory_space<semaphore_mem>>)
    %dma_wait3A_2355 = arith.constant 0 : i32
    %dma_wait3A_2356 = arith.constant 4 : i32
    %dma_wait3A_2357 = arith.constant 0 : i32
    %dma_wait3A_2358 = tpu.memref_slice %arg5[%dma_wait3A_2355, %dma_wait3A_2356, %dma_wait3A_2357] : memref<32x5x64xi32, #tpu.memory_space<vmem>> -> memref<1x1x64xi32, #tpu.memory_space<vmem>>
    %dma_wait3A_2359 = tpu.memref_squeeze %dma_wait3A_2358 : memref<1x1x64xi32, #tpu.memory_space<vmem>> -> memref<64xi32, #tpu.memory_space<vmem>>
    %dma_wait3A_2360 = arith.constant 0 : i32
    %dma_wait3A_2361 = arith.constant 0 : i32
    %dma_wait3A_2362 = tpu.memref_slice %arg6[%dma_wait3A_2360, %dma_wait3A_2361] : memref<10240x128xf32, #tpu.memory_space<vmem_shared>> -> memref<10240x128xf32, #tpu.memory_space<vmem_shared>>
    tpu.wait_indirect_dma semaphore(%arg9 : memref<!tpu.dma_semaphore, #tpu.memory_space<semaphore_mem>>) src(%dma_wait3A_2362 : memref<10240x128xf32, #tpu.memory_space<vmem_shared>>) dst(%arg7 : memref<64x128xf32, #tpu.memory_space<vmem>>)
    %dma_wait3A_2363 = arith.constant 1 : i32
    %dma_wait3A_2364 = arith.constant 4 : i32
    %dma_wait3A_2365 = arith.constant 0 : i32
    %dma_wait3A_2366 = tpu.memref_slice %arg5[%dma_wait3A_2363, %dma_wait3A_2364, %dma_wait3A_2365] : memref<32x5x64xi32, #tpu.memory_space<vmem>> -> memref<1x1x64xi32, #tpu.memory_space<vmem>>
    %dma_wait3A_2367 = tpu.memref_squeeze %dma_wait3A_2366 : memref<1x1x64xi32, #tpu.memory_space<vmem>> -> memref<64xi32, #tpu.memory_space<vmem>>
    %dma_wait3A_2368 = arith.constant 0 : i32
    %dma_wait3A_2369 = arith.constant 0 : i32
    %dma_wait3A_2370 = tpu.memref_slice %arg6[%dma_wait3A_2368, %dma_wait3A_2369] : memref<10240x128xf32, #tpu.memory_space<vmem_shared>> -> memref<10240x128xf32, #tpu.memory_space<vmem_shared>>
    tpu.wait_indirect_dma semaphore(%arg9 : memref<!tpu.dma_semaphore, #tpu.memory_space<semaphore_mem>>) src(%dma_wait3A_2370 : memref<10240x128xf32, #tpu.memory_space<vmem_shared>>) dst(%arg7 : memref<64x128xf32, #tpu.memory_space<vmem>>)
    %dma_wait3A_2371 = arith.constant 2 : i32
    %dma_wait3A_2372 = arith.constant 4 : i32
    %dma_wait3A_2373 = arith.constant 0 : i32
    %dma_wait3A_2374 = tpu.memref_slice %arg5[%dma_wait3A_2371, %dma_wait3A_2372, %dma_wait3A_2373] : memref<32x5x64xi32, #tpu.memory_space<vmem>> -> memref<1x1x64xi32, #tpu.memory_space<vmem>>
    %dma_wait3A_2375 = tpu.memref_squeeze %dma_wait3A_2374 : memref<1x1x64xi32, #tpu.memory_space<vmem>> -> memref<64xi32, #tpu.memory_space<vmem>>
    %dma_wait3A_2376 = arith.constant 0 : i32
    %dma_wait3A_2377 = arith.constant 0 : i32
    %dma_wait3A_2378 = tpu.memref_slice %arg6[%dma_wait3A_2376, %dma_wait3A_2377] : memref<10240x128xf32, #tpu.memory_space<vmem_shared>> -> memref<10240x128xf32, #tpu.memory_space<vmem_shared>>
    tpu.wait_indirect_dma semaphore(%arg9 : memref<!tpu.dma_semaphore, #tpu.memory_space<semaphore_mem>>) src(%dma_wait3A_2378 : memref<10240x128xf32, #tpu.memory_space<vmem_shared>>) dst(%arg7 : memref<64x128xf32, #tpu.memory_space<vmem>>)
    %dma_wait3A_2379 = arith.constant 3 : i32
    %dma_wait3A_2380 = arith.constant 4 : i32
    %dma_wait3A_2381 = arith.constant 0 : i32
    %dma_wait3A_2382 = tpu.memref_slice %arg5[%dma_wait3A_2379, %dma_wait3A_2380, %dma_wait3A_2381] : memref<32x5x64xi32, #tpu.memory_space<vmem>> -> memref<1x1x64xi32, #tpu.memory_space<vmem>>
    %dma_wait3A_2383 = tpu.memref_squeeze %dma_wait3A_2382 : memref<1x1x64xi32, #tpu.memory_space<vmem>> -> memref<64xi32, #tpu.memory_space<vmem>>
    %dma_wait3A_2384 = arith.constant 0 : i32
    %dma_wait3A_2385 = arith.constant 0 : i32
    %dma_wait3A_2386 = tpu.memref_slice %arg6[%dma_wait3A_2384, %dma_wait3A_2385] : memref<10240x128xf32, #tpu.memory_space<vmem_shared>> -> memref<10240x128xf32, #tpu.memory_space<vmem_shared>>
    tpu.wait_indirect_dma semaphore(%arg9 : memref<!tpu.dma_semaphore, #tpu.memory_space<semaphore_mem>>) src(%dma_wait3A_2386 : memref<10240x128xf32, #tpu.memory_space<vmem_shared>>) dst(%arg7 : memref<64x128xf32, #tpu.memory_space<vmem>>)
    %dma_wait3A_2387 = arith.constant 4 : i32
    %dma_wait3A_2388 = arith.constant 4 : i32
    %dma_wait3A_2389 = arith.constant 0 : i32
    %dma_wait3A_2390 = tpu.memref_slice %arg5[%dma_wait3A_2387, %dma_wait3A_2388, %dma_wait3A_2389] : memref<32x5x64xi32, #tpu.memory_space<vmem>> -> memref<1x1x64xi32, #tpu.memory_space<vmem>>
    %dma_wait3A_2391 = tpu.memref_squeeze %dma_wait3A_2390 : memref<1x1x64xi32, #tpu.memory_space<vmem>> -> memref<64xi32, #tpu.memory_space<vmem>>
    %dma_wait3A_2392 = arith.constant 0 : i32
    %dma_wait3A_2393 = arith.constant 0 : i32
    %dma_wait3A_2394 = tpu.memref_slice %arg6[%dma_wait3A_2392, %dma_wait3A_2393] : memref<10240x128xf32, #tpu.memory_space<vmem_shared>> -> memref<10240x128xf32, #tpu.memory_space<vmem_shared>>
    tpu.wait_indirect_dma semaphore(%arg9 : memref<!tpu.dma_semaphore, #tpu.memory_space<semaphore_mem>>) src(%dma_wait3A_2394 : memref<10240x128xf32, #tpu.memory_space<vmem_shared>>) dst(%arg7 : memref<64x128xf32, #tpu.memory_space<vmem>>)
    %dma_wait3A_2395 = arith.constant 5 : i32
    %dma_wait3A_2396 = arith.constant 4 : i32
    %dma_wait3A_2397 = arith.constant 0 : i32
    %dma_wait3A_2398 = tpu.memref_slice %arg5[%dma_wait3A_2395, %dma_wait3A_2396, %dma_wait3A_2397] : memref<32x5x64xi32, #tpu.memory_space<vmem>> -> memref<1x1x64xi32, #tpu.memory_space<vmem>>
    %dma_wait3A_2399 = tpu.memref_squeeze %dma_wait3A_2398 : memref<1x1x64xi32, #tpu.memory_space<vmem>> -> memref<64xi32, #tpu.memory_space<vmem>>
    %dma_wait3A_2400 = arith.constant 0 : i32
    %dma_wait3A_2401 = arith.constant 0 : i32
    %dma_wait3A_2402 = tpu.memref_slice %arg6[%dma_wait3A_2400, %dma_wait3A_2401] : memref<10240x128xf32, #tpu.memory_space<vmem_shared>> -> memref<10240x128xf32, #tpu.memory_space<vmem_shared>>
    tpu.wait_indirect_dma semaphore(%arg9 : memref<!tpu.dma_semaphore, #tpu.memory_space<semaphore_mem>>) src(%dma_wait3A_2402 : memref<10240x128xf32, #tpu.memory_space<vmem_shared>>) dst(%arg7 : memref<64x128xf32, #tpu.memory_space<vmem>>)
    %dma_wait3A_2403 = arith.constant 6 : i32
    %dma_wait3A_2404 = arith.constant 4 : i32
    %dma_wait3A_2405 = arith.constant 0 : i32
    %dma_wait3A_2406 = tpu.memref_slice %arg5[%dma_wait3A_2403, %dma_wait3A_2404, %dma_wait3A_2405] : memref<32x5x64xi32, #tpu.memory_space<vmem>> -> memref<1x1x64xi32, #tpu.memory_space<vmem>>
    %dma_wait3A_2407 = tpu.memref_squeeze %dma_wait3A_2406 : memref<1x1x64xi32, #tpu.memory_space<vmem>> -> memref<64xi32, #tpu.memory_space<vmem>>
    %dma_wait3A_2408 = arith.constant 0 : i32
    %dma_wait3A_2409 = arith.constant 0 : i32
    %dma_wait3A_2410 = tpu.memref_slice %arg6[%dma_wait3A_2408, %dma_wait3A_2409] : memref<10240x128xf32, #tpu.memory_space<vmem_shared>> -> memref<10240x128xf32, #tpu.memory_space<vmem_shared>>
    tpu.wait_indirect_dma semaphore(%arg9 : memref<!tpu.dma_semaphore, #tpu.memory_space<semaphore_mem>>) src(%dma_wait3A_2410 : memref<10240x128xf32, #tpu.memory_space<vmem_shared>>) dst(%arg7 : memref<64x128xf32, #tpu.memory_space<vmem>>)
    %dma_wait3A_2411 = arith.constant 7 : i32
    %dma_wait3A_2412 = arith.constant 4 : i32
    %dma_wait3A_2413 = arith.constant 0 : i32
    %dma_wait3A_2414 = tpu.memref_slice %arg5[%dma_wait3A_2411, %dma_wait3A_2412, %dma_wait3A_2413] : memref<32x5x64xi32, #tpu.memory_space<vmem>> -> memref<1x1x64xi32, #tpu.memory_space<vmem>>
    %dma_wait3A_2415 = tpu.memref_squeeze %dma_wait3A_2414 : memref<1x1x64xi32, #tpu.memory_space<vmem>> -> memref<64xi32, #tpu.memory_space<vmem>>
    %dma_wait3A_2416 = arith.constant 0 : i32
    %dma_wait3A_2417 = arith.constant 0 : i32
    %dma_wait3A_2418 = tpu.memref_slice %arg6[%dma_wait3A_2416, %dma_wait3A_2417] : memref<10240x128xf32, #tpu.memory_space<vmem_shared>> -> memref<10240x128xf32, #tpu.memory_space<vmem_shared>>
    tpu.wait_indirect_dma semaphore(%arg9 : memref<!tpu.dma_semaphore, #tpu.memory_space<semaphore_mem>>) src(%dma_wait3A_2418 : memref<10240x128xf32, #tpu.memory_space<vmem_shared>>) dst(%arg7 : memref<64x128xf32, #tpu.memory_space<vmem>>)
    %dma_wait3A_2419 = arith.constant 8 : i32
    %dma_wait3A_2420 = arith.constant 4 : i32
    %dma_wait3A_2421 = arith.constant 0 : i32
    %dma_wait3A_2422 = tpu.memref_slice %arg5[%dma_wait3A_2419, %dma_wait3A_2420, %dma_wait3A_2421] : memref<32x5x64xi32, #tpu.memory_space<vmem>> -> memref<1x1x64xi32, #tpu.memory_space<vmem>>
    %dma_wait3A_2423 = tpu.memref_squeeze %dma_wait3A_2422 : memref<1x1x64xi32, #tpu.memory_space<vmem>> -> memref<64xi32, #tpu.memory_space<vmem>>
    %dma_wait3A_2424 = arith.constant 0 : i32
    %dma_wait3A_2425 = arith.constant 0 : i32
    %dma_wait3A_2426 = tpu.memref_slice %arg6[%dma_wait3A_2424, %dma_wait3A_2425] : memref<10240x128xf32, #tpu.memory_space<vmem_shared>> -> memref<10240x128xf32, #tpu.memory_space<vmem_shared>>
    tpu.wait_indirect_dma semaphore(%arg9 : memref<!tpu.dma_semaphore, #tpu.memory_space<semaphore_mem>>) src(%dma_wait3A_2426 : memref<10240x128xf32, #tpu.memory_space<vmem_shared>>) dst(%arg7 : memref<64x128xf32, #tpu.memory_space<vmem>>)
    %dma_wait3A_2427 = arith.constant 9 : i32
    %dma_wait3A_2428 = arith.constant 4 : i32
    %dma_wait3A_2429 = arith.constant 0 : i32
    %dma_wait3A_2430 = tpu.memref_slice %arg5[%dma_wait3A_2427, %dma_wait3A_2428, %dma_wait3A_2429] : memref<32x5x64xi32, #tpu.memory_space<vmem>> -> memref<1x1x64xi32, #tpu.memory_space<vmem>>
    %dma_wait3A_2431 = tpu.memref_squeeze %dma_wait3A_2430 : memref<1x1x64xi32, #tpu.memory_space<vmem>> -> memref<64xi32, #tpu.memory_space<vmem>>
    %dma_wait3A_2432 = arith.constant 0 : i32
    %dma_wait3A_2433 = arith.constant 0 : i32
    %dma_wait3A_2434 = tpu.memref_slice %arg6[%dma_wait3A_2432, %dma_wait3A_2433] : memref<10240x128xf32, #tpu.memory_space<vmem_shared>> -> memref<10240x128xf32, #tpu.memory_space<vmem_shared>>
    tpu.wait_indirect_dma semaphore(%arg9 : memref<!tpu.dma_semaphore, #tpu.memory_space<semaphore_mem>>) src(%dma_wait3A_2434 : memref<10240x128xf32, #tpu.memory_space<vmem_shared>>) dst(%arg7 : memref<64x128xf32, #tpu.memory_space<vmem>>)
    %dma_wait3A_2435 = arith.constant 10 : i32
    %dma_wait3A_2436 = arith.constant 4 : i32
    %dma_wait3A_2437 = arith.constant 0 : i32
    %dma_wait3A_2438 = tpu.memref_slice %arg5[%dma_wait3A_2435, %dma_wait3A_2436, %dma_wait3A_2437] : memref<32x5x64xi32, #tpu.memory_space<vmem>> -> memref<1x1x64xi32, #tpu.memory_space<vmem>>
    %dma_wait3A_2439 = tpu.memref_squeeze %dma_wait3A_2438 : memref<1x1x64xi32, #tpu.memory_space<vmem>> -> memref<64xi32, #tpu.memory_space<vmem>>
    %dma_wait3A_2440 = arith.constant 0 : i32
    %dma_wait3A_2441 = arith.constant 0 : i32
    %dma_wait3A_2442 = tpu.memref_slice %arg6[%dma_wait3A_2440, %dma_wait3A_2441] : memref<10240x128xf32, #tpu.memory_space<vmem_shared>> -> memref<10240x128xf32, #tpu.memory_space<vmem_shared>>
    tpu.wait_indirect_dma semaphore(%arg9 : memref<!tpu.dma_semaphore, #tpu.memory_space<semaphore_mem>>) src(%dma_wait3A_2442 : memref<10240x128xf32, #tpu.memory_space<vmem_shared>>) dst(%arg7 : memref<64x128xf32, #tpu.memory_space<vmem>>)
    %dma_wait3A_2443 = arith.constant 11 : i32
    %dma_wait3A_2444 = arith.constant 4 : i32
    %dma_wait3A_2445 = arith.constant 0 : i32
    %dma_wait3A_2446 = tpu.memref_slice %arg5[%dma_wait3A_2443, %dma_wait3A_2444, %dma_wait3A_2445] : memref<32x5x64xi32, #tpu.memory_space<vmem>> -> memref<1x1x64xi32, #tpu.memory_space<vmem>>
    %dma_wait3A_2447 = tpu.memref_squeeze %dma_wait3A_2446 : memref<1x1x64xi32, #tpu.memory_space<vmem>> -> memref<64xi32, #tpu.memory_space<vmem>>
    %dma_wait3A_2448 = arith.constant 0 : i32
    %dma_wait3A_2449 = arith.constant 0 : i32
    %dma_wait3A_2450 = tpu.memref_slice %arg6[%dma_wait3A_2448, %dma_wait3A_2449] : memref<10240x128xf32, #tpu.memory_space<vmem_shared>> -> memref<10240x128xf32, #tpu.memory_space<vmem_shared>>
    tpu.wait_indirect_dma semaphore(%arg9 : memref<!tpu.dma_semaphore, #tpu.memory_space<semaphore_mem>>) src(%dma_wait3A_2450 : memref<10240x128xf32, #tpu.memory_space<vmem_shared>>) dst(%arg7 : memref<64x128xf32, #tpu.memory_space<vmem>>)
    %dma_wait3A_2451 = arith.constant 12 : i32
    %dma_wait3A_2452 = arith.constant 4 : i32
    %dma_wait3A_2453 = arith.constant 0 : i32
    %dma_wait3A_2454 = tpu.memref_slice %arg5[%dma_wait3A_2451, %dma_wait3A_2452, %dma_wait3A_2453] : memref<32x5x64xi32, #tpu.memory_space<vmem>> -> memref<1x1x64xi32, #tpu.memory_space<vmem>>
    %dma_wait3A_2455 = tpu.memref_squeeze %dma_wait3A_2454 : memref<1x1x64xi32, #tpu.memory_space<vmem>> -> memref<64xi32, #tpu.memory_space<vmem>>
    %dma_wait3A_2456 = arith.constant 0 : i32
    %dma_wait3A_2457 = arith.constant 0 : i32
    %dma_wait3A_2458 = tpu.memref_slice %arg6[%dma_wait3A_2456, %dma_wait3A_2457] : memref<10240x128xf32, #tpu.memory_space<vmem_shared>> -> memref<10240x128xf32, #tpu.memory_space<vmem_shared>>
    tpu.wait_indirect_dma semaphore(%arg9 : memref<!tpu.dma_semaphore, #tpu.memory_space<semaphore_mem>>) src(%dma_wait3A_2458 : memref<10240x128xf32, #tpu.memory_space<vmem_shared>>) dst(%arg7 : memref<64x128xf32, #tpu.memory_space<vmem>>)
    %dma_wait3A_2459 = arith.constant 13 : i32
    %dma_wait3A_2460 = arith.constant 4 : i32
    %dma_wait3A_2461 = arith.constant 0 : i32
    %dma_wait3A_2462 = tpu.memref_slice %arg5[%dma_wait3A_2459, %dma_wait3A_2460, %dma_wait3A_2461] : memref<32x5x64xi32, #tpu.memory_space<vmem>> -> memref<1x1x64xi32, #tpu.memory_space<vmem>>
    %dma_wait3A_2463 = tpu.memref_squeeze %dma_wait3A_2462 : memref<1x1x64xi32, #tpu.memory_space<vmem>> -> memref<64xi32, #tpu.memory_space<vmem>>
    %dma_wait3A_2464 = arith.constant 0 : i32
    %dma_wait3A_2465 = arith.constant 0 : i32
    %dma_wait3A_2466 = tpu.memref_slice %arg6[%dma_wait3A_2464, %dma_wait3A_2465] : memref<10240x128xf32, #tpu.memory_space<vmem_shared>> -> memref<10240x128xf32, #tpu.memory_space<vmem_shared>>
    tpu.wait_indirect_dma semaphore(%arg9 : memref<!tpu.dma_semaphore, #tpu.memory_space<semaphore_mem>>) src(%dma_wait3A_2466 : memref<10240x128xf32, #tpu.memory_space<vmem_shared>>) dst(%arg7 : memref<64x128xf32, #tpu.memory_space<vmem>>)
    %dma_wait3A_2467 = arith.constant 14 : i32
    %dma_wait3A_2468 = arith.constant 4 : i32
    %dma_wait3A_2469 = arith.constant 0 : i32
    %dma_wait3A_2470 = tpu.memref_slice %arg5[%dma_wait3A_2467, %dma_wait3A_2468, %dma_wait3A_2469] : memref<32x5x64xi32, #tpu.memory_space<vmem>> -> memref<1x1x64xi32, #tpu.memory_space<vmem>>
    %dma_wait3A_2471 = tpu.memref_squeeze %dma_wait3A_2470 : memref<1x1x64xi32, #tpu.memory_space<vmem>> -> memref<64xi32, #tpu.memory_space<vmem>>
    %dma_wait3A_2472 = arith.constant 0 : i32
    %dma_wait3A_2473 = arith.constant 0 : i32
    %dma_wait3A_2474 = tpu.memref_slice %arg6[%dma_wait3A_2472, %dma_wait3A_2473] : memref<10240x128xf32, #tpu.memory_space<vmem_shared>> -> memref<10240x128xf32, #tpu.memory_space<vmem_shared>>
    tpu.wait_indirect_dma semaphore(%arg9 : memref<!tpu.dma_semaphore, #tpu.memory_space<semaphore_mem>>) src(%dma_wait3A_2474 : memref<10240x128xf32, #tpu.memory_space<vmem_shared>>) dst(%arg7 : memref<64x128xf32, #tpu.memory_space<vmem>>)
    %dma_wait3A_2475 = arith.constant 15 : i32
    %dma_wait3A_2476 = arith.constant 4 : i32
    %dma_wait3A_2477 = arith.constant 0 : i32
    %dma_wait3A_2478 = tpu.memref_slice %arg5[%dma_wait3A_2475, %dma_wait3A_2476, %dma_wait3A_2477] : memref<32x5x64xi32, #tpu.memory_space<vmem>> -> memref<1x1x64xi32, #tpu.memory_space<vmem>>
    %dma_wait3A_2479 = tpu.memref_squeeze %dma_wait3A_2478 : memref<1x1x64xi32, #tpu.memory_space<vmem>> -> memref<64xi32, #tpu.memory_space<vmem>>
    %dma_wait3A_2480 = arith.constant 0 : i32
    %dma_wait3A_2481 = arith.constant 0 : i32
    %dma_wait3A_2482 = tpu.memref_slice %arg6[%dma_wait3A_2480, %dma_wait3A_2481] : memref<10240x128xf32, #tpu.memory_space<vmem_shared>> -> memref<10240x128xf32, #tpu.memory_space<vmem_shared>>
    tpu.wait_indirect_dma semaphore(%arg9 : memref<!tpu.dma_semaphore, #tpu.memory_space<semaphore_mem>>) src(%dma_wait3A_2482 : memref<10240x128xf32, #tpu.memory_space<vmem_shared>>) dst(%arg7 : memref<64x128xf32, #tpu.memory_space<vmem>>)
    %dma_wait3A_2483 = arith.constant 16 : i32
    %dma_wait3A_2484 = arith.constant 4 : i32
    %dma_wait3A_2485 = arith.constant 0 : i32
    %dma_wait3A_2486 = tpu.memref_slice %arg5[%dma_wait3A_2483, %dma_wait3A_2484, %dma_wait3A_2485] : memref<32x5x64xi32, #tpu.memory_space<vmem>> -> memref<1x1x64xi32, #tpu.memory_space<vmem>>
    %dma_wait3A_2487 = tpu.memref_squeeze %dma_wait3A_2486 : memref<1x1x64xi32, #tpu.memory_space<vmem>> -> memref<64xi32, #tpu.memory_space<vmem>>
    %dma_wait3A_2488 = arith.constant 0 : i32
    %dma_wait3A_2489 = arith.constant 0 : i32
    %dma_wait3A_2490 = tpu.memref_slice %arg6[%dma_wait3A_2488, %dma_wait3A_2489] : memref<10240x128xf32, #tpu.memory_space<vmem_shared>> -> memref<10240x128xf32, #tpu.memory_space<vmem_shared>>
    tpu.wait_indirect_dma semaphore(%arg9 : memref<!tpu.dma_semaphore, #tpu.memory_space<semaphore_mem>>) src(%dma_wait3A_2490 : memref<10240x128xf32, #tpu.memory_space<vmem_shared>>) dst(%arg7 : memref<64x128xf32, #tpu.memory_space<vmem>>)
    %dma_wait3A_2491 = arith.constant 17 : i32
    %dma_wait3A_2492 = arith.constant 4 : i32
    %dma_wait3A_2493 = arith.constant 0 : i32
    %dma_wait3A_2494 = tpu.memref_slice %arg5[%dma_wait3A_2491, %dma_wait3A_2492, %dma_wait3A_2493] : memref<32x5x64xi32, #tpu.memory_space<vmem>> -> memref<1x1x64xi32, #tpu.memory_space<vmem>>
    %dma_wait3A_2495 = tpu.memref_squeeze %dma_wait3A_2494 : memref<1x1x64xi32, #tpu.memory_space<vmem>> -> memref<64xi32, #tpu.memory_space<vmem>>
    %dma_wait3A_2496 = arith.constant 0 : i32
    %dma_wait3A_2497 = arith.constant 0 : i32
    %dma_wait3A_2498 = tpu.memref_slice %arg6[%dma_wait3A_2496, %dma_wait3A_2497] : memref<10240x128xf32, #tpu.memory_space<vmem_shared>> -> memref<10240x128xf32, #tpu.memory_space<vmem_shared>>
    tpu.wait_indirect_dma semaphore(%arg9 : memref<!tpu.dma_semaphore, #tpu.memory_space<semaphore_mem>>) src(%dma_wait3A_2498 : memref<10240x128xf32, #tpu.memory_space<vmem_shared>>) dst(%arg7 : memref<64x128xf32, #tpu.memory_space<vmem>>)
    %dma_wait3A_2499 = arith.constant 18 : i32
    %dma_wait3A_2500 = arith.constant 4 : i32
    %dma_wait3A_2501 = arith.constant 0 : i32
    %dma_wait3A_2502 = tpu.memref_slice %arg5[%dma_wait3A_2499, %dma_wait3A_2500, %dma_wait3A_2501] : memref<32x5x64xi32, #tpu.memory_space<vmem>> -> memref<1x1x64xi32, #tpu.memory_space<vmem>>
    %dma_wait3A_2503 = tpu.memref_squeeze %dma_wait3A_2502 : memref<1x1x64xi32, #tpu.memory_space<vmem>> -> memref<64xi32, #tpu.memory_space<vmem>>
    %dma_wait3A_2504 = arith.constant 0 : i32
    %dma_wait3A_2505 = arith.constant 0 : i32
    %dma_wait3A_2506 = tpu.memref_slice %arg6[%dma_wait3A_2504, %dma_wait3A_2505] : memref<10240x128xf32, #tpu.memory_space<vmem_shared>> -> memref<10240x128xf32, #tpu.memory_space<vmem_shared>>
    tpu.wait_indirect_dma semaphore(%arg9 : memref<!tpu.dma_semaphore, #tpu.memory_space<semaphore_mem>>) src(%dma_wait3A_2506 : memref<10240x128xf32, #tpu.memory_space<vmem_shared>>) dst(%arg7 : memref<64x128xf32, #tpu.memory_space<vmem>>)
    %dma_wait3A_2507 = arith.constant 19 : i32
    %dma_wait3A_2508 = arith.constant 4 : i32
    %dma_wait3A_2509 = arith.constant 0 : i32
    %dma_wait3A_2510 = tpu.memref_slice %arg5[%dma_wait3A_2507, %dma_wait3A_2508, %dma_wait3A_2509] : memref<32x5x64xi32, #tpu.memory_space<vmem>> -> memref<1x1x64xi32, #tpu.memory_space<vmem>>
    %dma_wait3A_2511 = tpu.memref_squeeze %dma_wait3A_2510 : memref<1x1x64xi32, #tpu.memory_space<vmem>> -> memref<64xi32, #tpu.memory_space<vmem>>
    %dma_wait3A_2512 = arith.constant 0 : i32
    %dma_wait3A_2513 = arith.constant 0 : i32
    %dma_wait3A_2514 = tpu.memref_slice %arg6[%dma_wait3A_2512, %dma_wait3A_2513] : memref<10240x128xf32, #tpu.memory_space<vmem_shared>> -> memref<10240x128xf32, #tpu.memory_space<vmem_shared>>
    tpu.wait_indirect_dma semaphore(%arg9 : memref<!tpu.dma_semaphore, #tpu.memory_space<semaphore_mem>>) src(%dma_wait3A_2514 : memref<10240x128xf32, #tpu.memory_space<vmem_shared>>) dst(%arg7 : memref<64x128xf32, #tpu.memory_space<vmem>>)
    %dma_wait3A_2515 = arith.constant 20 : i32
    %dma_wait3A_2516 = arith.constant 4 : i32
    %dma_wait3A_2517 = arith.constant 0 : i32
    %dma_wait3A_2518 = tpu.memref_slice %arg5[%dma_wait3A_2515, %dma_wait3A_2516, %dma_wait3A_2517] : memref<32x5x64xi32, #tpu.memory_space<vmem>> -> memref<1x1x64xi32, #tpu.memory_space<vmem>>
    %dma_wait3A_2519 = tpu.memref_squeeze %dma_wait3A_2518 : memref<1x1x64xi32, #tpu.memory_space<vmem>> -> memref<64xi32, #tpu.memory_space<vmem>>
    %dma_wait3A_2520 = arith.constant 0 : i32
    %dma_wait3A_2521 = arith.constant 0 : i32
    %dma_wait3A_2522 = tpu.memref_slice %arg6[%dma_wait3A_2520, %dma_wait3A_2521] : memref<10240x128xf32, #tpu.memory_space<vmem_shared>> -> memref<10240x128xf32, #tpu.memory_space<vmem_shared>>
    tpu.wait_indirect_dma semaphore(%arg9 : memref<!tpu.dma_semaphore, #tpu.memory_space<semaphore_mem>>) src(%dma_wait3A_2522 : memref<10240x128xf32, #tpu.memory_space<vmem_shared>>) dst(%arg7 : memref<64x128xf32, #tpu.memory_space<vmem>>)
    %dma_wait3A_2523 = arith.constant 21 : i32
    %dma_wait3A_2524 = arith.constant 4 : i32
    %dma_wait3A_2525 = arith.constant 0 : i32
    %dma_wait3A_2526 = tpu.memref_slice %arg5[%dma_wait3A_2523, %dma_wait3A_2524, %dma_wait3A_2525] : memref<32x5x64xi32, #tpu.memory_space<vmem>> -> memref<1x1x64xi32, #tpu.memory_space<vmem>>
    %dma_wait3A_2527 = tpu.memref_squeeze %dma_wait3A_2526 : memref<1x1x64xi32, #tpu.memory_space<vmem>> -> memref<64xi32, #tpu.memory_space<vmem>>
    %dma_wait3A_2528 = arith.constant 0 : i32
    %dma_wait3A_2529 = arith.constant 0 : i32
    %dma_wait3A_2530 = tpu.memref_slice %arg6[%dma_wait3A_2528, %dma_wait3A_2529] : memref<10240x128xf32, #tpu.memory_space<vmem_shared>> -> memref<10240x128xf32, #tpu.memory_space<vmem_shared>>
    tpu.wait_indirect_dma semaphore(%arg9 : memref<!tpu.dma_semaphore, #tpu.memory_space<semaphore_mem>>) src(%dma_wait3A_2530 : memref<10240x128xf32, #tpu.memory_space<vmem_shared>>) dst(%arg7 : memref<64x128xf32, #tpu.memory_space<vmem>>)
    %dma_wait3A_2531 = arith.constant 22 : i32
    %dma_wait3A_2532 = arith.constant 4 : i32
    %dma_wait3A_2533 = arith.constant 0 : i32
    %dma_wait3A_2534 = tpu.memref_slice %arg5[%dma_wait3A_2531, %dma_wait3A_2532, %dma_wait3A_2533] : memref<32x5x64xi32, #tpu.memory_space<vmem>> -> memref<1x1x64xi32, #tpu.memory_space<vmem>>
    %dma_wait3A_2535 = tpu.memref_squeeze %dma_wait3A_2534 : memref<1x1x64xi32, #tpu.memory_space<vmem>> -> memref<64xi32, #tpu.memory_space<vmem>>
    %dma_wait3A_2536 = arith.constant 0 : i32
    %dma_wait3A_2537 = arith.constant 0 : i32
    %dma_wait3A_2538 = tpu.memref_slice %arg6[%dma_wait3A_2536, %dma_wait3A_2537] : memref<10240x128xf32, #tpu.memory_space<vmem_shared>> -> memref<10240x128xf32, #tpu.memory_space<vmem_shared>>
    tpu.wait_indirect_dma semaphore(%arg9 : memref<!tpu.dma_semaphore, #tpu.memory_space<semaphore_mem>>) src(%dma_wait3A_2538 : memref<10240x128xf32, #tpu.memory_space<vmem_shared>>) dst(%arg7 : memref<64x128xf32, #tpu.memory_space<vmem>>)
    %dma_wait3A_2539 = arith.constant 23 : i32
    %dma_wait3A_2540 = arith.constant 4 : i32
    %dma_wait3A_2541 = arith.constant 0 : i32
    %dma_wait3A_2542 = tpu.memref_slice %arg5[%dma_wait3A_2539, %dma_wait3A_2540, %dma_wait3A_2541] : memref<32x5x64xi32, #tpu.memory_space<vmem>> -> memref<1x1x64xi32, #tpu.memory_space<vmem>>
    %dma_wait3A_2543 = tpu.memref_squeeze %dma_wait3A_2542 : memref<1x1x64xi32, #tpu.memory_space<vmem>> -> memref<64xi32, #tpu.memory_space<vmem>>
    %dma_wait3A_2544 = arith.constant 0 : i32
    %dma_wait3A_2545 = arith.constant 0 : i32
    %dma_wait3A_2546 = tpu.memref_slice %arg6[%dma_wait3A_2544, %dma_wait3A_2545] : memref<10240x128xf32, #tpu.memory_space<vmem_shared>> -> memref<10240x128xf32, #tpu.memory_space<vmem_shared>>
    tpu.wait_indirect_dma semaphore(%arg9 : memref<!tpu.dma_semaphore, #tpu.memory_space<semaphore_mem>>) src(%dma_wait3A_2546 : memref<10240x128xf32, #tpu.memory_space<vmem_shared>>) dst(%arg7 : memref<64x128xf32, #tpu.memory_space<vmem>>)
    %dma_wait3A_2547 = arith.constant 24 : i32
    %dma_wait3A_2548 = arith.constant 4 : i32
    %dma_wait3A_2549 = arith.constant 0 : i32
    %dma_wait3A_2550 = tpu.memref_slice %arg5[%dma_wait3A_2547, %dma_wait3A_2548, %dma_wait3A_2549] : memref<32x5x64xi32, #tpu.memory_space<vmem>> -> memref<1x1x64xi32, #tpu.memory_space<vmem>>
    %dma_wait3A_2551 = tpu.memref_squeeze %dma_wait3A_2550 : memref<1x1x64xi32, #tpu.memory_space<vmem>> -> memref<64xi32, #tpu.memory_space<vmem>>
    %dma_wait3A_2552 = arith.constant 0 : i32
    %dma_wait3A_2553 = arith.constant 0 : i32
    %dma_wait3A_2554 = tpu.memref_slice %arg6[%dma_wait3A_2552, %dma_wait3A_2553] : memref<10240x128xf32, #tpu.memory_space<vmem_shared>> -> memref<10240x128xf32, #tpu.memory_space<vmem_shared>>
    tpu.wait_indirect_dma semaphore(%arg9 : memref<!tpu.dma_semaphore, #tpu.memory_space<semaphore_mem>>) src(%dma_wait3A_2554 : memref<10240x128xf32, #tpu.memory_space<vmem_shared>>) dst(%arg7 : memref<64x128xf32, #tpu.memory_space<vmem>>)
    %dma_wait3A_2555 = arith.constant 25 : i32
    %dma_wait3A_2556 = arith.constant 4 : i32
    %dma_wait3A_2557 = arith.constant 0 : i32
    %dma_wait3A_2558 = tpu.memref_slice %arg5[%dma_wait3A_2555, %dma_wait3A_2556, %dma_wait3A_2557] : memref<32x5x64xi32, #tpu.memory_space<vmem>> -> memref<1x1x64xi32, #tpu.memory_space<vmem>>
    %dma_wait3A_2559 = tpu.memref_squeeze %dma_wait3A_2558 : memref<1x1x64xi32, #tpu.memory_space<vmem>> -> memref<64xi32, #tpu.memory_space<vmem>>
    %dma_wait3A_2560 = arith.constant 0 : i32
    %dma_wait3A_2561 = arith.constant 0 : i32
    %dma_wait3A_2562 = tpu.memref_slice %arg6[%dma_wait3A_2560, %dma_wait3A_2561] : memref<10240x128xf32, #tpu.memory_space<vmem_shared>> -> memref<10240x128xf32, #tpu.memory_space<vmem_shared>>
    tpu.wait_indirect_dma semaphore(%arg9 : memref<!tpu.dma_semaphore, #tpu.memory_space<semaphore_mem>>) src(%dma_wait3A_2562 : memref<10240x128xf32, #tpu.memory_space<vmem_shared>>) dst(%arg7 : memref<64x128xf32, #tpu.memory_space<vmem>>)
    %dma_wait3A_2563 = arith.constant 26 : i32
    %dma_wait3A_2564 = arith.constant 4 : i32
    %dma_wait3A_2565 = arith.constant 0 : i32
    %dma_wait3A_2566 = tpu.memref_slice %arg5[%dma_wait3A_2563, %dma_wait3A_2564, %dma_wait3A_2565] : memref<32x5x64xi32, #tpu.memory_space<vmem>> -> memref<1x1x64xi32, #tpu.memory_space<vmem>>
    %dma_wait3A_2567 = tpu.memref_squeeze %dma_wait3A_2566 : memref<1x1x64xi32, #tpu.memory_space<vmem>> -> memref<64xi32, #tpu.memory_space<vmem>>
    %dma_wait3A_2568 = arith.constant 0 : i32
    %dma_wait3A_2569 = arith.constant 0 : i32
    %dma_wait3A_2570 = tpu.memref_slice %arg6[%dma_wait3A_2568, %dma_wait3A_2569] : memref<10240x128xf32, #tpu.memory_space<vmem_shared>> -> memref<10240x128xf32, #tpu.memory_space<vmem_shared>>
    tpu.wait_indirect_dma semaphore(%arg9 : memref<!tpu.dma_semaphore, #tpu.memory_space<semaphore_mem>>) src(%dma_wait3A_2570 : memref<10240x128xf32, #tpu.memory_space<vmem_shared>>) dst(%arg7 : memref<64x128xf32, #tpu.memory_space<vmem>>)
    %dma_wait3A_2571 = arith.constant 27 : i32
    %dma_wait3A_2572 = arith.constant 4 : i32
    %dma_wait3A_2573 = arith.constant 0 : i32
    %dma_wait3A_2574 = tpu.memref_slice %arg5[%dma_wait3A_2571, %dma_wait3A_2572, %dma_wait3A_2573] : memref<32x5x64xi32, #tpu.memory_space<vmem>> -> memref<1x1x64xi32, #tpu.memory_space<vmem>>
    %dma_wait3A_2575 = tpu.memref_squeeze %dma_wait3A_2574 : memref<1x1x64xi32, #tpu.memory_space<vmem>> -> memref<64xi32, #tpu.memory_space<vmem>>
    %dma_wait3A_2576 = arith.constant 0 : i32
    %dma_wait3A_2577 = arith.constant 0 : i32
    %dma_wait3A_2578 = tpu.memref_slice %arg6[%dma_wait3A_2576, %dma_wait3A_2577] : memref<10240x128xf32, #tpu.memory_space<vmem_shared>> -> memref<10240x128xf32, #tpu.memory_space<vmem_shared>>
    tpu.wait_indirect_dma semaphore(%arg9 : memref<!tpu.dma_semaphore, #tpu.memory_space<semaphore_mem>>) src(%dma_wait3A_2578 : memref<10240x128xf32, #tpu.memory_space<vmem_shared>>) dst(%arg7 : memref<64x128xf32, #tpu.memory_space<vmem>>)
    %dma_wait3A_2579 = arith.constant 28 : i32
    %dma_wait3A_2580 = arith.constant 4 : i32
    %dma_wait3A_2581 = arith.constant 0 : i32
    %dma_wait3A_2582 = tpu.memref_slice %arg5[%dma_wait3A_2579, %dma_wait3A_2580, %dma_wait3A_2581] : memref<32x5x64xi32, #tpu.memory_space<vmem>> -> memref<1x1x64xi32, #tpu.memory_space<vmem>>
    %dma_wait3A_2583 = tpu.memref_squeeze %dma_wait3A_2582 : memref<1x1x64xi32, #tpu.memory_space<vmem>> -> memref<64xi32, #tpu.memory_space<vmem>>
    %dma_wait3A_2584 = arith.constant 0 : i32
    %dma_wait3A_2585 = arith.constant 0 : i32
    %dma_wait3A_2586 = tpu.memref_slice %arg6[%dma_wait3A_2584, %dma_wait3A_2585] : memref<10240x128xf32, #tpu.memory_space<vmem_shared>> -> memref<10240x128xf32, #tpu.memory_space<vmem_shared>>
    tpu.wait_indirect_dma semaphore(%arg9 : memref<!tpu.dma_semaphore, #tpu.memory_space<semaphore_mem>>) src(%dma_wait3A_2586 : memref<10240x128xf32, #tpu.memory_space<vmem_shared>>) dst(%arg7 : memref<64x128xf32, #tpu.memory_space<vmem>>)
    %dma_wait3A_2587 = arith.constant 29 : i32
    %dma_wait3A_2588 = arith.constant 4 : i32
    %dma_wait3A_2589 = arith.constant 0 : i32
    %dma_wait3A_2590 = tpu.memref_slice %arg5[%dma_wait3A_2587, %dma_wait3A_2588, %dma_wait3A_2589] : memref<32x5x64xi32, #tpu.memory_space<vmem>> -> memref<1x1x64xi32, #tpu.memory_space<vmem>>
    %dma_wait3A_2591 = tpu.memref_squeeze %dma_wait3A_2590 : memref<1x1x64xi32, #tpu.memory_space<vmem>> -> memref<64xi32, #tpu.memory_space<vmem>>
    %dma_wait3A_2592 = arith.constant 0 : i32
    %dma_wait3A_2593 = arith.constant 0 : i32
    %dma_wait3A_2594 = tpu.memref_slice %arg6[%dma_wait3A_2592, %dma_wait3A_2593] : memref<10240x128xf32, #tpu.memory_space<vmem_shared>> -> memref<10240x128xf32, #tpu.memory_space<vmem_shared>>
    tpu.wait_indirect_dma semaphore(%arg9 : memref<!tpu.dma_semaphore, #tpu.memory_space<semaphore_mem>>) src(%dma_wait3A_2594 : memref<10240x128xf32, #tpu.memory_space<vmem_shared>>) dst(%arg7 : memref<64x128xf32, #tpu.memory_space<vmem>>)
    %dma_wait3A_2595 = arith.constant 30 : i32
    %dma_wait3A_2596 = arith.constant 4 : i32
    %dma_wait3A_2597 = arith.constant 0 : i32
    %dma_wait3A_2598 = tpu.memref_slice %arg5[%dma_wait3A_2595, %dma_wait3A_2596, %dma_wait3A_2597] : memref<32x5x64xi32, #tpu.memory_space<vmem>> -> memref<1x1x64xi32, #tpu.memory_space<vmem>>
    %dma_wait3A_2599 = tpu.memref_squeeze %dma_wait3A_2598 : memref<1x1x64xi32, #tpu.memory_space<vmem>> -> memref<64xi32, #tpu.memory_space<vmem>>
    %dma_wait3A_2600 = arith.constant 0 : i32
    %dma_wait3A_2601 = arith.constant 0 : i32
    %dma_wait3A_2602 = tpu.memref_slice %arg6[%dma_wait3A_2600, %dma_wait3A_2601] : memref<10240x128xf32, #tpu.memory_space<vmem_shared>> -> memref<10240x128xf32, #tpu.memory_space<vmem_shared>>
    tpu.wait_indirect_dma semaphore(%arg9 : memref<!tpu.dma_semaphore, #tpu.memory_space<semaphore_mem>>) src(%dma_wait3A_2602 : memref<10240x128xf32, #tpu.memory_space<vmem_shared>>) dst(%arg7 : memref<64x128xf32, #tpu.memory_space<vmem>>)
    %dma_wait3A_2603 = arith.constant 31 : i32
    %dma_wait3A_2604 = arith.constant 4 : i32
    %dma_wait3A_2605 = arith.constant 0 : i32
    %dma_wait3A_2606 = tpu.memref_slice %arg5[%dma_wait3A_2603, %dma_wait3A_2604, %dma_wait3A_2605] : memref<32x5x64xi32, #tpu.memory_space<vmem>> -> memref<1x1x64xi32, #tpu.memory_space<vmem>>
    %dma_wait3A_2607 = tpu.memref_squeeze %dma_wait3A_2606 : memref<1x1x64xi32, #tpu.memory_space<vmem>> -> memref<64xi32, #tpu.memory_space<vmem>>
    %dma_wait3A_2608 = arith.constant 0 : i32
    %dma_wait3A_2609 = arith.constant 0 : i32
    %dma_wait3A_2610 = tpu.memref_slice %arg6[%dma_wait3A_2608, %dma_wait3A_2609] : memref<10240x128xf32, #tpu.memory_space<vmem_shared>> -> memref<10240x128xf32, #tpu.memory_space<vmem_shared>>
    tpu.wait_indirect_dma semaphore(%arg9 : memref<!tpu.dma_semaphore, #tpu.memory_space<semaphore_mem>>) src(%dma_wait3A_2610 : memref<10240x128xf32, #tpu.memory_space<vmem_shared>>) dst(%arg7 : memref<64x128xf32, #tpu.memory_space<vmem>>)
    %add3A_2611 = arith.constant 256 : i32
    %add3A_2612 = arith.addi %mul3A_2, %add3A_2611 : i32
    "tpu.region"() ({
      %run_scoped3A = tpu.sem_alloc : memref<!tpu.dma_semaphore, #tpu.memory_space<semaphore_mem>>
      %dma_start3A_2617 = arith.constant 0 : i32
      %dma_start3A_2618 = tpu.memref_slice %arg4[%add3A_2612, %dma_start3A_2617] : memref<10240x128xf32, #tpu.memory_space<hbm>> -> memref<64x128xf32, #tpu.memory_space<hbm>>
      %dma_start3A_2619 = arith.constant 0 : i32
      %dma_start3A_2620 = tpu.memref_slice %arg4[%add3A_2612, %dma_start3A_2619] : memref<10240x128xf32, #tpu.memory_space<hbm>> -> memref<64x128xf32, #tpu.memory_space<hbm>>
      tpu.enqueue_dma source(%arg7 : memref<64x128xf32, #tpu.memory_space<vmem>>) target(%dma_start3A_2620 : memref<64x128xf32, #tpu.memory_space<hbm>>) target_semaphore(%run_scoped3A : memref<!tpu.dma_semaphore, #tpu.memory_space<semaphore_mem>>)
      %dma_wait3A_2621 = arith.constant 0 : i32
      %dma_wait3A_2622 = tpu.memref_slice %arg4[%add3A_2612, %dma_wait3A_2621] : memref<10240x128xf32, #tpu.memory_space<hbm>> -> memref<64x128xf32, #tpu.memory_space<hbm>>
      %dma_wait3A_2623 = arith.constant 0 : i32
      %dma_wait3A_2624 = tpu.memref_slice %arg4[%add3A_2612, %dma_wait3A_2623] : memref<10240x128xf32, #tpu.memory_space<hbm>> -> memref<64x128xf32, #tpu.memory_space<hbm>>
      tpu.wait_dma2 semaphore(%run_scoped3A : memref<!tpu.dma_semaphore, #tpu.memory_space<semaphore_mem>>) src(%arg7 : memref<64x128xf32, #tpu.memory_space<vmem>>) dst(%dma_wait3A_2624 : memref<64x128xf32, #tpu.memory_space<hbm>>)
      tpu.yield
    }) : () -> ()
    %dma_wait3A_2613 = arith.constant 0 : i32
    %dma_wait3A_2614 = tpu.memref_slice %arg4[%add3A_2350, %dma_wait3A_2613] : memref<10240x128xf32, #tpu.memory_space<hbm>> -> memref<64x128xf32, #tpu.memory_space<hbm>>
    %dma_wait3A_2615 = arith.constant 0 : i32
    %dma_wait3A_2616 = tpu.memref_slice %arg4[%add3A_2350, %dma_wait3A_2615] : memref<10240x128xf32, #tpu.memory_space<hbm>> -> memref<64x128xf32, #tpu.memory_space<hbm>>
    tpu.wait_dma2 semaphore(%arg12 : memref<!tpu.dma_semaphore, #tpu.memory_space<semaphore_mem>>) src(%arg8 : memref<64x128xf32, #tpu.memory_space<vmem>>) dst(%dma_wait3A_2616 : memref<64x128xf32, #tpu.memory_space<hbm>>)
    return
  }
}

module attributes {stable_mosaic.version = 14 : i64} {
  func.func @_tc_body(%arg0: i32, %arg1: memref<1x1xf32, #tpu.memory_space<vmem>>, %arg2: memref<128x128xf32, #tpu.memory_space<vmem>>, %arg3: memref<2048x128xf32, #tpu.memory_space<vmem>>, %arg4: memref<2048x128xf32, #tpu.memory_space<vmem>>, %arg5: memref<128x1xf32, #tpu.memory_space<vmem>>, %arg6: memref<128x2048xf32, #tpu.memory_space<vmem>>) attributes {dimension_semantics = [#tpu.dimension_semantics<arbitrary>], iteration_bounds = array<i64: 5>, scalar_prefetch = 0 : i64, scratch_operands = 0 : i64, tpu.core_type = #tpu.core_type<tc>, window_params = [{pipeline_mode = #tpu.pipeline_mode<synchronous>, transform_indices = @transform_0, window_bounds = array<i64: 1, 1>}, {pipeline_mode = #tpu.pipeline_mode<synchronous>, transform_indices = @transform_1, window_bounds = array<i64: 128, 128>}, {transform_indices = @transform_2, window_bounds = array<i64: 2048, 128>}, {transform_indices = @transform_3, window_bounds = array<i64: 2048, 128>}, {pipeline_mode = #tpu.pipeline_mode<synchronous>, transform_indices = @transform_4, window_bounds = array<i64: 128, 1>}, {transform_indices = @transform_5, window_bounds = array<i64: 128, 2048>}]} {
    %get3A = arith.constant 0 : index
    %get3A_0 = arith.constant 0 : index
    %get3A_1 = vector.load %arg4[%get3A, %get3A_0] : memref<2048x128xf32, #tpu.memory_space<vmem>>, vector<2048x128xf32>
    %get3A_2 = arith.constant 0 : index
    %get3A_3 = arith.constant 0 : index
    %get3A_4 = vector.load %arg1[%get3A_2, %get3A_3] : memref<1x1xf32, #tpu.memory_space<vmem>>, vector<1x1xf32>
    %get3A_5 = vector.extract %get3A_4[0, 0] : f32 from vector<1x1xf32>
    %get3A_6 = arith.constant 0 : index
    %get3A_7 = arith.constant 0 : index
    %get3A_8 = vector.load %arg3[%get3A_6, %get3A_7] : memref<2048x128xf32, #tpu.memory_space<vmem>>, vector<2048x128xf32>
    %mul3A = vector.broadcast %get3A_5 : f32 to vector<2048x128xf32>
    %mul3A_9 = arith.mulf %mul3A, %get3A_8 : vector<2048x128xf32>
    %add3A = arith.addf %get3A_1, %mul3A_9 : vector<2048x128xf32>
    %get3A_10 = arith.constant 0 : index
    %get3A_11 = arith.constant 0 : index
    %get3A_12 = vector.load %arg2[%get3A_10, %get3A_11] : memref<128x128xf32, #tpu.memory_space<vmem>>, vector<128x128xf32>
    %dot_general3A = arith.constant dense<0.000000e+00> : vector<128x2048xf32>
    %dot_general3A_13 = tpu.matmul %get3A_12, %add3A, %dot_general3A {dimension_numbers = #tpu.dot_dimension_numbers<[1], [1], [0], [0], [0, 0, 1, 0], [], []>, transpose_lhs_hint = false} : vector<128x128xf32>, vector<2048x128xf32>, vector<128x2048xf32> -> vector<128x2048xf32>
    %get3A_14 = arith.constant 0 : index
    %get3A_15 = arith.constant 0 : index
    %get3A_16 = vector.load %arg5[%get3A_14, %get3A_15] : memref<128x1xf32, #tpu.memory_space<vmem>>, vector<128x1xf32>
    %add3A_17 = vector.broadcast %get3A_16 : vector<128x1xf32> to vector<128x2048xf32>
    %add3A_18 = arith.addf %dot_general3A_13, %add3A_17 : vector<128x2048xf32>
    %max3A = arith.constant 0.000000e+00 : f32
    %max3A_19 = vector.broadcast %max3A : f32 to vector<128x2048xf32>
    %max3A_20 = arith.maximumf %add3A_18, %max3A_19 : vector<128x2048xf32>
    %swap3A = arith.constant 0 : index
    %swap3A_21 = arith.constant 0 : index
    %swap3A_22 = vector.load %arg6[%swap3A, %swap3A_21] : memref<128x2048xf32, #tpu.memory_space<vmem>>, vector<128x2048xf32>
    tpu.vector_store %arg6[%swap3A, %swap3A_21], %max3A_20 {strides = array<i32>} : memref<128x2048xf32, #tpu.memory_space<vmem>>, vector<128x2048xf32>,
    return
  }
  func.func @transform_0(%arg0: i32) -> (i32, i32) {
    %c0_i32 = arith.constant 0 : i32
    %c0_i32_0 = arith.constant 0 : i32
    %c0_i32_1 = arith.constant 0 : i32
    return %c0_i32, %c0_i32_0 : i32, i32
  }
  func.func @transform_1(%arg0: i32) -> (i32, i32) {
    %c0_i32 = arith.constant 0 : i32
    %c0_i32_0 = arith.constant 0 : i32
    %c0_i32_1 = arith.constant 0 : i32
    return %c0_i32, %c0_i32_0 : i32, i32
  }
  func.func @transform_2(%arg0: i32) -> (i32, i32) {
    %c0_i32 = arith.constant 0 : i32
    %c0_i32_0 = arith.constant 0 : i32
    return %arg0, %c0_i32 : i32, i32
  }
  func.func @transform_3(%arg0: i32) -> (i32, i32) {
    %c0_i32 = arith.constant 0 : i32
    %c0_i32_0 = arith.constant 0 : i32
    return %arg0, %c0_i32 : i32, i32
  }
  func.func @transform_4(%arg0: i32) -> (i32, i32) {
    %c0_i32 = arith.constant 0 : i32
    %c0_i32_0 = arith.constant 0 : i32
    %c0_i32_1 = arith.constant 0 : i32
    return %c0_i32, %c0_i32_0 : i32, i32
  }
  func.func @transform_5(%arg0: i32) -> (i32, i32) {
    %c0_i32 = arith.constant 0 : i32
    %c0_i32_0 = arith.constant 0 : i32
    return %c0_i32, %arg0 : i32, i32
  }
}

</mosaic_0001>

<sc_bundles>
// kernel: kernel.4.cloned.1.call-start
scs
__scs_entry_jumppad:
0x0: {  	(pc) =	sbr.rel $0x88, $3  }
0x1: {  	(tag) =	ssettag $0x0;
	lr =	simm.s32 $0x1  }
0x2: {  	[smem:$0x3F9C] =	sst lr;
	_ =	strace $0xD0000000  }
0x3: {  	_ = 	snop  }
0x4: {  	_ = 	snop  }
0x5: {  	_ = 	snop  }
0x6: {  	_ = 	snop  }
0x7: {  	_ = 	snop  }
__scs_overlays_trampoline_lowered:
0x8: {  	[smem:$0x3FAB] =	sst s0  }
0x9: {  	[smem:$0x3FAC] =	sst s1  }
0xa: {  	[smem:$0x3FAD] =	sst s2  }
0xb: {  	[smem:$0x3FAE] =	sst s3  }
0xc: {  	[smem:$0x3FAF] =	sst s4  }
0xd: {  	[smem:$0x3FB0] =	sst s5  }
0xe: {  	[smem:$0x3FB1] =	sst s6  }
0xf: {  	[smem:$0x3FB2] =	sst s7  }
0x10: {  	[smem:$0x3FB3] =	sst s8  }
0x11: {  	[smem:$0x3FB4] =	sst s9;
	s0 =	simm.s32 @!p0 $0x0  }
0x12: {  	s1 =	sld [smem:$0x3F9A];
	s0 =	simm.s32 @p0 $0x1  }
0x13: {  	[smem:$0x3FB5] =	sst s0;
	s0 =	simm.s32 @!p1 $0x0  }
0x14: {  	s2 =	sld [smem:$0x3F99];
	s0 =	simm.s32 @p1 $0x1  }
0x15: {  	[smem:$0x3FB6] =	sst s0;
	s0 =	simm.s32 @!p2 $0x0  }
0x16: {  	s3 =	sld [smem:$0x3FDB];
	s0 =	simm.s32 @p2 $0x1  }
0x17: {  	s4 =	simm.s32 $0x1BF5;
	[smem:$0x3FB8] =	sst s0  }
0x18: {  	s0 =	sld [smem:$0x3F9B];
	_ =	swait.ge [sflag:s4], $0x0  }
0x19: {  	s7 =	sld [smem:$0x3F9C]  }
0x1a: {  	s8 =	sadd.s32 $0xFFFFE003, lr  }
0x1b: {  	s9 =	sadd.s32 $0xFFFFFEF7, lr;
	s5 =	simm.s32 $0xFFFFFFFF;
	p2 =	slt.u32 s8, $0xFFFFF086  }
0x1c: {  	p1 =	slt.u32 s9, $0xF7A;
	s5 =	simm.s32 @!p2 $0x0  }
0x1d: {  	s5 =	simm.s32 @p1 $0x1;
	p0 =	seq.s32 s7, s2  }
0x1e: {  	s7 =	smul.u32 @!p0 $0xF7A, s2;
	p2 =	seq.s32 @!p0 s5, $0x0  }
0x1f: {  	s9 =	smul.u32 $0xF7A, s1;
	s8 =	simm.s32 @!p0 $0x1BF5;
	p2 =	por !p2, p0  }
0x20: {  	[sflag:s8] =	ssyncset.s32 @!p0 $0xFFFFF086;
	s6 =	sadd.s32 @!p0 s3, s7;
	s7 =	simm.s32 @!p0 $0x108  }
0x21: {  	s3 =	sadd.s32 s3, s9;
	s6 =	sadd.s32 @!p0 $0x88, s6;
	s7 =	simm.s32 @p2 $0x1082  }
0x22: {  	[simem:s7], [sflag:s8] =	dma.local @!p0 [hbm:s6], $0xF7A  }
0x23: {  	s9 =	sor.u32 $0xD0000000, s2;
	s6 =	simm.s32 $0x108;
	_ =	swait.ge @!p0 [sflag:s8], $0x0  }
0x24: {  	s3 =	sadd.s32 $0x88, s3;
	s6 =	simm.s32 @!p1 $0x1082;
	[sflag:s4] =	ssyncset.s32 $0xFFFFF086  }
0x25: {  	[simem:s6], [sflag:s4] =	dma.local [hbm:s3], $0xF7A  }
0x26: {  	[smem:$0x3F9C] =	sst s1;
	(tag) =	ssettag s2;
	_ =	strace s9  }
0x27: {  	s1 =	sld [smem:$0x3FAC]  }
0x28: {  	s2 =	sld [smem:$0x3FAD]  }
0x29: {  	s4 =	sld [smem:$0x3FAF]  }
0x2a: {  	p0 =	seq.s32 s5, $0x0;
	s5 =	sld [smem:$0x3FB0]  }
0x2b: {  	s6 =	sld [smem:$0x3FB1]  }
0x2c: {  	s7 =	sld [smem:$0x3FB2]  }
0x2d: {  	s3 =	simm.s32 $0x108;
	s8 =	sld [smem:$0x3FB3]  }
0x2e: {  	s3 =	simm.s32 @!p0 $0x1082;
	s9 =	sld [smem:$0x3FB4]  }
0x2f: {  	lr =	sadd.s32 s0, s3;
	s0 =	sld [smem:$0x3FAB]  }
0x30: {  	s3 =	sld [smem:$0x3FAE]  }
0x31: {  	[smem:$0x3FB7] =	sst s10  }
0x32: {  	s10 =	sld [smem:$0x3FB5];
	_ =	sdelay $0x3  }
0x33: {  	p0 =	seq.s32 s10, $0x1;
	s10 =	sld [smem:$0x3FB7];
	_ =	sdelay $0x3  }
0x34: {  	[smem:$0x3FB7] =	sst s10  }
0x35: {  	s10 =	sld [smem:$0x3FB6];
	_ =	sdelay $0x3  }
0x36: {  	p1 =	seq.s32 s10, $0x1;
	s10 =	sld [smem:$0x3FB7];
	_ =	sdelay $0x3  }
0x37: {  	[smem:$0x3FB7] =	sst s10  }
0x38: {  	s10 =	sld [smem:$0x3FB8]  }
0x39: {  	_ = 	snop;
	(pc) =	sbr.ind lr, $3  }
0x3a: {  	_ = 	snop  }
0x3b: {  	_ = 	snop  }
0x3c: {  	p2 =	seq.s32 s10, $0x1;
	s10 =	sld [smem:$0x3FB7]  }
0x3d: {  	_ =	shalt  }
0x3e: {  	_ =	shalt  }
0x3f: {  	_ =	shalt  }
0x40: {  	_ =	shalt  }
0x41: {  	_ =	shalt  }
0x42: {  	_ =	shalt  }
0x43: {  	_ =	shalt  }
0x44: {  	_ =	shalt  }
0x45: {  	_ =	shalt  }
0x46: {  	_ =	shalt  }
0x47: {  	_ =	shalt  }
0x48: {  	_ =	shalt  }
0x49: {  	_ =	shalt  }
0x4a: {  	_ =	shalt  }
0x4b: {  	_ =	shalt  }
0x4c: {  	_ =	shalt  }
0x4d: {  	_ =	shalt  }
0x4e: {  	_ =	shalt  }
0x4f: {  	_ =	shalt  }
0x50: {  	_ =	shalt  }
0x51: {  	_ =	shalt  }
0x52: {  	_ =	shalt  }
0x53: {  	_ =	shalt  }
0x54: {  	_ =	shalt  }
0x55: {  	_ =	shalt  }
0x56: {  	_ =	shalt  }
0x57: {  	_ =	shalt  }
0x58: {  	_ =	shalt  }
0x59: {  	_ =	shalt  }
0x5a: {  	_ =	shalt  }
0x5b: {  	_ =	shalt  }
0x5c: {  	_ =	shalt  }
0x5d: {  	_ =	shalt  }
0x5e: {  	_ =	shalt  }
0x5f: {  	_ =	shalt  }
0x60: {  	_ =	shalt  }
0x61: {  	_ =	shalt  }
0x62: {  	_ =	shalt  }
0x63: {  	_ =	shalt  }
0x64: {  	_ =	shalt  }
0x65: {  	_ =	shalt  }
0x66: {  	_ =	shalt  }
0x67: {  	_ =	shalt  }
0x68: {  	_ =	shalt  }
0x69: {  	_ =	shalt  }
0x6a: {  	_ =	shalt  }
0x6b: {  	_ =	shalt  }
0x6c: {  	_ =	shalt  }
0x6d: {  	_ =	shalt  }
0x6e: {  	_ =	shalt  }
0x6f: {  	_ =	shalt  }
0x70: {  	_ =	shalt  }
0x71: {  	_ =	shalt  }
0x72: {  	_ =	shalt  }
0x73: {  	_ =	shalt  }
0x74: {  	_ =	shalt  }
0x75: {  	_ =	shalt  }
0x76: {  	_ =	shalt  }
0x77: {  	_ =	shalt  }
0x78: {  	_ =	shalt  }
0x79: {  	_ =	shalt  }
0x7a: {  	_ =	shalt  }
0x7b: {  	_ =	shalt  }
0x7c: {  	_ =	shalt  }
0x7d: {  	_ =	shalt  }
0x7e: {  	_ =	shalt  }
0x7f: {  	_ =	shalt  }
0x80: {  	_ =	shalt  }
0x81: {  	_ =	shalt  }
0x82: {  	_ =	shalt  }
0x83: {  	_ =	shalt  }
0x84: {  	_ =	shalt  }
0x85: {  	_ =	shalt  }
0x86: {  	_ =	shalt  }
0x87: {  	_ =	shalt  }
.Lfunc_end0:
.L_simem_size_0:
called_computation_lowered:
.L_overlay_start_0:
0x88: {  	s2 =	sld [smem:$0x3FD9]  }
0x89: {  	s3 =	sld [smem:$0x3FFE];
	_ =	sdelay $0x1  }
0x8a: {  	s1 =	srdreg.scid  }
0x8b: {  	s0 =	sand.u32 $0x1, s1  }
0x8c: {  	s17 =	sshll.u32 s0, $0xA;
	s2 =	sadd.s32 s3, s2  }
0x8d: {  	s2 =	sadd.s32 s2, s17  }
0x8e: {  	[smem:$0x3FC3] =	sst s2  }
0x8f: {  	_ = 	snop  }
0x90: {  	s2 =	sld [smem:$0x3FD0];
	(tm) =	ssettm $0x1  }
0x91: {  	s18 =	sld [smem:$0x3FFB];
	_ =	sdelay $0x3  }
0x92: {  	_ =	strace s18  }
0x93: {  	s3 =	sld [smem:$0x3FFC];
	_ =	sdelay $0x3  }
0x94: {  	_ =	strace s3  }
0x95: {  	s3 =	sld [smem:$0x3FFD];
	_ =	sdelay $0x3  }
0x96: {  	_ =	strace s3  }
0x97: {  	_ =	strace $0x8FFFFFFF  }
0x98: {  	s19 =	sld [smem:$0x3FDB];
	_ =	sdelay $0x1  }
0x99: {  	s4 =	simm.s32 $_scs_section_size  }
0x9a: {  	s5 =	simm.s32 $_size__tile_overlayer_lowered;
	s6 =	simm.s32 $_tile_overlayer_lowered  }
0x9b: {  	s22 =	simm.s32 $0x1BFF;
	s21 =	sshll.u32 s6, $0x1;
	s3 =	sadd.s32 s4, s19  }
0x9c: {  	s7 =	simm.s32 $0x0;
	s20 =	sshll.u32 s5, $0x1;
	s5 =	sadd.s32 s21, s3  }
0x9d: {  	[timem:s7], [sflag:s22] =	dma.local [hbm:s5], s20  }
0x9e: {  	_ =	swait.ge [sflag:s22], s20  }
0x9f: {  	s4 =	ssub.s32 $0x0, s20;
	[sflag:s22] =	ssyncset.done $0x0  }
0xa0: {  	[sflag:s22] =	ssyncadd.s32 s4;
	_ =	sdelay $0x1  }
0xa1: {  	s23 =	simm.s32 $0x1B8B  }
0xa2: {  	_ =	swait.ge [sflag:s23], $0x1  }
0xa3: {  	[sflag:s23] =	ssyncset.done $0x0  }
0xa4: {  	s25 =	simm.s32 $0x1B8E;
	s24 =	sld [smem:$0x3FFE];
	[sflag:s23] =	ssyncadd.s32 $0xFFFFFFFF  }
0xa5: {  	s26 =	simm.s32 $execute0_lowered;
	[smem:$0x3FD2] =	sst s25  }
0xa6: {  	s5 =	sshll.u32 s26, $0x1;
	_ =	strace $0x80000046;
	[dreg:$0x1] =	wrdreg $0xFFFFFFFF  }
0xa7: {  	s28 =	simm.s32 $_size_execute0_lowered;
	s3 =	sadd.s32 s3, s5;
	[dreg:$0x0] =	wrdreg $0x0  }
0xa8: {  	s5 =	sshll.u32 s28, $0x1;
	[dreg:$0x2] =	wrdreg s3  }
0xa9: {  	[dreg:$0x3] =	wrdreg s5  }
0xaa: {  	[dreg:$0x4] =	wrdreg $0xC0  }
0xab: {  	_ =	task [dreg:s7], $0x5FFFF  }
0xac: {  	[dreg:$0x1] =	wrdreg $0xFFFFFFFF  }
0xad: {  	[dreg:$0x0] =	wrdreg $0x60  }
0xae: {  	[dreg:$0x2] =	wrdreg s24  }
0xaf: {  	[dreg:$0x3] =	wrdreg s2  }
0xb0: {  	[dreg:$0x4] =	wrdreg $0x80000  }
0xb1: {  	[dreg:$0x5] =	wrdreg $0x9  }
0xb2: {  	_ =	task.clear_ibuf [dreg:s7], $0x6FFFF;
	_ =	strace $0x90000046  }
0xb3: {  	s29 =	simm.s32 $0x9;
	_ =	strace $0x80000048  }
0xb4: {  	_ =	swait.ge [sflag:s29], $0x1  }
0xb5: {  	[sflag:s29] =	ssyncadd.s32 $0xFFFFFFFF  }
0xb6: {  	_ =	strace $0x90000048  }
0xb7: {  	_ =	sfence  }
0xb8: {  	s30 =	sld [smem:$0x0];
	_ =	sdelay $0x2  }
0xb9: {  	s31 =	sshll.u32 s1, $0xD;
	s1 =	sshrl.u32 s1, $0x2  }
0xba: {  	s3 =	sand.u32 $0x4000, s31;
	s1 =	sadd.s32 s1, s30  }
0xbb: {  	s0 =	sor.u32 s3, s0;
	s1 =	sshll.u32 s1, $0x11  }
0xbc: {  	s0 =	sor.u32 s1, s0  }
0xbd: {  	s0 =	sadd.s32 $0x8F2B, s0  }
0xbe: {  	[sflag:s0] =	ssyncadd.remote.s32 $0x1  }
0xbf: {  	_ =	sfence.sel $0xFFFF  }
0xc0: {  	[dreg:$0x0] =	wrdreg $0xFFFFFFFF;
	(pc) =	sbr.abs _section_cstart, $3  }
0xc1: {  	[dreg:$0x1] =	wrdreg $0xFFFFFFFF  }
0xc2: {  	_ =	task.clear_ibuf [dreg:s7], $0x2FFFF;
	_ =	strace $0x9FFFFFFF  }
0xc3: {  	(tm) =	ssettm $0x7FFFFFFF  }
tec
execute0_lowered:
.L_overlay_start_1:
0x0: {  	(tag) =	ssettag $0x1  }
0x1: {  	s0 =	rddreg [dreg:$0x0]  }
0x2: {  	s1 =	rddreg [dreg:$0x1]  }
0x3: {  	s2 =	rddreg [dreg:$0x2];
	s3 =	simm.s32 $0x0;
	s8 =	stileid.u32  }
0x4: {  	s5 =	srdreg.scid;
	s31 =	simm.s32 $0x1E000;
	s29 =	simm.s32 $0x4  }
0x5: {  	s28 =	simm.s32 $0x7A00;
	s30 =	simm.s32 $0x7E00;
	[smem:$0x7FF] =	sst s3  }
0x6: {  	s4 =	smul.u32 $0x2800, s8;
	s14 =	sand.u32 $0x1, s5;
	s15 =	sshll.u32 s8, $0x1  }
0x7: {  	s16 =	smul.u32 $0x50000, s8;
	_ =	strace $0x80000047;
	s5 =	sor.u32 s14, s15  }
0x8: {  	s7 =	ssub.s32 $0x2, s14;
	s6 =	sadd.s32 s4, s0;
	s12 =	smul.u32 $0x140, s5  }
0x9: {  	s0 =	sadd.s32 $0x29400, s0;
	s17 =	sshrl.u32 s7, $0x1;
	s11 =	smul.u32 $0x28000, s5  }
0xa: {  	s9 =	sshll.u32 s5, $0xC;
	s10 =	sshrl.u32 s16, $0x2;
	s21 =	smul.u32 $0x1400, s5  }
0xb: {  	s16 =	ssub.s32 s7, s17;
	s4 =	sadd.s32 s1, s9;
	s18 =	sadd.s32 s10, s2  }
0xc: {  	s5 =	sadd.s32 $0x1400, s6;
	s17 =	simm.s32 $0x5;
	s1 =	simm.s32 $0x2  }
0xd: {  	s19 =	sshrl.u32 s11, $0x2;
	s20 =	sadd.s32 $0x40, s12;
	s8 =	sadd.s32 s0, s21  }
0xe: {  	s13 =	sadd.s32 $0x80, s12;
	s14 =	sadd.s32 $0xC0, s12;
	s15 =	sadd.s32 $0x100, s12  }
0xf: {  	s16 =	smax.u32 s16, $0x1;
	s18 =	sshrl.u32 s18, $0x3;
	s21 =	simm.s32 $0x1  }
0x10: {  	s6 =	sadd.s32 s19, s2;
	s22 =	sshll.u32 s20, $0x7;
	s23 =	sshll.u32 s13, $0x7  }
0x11: {  	s24 =	sshll.u32 s20, $0x4;
	s25 =	sshll.u32 s14, $0x7;
	s13 =	sshll.u32 s13, $0x4  }
0x12: {  	s26 =	sshll.u32 s15, $0x7;
	s14 =	sshll.u32 s14, $0x4;
	s15 =	sshll.u32 s15, $0x4  }
0x13: {  	s19 =	simm.s32 $0x1C000;
	s20 =	simm.s32 $0x40;
	s7 =	sadd.s32 s22, s2  }
0x14: {  	s9 =	sadd.s32 s23, s2;
	s10 =	sadd.s32 s0, s24;
	s11 =	sadd.s32 s25, s2  }
0x15: {  	s12 =	sadd.s32 s0, s13;
	s13 =	sadd.s32 s26, s2;
	s14 =	sadd.s32 s0, s14  }
0x16: {  	s15 =	sadd.s32 s0, s15;
	s22 =	simm.s32 $0x3;
	s0 =	simm.s32 $0x0  }
.LBB2_1:
0x17: {  	s23 =	simm.s32 $0x80  }
0x18: {  	s26 =	sadd.s32 $0x0, s4;
	s24 =	simm.s32 $0x400;
	s25 =	simm.s32 $0x0  }
.LBB2_2:
0x19: {  	[tilespmem:s25], [sflag:$0x5] =	stream.linear.gather [hbm4b:s26+s3], $0x280, $0x38;
	v63 =	vld [tilespmem:$0x0]  }
0x1a: {  	s26 =	smov.u32 s23;
	s25 =	smov.u32 s24;
	p0 =	sne.s32 s23, $0xF80  }
.Ltmp0:
0x1b: {  	s23 =	sadd.s32 $0x80, s23;
	(pc) =	sbr.rel @p0 .LBB2_2-.Ltmp0, $2  }
0x1c: {  	_ =	sdelay $0x2  }
0x1d: {  	s24 =	sadd.s32 $0x400, s24;
	s26 =	sadd.s32 s26, s4  }
0x1e: {  	[tilespmem:s25], [sflag:$0x5] =	stream.linear.gather [hbm4b:s26+s3], $0x280, $0x38;
	v63 =	vld [tilespmem:$0x0]  }
0x1f: {  	s23 =	stileid.u32;
	_ =	swait.ge [sflag:s17], $0x5000  }
0x20: {  	s23 =	sshll.u32 s23, $0x6;
	[sflag:s17] =	ssyncset.done $0x0  }
0x21: {  	s23 =	sor.u32 $0x1C05, s23;
	[sflag:s17] =	ssyncadd.s32 $0xFFFFB000  }
0x22: {  	[spmem:s18], [sflag:s23] =	dma.local [hbm:s5], $0x2800  }
0x23: {  	_ =	swait.ge [sflag:s17], $0x2800  }
0x24: {  	[sflag:s17] =	ssyncset.done $0x0  }
0x25: {  	[sflag:s17] =	ssyncadd.s32 $0xFFFFD800  }
0x26: {  	[bflag:$0x0] =	sbarrier.arrive $0xFFFF  }
0x27: {  	[tilespmem:s19], [sflag:$0x5] =	stream.linear.gather [spmem:s6], $0x2000, $0x38;
	v63 =	vld [tilespmem:$0x0]  }
0x28: {  	_ =	swait.ge [sflag:s17], $0x2000  }
0x29: {  	[sflag:s17] =	ssyncset.done $0x0  }
0x2a: {  	[sflag:s17] =	ssyncadd.s32 $0xFFFFE000  }
0x2b: {  	[tilespmem:s19], [sflag:$0x1] =	stream.indirect.gather.add.f32 [spmem:s2], $0x80, s3, s20, $0xb8;
	v63 =	vld [tilespmem:$0x0]  }
0x2c: {  	s26 =	simm.s32 $0x400  }
0x2d: {  	[tilespmem:s19], [sflag:$0x1] =	stream.indirect.gather.add.f32 [spmem:s2], $0x80, s26, s20, $0xb8;
	v63 =	vld [tilespmem:$0x0]  }
0x2e: {  	s24 =	simm.s32 $0x800  }
0x2f: {  	[tilespmem:s19], [sflag:$0x1] =	stream.indirect.gather.add.f32 [spmem:s2], $0x80, s24, s20, $0xb8;
	v63 =	vld [tilespmem:$0x0]  }
0x30: {  	s25 =	simm.s32 $0xC00  }
0x31: {  	[tilespmem:s19], [sflag:$0x1] =	stream.indirect.gather.add.f32 [spmem:s2], $0x80, s25, s20, $0xb8;
	v63 =	vld [tilespmem:$0x0]  }
0x32: {  	s26 =	simm.s32 $0x1000  }
0x33: {  	[tilespmem:s19], [sflag:$0x1] =	stream.indirect.gather.add.f32 [spmem:s2], $0x80, s26, s20, $0xb8;
	v63 =	vld [tilespmem:$0x0]  }
0x34: {  	s24 =	simm.s32 $0x1400  }
0x35: {  	[tilespmem:s19], [sflag:$0x1] =	stream.indirect.gather.add.f32 [spmem:s2], $0x80, s24, s20, $0xb8;
	v63 =	vld [tilespmem:$0x0]  }
0x36: {  	s25 =	simm.s32 $0x1800  }
0x37: {  	[tilespmem:s19], [sflag:$0x1] =	stream.indirect.gather.add.f32 [spmem:s2], $0x80, s25, s20, $0xb8;
	v63 =	vld [tilespmem:$0x0]  }
0x38: {  	s26 =	simm.s32 $0x1C00  }
0x39: {  	[tilespmem:s19], [sflag:$0x1] =	stream.indirect.gather.add.f32 [spmem:s2], $0x80, s26, s20, $0xb8;
	v63 =	vld [tilespmem:$0x0]  }
0x3a: {  	s24 =	simm.s32 $0x2000  }
0x3b: {  	[tilespmem:s19], [sflag:$0x1] =	stream.indirect.gather.add.f32 [spmem:s2], $0x80, s24, s20, $0xb8;
	v63 =	vld [tilespmem:$0x0]  }
0x3c: {  	s25 =	simm.s32 $0x2400  }
0x3d: {  	[tilespmem:s19], [sflag:$0x1] =	stream.indirect.gather.add.f32 [spmem:s2], $0x80, s25, s20, $0xb8;
	v63 =	vld [tilespmem:$0x0]  }
0x3e: {  	s26 =	simm.s32 $0x2800  }
0x3f: {  	[tilespmem:s19], [sflag:$0x1] =	stream.indirect.gather.add.f32 [spmem:s2], $0x80, s26, s20, $0xb8;
	v63 =	vld [tilespmem:$0x0]  }
0x40: {  	s24 =	simm.s32 $0x2C00  }
0x41: {  	[tilespmem:s19], [sflag:$0x1] =	stream.indirect.gather.add.f32 [spmem:s2], $0x80, s24, s20, $0xb8;
	v63 =	vld [tilespmem:$0x0]  }
0x42: {  	s25 =	simm.s32 $0x3000  }
0x43: {  	[tilespmem:s19], [sflag:$0x1] =	stream.indirect.gather.add.f32 [spmem:s2], $0x80, s25, s20, $0xb8;
	v63 =	vld [tilespmem:$0x0]  }
0x44: {  	s26 =	simm.s32 $0x3400  }
0x45: {  	[tilespmem:s19], [sflag:$0x1] =	stream.indirect.gather.add.f32 [spmem:s2], $0x80, s26, s20, $0xb8;
	v63 =	vld [tilespmem:$0x0]  }
0x46: {  	s24 =	simm.s32 $0x3800  }
0x47: {  	[tilespmem:s19], [sflag:$0x1] =	stream.indirect.gather.add.f32 [spmem:s2], $0x80, s24, s20, $0xb8;
	v63 =	vld [tilespmem:$0x0]  }
0x48: {  	s25 =	simm.s32 $0x3C00  }
0x49: {  	[tilespmem:s19], [sflag:$0x1] =	stream.indirect.gather.add.f32 [spmem:s2], $0x80, s25, s20, $0xb8;
	v63 =	vld [tilespmem:$0x0]  }
0x4a: {  	s26 =	simm.s32 $0x4000  }
0x4b: {  	[tilespmem:s19], [sflag:$0x1] =	stream.indirect.gather.add.f32 [spmem:s2], $0x80, s26, s20, $0xb8;
	v63 =	vld [tilespmem:$0x0]  }
0x4c: {  	s24 =	simm.s32 $0x4400  }
0x4d: {  	[tilespmem:s19], [sflag:$0x1] =	stream.indirect.gather.add.f32 [spmem:s2], $0x80, s24, s20, $0xb8;
	v63 =	vld [tilespmem:$0x0]  }
0x4e: {  	s25 =	simm.s32 $0x4800  }
0x4f: {  	[tilespmem:s19], [sflag:$0x1] =	stream.indirect.gather.add.f32 [spmem:s2], $0x80, s25, s20, $0xb8;
	v63 =	vld [tilespmem:$0x0]  }
0x50: {  	s26 =	simm.s32 $0x4C00  }
0x51: {  	[tilespmem:s19], [sflag:$0x1] =	stream.indirect.gather.add.f32 [spmem:s2], $0x80, s26, s20, $0xb8;
	v63 =	vld [tilespmem:$0x0]  }
0x52: {  	s24 =	simm.s32 $0x5000  }
0x53: {  	[tilespmem:s19], [sflag:$0x1] =	stream.indirect.gather.add.f32 [spmem:s2], $0x80, s24, s20, $0xb8;
	v63 =	vld [tilespmem:$0x0]  }
0x54: {  	s25 =	simm.s32 $0x5400  }
0x55: {  	[tilespmem:s19], [sflag:$0x1] =	stream.indirect.gather.add.f32 [spmem:s2], $0x80, s25, s20, $0xb8;
	v63 =	vld [tilespmem:$0x0]  }
0x56: {  	s26 =	simm.s32 $0x5800  }
0x57: {  	[tilespmem:s19], [sflag:$0x1] =	stream.indirect.gather.add.f32 [spmem:s2], $0x80, s26, s20, $0xb8;
	v63 =	vld [tilespmem:$0x0]  }
0x58: {  	s24 =	simm.s32 $0x5C00  }
0x59: {  	[tilespmem:s19], [sflag:$0x1] =	stream.indirect.gather.add.f32 [spmem:s2], $0x80, s24, s20, $0xb8;
	v63 =	vld [tilespmem:$0x0]  }
0x5a: {  	s25 =	simm.s32 $0x6000  }
0x5b: {  	[tilespmem:s19], [sflag:$0x1] =	stream.indirect.gather.add.f32 [spmem:s2], $0x80, s25, s20, $0xb8;
	v63 =	vld [tilespmem:$0x0]  }
0x5c: {  	s26 =	simm.s32 $0x6400  }
0x5d: {  	[tilespmem:s19], [sflag:$0x1] =	stream.indirect.gather.add.f32 [spmem:s2], $0x80, s26, s20, $0xb8;
	v63 =	vld [tilespmem:$0x0]  }
0x5e: {  	s24 =	simm.s32 $0x6800  }
0x5f: {  	[tilespmem:s19], [sflag:$0x1] =	stream.indirect.gather.add.f32 [spmem:s2], $0x80, s24, s20, $0xb8;
	v63 =	vld [tilespmem:$0x0]  }
0x60: {  	s25 =	simm.s32 $0x6C00  }
0x61: {  	[tilespmem:s19], [sflag:$0x1] =	stream.indirect.gather.add.f32 [spmem:s2], $0x80, s25, s20, $0xb8;
	v63 =	vld [tilespmem:$0x0]  }
0x62: {  	s26 =	simm.s32 $0x7000  }
0x63: {  	[tilespmem:s19], [sflag:$0x1] =	stream.indirect.gather.add.f32 [spmem:s2], $0x80, s26, s20, $0xb8;
	v63 =	vld [tilespmem:$0x0]  }
0x64: {  	s24 =	simm.s32 $0x7400  }
0x65: {  	[tilespmem:s19], [sflag:$0x1] =	stream.indirect.gather.add.f32 [spmem:s2], $0x80, s24, s20, $0xb8;
	v63 =	vld [tilespmem:$0x0]  }
0x66: {  	s25 =	simm.s32 $0x7800  }
0x67: {  	[tilespmem:s19], [sflag:$0x1] =	stream.indirect.gather.add.f32 [spmem:s2], $0x80, s25, s20, $0xb8;
	v63 =	vld [tilespmem:$0x0]  }
0x68: {  	s26 =	simm.s32 $0x7C00  }
0x69: {  	[tilespmem:s19], [sflag:$0x1] =	stream.indirect.gather.add.f32 [spmem:s2], $0x80, s26, s20, $0xb8;
	v63 =	vld [tilespmem:$0x0]  }
0x6a: {  	_ = 	snop  }
0x6b: {  	[tilespmem:s31], [sflag:$0x5] =	stream.linear.gather [spmem:s7], $0x2000, $0x38;
	v63 =	vld [tilespmem:$0x0]  }
0x6c: {  	_ =	swait.ge [sflag:s17], $0x2000  }
0x6d: {  	[sflag:s17] =	ssyncset.done $0x0  }
0x6e: {  	s24 =	simm.s32 $0x80;
	[sflag:s17] =	ssyncadd.s32 $0xFFFFE000  }
0x6f: {  	[tilespmem:s31], [sflag:$0x2] =	stream.indirect.gather.add.f32 [spmem:s2], $0x80, s24, s20, $0xb8;
	v63 =	vld [tilespmem:$0x0]  }
0x70: {  	s25 =	simm.s32 $0x480  }
0x71: {  	[tilespmem:s31], [sflag:$0x2] =	stream.indirect.gather.add.f32 [spmem:s2], $0x80, s25, s20, $0xb8;
	v63 =	vld [tilespmem:$0x0]  }
0x72: {  	s26 =	simm.s32 $0x880  }
0x73: {  	[tilespmem:s31], [sflag:$0x2] =	stream.indirect.gather.add.f32 [spmem:s2], $0x80, s26, s20, $0xb8;
	v63 =	vld [tilespmem:$0x0]  }
0x74: {  	s24 =	simm.s32 $0xC80  }
0x75: {  	[tilespmem:s31], [sflag:$0x2] =	stream.indirect.gather.add.f32 [spmem:s2], $0x80, s24, s20, $0xb8;
	v63 =	vld [tilespmem:$0x0]  }
0x76: {  	s25 =	simm.s32 $0x1080  }
0x77: {  	[tilespmem:s31], [sflag:$0x2] =	stream.indirect.gather.add.f32 [spmem:s2], $0x80, s25, s20, $0xb8;
	v63 =	vld [tilespmem:$0x0]  }
0x78: {  	s26 =	simm.s32 $0x1480  }
0x79: {  	[tilespmem:s31], [sflag:$0x2] =	stream.indirect.gather.add.f32 [spmem:s2], $0x80, s26, s20, $0xb8;
	v63 =	vld [tilespmem:$0x0]  }
0x7a: {  	s24 =	simm.s32 $0x1880  }
0x7b: {  	[tilespmem:s31], [sflag:$0x2] =	stream.indirect.gather.add.f32 [spmem:s2], $0x80, s24, s20, $0xb8;
	v63 =	vld [tilespmem:$0x0]  }
0x7c: {  	s25 =	simm.s32 $0x1C80  }
0x7d: {  	[tilespmem:s31], [sflag:$0x2] =	stream.indirect.gather.add.f32 [spmem:s2], $0x80, s25, s20, $0xb8;
	v63 =	vld [tilespmem:$0x0]  }
0x7e: {  	s26 =	simm.s32 $0x2080  }
0x7f: {  	[tilespmem:s31], [sflag:$0x2] =	stream.indirect.gather.add.f32 [spmem:s2], $0x80, s26, s20, $0xb8;
	v63 =	vld [tilespmem:$0x0]  }
0x80: {  	s24 =	simm.s32 $0x2480  }
0x81: {  	[tilespmem:s31], [sflag:$0x2] =	stream.indirect.gather.add.f32 [spmem:s2], $0x80, s24, s20, $0xb8;
	v63 =	vld [tilespmem:$0x0]  }
0x82: {  	s25 =	simm.s32 $0x2880  }
0x83: {  	[tilespmem:s31], [sflag:$0x2] =	stream.indirect.gather.add.f32 [spmem:s2], $0x80, s25, s20, $0xb8;
	v63 =	vld [tilespmem:$0x0]  }
0x84: {  	s26 =	simm.s32 $0x2C80  }
0x85: {  	[tilespmem:s31], [sflag:$0x2] =	stream.indirect.gather.add.f32 [spmem:s2], $0x80, s26, s20, $0xb8;
	v63 =	vld [tilespmem:$0x0]  }
0x86: {  	s24 =	simm.s32 $0x3080  }
0x87: {  	[tilespmem:s31], [sflag:$0x2] =	stream.indirect.gather.add.f32 [spmem:s2], $0x80, s24, s20, $0xb8;
	v63 =	vld [tilespmem:$0x0]  }
0x88: {  	s25 =	simm.s32 $0x3480  }
0x89: {  	[tilespmem:s31], [sflag:$0x2] =	stream.indirect.gather.add.f32 [spmem:s2], $0x80, s25, s20, $0xb8;
	v63 =	vld [tilespmem:$0x0]  }
0x8a: {  	s26 =	simm.s32 $0x3880  }
0x8b: {  	[tilespmem:s31], [sflag:$0x2] =	stream.indirect.gather.add.f32 [spmem:s2], $0x80, s26, s20, $0xb8;
	v63 =	vld [tilespmem:$0x0]  }
0x8c: {  	s24 =	simm.s32 $0x3C80  }
0x8d: {  	[tilespmem:s31], [sflag:$0x2] =	stream.indirect.gather.add.f32 [spmem:s2], $0x80, s24, s20, $0xb8;
	v63 =	vld [tilespmem:$0x0]  }
0x8e: {  	s25 =	simm.s32 $0x4080  }
0x8f: {  	[tilespmem:s31], [sflag:$0x2] =	stream.indirect.gather.add.f32 [spmem:s2], $0x80, s25, s20, $0xb8;
	v63 =	vld [tilespmem:$0x0]  }
0x90: {  	s26 =	simm.s32 $0x4480  }
0x91: {  	[tilespmem:s31], [sflag:$0x2] =	stream.indirect.gather.add.f32 [spmem:s2], $0x80, s26, s20, $0xb8;
	v63 =	vld [tilespmem:$0x0]  }
0x92: {  	s24 =	simm.s32 $0x4880  }
0x93: {  	[tilespmem:s31], [sflag:$0x2] =	stream.indirect.gather.add.f32 [spmem:s2], $0x80, s24, s20, $0xb8;
	v63 =	vld [tilespmem:$0x0]  }
0x94: {  	s25 =	simm.s32 $0x4C80  }
0x95: {  	[tilespmem:s31], [sflag:$0x2] =	stream.indirect.gather.add.f32 [spmem:s2], $0x80, s25, s20, $0xb8;
	v63 =	vld [tilespmem:$0x0]  }
0x96: {  	s26 =	simm.s32 $0x5080  }
0x97: {  	[tilespmem:s31], [sflag:$0x2] =	stream.indirect.gather.add.f32 [spmem:s2], $0x80, s26, s20, $0xb8;
	v63 =	vld [tilespmem:$0x0]  }
0x98: {  	s24 =	simm.s32 $0x5480  }
0x99: {  	[tilespmem:s31], [sflag:$0x2] =	stream.indirect.gather.add.f32 [spmem:s2], $0x80, s24, s20, $0xb8;
	v63 =	vld [tilespmem:$0x0]  }
0x9a: {  	s25 =	simm.s32 $0x5880  }
0x9b: {  	[tilespmem:s31], [sflag:$0x2] =	stream.indirect.gather.add.f32 [spmem:s2], $0x80, s25, s20, $0xb8;
	v63 =	vld [tilespmem:$0x0]  }
0x9c: {  	s26 =	simm.s32 $0x5C80  }
0x9d: {  	[tilespmem:s31], [sflag:$0x2] =	stream.indirect.gather.add.f32 [spmem:s2], $0x80, s26, s20, $0xb8;
	v63 =	vld [tilespmem:$0x0]  }
0x9e: {  	s24 =	simm.s32 $0x6080  }
0x9f: {  	[tilespmem:s31], [sflag:$0x2] =	stream.indirect.gather.add.f32 [spmem:s2], $0x80, s24, s20, $0xb8;
	v63 =	vld [tilespmem:$0x0]  }
0xa0: {  	s25 =	simm.s32 $0x6480  }
0xa1: {  	[tilespmem:s31], [sflag:$0x2] =	stream.indirect.gather.add.f32 [spmem:s2], $0x80, s25, s20, $0xb8;
	v63 =	vld [tilespmem:$0x0]  }
0xa2: {  	s26 =	simm.s32 $0x6880  }
0xa3: {  	[tilespmem:s31], [sflag:$0x2] =	stream.indirect.gather.add.f32 [spmem:s2], $0x80, s26, s20, $0xb8;
	v63 =	vld [tilespmem:$0x0]  }
0xa4: {  	s24 =	simm.s32 $0x6C80  }
0xa5: {  	[tilespmem:s31], [sflag:$0x2] =	stream.indirect.gather.add.f32 [spmem:s2], $0x80, s24, s20, $0xb8;
	v63 =	vld [tilespmem:$0x0]  }
0xa6: {  	s25 =	simm.s32 $0x7080  }
0xa7: {  	[tilespmem:s31], [sflag:$0x2] =	stream.indirect.gather.add.f32 [spmem:s2], $0x80, s25, s20, $0xb8;
	v63 =	vld [tilespmem:$0x0]  }
0xa8: {  	s26 =	simm.s32 $0x7480  }
0xa9: {  	[tilespmem:s31], [sflag:$0x2] =	stream.indirect.gather.add.f32 [spmem:s2], $0x80, s26, s20, $0xb8;
	v63 =	vld [tilespmem:$0x0]  }
0xaa: {  	s24 =	simm.s32 $0x7880  }
0xab: {  	[tilespmem:s31], [sflag:$0x2] =	stream.indirect.gather.add.f32 [spmem:s2], $0x80, s24, s20, $0xb8;
	v63 =	vld [tilespmem:$0x0]  }
0xac: {  	s25 =	simm.s32 $0x7C80  }
0xad: {  	[tilespmem:s31], [sflag:$0x2] =	stream.indirect.gather.add.f32 [spmem:s2], $0x80, s25, s20, $0xb8;
	v63 =	vld [tilespmem:$0x0]  }
0xae: {  	_ =	swait.ge [sflag:s21], $0x2000  }
0xaf: {  	[sflag:s21] =	ssyncset.done $0x0  }
0xb0: {  	[sflag:s21] =	ssyncadd.s32 $0xFFFFE000  }
0xb1: {  	_ =	swait.ge [sflag:s21], $0x2000  }
0xb2: {  	[sflag:s21] =	ssyncset.done $0x0  }
0xb3: {  	[sflag:s21] =	ssyncadd.s32 $0xFFFFE000  }
0xb4: {  	_ =	swait.ge [sflag:s21], $0x2000  }
0xb5: {  	[sflag:s21] =	ssyncset.done $0x0  }
0xb6: {  	[sflag:s21] =	ssyncadd.s32 $0xFFFFE000  }
0xb7: {  	_ =	swait.ge [sflag:s21], $0x2000  }
0xb8: {  	[sflag:s21] =	ssyncset.done $0x0  }
0xb9: {  	[sflag:s21] =	ssyncadd.s32 $0xFFFFE000  }
0xba: {  	_ =	swait.ge [sflag:s21], $0x2000  }
0xbb: {  	[sflag:s21] =	ssyncset.done $0x0  }
0xbc: {  	[sflag:s21] =	ssyncadd.s32 $0xFFFFE000  }
0xbd: {  	_ =	swait.ge [sflag:s21], $0x2000  }
0xbe: {  	[sflag:s21] =	ssyncset.done $0x0  }
0xbf: {  	[sflag:s21] =	ssyncadd.s32 $0xFFFFE000  }
0xc0: {  	_ =	swait.ge [sflag:s21], $0x2000  }
0xc1: {  	[sflag:s21] =	ssyncset.done $0x0  }
0xc2: {  	[sflag:s21] =	ssyncadd.s32 $0xFFFFE000  }
0xc3: {  	_ =	swait.ge [sflag:s21], $0x2000  }
0xc4: {  	[sflag:s21] =	ssyncset.done $0x0  }
0xc5: {  	[sflag:s21] =	ssyncadd.s32 $0xFFFFE000  }
0xc6: {  	_ =	swait.ge [sflag:s21], $0x2000  }
0xc7: {  	[sflag:s21] =	ssyncset.done $0x0  }
0xc8: {  	[sflag:s21] =	ssyncadd.s32 $0xFFFFE000  }
0xc9: {  	_ =	swait.ge [sflag:s21], $0x2000  }
0xca: {  	[sflag:s21] =	ssyncset.done $0x0  }
0xcb: {  	[sflag:s21] =	ssyncadd.s32 $0xFFFFE000  }
0xcc: {  	_ =	swait.ge [sflag:s21], $0x2000  }
0xcd: {  	[sflag:s21] =	ssyncset.done $0x0  }
0xce: {  	[sflag:s21] =	ssyncadd.s32 $0xFFFFE000  }
0xcf: {  	_ =	swait.ge [sflag:s21], $0x2000  }
0xd0: {  	[sflag:s21] =	ssyncset.done $0x0  }
0xd1: {  	[sflag:s21] =	ssyncadd.s32 $0xFFFFE000  }
0xd2: {  	_ =	swait.ge [sflag:s21], $0x2000  }
0xd3: {  	[sflag:s21] =	ssyncset.done $0x0  }
0xd4: {  	[sflag:s21] =	ssyncadd.s32 $0xFFFFE000  }
0xd5: {  	_ =	swait.ge [sflag:s21], $0x2000  }
0xd6: {  	[sflag:s21] =	ssyncset.done $0x0  }
0xd7: {  	[sflag:s21] =	ssyncadd.s32 $0xFFFFE000  }
0xd8: {  	_ =	swait.ge [sflag:s21], $0x2000  }
0xd9: {  	[sflag:s21] =	ssyncset.done $0x0  }
0xda: {  	[sflag:s21] =	ssyncadd.s32 $0xFFFFE000  }
0xdb: {  	_ =	swait.ge [sflag:s21], $0x2000  }
0xdc: {  	[sflag:s21] =	ssyncset.done $0x0  }
0xdd: {  	[sflag:s21] =	ssyncadd.s32 $0xFFFFE000  }
0xde: {  	_ =	swait.ge [sflag:s21], $0x2000  }
0xdf: {  	[sflag:s21] =	ssyncset.done $0x0  }
0xe0: {  	[sflag:s21] =	ssyncadd.s32 $0xFFFFE000  }
0xe1: {  	_ =	swait.ge [sflag:s21], $0x2000  }
0xe2: {  	[sflag:s21] =	ssyncset.done $0x0  }
0xe3: {  	[sflag:s21] =	ssyncadd.s32 $0xFFFFE000  }
0xe4: {  	_ =	swait.ge [sflag:s21], $0x2000  }
0xe5: {  	[sflag:s21] =	ssyncset.done $0x0  }
0xe6: {  	[sflag:s21] =	ssyncadd.s32 $0xFFFFE000  }
0xe7: {  	_ =	swait.ge [sflag:s21], $0x2000  }
0xe8: {  	[sflag:s21] =	ssyncset.done $0x0  }
0xe9: {  	[sflag:s21] =	ssyncadd.s32 $0xFFFFE000  }
0xea: {  	_ =	swait.ge [sflag:s21], $0x2000  }
0xeb: {  	[sflag:s21] =	ssyncset.done $0x0  }
0xec: {  	[sflag:s21] =	ssyncadd.s32 $0xFFFFE000  }
0xed: {  	_ =	swait.ge [sflag:s21], $0x2000  }
0xee: {  	[sflag:s21] =	ssyncset.done $0x0  }
0xef: {  	[sflag:s21] =	ssyncadd.s32 $0xFFFFE000  }
0xf0: {  	_ =	swait.ge [sflag:s21], $0x2000  }
0xf1: {  	[sflag:s21] =	ssyncset.done $0x0  }
0xf2: {  	[sflag:s21] =	ssyncadd.s32 $0xFFFFE000  }
0xf3: {  	_ =	swait.ge [sflag:s21], $0x2000  }
0xf4: {  	[sflag:s21] =	ssyncset.done $0x0  }
0xf5: {  	[sflag:s21] =	ssyncadd.s32 $0xFFFFE000  }
0xf6: {  	_ =	swait.ge [sflag:s21], $0x2000  }
0xf7: {  	[sflag:s21] =	ssyncset.done $0x0  }
0xf8: {  	[sflag:s21] =	ssyncadd.s32 $0xFFFFE000  }
0xf9: {  	_ =	swait.ge [sflag:s21], $0x2000  }
0xfa: {  	[sflag:s21] =	ssyncset.done $0x0  }
0xfb: {  	[sflag:s21] =	ssyncadd.s32 $0xFFFFE000  }
0xfc: {  	_ =	swait.ge [sflag:s21], $0x2000  }
0xfd: {  	[sflag:s21] =	ssyncset.done $0x0  }
0xfe: {  	[sflag:s21] =	ssyncadd.s32 $0xFFFFE000  }
0xff: {  	_ =	swait.ge [sflag:s21], $0x2000  }
0x100: {  	[sflag:s21] =	ssyncset.done $0x0  }
0x101: {  	[sflag:s21] =	ssyncadd.s32 $0xFFFFE000  }
0x102: {  	_ =	swait.ge [sflag:s21], $0x2000  }
0x103: {  	[sflag:s21] =	ssyncset.done $0x0  }
0x104: {  	[sflag:s21] =	ssyncadd.s32 $0xFFFFE000  }
0x105: {  	_ =	swait.ge [sflag:s21], $0x2000  }
0x106: {  	[sflag:s21] =	ssyncset.done $0x0  }
0x107: {  	[sflag:s21] =	ssyncadd.s32 $0xFFFFE000  }
0x108: {  	_ =	swait.ge [sflag:s21], $0x2000  }
0x109: {  	[sflag:s21] =	ssyncset.done $0x0  }
0x10a: {  	[sflag:s21] =	ssyncadd.s32 $0xFFFFE000  }
0x10b: {  	_ =	swait.ge [sflag:s21], $0x2000  }
0x10c: {  	[sflag:s21] =	ssyncset.done $0x0  }
0x10d: {  	[sflag:s21] =	ssyncadd.s32 $0xFFFFE000  }
0x10e: {  	[hbm4b:s8+s3] =	stream.linear.scatter [tilespmem:s19], [sflag:$0x3], $0x2000, $0x38;
	v63 =	vld [tilespmem:$0x0]  }
0x10f: {  	_ =	swait.ge [sflag:s22], $0x2000  }
0x110: {  	[sflag:s22] =	ssyncset.done $0x0  }
0x111: {  	[sflag:s22] =	ssyncadd.s32 $0xFFFFE000  }
0x112: {  	[tilespmem:s19], [sflag:$0x5] =	stream.linear.gather [spmem:s9], $0x2000, $0x38;
	v63 =	vld [tilespmem:$0x0]  }
0x113: {  	_ =	swait.ge [sflag:s17], $0x2000  }
0x114: {  	[sflag:s17] =	ssyncset.done $0x0  }
0x115: {  	s26 =	simm.s32 $0x100;
	[sflag:s17] =	ssyncadd.s32 $0xFFFFE000  }
0x116: {  	[tilespmem:s19], [sflag:$0x1] =	stream.indirect.gather.add.f32 [spmem:s2], $0x80, s26, s20, $0xb8;
	v63 =	vld [tilespmem:$0x0]  }
0x117: {  	s24 =	simm.s32 $0x500  }
0x118: {  	[tilespmem:s19], [sflag:$0x1] =	stream.indirect.gather.add.f32 [spmem:s2], $0x80, s24, s20, $0xb8;
	v63 =	vld [tilespmem:$0x0]  }
0x119: {  	s25 =	simm.s32 $0x900  }
0x11a: {  	[tilespmem:s19], [sflag:$0x1] =	stream.indirect.gather.add.f32 [spmem:s2], $0x80, s25, s20, $0xb8;
	v63 =	vld [tilespmem:$0x0]  }
0x11b: {  	s26 =	simm.s32 $0xD00  }
0x11c: {  	[tilespmem:s19], [sflag:$0x1] =	stream.indirect.gather.add.f32 [spmem:s2], $0x80, s26, s20, $0xb8;
	v63 =	vld [tilespmem:$0x0]  }
0x11d: {  	s24 =	simm.s32 $0x1100  }
0x11e: {  	[tilespmem:s19], [sflag:$0x1] =	stream.indirect.gather.add.f32 [spmem:s2], $0x80, s24, s20, $0xb8;
	v63 =	vld [tilespmem:$0x0]  }
0x11f: {  	s25 =	simm.s32 $0x1500  }
0x120: {  	[tilespmem:s19], [sflag:$0x1] =	stream.indirect.gather.add.f32 [spmem:s2], $0x80, s25, s20, $0xb8;
	v63 =	vld [tilespmem:$0x0]  }
0x121: {  	s26 =	simm.s32 $0x1900  }
0x122: {  	[tilespmem:s19], [sflag:$0x1] =	stream.indirect.gather.add.f32 [spmem:s2], $0x80, s26, s20, $0xb8;
	v63 =	vld [tilespmem:$0x0]  }
0x123: {  	s24 =	simm.s32 $0x1D00  }
0x124: {  	[tilespmem:s19], [sflag:$0x1] =	stream.indirect.gather.add.f32 [spmem:s2], $0x80, s24, s20, $0xb8;
	v63 =	vld [tilespmem:$0x0]  }
0x125: {  	s25 =	simm.s32 $0x2100  }
0x126: {  	[tilespmem:s19], [sflag:$0x1] =	stream.indirect.gather.add.f32 [spmem:s2], $0x80, s25, s20, $0xb8;
	v63 =	vld [tilespmem:$0x0]  }
0x127: {  	s26 =	simm.s32 $0x2500  }
0x128: {  	[tilespmem:s19], [sflag:$0x1] =	stream.indirect.gather.add.f32 [spmem:s2], $0x80, s26, s20, $0xb8;
	v63 =	vld [tilespmem:$0x0]  }
0x129: {  	s24 =	simm.s32 $0x2900  }
0x12a: {  	[tilespmem:s19], [sflag:$0x1] =	stream.indirect.gather.add.f32 [spmem:s2], $0x80, s24, s20, $0xb8;
	v63 =	vld [tilespmem:$0x0]  }
0x12b: {  	s25 =	simm.s32 $0x2D00  }
0x12c: {  	[tilespmem:s19], [sflag:$0x1] =	stream.indirect.gather.add.f32 [spmem:s2], $0x80, s25, s20, $0xb8;
	v63 =	vld [tilespmem:$0x0]  }
0x12d: {  	s26 =	simm.s32 $0x3100  }
0x12e: {  	[tilespmem:s19], [sflag:$0x1] =	stream.indirect.gather.add.f32 [spmem:s2], $0x80, s26, s20, $0xb8;
	v63 =	vld [tilespmem:$0x0]  }
0x12f: {  	s24 =	simm.s32 $0x3500  }
0x130: {  	[tilespmem:s19], [sflag:$0x1] =	stream.indirect.gather.add.f32 [spmem:s2], $0x80, s24, s20, $0xb8;
	v63 =	vld [tilespmem:$0x0]  }
0x131: {  	s25 =	simm.s32 $0x3900  }
0x132: {  	[tilespmem:s19], [sflag:$0x1] =	stream.indirect.gather.add.f32 [spmem:s2], $0x80, s25, s20, $0xb8;
	v63 =	vld [tilespmem:$0x0]  }
0x133: {  	s26 =	simm.s32 $0x3D00  }
0x134: {  	[tilespmem:s19], [sflag:$0x1] =	stream.indirect.gather.add.f32 [spmem:s2], $0x80, s26, s20, $0xb8;
	v63 =	vld [tilespmem:$0x0]  }
0x135: {  	s24 =	simm.s32 $0x4100  }
0x136: {  	[tilespmem:s19], [sflag:$0x1] =	stream.indirect.gather.add.f32 [spmem:s2], $0x80, s24, s20, $0xb8;
	v63 =	vld [tilespmem:$0x0]  }
0x137: {  	s25 =	simm.s32 $0x4500  }
0x138: {  	[tilespmem:s19], [sflag:$0x1] =	stream.indirect.gather.add.f32 [spmem:s2], $0x80, s25, s20, $0xb8;
	v63 =	vld [tilespmem:$0x0]  }
0x139: {  	s26 =	simm.s32 $0x4900  }
0x13a: {  	[tilespmem:s19], [sflag:$0x1] =	stream.indirect.gather.add.f32 [spmem:s2], $0x80, s26, s20, $0xb8;
	v63 =	vld [tilespmem:$0x0]  }
0x13b: {  	s24 =	simm.s32 $0x4D00  }
0x13c: {  	[tilespmem:s19], [sflag:$0x1] =	stream.indirect.gather.add.f32 [spmem:s2], $0x80, s24, s20, $0xb8;
	v63 =	vld [tilespmem:$0x0]  }
0x13d: {  	s25 =	simm.s32 $0x5100  }
0x13e: {  	[tilespmem:s19], [sflag:$0x1] =	stream.indirect.gather.add.f32 [spmem:s2], $0x80, s25, s20, $0xb8;
	v63 =	vld [tilespmem:$0x0]  }
0x13f: {  	s26 =	simm.s32 $0x5500  }
0x140: {  	[tilespmem:s19], [sflag:$0x1] =	stream.indirect.gather.add.f32 [spmem:s2], $0x80, s26, s20, $0xb8;
	v63 =	vld [tilespmem:$0x0]  }
0x141: {  	s24 =	simm.s32 $0x5900  }
0x142: {  	[tilespmem:s19], [sflag:$0x1] =	stream.indirect.gather.add.f32 [spmem:s2], $0x80, s24, s20, $0xb8;
	v63 =	vld [tilespmem:$0x0]  }
0x143: {  	s25 =	simm.s32 $0x5D00  }
0x144: {  	[tilespmem:s19], [sflag:$0x1] =	stream.indirect.gather.add.f32 [spmem:s2], $0x80, s25, s20, $0xb8;
	v63 =	vld [tilespmem:$0x0]  }
0x145: {  	s26 =	simm.s32 $0x6100  }
0x146: {  	[tilespmem:s19], [sflag:$0x1] =	stream.indirect.gather.add.f32 [spmem:s2], $0x80, s26, s20, $0xb8;
	v63 =	vld [tilespmem:$0x0]  }
0x147: {  	s24 =	simm.s32 $0x6500  }
0x148: {  	[tilespmem:s19], [sflag:$0x1] =	stream.indirect.gather.add.f32 [spmem:s2], $0x80, s24, s20, $0xb8;
	v63 =	vld [tilespmem:$0x0]  }
0x149: {  	s25 =	simm.s32 $0x6900  }
0x14a: {  	[tilespmem:s19], [sflag:$0x1] =	stream.indirect.gather.add.f32 [spmem:s2], $0x80, s25, s20, $0xb8;
	v63 =	vld [tilespmem:$0x0]  }
0x14b: {  	s26 =	simm.s32 $0x6D00  }
0x14c: {  	[tilespmem:s19], [sflag:$0x1] =	stream.indirect.gather.add.f32 [spmem:s2], $0x80, s26, s20, $0xb8;
	v63 =	vld [tilespmem:$0x0]  }
0x14d: {  	s24 =	simm.s32 $0x7100  }
0x14e: {  	[tilespmem:s19], [sflag:$0x1] =	stream.indirect.gather.add.f32 [spmem:s2], $0x80, s24, s20, $0xb8;
	v63 =	vld [tilespmem:$0x0]  }
0x14f: {  	s25 =	simm.s32 $0x7500  }
0x150: {  	[tilespmem:s19], [sflag:$0x1] =	stream.indirect.gather.add.f32 [spmem:s2], $0x80, s25, s20, $0xb8;
	v63 =	vld [tilespmem:$0x0]  }
0x151: {  	s26 =	simm.s32 $0x7900  }
0x152: {  	[tilespmem:s19], [sflag:$0x1] =	stream.indirect.gather.add.f32 [spmem:s2], $0x80, s26, s20, $0xb8;
	v63 =	vld [tilespmem:$0x0]  }
0x153: {  	s24 =	simm.s32 $0x7D00  }
0x154: {  	[tilespmem:s19], [sflag:$0x1] =	stream.indirect.gather.add.f32 [spmem:s2], $0x80, s24, s20, $0xb8;
	v63 =	vld [tilespmem:$0x0]  }
0x155: {  	_ =	swait.ge [sflag:s1], $0x2000  }
0x156: {  	[sflag:s1] =	ssyncset.done $0x0  }
0x157: {  	[sflag:s1] =	ssyncadd.s32 $0xFFFFE000  }
0x158: {  	_ =	swait.ge [sflag:s1], $0x2000  }
0x159: {  	[sflag:s1] =	ssyncset.done $0x0  }
0x15a: {  	[sflag:s1] =	ssyncadd.s32 $0xFFFFE000  }
0x15b: {  	_ =	swait.ge [sflag:s1], $0x2000  }
0x15c: {  	[sflag:s1] =	ssyncset.done $0x0  }
0x15d: {  	[sflag:s1] =	ssyncadd.s32 $0xFFFFE000  }
0x15e: {  	_ =	swait.ge [sflag:s1], $0x2000  }
0x15f: {  	[sflag:s1] =	ssyncset.done $0x0  }
0x160: {  	[sflag:s1] =	ssyncadd.s32 $0xFFFFE000  }
0x161: {  	_ =	swait.ge [sflag:s1], $0x2000  }
0x162: {  	[sflag:s1] =	ssyncset.done $0x0  }
0x163: {  	[sflag:s1] =	ssyncadd.s32 $0xFFFFE000  }
0x164: {  	_ =	swait.ge [sflag:s1], $0x2000  }
0x165: {  	[sflag:s1] =	ssyncset.done $0x0  }
0x166: {  	[sflag:s1] =	ssyncadd.s32 $0xFFFFE000  }
0x167: {  	_ =	swait.ge [sflag:s1], $0x2000  }
0x168: {  	[sflag:s1] =	ssyncset.done $0x0  }
0x169: {  	[sflag:s1] =	ssyncadd.s32 $0xFFFFE000  }
0x16a: {  	_ =	swait.ge [sflag:s1], $0x2000  }
0x16b: {  	[sflag:s1] =	ssyncset.done $0x0  }
0x16c: {  	[sflag:s1] =	ssyncadd.s32 $0xFFFFE000  }
0x16d: {  	_ =	swait.ge [sflag:s1], $0x2000  }
0x16e: {  	[sflag:s1] =	ssyncset.done $0x0  }
0x16f: {  	[sflag:s1] =	ssyncadd.s32 $0xFFFFE000  }
0x170: {  	_ =	swait.ge [sflag:s1], $0x2000  }
0x171: {  	[sflag:s1] =	ssyncset.done $0x0  }
0x172: {  	[sflag:s1] =	ssyncadd.s32 $0xFFFFE000  }
0x173: {  	_ =	swait.ge [sflag:s1], $0x2000  }
0x174: {  	[sflag:s1] =	ssyncset.done $0x0  }
0x175: {  	[sflag:s1] =	ssyncadd.s32 $0xFFFFE000  }
0x176: {  	_ =	swait.ge [sflag:s1], $0x2000  }
0x177: {  	[sflag:s1] =	ssyncset.done $0x0  }
0x178: {  	[sflag:s1] =	ssyncadd.s32 $0xFFFFE000  }
0x179: {  	_ =	swait.ge [sflag:s1], $0x2000  }
0x17a: {  	[sflag:s1] =	ssyncset.done $0x0  }
0x17b: {  	[sflag:s1] =	ssyncadd.s32 $0xFFFFE000  }
0x17c: {  	_ =	swait.ge [sflag:s1], $0x2000  }
0x17d: {  	[sflag:s1] =	ssyncset.done $0x0  }
0x17e: {  	[sflag:s1] =	ssyncadd.s32 $0xFFFFE000  }
0x17f: {  	_ =	swait.ge [sflag:s1], $0x2000  }
0x180: {  	[sflag:s1] =	ssyncset.done $0x0  }
0x181: {  	[sflag:s1] =	ssyncadd.s32 $0xFFFFE000  }
0x182: {  	_ =	swait.ge [sflag:s1], $0x2000  }
0x183: {  	[sflag:s1] =	ssyncset.done $0x0  }
0x184: {  	[sflag:s1] =	ssyncadd.s32 $0xFFFFE000  }
0x185: {  	_ =	swait.ge [sflag:s1], $0x2000  }
0x186: {  	[sflag:s1] =	ssyncset.done $0x0  }
0x187: {  	[sflag:s1] =	ssyncadd.s32 $0xFFFFE000  }
0x188: {  	_ =	swait.ge [sflag:s1], $0x2000  }
0x189: {  	[sflag:s1] =	ssyncset.done $0x0  }
0x18a: {  	[sflag:s1] =	ssyncadd.s32 $0xFFFFE000  }
0x18b: {  	_ =	swait.ge [sflag:s1], $0x2000  }
0x18c: {  	[sflag:s1] =	ssyncset.done $0x0  }
0x18d: {  	[sflag:s1] =	ssyncadd.s32 $0xFFFFE000  }
0x18e: {  	_ =	swait.ge [sflag:s1], $0x2000  }
0x18f: {  	[sflag:s1] =	ssyncset.done $0x0  }
0x190: {  	[sflag:s1] =	ssyncadd.s32 $0xFFFFE000  }
0x191: {  	_ =	swait.ge [sflag:s1], $0x2000  }
0x192: {  	[sflag:s1] =	ssyncset.done $0x0  }
0x193: {  	[sflag:s1] =	ssyncadd.s32 $0xFFFFE000  }
0x194: {  	_ =	swait.ge [sflag:s1], $0x2000  }
0x195: {  	[sflag:s1] =	ssyncset.done $0x0  }
0x196: {  	[sflag:s1] =	ssyncadd.s32 $0xFFFFE000  }
0x197: {  	_ =	swait.ge [sflag:s1], $0x2000  }
0x198: {  	[sflag:s1] =	ssyncset.done $0x0  }
0x199: {  	[sflag:s1] =	ssyncadd.s32 $0xFFFFE000  }
0x19a: {  	_ =	swait.ge [sflag:s1], $0x2000  }
0x19b: {  	[sflag:s1] =	ssyncset.done $0x0  }
0x19c: {  	[sflag:s1] =	ssyncadd.s32 $0xFFFFE000  }
0x19d: {  	_ =	swait.ge [sflag:s1], $0x2000  }
0x19e: {  	[sflag:s1] =	ssyncset.done $0x0  }
0x19f: {  	[sflag:s1] =	ssyncadd.s32 $0xFFFFE000  }
0x1a0: {  	_ =	swait.ge [sflag:s1], $0x2000  }
0x1a1: {  	[sflag:s1] =	ssyncset.done $0x0  }
0x1a2: {  	[sflag:s1] =	ssyncadd.s32 $0xFFFFE000  }
0x1a3: {  	_ =	swait.ge [sflag:s1], $0x2000  }
0x1a4: {  	[sflag:s1] =	ssyncset.done $0x0  }
0x1a5: {  	[sflag:s1] =	ssyncadd.s32 $0xFFFFE000  }
0x1a6: {  	_ =	swait.ge [sflag:s1], $0x2000  }
0x1a7: {  	[sflag:s1] =	ssyncset.done $0x0  }
0x1a8: {  	[sflag:s1] =	ssyncadd.s32 $0xFFFFE000  }
0x1a9: {  	_ =	swait.ge [sflag:s1], $0x2000  }
0x1aa: {  	[sflag:s1] =	ssyncset.done $0x0  }
0x1ab: {  	[sflag:s1] =	ssyncadd.s32 $0xFFFFE000  }
0x1ac: {  	_ =	swait.ge [sflag:s1], $0x2000  }
0x1ad: {  	[sflag:s1] =	ssyncset.done $0x0  }
0x1ae: {  	[sflag:s1] =	ssyncadd.s32 $0xFFFFE000  }
0x1af: {  	_ =	swait.ge [sflag:s1], $0x2000  }
0x1b0: {  	[sflag:s1] =	ssyncset.done $0x0  }
0x1b1: {  	[sflag:s1] =	ssyncadd.s32 $0xFFFFE000  }
0x1b2: {  	_ =	swait.ge [sflag:s1], $0x2000  }
0x1b3: {  	[sflag:s1] =	ssyncset.done $0x0  }
0x1b4: {  	[sflag:s1] =	ssyncadd.s32 $0xFFFFE000  }
0x1b5: {  	[hbm4b:s10+s3] =	stream.linear.scatter [tilespmem:s31], [sflag:$0x4], $0x2000, $0x38;
	v63 =	vld [tilespmem:$0x0]  }
0x1b6: {  	_ =	swait.ge [sflag:s29], $0x2000  }
0x1b7: {  	[sflag:s29] =	ssyncset.done $0x0  }
0x1b8: {  	[sflag:s29] =	ssyncadd.s32 $0xFFFFE000  }
0x1b9: {  	[tilespmem:s31], [sflag:$0x5] =	stream.linear.gather [spmem:s11], $0x2000, $0x38;
	v63 =	vld [tilespmem:$0x0]  }
0x1ba: {  	_ =	swait.ge [sflag:s17], $0x2000  }
0x1bb: {  	[sflag:s17] =	ssyncset.done $0x0  }
0x1bc: {  	s25 =	simm.s32 $0x180;
	[sflag:s17] =	ssyncadd.s32 $0xFFFFE000  }
0x1bd: {  	[tilespmem:s31], [sflag:$0x2] =	stream.indirect.gather.add.f32 [spmem:s2], $0x80, s25, s20, $0xb8;
	v63 =	vld [tilespmem:$0x0]  }
0x1be: {  	s26 =	simm.s32 $0x580  }
0x1bf: {  	[tilespmem:s31], [sflag:$0x2] =	stream.indirect.gather.add.f32 [spmem:s2], $0x80, s26, s20, $0xb8;
	v63 =	vld [tilespmem:$0x0]  }
0x1c0: {  	s24 =	simm.s32 $0x980  }
0x1c1: {  	[tilespmem:s31], [sflag:$0x2] =	stream.indirect.gather.add.f32 [spmem:s2], $0x80, s24, s20, $0xb8;
	v63 =	vld [tilespmem:$0x0]  }
0x1c2: {  	s25 =	simm.s32 $0xD80  }
0x1c3: {  	[tilespmem:s31], [sflag:$0x2] =	stream.indirect.gather.add.f32 [spmem:s2], $0x80, s25, s20, $0xb8;
	v63 =	vld [tilespmem:$0x0]  }
0x1c4: {  	s26 =	simm.s32 $0x1180  }
0x1c5: {  	[tilespmem:s31], [sflag:$0x2] =	stream.indirect.gather.add.f32 [spmem:s2], $0x80, s26, s20, $0xb8;
	v63 =	vld [tilespmem:$0x0]  }
0x1c6: {  	s24 =	simm.s32 $0x1580  }
0x1c7: {  	[tilespmem:s31], [sflag:$0x2] =	stream.indirect.gather.add.f32 [spmem:s2], $0x80, s24, s20, $0xb8;
	v63 =	vld [tilespmem:$0x0]  }
0x1c8: {  	s25 =	simm.s32 $0x1980  }
0x1c9: {  	[tilespmem:s31], [sflag:$0x2] =	stream.indirect.gather.add.f32 [spmem:s2], $0x80, s25, s20, $0xb8;
	v63 =	vld [tilespmem:$0x0]  }
0x1ca: {  	s26 =	simm.s32 $0x1D80  }
0x1cb: {  	[tilespmem:s31], [sflag:$0x2] =	stream.indirect.gather.add.f32 [spmem:s2], $0x80, s26, s20, $0xb8;
	v63 =	vld [tilespmem:$0x0]  }
0x1cc: {  	s24 =	simm.s32 $0x2180  }
0x1cd: {  	[tilespmem:s31], [sflag:$0x2] =	stream.indirect.gather.add.f32 [spmem:s2], $0x80, s24, s20, $0xb8;
	v63 =	vld [tilespmem:$0x0]  }
0x1ce: {  	s25 =	simm.s32 $0x2580  }
0x1cf: {  	[tilespmem:s31], [sflag:$0x2] =	stream.indirect.gather.add.f32 [spmem:s2], $0x80, s25, s20, $0xb8;
	v63 =	vld [tilespmem:$0x0]  }
0x1d0: {  	s26 =	simm.s32 $0x2980  }
0x1d1: {  	[tilespmem:s31], [sflag:$0x2] =	stream.indirect.gather.add.f32 [spmem:s2], $0x80, s26, s20, $0xb8;
	v63 =	vld [tilespmem:$0x0]  }
0x1d2: {  	s24 =	simm.s32 $0x2D80  }
0x1d3: {  	[tilespmem:s31], [sflag:$0x2] =	stream.indirect.gather.add.f32 [spmem:s2], $0x80, s24, s20, $0xb8;
	v63 =	vld [tilespmem:$0x0]  }
0x1d4: {  	s25 =	simm.s32 $0x3180  }
0x1d5: {  	[tilespmem:s31], [sflag:$0x2] =	stream.indirect.gather.add.f32 [spmem:s2], $0x80, s25, s20, $0xb8;
	v63 =	vld [tilespmem:$0x0]  }
0x1d6: {  	s26 =	simm.s32 $0x3580  }
0x1d7: {  	[tilespmem:s31], [sflag:$0x2] =	stream.indirect.gather.add.f32 [spmem:s2], $0x80, s26, s20, $0xb8;
	v63 =	vld [tilespmem:$0x0]  }
0x1d8: {  	s24 =	simm.s32 $0x3980  }
0x1d9: {  	[tilespmem:s31], [sflag:$0x2] =	stream.indirect.gather.add.f32 [spmem:s2], $0x80, s24, s20, $0xb8;
	v63 =	vld [tilespmem:$0x0]  }
0x1da: {  	s25 =	simm.s32 $0x3D80  }
0x1db: {  	[tilespmem:s31], [sflag:$0x2] =	stream.indirect.gather.add.f32 [spmem:s2], $0x80, s25, s20, $0xb8;
	v63 =	vld [tilespmem:$0x0]  }
0x1dc: {  	s26 =	simm.s32 $0x4180  }
0x1dd: {  	[tilespmem:s31], [sflag:$0x2] =	stream.indirect.gather.add.f32 [spmem:s2], $0x80, s26, s20, $0xb8;
	v63 =	vld [tilespmem:$0x0]  }
0x1de: {  	s24 =	simm.s32 $0x4580  }
0x1df: {  	[tilespmem:s31], [sflag:$0x2] =	stream.indirect.gather.add.f32 [spmem:s2], $0x80, s24, s20, $0xb8;
	v63 =	vld [tilespmem:$0x0]  }
0x1e0: {  	s25 =	simm.s32 $0x4980  }
0x1e1: {  	[tilespmem:s31], [sflag:$0x2] =	stream.indirect.gather.add.f32 [spmem:s2], $0x80, s25, s20, $0xb8;
	v63 =	vld [tilespmem:$0x0]  }
0x1e2: {  	s26 =	simm.s32 $0x4D80  }
0x1e3: {  	[tilespmem:s31], [sflag:$0x2] =	stream.indirect.gather.add.f32 [spmem:s2], $0x80, s26, s20, $0xb8;
	v63 =	vld [tilespmem:$0x0]  }
0x1e4: {  	s24 =	simm.s32 $0x5180  }
0x1e5: {  	[tilespmem:s31], [sflag:$0x2] =	stream.indirect.gather.add.f32 [spmem:s2], $0x80, s24, s20, $0xb8;
	v63 =	vld [tilespmem:$0x0]  }
0x1e6: {  	s25 =	simm.s32 $0x5580  }
0x1e7: {  	[tilespmem:s31], [sflag:$0x2] =	stream.indirect.gather.add.f32 [spmem:s2], $0x80, s25, s20, $0xb8;
	v63 =	vld [tilespmem:$0x0]  }
0x1e8: {  	s26 =	simm.s32 $0x5980  }
0x1e9: {  	[tilespmem:s31], [sflag:$0x2] =	stream.indirect.gather.add.f32 [spmem:s2], $0x80, s26, s20, $0xb8;
	v63 =	vld [tilespmem:$0x0]  }
0x1ea: {  	s24 =	simm.s32 $0x5D80  }
0x1eb: {  	[tilespmem:s31], [sflag:$0x2] =	stream.indirect.gather.add.f32 [spmem:s2], $0x80, s24, s20, $0xb8;
	v63 =	vld [tilespmem:$0x0]  }
0x1ec: {  	s25 =	simm.s32 $0x6180  }
0x1ed: {  	[tilespmem:s31], [sflag:$0x2] =	stream.indirect.gather.add.f32 [spmem:s2], $0x80, s25, s20, $0xb8;
	v63 =	vld [tilespmem:$0x0]  }
0x1ee: {  	s26 =	simm.s32 $0x6580  }
0x1ef: {  	[tilespmem:s31], [sflag:$0x2] =	stream.indirect.gather.add.f32 [spmem:s2], $0x80, s26, s20, $0xb8;
	v63 =	vld [tilespmem:$0x0]  }
0x1f0: {  	s24 =	simm.s32 $0x6980  }
0x1f1: {  	[tilespmem:s31], [sflag:$0x2] =	stream.indirect.gather.add.f32 [spmem:s2], $0x80, s24, s20, $0xb8;
	v63 =	vld [tilespmem:$0x0]  }
0x1f2: {  	s25 =	simm.s32 $0x6D80  }
0x1f3: {  	[tilespmem:s31], [sflag:$0x2] =	stream.indirect.gather.add.f32 [spmem:s2], $0x80, s25, s20, $0xb8;
	v63 =	vld [tilespmem:$0x0]  }
0x1f4: {  	s26 =	simm.s32 $0x7180  }
0x1f5: {  	[tilespmem:s31], [sflag:$0x2] =	stream.indirect.gather.add.f32 [spmem:s2], $0x80, s26, s20, $0xb8;
	v63 =	vld [tilespmem:$0x0]  }
0x1f6: {  	s24 =	simm.s32 $0x7580  }
0x1f7: {  	[tilespmem:s31], [sflag:$0x2] =	stream.indirect.gather.add.f32 [spmem:s2], $0x80, s24, s20, $0xb8;
	v63 =	vld [tilespmem:$0x0]  }
0x1f8: {  	s25 =	simm.s32 $0x7980  }
0x1f9: {  	[tilespmem:s31], [sflag:$0x2] =	stream.indirect.gather.add.f32 [spmem:s2], $0x80, s25, s20, $0xb8;
	v63 =	vld [tilespmem:$0x0]  }
0x1fa: {  	s26 =	simm.s32 $0x7D80  }
0x1fb: {  	[tilespmem:s31], [sflag:$0x2] =	stream.indirect.gather.add.f32 [spmem:s2], $0x80, s26, s20, $0xb8;
	v63 =	vld [tilespmem:$0x0]  }
0x1fc: {  	_ =	swait.ge [sflag:s21], $0x2000  }
0x1fd: {  	[sflag:s21] =	ssyncset.done $0x0  }
0x1fe: {  	[sflag:s21] =	ssyncadd.s32 $0xFFFFE000  }
0x1ff: {  	_ =	swait.ge [sflag:s21], $0x2000  }
0x200: {  	[sflag:s21] =	ssyncset.done $0x0  }
0x201: {  	[sflag:s21] =	ssyncadd.s32 $0xFFFFE000  }
0x202: {  	_ =	swait.ge [sflag:s21], $0x2000  }
0x203: {  	[sflag:s21] =	ssyncset.done $0x0  }
0x204: {  	[sflag:s21] =	ssyncadd.s32 $0xFFFFE000  }
0x205: {  	_ =	swait.ge [sflag:s21], $0x2000  }
0x206: {  	[sflag:s21] =	ssyncset.done $0x0  }
0x207: {  	[sflag:s21] =	ssyncadd.s32 $0xFFFFE000  }
0x208: {  	_ =	swait.ge [sflag:s21], $0x2000  }
0x209: {  	[sflag:s21] =	ssyncset.done $0x0  }
0x20a: {  	[sflag:s21] =	ssyncadd.s32 $0xFFFFE000  }
0x20b: {  	_ =	swait.ge [sflag:s21], $0x2000  }
0x20c: {  	[sflag:s21] =	ssyncset.done $0x0  }
0x20d: {  	[sflag:s21] =	ssyncadd.s32 $0xFFFFE000  }
0x20e: {  	_ =	swait.ge [sflag:s21], $0x2000  }
0x20f: {  	[sflag:s21] =	ssyncset.done $0x0  }
0x210: {  	[sflag:s21] =	ssyncadd.s32 $0xFFFFE000  }
0x211: {  	_ =	swait.ge [sflag:s21], $0x2000  }
0x212: {  	[sflag:s21] =	ssyncset.done $0x0  }
0x213: {  	[sflag:s21] =	ssyncadd.s32 $0xFFFFE000  }
0x214: {  	_ =	swait.ge [sflag:s21], $0x2000  }
0x215: {  	[sflag:s21] =	ssyncset.done $0x0  }
0x216: {  	[sflag:s21] =	ssyncadd.s32 $0xFFFFE000  }
0x217: {  	_ =	swait.ge [sflag:s21], $0x2000  }
0x218: {  	[sflag:s21] =	ssyncset.done $0x0  }
0x219: {  	[sflag:s21] =	ssyncadd.s32 $0xFFFFE000  }
0x21a: {  	_ =	swait.ge [sflag:s21], $0x2000  }
0x21b: {  	[sflag:s21] =	ssyncset.done $0x0  }
0x21c: {  	[sflag:s21] =	ssyncadd.s32 $0xFFFFE000  }
0x21d: {  	_ =	swait.ge [sflag:s21], $0x2000  }
0x21e: {  	[sflag:s21] =	ssyncset.done $0x0  }
0x21f: {  	[sflag:s21] =	ssyncadd.s32 $0xFFFFE000  }
0x220: {  	_ =	swait.ge [sflag:s21], $0x2000  }
0x221: {  	[sflag:s21] =	ssyncset.done $0x0  }
0x222: {  	[sflag:s21] =	ssyncadd.s32 $0xFFFFE000  }
0x223: {  	_ =	swait.ge [sflag:s21], $0x2000  }
0x224: {  	[sflag:s21] =	ssyncset.done $0x0  }
0x225: {  	[sflag:s21] =	ssyncadd.s32 $0xFFFFE000  }
0x226: {  	_ =	swait.ge [sflag:s21], $0x2000  }
0x227: {  	[sflag:s21] =	ssyncset.done $0x0  }
0x228: {  	[sflag:s21] =	ssyncadd.s32 $0xFFFFE000  }
0x229: {  	_ =	swait.ge [sflag:s21], $0x2000  }
0x22a: {  	[sflag:s21] =	ssyncset.done $0x0  }
0x22b: {  	[sflag:s21] =	ssyncadd.s32 $0xFFFFE000  }
0x22c: {  	_ =	swait.ge [sflag:s21], $0x2000  }
0x22d: {  	[sflag:s21] =	ssyncset.done $0x0  }
0x22e: {  	[sflag:s21] =	ssyncadd.s32 $0xFFFFE000  }
0x22f: {  	_ =	swait.ge [sflag:s21], $0x2000  }
0x230: {  	[sflag:s21] =	ssyncset.done $0x0  }
0x231: {  	[sflag:s21] =	ssyncadd.s32 $0xFFFFE000  }
0x232: {  	_ =	swait.ge [sflag:s21], $0x2000  }
0x233: {  	[sflag:s21] =	ssyncset.done $0x0  }
0x234: {  	[sflag:s21] =	ssyncadd.s32 $0xFFFFE000  }
0x235: {  	_ =	swait.ge [sflag:s21], $0x2000  }
0x236: {  	[sflag:s21] =	ssyncset.done $0x0  }
0x237: {  	[sflag:s21] =	ssyncadd.s32 $0xFFFFE000  }
0x238: {  	_ =	swait.ge [sflag:s21], $0x2000  }
0x239: {  	[sflag:s21] =	ssyncset.done $0x0  }
0x23a: {  	[sflag:s21] =	ssyncadd.s32 $0xFFFFE000  }
0x23b: {  	_ =	swait.ge [sflag:s21], $0x2000  }
0x23c: {  	[sflag:s21] =	ssyncset.done $0x0  }
0x23d: {  	[sflag:s21] =	ssyncadd.s32 $0xFFFFE000  }
0x23e: {  	_ =	swait.ge [sflag:s21], $0x2000  }
0x23f: {  	[sflag:s21] =	ssyncset.done $0x0  }
0x240: {  	[sflag:s21] =	ssyncadd.s32 $0xFFFFE000  }
0x241: {  	_ =	swait.ge [sflag:s21], $0x2000  }
0x242: {  	[sflag:s21] =	ssyncset.done $0x0  }
0x243: {  	[sflag:s21] =	ssyncadd.s32 $0xFFFFE000  }
0x244: {  	_ =	swait.ge [sflag:s21], $0x2000  }
0x245: {  	[sflag:s21] =	ssyncset.done $0x0  }
0x246: {  	[sflag:s21] =	ssyncadd.s32 $0xFFFFE000  }
0x247: {  	_ =	swait.ge [sflag:s21], $0x2000  }
0x248: {  	[sflag:s21] =	ssyncset.done $0x0  }
0x249: {  	[sflag:s21] =	ssyncadd.s32 $0xFFFFE000  }
0x24a: {  	_ =	swait.ge [sflag:s21], $0x2000  }
0x24b: {  	[sflag:s21] =	ssyncset.done $0x0  }
0x24c: {  	[sflag:s21] =	ssyncadd.s32 $0xFFFFE000  }
0x24d: {  	_ =	swait.ge [sflag:s21], $0x2000  }
0x24e: {  	[sflag:s21] =	ssyncset.done $0x0  }
0x24f: {  	[sflag:s21] =	ssyncadd.s32 $0xFFFFE000  }
0x250: {  	_ =	swait.ge [sflag:s21], $0x2000  }
0x251: {  	[sflag:s21] =	ssyncset.done $0x0  }
0x252: {  	[sflag:s21] =	ssyncadd.s32 $0xFFFFE000  }
0x253: {  	_ =	swait.ge [sflag:s21], $0x2000  }
0x254: {  	[sflag:s21] =	ssyncset.done $0x0  }
0x255: {  	[sflag:s21] =	ssyncadd.s32 $0xFFFFE000  }
0x256: {  	_ =	swait.ge [sflag:s21], $0x2000  }
0x257: {  	[sflag:s21] =	ssyncset.done $0x0  }
0x258: {  	[sflag:s21] =	ssyncadd.s32 $0xFFFFE000  }
0x259: {  	_ =	swait.ge [sflag:s21], $0x2000  }
0x25a: {  	[sflag:s21] =	ssyncset.done $0x0  }
0x25b: {  	[sflag:s21] =	ssyncadd.s32 $0xFFFFE000  }
0x25c: {  	[hbm4b:s12+s3] =	stream.linear.scatter [tilespmem:s19], [sflag:$0x3], $0x2000, $0x38;
	v63 =	vld [tilespmem:$0x0]  }
0x25d: {  	_ =	swait.ge [sflag:s22], $0x2000  }
0x25e: {  	[sflag:s22] =	ssyncset.done $0x0  }
0x25f: {  	[sflag:s22] =	ssyncadd.s32 $0xFFFFE000  }
0x260: {  	[tilespmem:s19], [sflag:$0x5] =	stream.linear.gather [spmem:s13], $0x2000, $0x38;
	v63 =	vld [tilespmem:$0x0]  }
0x261: {  	_ =	swait.ge [sflag:s17], $0x2000  }
0x262: {  	[sflag:s17] =	ssyncset.done $0x0  }
0x263: {  	s24 =	simm.s32 $0x200;
	[sflag:s17] =	ssyncadd.s32 $0xFFFFE000  }
0x264: {  	[tilespmem:s19], [sflag:$0x1] =	stream.indirect.gather.add.f32 [spmem:s2], $0x80, s24, s20, $0xb8;
	v63 =	vld [tilespmem:$0x0]  }
0x265: {  	s25 =	simm.s32 $0x600  }
0x266: {  	[tilespmem:s19], [sflag:$0x1] =	stream.indirect.gather.add.f32 [spmem:s2], $0x80, s25, s20, $0xb8;
	v63 =	vld [tilespmem:$0x0]  }
0x267: {  	s26 =	simm.s32 $0xA00  }
0x268: {  	[tilespmem:s19], [sflag:$0x1] =	stream.indirect.gather.add.f32 [spmem:s2], $0x80, s26, s20, $0xb8;
	v63 =	vld [tilespmem:$0x0]  }
0x269: {  	s24 =	simm.s32 $0xE00  }
0x26a: {  	[tilespmem:s19], [sflag:$0x1] =	stream.indirect.gather.add.f32 [spmem:s2], $0x80, s24, s20, $0xb8;
	v63 =	vld [tilespmem:$0x0]  }
0x26b: {  	s25 =	simm.s32 $0x1200  }
0x26c: {  	[tilespmem:s19], [sflag:$0x1] =	stream.indirect.gather.add.f32 [spmem:s2], $0x80, s25, s20, $0xb8;
	v63 =	vld [tilespmem:$0x0]  }
0x26d: {  	s26 =	simm.s32 $0x1600  }
0x26e: {  	[tilespmem:s19], [sflag:$0x1] =	stream.indirect.gather.add.f32 [spmem:s2], $0x80, s26, s20, $0xb8;
	v63 =	vld [tilespmem:$0x0]  }
0x26f: {  	s24 =	simm.s32 $0x1A00  }
0x270: {  	[tilespmem:s19], [sflag:$0x1] =	stream.indirect.gather.add.f32 [spmem:s2], $0x80, s24, s20, $0xb8;
	v63 =	vld [tilespmem:$0x0]  }
0x271: {  	s25 =	simm.s32 $0x1E00  }
0x272: {  	[tilespmem:s19], [sflag:$0x1] =	stream.indirect.gather.add.f32 [spmem:s2], $0x80, s25, s20, $0xb8;
	v63 =	vld [tilespmem:$0x0]  }
0x273: {  	s26 =	simm.s32 $0x2200  }
0x274: {  	[tilespmem:s19], [sflag:$0x1] =	stream.indirect.gather.add.f32 [spmem:s2], $0x80, s26, s20, $0xb8;
	v63 =	vld [tilespmem:$0x0]  }
0x275: {  	s24 =	simm.s32 $0x2600  }
0x276: {  	[tilespmem:s19], [sflag:$0x1] =	stream.indirect.gather.add.f32 [spmem:s2], $0x80, s24, s20, $0xb8;
	v63 =	vld [tilespmem:$0x0]  }
0x277: {  	s25 =	simm.s32 $0x2A00  }
0x278: {  	[tilespmem:s19], [sflag:$0x1] =	stream.indirect.gather.add.f32 [spmem:s2], $0x80, s25, s20, $0xb8;
	v63 =	vld [tilespmem:$0x0]  }
0x279: {  	s26 =	simm.s32 $0x2E00  }
0x27a: {  	[tilespmem:s19], [sflag:$0x1] =	stream.indirect.gather.add.f32 [spmem:s2], $0x80, s26, s20, $0xb8;
	v63 =	vld [tilespmem:$0x0]  }
0x27b: {  	s24 =	simm.s32 $0x3200  }
0x27c: {  	[tilespmem:s19], [sflag:$0x1] =	stream.indirect.gather.add.f32 [spmem:s2], $0x80, s24, s20, $0xb8;
	v63 =	vld [tilespmem:$0x0]  }
0x27d: {  	s25 =	simm.s32 $0x3600  }
0x27e: {  	[tilespmem:s19], [sflag:$0x1] =	stream.indirect.gather.add.f32 [spmem:s2], $0x80, s25, s20, $0xb8;
	v63 =	vld [tilespmem:$0x0]  }
0x27f: {  	s26 =	simm.s32 $0x3A00  }
0x280: {  	[tilespmem:s19], [sflag:$0x1] =	stream.indirect.gather.add.f32 [spmem:s2], $0x80, s26, s20, $0xb8;
	v63 =	vld [tilespmem:$0x0]  }
0x281: {  	s24 =	simm.s32 $0x3E00  }
0x282: {  	[tilespmem:s19], [sflag:$0x1] =	stream.indirect.gather.add.f32 [spmem:s2], $0x80, s24, s20, $0xb8;
	v63 =	vld [tilespmem:$0x0]  }
0x283: {  	s25 =	simm.s32 $0x4200  }
0x284: {  	[tilespmem:s19], [sflag:$0x1] =	stream.indirect.gather.add.f32 [spmem:s2], $0x80, s25, s20, $0xb8;
	v63 =	vld [tilespmem:$0x0]  }
0x285: {  	s26 =	simm.s32 $0x4600  }
0x286: {  	[tilespmem:s19], [sflag:$0x1] =	stream.indirect.gather.add.f32 [spmem:s2], $0x80, s26, s20, $0xb8;
	v63 =	vld [tilespmem:$0x0]  }
0x287: {  	s24 =	simm.s32 $0x4A00  }
0x288: {  	[tilespmem:s19], [sflag:$0x1] =	stream.indirect.gather.add.f32 [spmem:s2], $0x80, s24, s20, $0xb8;
	v63 =	vld [tilespmem:$0x0]  }
0x289: {  	s25 =	simm.s32 $0x4E00  }
0x28a: {  	[tilespmem:s19], [sflag:$0x1] =	stream.indirect.gather.add.f32 [spmem:s2], $0x80, s25, s20, $0xb8;
	v63 =	vld [tilespmem:$0x0]  }
0x28b: {  	s26 =	simm.s32 $0x5200  }
0x28c: {  	[tilespmem:s19], [sflag:$0x1] =	stream.indirect.gather.add.f32 [spmem:s2], $0x80, s26, s20, $0xb8;
	v63 =	vld [tilespmem:$0x0]  }
0x28d: {  	s24 =	simm.s32 $0x5600  }
0x28e: {  	[tilespmem:s19], [sflag:$0x1] =	stream.indirect.gather.add.f32 [spmem:s2], $0x80, s24, s20, $0xb8;
	v63 =	vld [tilespmem:$0x0]  }
0x28f: {  	s25 =	simm.s32 $0x5A00  }
0x290: {  	[tilespmem:s19], [sflag:$0x1] =	stream.indirect.gather.add.f32 [spmem:s2], $0x80, s25, s20, $0xb8;
	v63 =	vld [tilespmem:$0x0]  }
0x291: {  	s26 =	simm.s32 $0x5E00  }
0x292: {  	[tilespmem:s19], [sflag:$0x1] =	stream.indirect.gather.add.f32 [spmem:s2], $0x80, s26, s20, $0xb8;
	v63 =	vld [tilespmem:$0x0]  }
0x293: {  	s24 =	simm.s32 $0x6200  }
0x294: {  	[tilespmem:s19], [sflag:$0x1] =	stream.indirect.gather.add.f32 [spmem:s2], $0x80, s24, s20, $0xb8;
	v63 =	vld [tilespmem:$0x0]  }
0x295: {  	s25 =	simm.s32 $0x6600  }
0x296: {  	[tilespmem:s19], [sflag:$0x1] =	stream.indirect.gather.add.f32 [spmem:s2], $0x80, s25, s20, $0xb8;
	v63 =	vld [tilespmem:$0x0]  }
0x297: {  	s26 =	simm.s32 $0x6A00  }
0x298: {  	[tilespmem:s19], [sflag:$0x1] =	stream.indirect.gather.add.f32 [spmem:s2], $0x80, s26, s20, $0xb8;
	v63 =	vld [tilespmem:$0x0]  }
0x299: {  	s24 =	simm.s32 $0x6E00  }
0x29a: {  	[tilespmem:s19], [sflag:$0x1] =	stream.indirect.gather.add.f32 [spmem:s2], $0x80, s24, s20, $0xb8;
	v63 =	vld [tilespmem:$0x0]  }
0x29b: {  	s25 =	simm.s32 $0x7200  }
0x29c: {  	[tilespmem:s19], [sflag:$0x1] =	stream.indirect.gather.add.f32 [spmem:s2], $0x80, s25, s20, $0xb8;
	v63 =	vld [tilespmem:$0x0]  }
0x29d: {  	s26 =	simm.s32 $0x7600  }
0x29e: {  	[tilespmem:s19], [sflag:$0x1] =	stream.indirect.gather.add.f32 [spmem:s2], $0x80, s26, s20, $0xb8;
	v63 =	vld [tilespmem:$0x0]  }
0x29f: {  	_ = 	snop  }
0x2a0: {  	[tilespmem:s19], [sflag:$0x1] =	stream.indirect.gather.add.f32 [spmem:s2], $0x80, s28, s20, $0xb8;
	v63 =	vld [tilespmem:$0x0]  }
0x2a1: {  	_ = 	snop  }
0x2a2: {  	[tilespmem:s19], [sflag:$0x1] =	stream.indirect.gather.add.f32 [spmem:s2], $0x80, s30, s20, $0xb8;
	v63 =	vld [tilespmem:$0x0]  }
0x2a3: {  	_ =	swait.ge [sflag:s1], $0x2000  }
0x2a4: {  	[sflag:s1] =	ssyncset.done $0x0  }
0x2a5: {  	[sflag:s1] =	ssyncadd.s32 $0xFFFFE000  }
0x2a6: {  	_ =	swait.ge [sflag:s1], $0x2000  }
0x2a7: {  	[sflag:s1] =	ssyncset.done $0x0  }
0x2a8: {  	[sflag:s1] =	ssyncadd.s32 $0xFFFFE000  }
0x2a9: {  	_ =	swait.ge [sflag:s1], $0x2000  }
0x2aa: {  	[sflag:s1] =	ssyncset.done $0x0  }
0x2ab: {  	[sflag:s1] =	ssyncadd.s32 $0xFFFFE000  }
0x2ac: {  	_ =	swait.ge [sflag:s1], $0x2000  }
0x2ad: {  	[sflag:s1] =	ssyncset.done $0x0  }
0x2ae: {  	[sflag:s1] =	ssyncadd.s32 $0xFFFFE000  }
0x2af: {  	_ =	swait.ge [sflag:s1], $0x2000  }
0x2b0: {  	[sflag:s1] =	ssyncset.done $0x0  }
0x2b1: {  	[sflag:s1] =	ssyncadd.s32 $0xFFFFE000  }
0x2b2: {  	_ =	swait.ge [sflag:s1], $0x2000  }
0x2b3: {  	[sflag:s1] =	ssyncset.done $0x0  }
0x2b4: {  	[sflag:s1] =	ssyncadd.s32 $0xFFFFE000  }
0x2b5: {  	_ =	swait.ge [sflag:s1], $0x2000  }
0x2b6: {  	[sflag:s1] =	ssyncset.done $0x0  }
0x2b7: {  	[sflag:s1] =	ssyncadd.s32 $0xFFFFE000  }
0x2b8: {  	_ =	swait.ge [sflag:s1], $0x2000  }
0x2b9: {  	[sflag:s1] =	ssyncset.done $0x0  }
0x2ba: {  	[sflag:s1] =	ssyncadd.s32 $0xFFFFE000  }
0x2bb: {  	_ =	swait.ge [sflag:s1], $0x2000  }
0x2bc: {  	[sflag:s1] =	ssyncset.done $0x0  }
0x2bd: {  	[sflag:s1] =	ssyncadd.s32 $0xFFFFE000  }
0x2be: {  	_ =	swait.ge [sflag:s1], $0x2000  }
0x2bf: {  	[sflag:s1] =	ssyncset.done $0x0  }
0x2c0: {  	[sflag:s1] =	ssyncadd.s32 $0xFFFFE000  }
0x2c1: {  	_ =	swait.ge [sflag:s1], $0x2000  }
0x2c2: {  	[sflag:s1] =	ssyncset.done $0x0  }
0x2c3: {  	[sflag:s1] =	ssyncadd.s32 $0xFFFFE000  }
0x2c4: {  	_ =	swait.ge [sflag:s1], $0x2000  }
0x2c5: {  	[sflag:s1] =	ssyncset.done $0x0  }
0x2c6: {  	[sflag:s1] =	ssyncadd.s32 $0xFFFFE000  }
0x2c7: {  	_ =	swait.ge [sflag:s1], $0x2000  }
0x2c8: {  	[sflag:s1] =	ssyncset.done $0x0  }
0x2c9: {  	[sflag:s1] =	ssyncadd.s32 $0xFFFFE000  }
0x2ca: {  	_ =	swait.ge [sflag:s1], $0x2000  }
0x2cb: {  	[sflag:s1] =	ssyncset.done $0x0  }
0x2cc: {  	[sflag:s1] =	ssyncadd.s32 $0xFFFFE000  }
0x2cd: {  	_ =	swait.ge [sflag:s1], $0x2000  }
0x2ce: {  	[sflag:s1] =	ssyncset.done $0x0  }
0x2cf: {  	[sflag:s1] =	ssyncadd.s32 $0xFFFFE000  }
0x2d0: {  	_ =	swait.ge [sflag:s1], $0x2000  }
0x2d1: {  	[sflag:s1] =	ssyncset.done $0x0  }
0x2d2: {  	[sflag:s1] =	ssyncadd.s32 $0xFFFFE000  }
0x2d3: {  	_ =	swait.ge [sflag:s1], $0x2000  }
0x2d4: {  	[sflag:s1] =	ssyncset.done $0x0  }
0x2d5: {  	[sflag:s1] =	ssyncadd.s32 $0xFFFFE000  }
0x2d6: {  	_ =	swait.ge [sflag:s1], $0x2000  }
0x2d7: {  	[sflag:s1] =	ssyncset.done $0x0  }
0x2d8: {  	[sflag:s1] =	ssyncadd.s32 $0xFFFFE000  }
0x2d9: {  	_ =	swait.ge [sflag:s1], $0x2000  }
0x2da: {  	[sflag:s1] =	ssyncset.done $0x0  }
0x2db: {  	[sflag:s1] =	ssyncadd.s32 $0xFFFFE000  }
0x2dc: {  	_ =	swait.ge [sflag:s1], $0x2000  }
0x2dd: {  	[sflag:s1] =	ssyncset.done $0x0  }
0x2de: {  	[sflag:s1] =	ssyncadd.s32 $0xFFFFE000  }
0x2df: {  	_ =	swait.ge [sflag:s1], $0x2000  }
0x2e0: {  	[sflag:s1] =	ssyncset.done $0x0  }
0x2e1: {  	[sflag:s1] =	ssyncadd.s32 $0xFFFFE000  }
0x2e2: {  	_ =	swait.ge [sflag:s1], $0x2000  }
0x2e3: {  	[sflag:s1] =	ssyncset.done $0x0  }
0x2e4: {  	[sflag:s1] =	ssyncadd.s32 $0xFFFFE000  }
0x2e5: {  	_ =	swait.ge [sflag:s1], $0x2000  }
0x2e6: {  	[sflag:s1] =	ssyncset.done $0x0  }
0x2e7: {  	[sflag:s1] =	ssyncadd.s32 $0xFFFFE000  }
0x2e8: {  	_ =	swait.ge [sflag:s1], $0x2000  }
0x2e9: {  	[sflag:s1] =	ssyncset.done $0x0  }
0x2ea: {  	[sflag:s1] =	ssyncadd.s32 $0xFFFFE000  }
0x2eb: {  	_ =	swait.ge [sflag:s1], $0x2000  }
0x2ec: {  	[sflag:s1] =	ssyncset.done $0x0  }
0x2ed: {  	[sflag:s1] =	ssyncadd.s32 $0xFFFFE000  }
0x2ee: {  	_ =	swait.ge [sflag:s1], $0x2000  }
0x2ef: {  	[sflag:s1] =	ssyncset.done $0x0  }
0x2f0: {  	[sflag:s1] =	ssyncadd.s32 $0xFFFFE000  }
0x2f1: {  	_ =	swait.ge [sflag:s1], $0x2000  }
0x2f2: {  	[sflag:s1] =	ssyncset.done $0x0  }
0x2f3: {  	[sflag:s1] =	ssyncadd.s32 $0xFFFFE000  }
0x2f4: {  	_ =	swait.ge [sflag:s1], $0x2000  }
0x2f5: {  	[sflag:s1] =	ssyncset.done $0x0  }
0x2f6: {  	[sflag:s1] =	ssyncadd.s32 $0xFFFFE000  }
0x2f7: {  	_ =	swait.ge [sflag:s1], $0x2000  }
0x2f8: {  	[sflag:s1] =	ssyncset.done $0x0  }
0x2f9: {  	[sflag:s1] =	ssyncadd.s32 $0xFFFFE000  }
0x2fa: {  	_ =	swait.ge [sflag:s1], $0x2000  }
0x2fb: {  	[sflag:s1] =	ssyncset.done $0x0  }
0x2fc: {  	[sflag:s1] =	ssyncadd.s32 $0xFFFFE000  }
0x2fd: {  	_ =	swait.ge [sflag:s1], $0x2000  }
0x2fe: {  	[sflag:s1] =	ssyncset.done $0x0  }
0x2ff: {  	[sflag:s1] =	ssyncadd.s32 $0xFFFFE000  }
0x300: {  	_ =	swait.ge [sflag:s1], $0x2000  }
0x301: {  	[sflag:s1] =	ssyncset.done $0x0  }
0x302: {  	[sflag:s1] =	ssyncadd.s32 $0xFFFFE000  }
0x303: {  	[hbm4b:s14+s3] =	stream.linear.scatter [tilespmem:s31], [sflag:$0x4], $0x2000, $0x38;
	v63 =	vld [tilespmem:$0x0]  }
0x304: {  	_ =	swait.ge [sflag:s21], $0x2000  }
0x305: {  	[sflag:s21] =	ssyncset.done $0x0  }
0x306: {  	[sflag:s21] =	ssyncadd.s32 $0xFFFFE000  }
0x307: {  	_ =	swait.ge [sflag:s21], $0x2000  }
0x308: {  	[sflag:s21] =	ssyncset.done $0x0  }
0x309: {  	[sflag:s21] =	ssyncadd.s32 $0xFFFFE000  }
0x30a: {  	_ =	swait.ge [sflag:s21], $0x2000  }
0x30b: {  	[sflag:s21] =	ssyncset.done $0x0  }
0x30c: {  	[sflag:s21] =	ssyncadd.s32 $0xFFFFE000  }
0x30d: {  	_ =	swait.ge [sflag:s21], $0x2000  }
0x30e: {  	[sflag:s21] =	ssyncset.done $0x0  }
0x30f: {  	[sflag:s21] =	ssyncadd.s32 $0xFFFFE000  }
0x310: {  	_ =	swait.ge [sflag:s21], $0x2000  }
0x311: {  	[sflag:s21] =	ssyncset.done $0x0  }
0x312: {  	[sflag:s21] =	ssyncadd.s32 $0xFFFFE000  }
0x313: {  	_ =	swait.ge [sflag:s21], $0x2000  }
0x314: {  	[sflag:s21] =	ssyncset.done $0x0  }
0x315: {  	[sflag:s21] =	ssyncadd.s32 $0xFFFFE000  }
0x316: {  	_ =	swait.ge [sflag:s21], $0x2000  }
0x317: {  	[sflag:s21] =	ssyncset.done $0x0  }
0x318: {  	[sflag:s21] =	ssyncadd.s32 $0xFFFFE000  }
0x319: {  	_ =	swait.ge [sflag:s21], $0x2000  }
0x31a: {  	[sflag:s21] =	ssyncset.done $0x0  }
0x31b: {  	[sflag:s21] =	ssyncadd.s32 $0xFFFFE000  }
0x31c: {  	_ =	swait.ge [sflag:s21], $0x2000  }
0x31d: {  	[sflag:s21] =	ssyncset.done $0x0  }
0x31e: {  	[sflag:s21] =	ssyncadd.s32 $0xFFFFE000  }
0x31f: {  	_ =	swait.ge [sflag:s21], $0x2000  }
0x320: {  	[sflag:s21] =	ssyncset.done $0x0  }
0x321: {  	[sflag:s21] =	ssyncadd.s32 $0xFFFFE000  }
0x322: {  	_ =	swait.ge [sflag:s21], $0x2000  }
0x323: {  	[sflag:s21] =	ssyncset.done $0x0  }
0x324: {  	[sflag:s21] =	ssyncadd.s32 $0xFFFFE000  }
0x325: {  	_ =	swait.ge [sflag:s21], $0x2000  }
0x326: {  	[sflag:s21] =	ssyncset.done $0x0  }
0x327: {  	[sflag:s21] =	ssyncadd.s32 $0xFFFFE000  }
0x328: {  	_ =	swait.ge [sflag:s21], $0x2000  }
0x329: {  	[sflag:s21] =	ssyncset.done $0x0  }
0x32a: {  	[sflag:s21] =	ssyncadd.s32 $0xFFFFE000  }
0x32b: {  	_ =	swait.ge [sflag:s21], $0x2000  }
0x32c: {  	[sflag:s21] =	ssyncset.done $0x0  }
0x32d: {  	[sflag:s21] =	ssyncadd.s32 $0xFFFFE000  }
0x32e: {  	_ =	swait.ge [sflag:s21], $0x2000  }
0x32f: {  	[sflag:s21] =	ssyncset.done $0x0  }
0x330: {  	[sflag:s21] =	ssyncadd.s32 $0xFFFFE000  }
0x331: {  	_ =	swait.ge [sflag:s21], $0x2000  }
0x332: {  	[sflag:s21] =	ssyncset.done $0x0  }
0x333: {  	[sflag:s21] =	ssyncadd.s32 $0xFFFFE000  }
0x334: {  	_ =	swait.ge [sflag:s21], $0x2000  }
0x335: {  	[sflag:s21] =	ssyncset.done $0x0  }
0x336: {  	[sflag:s21] =	ssyncadd.s32 $0xFFFFE000  }
0x337: {  	_ =	swait.ge [sflag:s21], $0x2000  }
0x338: {  	[sflag:s21] =	ssyncset.done $0x0  }
0x339: {  	[sflag:s21] =	ssyncadd.s32 $0xFFFFE000  }
0x33a: {  	_ =	swait.ge [sflag:s21], $0x2000  }
0x33b: {  	[sflag:s21] =	ssyncset.done $0x0  }
0x33c: {  	[sflag:s21] =	ssyncadd.s32 $0xFFFFE000  }
0x33d: {  	_ =	swait.ge [sflag:s21], $0x2000  }
0x33e: {  	[sflag:s21] =	ssyncset.done $0x0  }
0x33f: {  	[sflag:s21] =	ssyncadd.s32 $0xFFFFE000  }
0x340: {  	_ =	swait.ge [sflag:s21], $0x2000  }
0x341: {  	[sflag:s21] =	ssyncset.done $0x0  }
0x342: {  	[sflag:s21] =	ssyncadd.s32 $0xFFFFE000  }
0x343: {  	_ =	swait.ge [sflag:s21], $0x2000  }
0x344: {  	[sflag:s21] =	ssyncset.done $0x0  }
0x345: {  	[sflag:s21] =	ssyncadd.s32 $0xFFFFE000  }
0x346: {  	_ =	swait.ge [sflag:s21], $0x2000  }
0x347: {  	[sflag:s21] =	ssyncset.done $0x0  }
0x348: {  	[sflag:s21] =	ssyncadd.s32 $0xFFFFE000  }
0x349: {  	_ =	swait.ge [sflag:s21], $0x2000  }
0x34a: {  	[sflag:s21] =	ssyncset.done $0x0  }
0x34b: {  	[sflag:s21] =	ssyncadd.s32 $0xFFFFE000  }
0x34c: {  	_ =	swait.ge [sflag:s21], $0x2000  }
0x34d: {  	[sflag:s21] =	ssyncset.done $0x0  }
0x34e: {  	[sflag:s21] =	ssyncadd.s32 $0xFFFFE000  }
0x34f: {  	_ =	swait.ge [sflag:s21], $0x2000  }
0x350: {  	[sflag:s21] =	ssyncset.done $0x0  }
0x351: {  	[sflag:s21] =	ssyncadd.s32 $0xFFFFE000  }
0x352: {  	_ =	swait.ge [sflag:s21], $0x2000  }
0x353: {  	[sflag:s21] =	ssyncset.done $0x0  }
0x354: {  	[sflag:s21] =	ssyncadd.s32 $0xFFFFE000  }
0x355: {  	_ =	swait.ge [sflag:s21], $0x2000  }
0x356: {  	[sflag:s21] =	ssyncset.done $0x0  }
0x357: {  	[sflag:s21] =	ssyncadd.s32 $0xFFFFE000  }
0x358: {  	_ =	swait.ge [sflag:s21], $0x2000  }
0x359: {  	[sflag:s21] =	ssyncset.done $0x0  }
0x35a: {  	[sflag:s21] =	ssyncadd.s32 $0xFFFFE000  }
0x35b: {  	_ =	swait.ge [sflag:s21], $0x2000  }
0x35c: {  	[sflag:s21] =	ssyncset.done $0x0  }
0x35d: {  	[sflag:s21] =	ssyncadd.s32 $0xFFFFE000  }
0x35e: {  	_ =	swait.ge [sflag:s21], $0x2000  }
0x35f: {  	[sflag:s21] =	ssyncset.done $0x0  }
0x360: {  	[sflag:s21] =	ssyncadd.s32 $0xFFFFE000  }
0x361: {  	_ =	swait.ge [sflag:s21], $0x2000  }
0x362: {  	[sflag:s21] =	ssyncset.done $0x0  }
0x363: {  	s0 =	sadd.s32 $0x1, s0;
	[sflag:s21] =	ssyncadd.s32 $0xFFFFE000  }
0x364: {  	[hbm4b:s15+s3] =	stream.linear.scatter [tilespmem:s19], [sflag:$0x5], $0x2000, $0x38;
	v63 =	vld [tilespmem:$0x0]  }
0x365: {  	p0 =	sne.s32 s0, s16;
	_ =	swait.ge [sflag:s17], $0x2000  }
.Ltmp1:
0x366: {  	[sflag:s17] =	ssyncset.done $0x0;
	(pc) =	sbr.rel @p0 .LBB2_1-.Ltmp1, $4  }
0x367: {  	[sflag:s17] =	ssyncadd.s32 $0xFFFFE000  }
0x368: {  	_ =	swait.ge [sflag:s29], $0x2000  }
0x369: {  	[sflag:s29] =	ssyncset.done $0x0  }
0x36a: {  	[sflag:s29] =	ssyncadd.s32 $0xFFFFE000  }
0x36b: {  	_ =	sfence.sel $0x180000  }
0x36c: {  	[bflag:$0x0] =	sbarrier.arrive $0xFFFF  }
0x36d: {  	_ =	strace $0x90000047  }
0x36e: {  	s0 =	stileid.u32;
	[bflag:$0x2] =	sbarrier.arrive $0xFFFF  }
0x36f: {  	p0 =	sne.s32 s0, $0x0;
	s0 =	rddreg [dreg:$0x3]  }
0x370: {  	s0 =	sadd.s32 @!p0 $0x100000, s0  }
0x371: {  	[sflag:s0] =	ssyncadd.tile.s32 @!p0 $0x1;
	_ =	shalt  }
.Lfunc_end2:
_tile_overlayer_lowered:
.L_overlay_start_2:
0x372: {  	(tag) =	ssettag $0x2  }
0x373: {  	s0 =	rddreg [dreg:$0x0];
	s2 =	stileid.u32  }
0x374: {  	s1 =	rddreg [dreg:$0x1];
	p0 =	sne.s32 s2, $0x0  }
0x375: {  	s3 =	rddreg [dreg:$0x2];
	[bflag:$0x3] =	sbarrier.arrive $0xFFFF;
	s2 =	simm.s32 @!p0 $0x1C05  }
0x376: {  	[timem:s3], [sflag:s2] =	dma.local @!p0 [hbm:s0], s1  }
0x377: {  	s0 =	simm.s32 @!p0 $0x5  }
0x378: {  	_ =	swait.ge @!p0 [sflag:s0], s1  }
0x379: {  	s1 =	ssub.s32 @!p0 $0x0, s1;
	[sflag:s0] =	ssyncset.done @!p0 $0x0  }
0x37a: {  	[sflag:s0] =	ssyncadd.s32 @!p0 s1  }
0x37b: {  	[bflag:$0x3] =	sbarrier.arrive $0xFFFF  }
0x37c: {  	_ =	shalt  }

</sc_bundles>
